<compile_context>
chip_gen: v7x
topology: tpu7x:2x2x1
jax: 0.10.2.dev20260603
libtpu: 0.0.44.dev20260713+nightly
codegen_flags: <defaults>
</compile_context>

<pallas_src>
import functools

import jax
import jax.numpy as jnp
from jax import lax
from jax.experimental import pallas as pl
from jax.experimental.pallas import tpu as pltpu
from jax.experimental.pallas import tpu_sc as plsc

N_NODES = 10000
N_PAD = 10240
D_FEAT = 128
N_EDGES = 320000

NC = 2
NS = 16
EPT = N_EDGES // (NC * NS)
CHUNK = 128
NCHUNK_LO = 78
NCHUNK_HI = 79
XTRA = 4
RPT = N_PAD // NS
ZROWS = 32
IBUF = 4
RBUF = 2
DEG_W = 128

_MESH = dict(core_axis_name="c", subcore_axis_name="s")


def _sc_degree(row, zeros_hbm_arr):

    @functools.partial(
        pl.kernel,
        mesh=plsc.VectorSubcoreMesh(**_MESH),
        compiler_params=pltpu.CompilerParams(needs_layout_passes=False),
        out_type=jax.ShapeDtypeStruct((NC, NS, RPT), jnp.float32),
        scratch_types=[
            pltpu.VMEM((EPT,), jnp.int32),
            pltpu.VMEM((N_PAD,), jnp.float32),
            pltpu.VMEM((NS, RPT), jnp.float32),
            pltpu.VMEM((RPT,), jnp.float32),
            pltpu.VMEM_SHARED((NS, N_PAD), jnp.float32),
            pltpu.SemaphoreType.DMA,
        ],
    )
    def deg_kernel(row_hbm, zeros_hbm, out_hbm, idx_v, hist_v, mbuf_v, acc_v,
                   stage_sh, sem):
        cid = lax.axis_index("c")
        sid = lax.axis_index("s")
        ebase = (cid * NS + sid) * EPT
        pltpu.async_copy(row_hbm.at[pl.ds(pl.multiple_of(ebase, 8), EPT)],
                         idx_v, sem)
        pltpu.sync_copy(zeros_hbm, hist_v)
        pltpu.make_async_copy(row_hbm.at[pl.ds(pl.multiple_of(ebase, 8), EPT)],
                              idx_v, sem).wait()

        one16 = jnp.ones((16,), jnp.float32)

        def count(j, carry):
            rv = idx_v[pl.ds(j * 16, 16)]
            plsc.addupdate_scatter(hist_v, [rv], one16)
            return carry

        lax.fori_loop(0, EPT // 16, count, 0)
        pltpu.sync_copy(hist_v, stage_sh.at[sid])
        plsc.subcore_barrier()

        col0 = sid * RPT
        for k in range(NS):
            pltpu.sync_copy(stage_sh.at[k, pl.ds(col0, RPT)], mbuf_v.at[k])

        def merge(j, carry):
            s = mbuf_v[0, pl.ds(j * 16, 16)]
            for k in range(1, NS):
                s = s + mbuf_v[k, pl.ds(j * 16, 16)]
            acc_v[pl.ds(j * 16, 16)] = s
            return carry

        lax.fori_loop(0, RPT // 16, merge, 0)
        pltpu.sync_copy(acc_v, out_hbm.at[cid, sid])

    return deg_kernel(row, zeros_hbm_arr)


def _sc_propagate(row, col, g, zeros_hbm_arr):

    @functools.partial(
        pl.kernel,
        mesh=plsc.VectorSubcoreMesh(**_MESH),
        out_type=jax.ShapeDtypeStruct((NC, N_PAD, D_FEAT), jnp.float32),
        scratch_types=(
            [pltpu.VMEM((CHUNK,), jnp.int32)] * IBUF
            + [pltpu.VMEM((CHUNK,), jnp.int32)] * IBUF
            + [pltpu.VMEM((CHUNK, D_FEAT), jnp.float32)] * RBUF
            + [
                pltpu.VMEM((ZROWS, D_FEAT), jnp.float32),
                pltpu.VMEM_SHARED((N_PAD, D_FEAT), jnp.float32),
            ]
            + [pltpu.SemaphoreType.DMA] * IBUF
            + [pltpu.SemaphoreType.DMA] * RBUF
        ),
    )
    def gs_kernel(row_hbm, col_hbm, g_hbm, zeros_hbm, out_hbm, *scr):
        cidx_vs = scr[:IBUF]
        ridx_vs = scr[IBUF:2 * IBUF]
        rows_vs = scr[2 * IBUF:2 * IBUF + RBUF]
        zbuf_v, agg_sh = scr[2 * IBUF + RBUF:2 * IBUF + RBUF + 2]
        isems = scr[2 * IBUF + RBUF + 2:3 * IBUF + RBUF + 2]
        gsems = scr[3 * IBUF + RBUF + 2:]
        cid = lax.axis_index("c")
        sid = lax.axis_index("s")
        tid = cid * NS + sid
        ebase = jnp.where(
            tid < XTRA,
            tid * (NCHUNK_HI * CHUNK),
            XTRA * (NCHUNK_HI * CHUNK) + (tid - XTRA) * (NCHUNK_LO * CHUNK),
        )
        nch = jnp.where(tid < XTRA, NCHUNK_HI, NCHUNK_LO)

        def fire_idx(c, ib):
            base = pl.multiple_of(ebase + c * CHUNK, 8)
            pltpu.async_copy(col_hbm.at[pl.ds(base, CHUNK)], cidx_vs[ib], isems[ib])
            pltpu.async_copy(row_hbm.at[pl.ds(base, CHUNK)], ridx_vs[ib], isems[ib])

        def wait_idx(c, ib):
            base = pl.multiple_of(ebase + c * CHUNK, 8)
            pltpu.make_async_copy(col_hbm.at[pl.ds(base, CHUNK)], cidx_vs[ib],
                                  isems[ib]).wait()
            pltpu.make_async_copy(row_hbm.at[pl.ds(base, CHUNK)], ridx_vs[ib],
                                  isems[ib]).wait()

        def fire_gather(ib, rb):
            pltpu.async_copy(g_hbm.at[cidx_vs[ib]], rows_vs[rb], gsems[rb])

        def wait_gather(ib, rb):
            pltpu.make_async_copy(g_hbm.at[cidx_vs[ib]], rows_vs[rb],
                                  gsems[rb]).wait()

        fire_idx(0, 0)
        pltpu.sync_copy(zeros_hbm, zbuf_v)
        wait_idx(0, 0)
        fire_gather(0, 0)
        fire_idx(1, 1)
        fire_idx(2, 2)

        row0 = sid * RPT
        for z in range(RPT // ZROWS):
            pltpu.sync_copy(zbuf_v, agg_sh.at[pl.ds(row0 + z * ZROWS, ZROWS), :])
        plsc.subcore_barrier()

        def do_chunk(c, b):
            @pl.when(c + 1 < nch)
            def _():
                wait_idx(c + 1, (b + 1) % IBUF)
                fire_gather((b + 1) % IBUF, (b + 1) % RBUF)

            @pl.when(c + 3 < nch)
            def _():
                fire_idx(c + 3, (b + 3) % IBUF)

            wait_gather(b, b % RBUF)
            pltpu.sync_copy(rows_vs[b % RBUF], agg_sh.at[ridx_vs[b]], add=True)

        def outer(i, carry):
            for b in range(IBUF):
                do_chunk(i * IBUF + b, b)
            return carry

        lax.fori_loop(0, (NCHUNK_LO - 2) // IBUF, outer, 0)
        for c in range(((NCHUNK_LO - 2) // IBUF) * IBUF, NCHUNK_LO):
            do_chunk(c, c % IBUF)

        @pl.when(tid < XTRA)
        def _():
            do_chunk(NCHUNK_LO, NCHUNK_LO % IBUF)

        plsc.subcore_barrier()
        pltpu.sync_copy(agg_sh.at[pl.ds(row0, RPT), :],
                        out_hbm.at[cid, pl.ds(row0, RPT), :])

    return gs_kernel(row, col, g, zeros_hbm_arr)


ROWS_BLK = 2000


def _dis_block(deg):
    return jnp.where(deg > 0, 1.0 / jnp.sqrt(deg), 0.0)


D_OUT = 3 * D_FEAT


def _tc_prescale(deg, x):

    def body(deg_ref, x_ref, g_ref):
        g_ref[...] = x_ref[...] * _dis_block(deg_ref[...])

    return pl.pallas_call(
        body,
        grid=(N_NODES // ROWS_BLK,),
        in_specs=[
            pl.BlockSpec((ROWS_BLK, 1), lambda i: (i, 0)),
            pl.BlockSpec((ROWS_BLK, D_FEAT), lambda i: (i, 0)),
        ],
        out_specs=pl.BlockSpec((ROWS_BLK, D_FEAT), lambda i: (i, 0)),
        out_shape=jax.ShapeDtypeStruct((N_NODES, D_FEAT), jnp.float32),
    )(deg, x)


def _tc_strip_write(src, cat, strip, normalize):

    def body(src_ref, *rest):
        s = src_ref[...]
        if normalize:
            sq = jnp.sum(s * s, axis=1, keepdims=True)
            s = s * lax.rsqrt(jnp.maximum(sq, 1e-12))
        rest[-1][...] = s

    in_specs = [pl.BlockSpec((ROWS_BLK, D_FEAT), lambda i: (i, 0))]
    operands = [src]
    aliases = {}
    if cat is not None:
        in_specs.append(pl.BlockSpec(memory_space=pl.ANY))
        operands.append(cat)
        aliases = {1: 0}
    return pl.pallas_call(
        body,
        grid=(N_NODES // ROWS_BLK,),
        in_specs=in_specs,
        out_specs=pl.BlockSpec((ROWS_BLK, D_FEAT), lambda i, s=strip: (i, s)),
        out_shape=jax.ShapeDtypeStruct((N_NODES, D_OUT), jnp.float32),
        input_output_aliases=aliases,
    )(*operands)


def _tc_layer(deg, h, p, W1, b1, W2, b2, cat, strip, want_hg):

    def body(deg_ref, h_ref, p_ref, w1_ref, b1_ref, w2_ref, b2_ref, *rest):
        dis = _dis_block(deg_ref[...])
        agg = (p_ref[0] + p_ref[1]) * dis
        hh = h_ref[...]
        t1 = jnp.dot(agg, w1_ref[...], preferred_element_type=jnp.float32) + b1_ref[...]
        t1 = jnp.where(t1 >= 0, t1, 0.2 * t1)
        t2 = jnp.dot(hh * agg, w2_ref[...], preferred_element_type=jnp.float32) + b2_ref[...]
        t2 = jnp.where(t2 >= 0, t2, 0.2 * t2)
        hnew = t1 + t2
        if want_hg:
            rest[0][...] = hnew
            rest[1][...] = hnew * dis
        else:
            sq = jnp.sum(hnew * hnew, axis=1, keepdims=True)
            rest[-1][...] = hnew * lax.rsqrt(jnp.maximum(sq, 1e-12))

    in_specs = [
        pl.BlockSpec((ROWS_BLK, 1), lambda i: (i, 0)),
        pl.BlockSpec((ROWS_BLK, D_FEAT), lambda i: (i, 0)),
        pl.BlockSpec((NC, ROWS_BLK, D_FEAT), lambda i: (0, i, 0)),
        pl.BlockSpec((D_FEAT, D_FEAT), lambda i: (0, 0)),
        pl.BlockSpec((1, D_FEAT), lambda i: (0, 0)),
        pl.BlockSpec((D_FEAT, D_FEAT), lambda i: (0, 0)),
        pl.BlockSpec((1, D_FEAT), lambda i: (0, 0)),
    ]
    operands = [deg, h, p, W1, b1, W2, b2]
    if want_hg:
        out_specs = [pl.BlockSpec((ROWS_BLK, D_FEAT), lambda i: (i, 0))] * 2
        outs = [jax.ShapeDtypeStruct((N_NODES, D_FEAT), jnp.float32)] * 2
        aliases = {}
    else:
        in_specs.append(pl.BlockSpec(memory_space=pl.ANY))
        operands.append(cat)
        out_specs = [pl.BlockSpec((ROWS_BLK, D_FEAT), lambda i, s=strip: (i, s))]
        outs = [jax.ShapeDtypeStruct((N_NODES, D_OUT), jnp.float32)]
        aliases = {7: 0}
    return pl.pallas_call(
        body,
        grid=(N_NODES // ROWS_BLK,),
        in_specs=in_specs,
        out_specs=out_specs,
        out_shape=outs,
        input_output_aliases=aliases,
    )(*operands)


def kernel(x, edge_index, W1_0, b1_0, W2_0, b2_0, W1_1, b1_1, W2_1, b2_1):
    row = edge_index[0]
    col = edge_index[1]
    b1_0r = b1_0.reshape(1, -1)
    b2_0r = b2_0.reshape(1, -1)
    b1_1r = b1_1.reshape(1, -1)
    b2_1r = b2_1.reshape(1, -1)

    zeros128 = jnp.zeros((ZROWS, D_FEAT), jnp.float32)
    zeros_pad = jnp.zeros((N_PAD,), jnp.float32)

    degp = _sc_degree(row, zeros_pad)
    deg = degp.sum(axis=0).reshape(N_PAD)[:N_NODES].reshape(N_NODES, 1)
    g0 = _tc_prescale(deg, x)
    cat0 = _tc_strip_write(x, None, 0, normalize=False)
    p1 = _sc_propagate(row, col, g0, zeros128)
    h1, g1 = _tc_layer(deg, x, p1, W1_0, b1_0r, W2_0, b2_0r,
                       None, strip=None, want_hg=True)
    p2 = _sc_propagate(row, col, g1, zeros128)
    cat1 = _tc_strip_write(h1, cat0, 1, normalize=True)
    (cat2,) = _tc_layer(deg, h1, p2, W1_1, b1_1r, W2_1, b2_1r,
                        cat1, strip=2, want_hg=False)
    return cat2

# --- scband reference (transcript-rebuilt; emitter-appended) ---
"""Pipeline reference for scband-ngcf-90890097918586 (READ-ONLY COPY).

The authoritative reference and input builder live on the scoring server;
editing this copy changes nothing except your own understanding.
"""

import jax, jax.numpy as jnp
import numpy as np

N_NODES = 10000
N_EDGES = 320000
D_FEAT = 128
UNITS = 128
K_LAYERS = 2


def setup_inputs(seed: int = 0) -> dict:
    key = jax.random.key(seed)
    ks = jax.random.split(key, 12)
    x = jax.random.normal(ks[0], (N_NODES, D_FEAT), dtype=jnp.float32)
    edge_index = jax.random.randint(ks[1], (2, N_EDGES), 0, N_NODES, dtype=jnp.int64 if jax.config.jax_enable_x64 else jnp.int32).astype(jnp.int32)
    inp = {"x": x, "edge_index": edge_index}
    d_in = D_FEAT
    for i in range(K_LAYERS):
        inp[f"W1_{i}"] = jax.random.normal(ks[2 + 4 * i], (d_in, UNITS), dtype=jnp.float32) * 0.05
        inp[f"b1_{i}"] = jnp.zeros((UNITS,), dtype=jnp.float32)
        inp[f"W2_{i}"] = jax.random.normal(ks[3 + 4 * i], (d_in, UNITS), dtype=jnp.float32) * 0.05
        inp[f"b2_{i}"] = jnp.zeros((UNITS,), dtype=jnp.float32)
        d_in = UNITS
    return inp


def _l2_normalize(h, eps=1e-12):
    sq = jnp.sum(h * h, axis=-1, keepdims=True)
    return h * jax.lax.rsqrt(jnp.maximum(sq, eps))


def reference(x, edge_index, W1_0, b1_0, W2_0, b2_0, W1_1, b1_1, W2_1, b2_1):
    n = x.shape[0]
    row = edge_index[0]
    col = edge_index[1]
    # LightGCN-style symmetric normalization of the adjacency (no self loops)
    ones = jnp.ones((row.shape[0],), dtype=x.dtype)
    deg = jax.ops.segment_sum(ones, row, num_segments=n)
    deg_inv_sqrt = jnp.where(deg > 0, 1.0 / jnp.sqrt(deg), 0.0)
    w = deg_inv_sqrt[row] * deg_inv_sqrt[col]

    def prop(h):
        # normed_adj @ h : out[row] += w * h[col]
        msgs = w[:, None] * jnp.take(h, col, axis=0)
        return jax.ops.segment_sum(msgs, row, num_segments=n)

    def ngcf_layer(h, W1, b1, W2, b2):
        agg = prop(h)
        t1 = jax.nn.leaky_relu(agg @ W1 + b1, negative_slope=0.2)
        t2 = jax.nn.leaky_relu((h * agg) @ W2 + b2, negative_slope=0.2)
        # dropout rate 0.0 -> identity
        return t1 + t2

    params = [(W1_0, b1_0, W2_0, b2_0), (W1_1, b1_1, W2_1, b2_1)]
    h = x
    h_list = [h]
    for (W1, b1, W2, b2) in params:
        h = ngcf_layer(h, W1, b1, W2, b2)
        h_list.append(_l2_normalize(h))
    return jnp.concatenate(h_list, axis=-1)

if __name__ == "__main__":
    import jax
    _d = setup_inputs()
    print(jax.jit(kernel)(*tuple(_d.values())))

</pallas_src>

<mosaic_0001>
#map = affine_map<(d0, d1) -> (0)>
#map1 = affine_map<(d0, d1) -> (0, 0)>
#map2 = affine_map<(d0, d1) -> (0, 0, 0)>
module attributes {stable_mosaic.version = 14 : i64} {
  func.func @gs_kernel(%arg0: i32, %arg1: i32, %arg2: memref<320000xi32, #tpu.memory_space<hbm>>, %arg3: memref<320000xi32, #tpu.memory_space<hbm>>, %arg4: memref<10000x128xf32, #tpu.memory_space<hbm>>, %arg5: memref<32x128xf32, #tpu.memory_space<hbm>>, %arg6: memref<2x10240x128xf32, #tpu.memory_space<hbm>>, %arg7: memref<128xi32, #tpu.memory_space<vmem>>, %arg8: memref<128xi32, #tpu.memory_space<vmem>>, %arg9: memref<128xi32, #tpu.memory_space<vmem>>, %arg10: memref<128xi32, #tpu.memory_space<vmem>>, %arg11: memref<128xi32, #tpu.memory_space<vmem>>, %arg12: memref<128xi32, #tpu.memory_space<vmem>>, %arg13: memref<128xi32, #tpu.memory_space<vmem>>, %arg14: memref<128xi32, #tpu.memory_space<vmem>>, %arg15: memref<128x128xf32, #tpu.memory_space<vmem>>, %arg16: memref<128x128xf32, #tpu.memory_space<vmem>>, %arg17: memref<32x128xf32, #tpu.memory_space<vmem>>, %arg18: memref<10240x128xf32, #tpu.memory_space<vmem_shared>>, %arg19: memref<!tpu.dma_semaphore, #tpu.memory_space<semaphore_mem>>, %arg20: memref<!tpu.dma_semaphore, #tpu.memory_space<semaphore_mem>>, %arg21: memref<!tpu.dma_semaphore, #tpu.memory_space<semaphore_mem>>, %arg22: memref<!tpu.dma_semaphore, #tpu.memory_space<semaphore_mem>>, %arg23: memref<!tpu.dma_semaphore, #tpu.memory_space<semaphore_mem>>, %arg24: memref<!tpu.dma_semaphore, #tpu.memory_space<semaphore_mem>>) attributes {dimension_semantics = [#tpu.dimension_semantics<core_parallel>, #tpu.dimension_semantics<subcore_parallel>], iteration_bounds = array<i64: 2, 16>, scalar_prefetch = 0 : i64, scratch_operands = 18 : i64, tpu.core_type = #tpu.core_type<sc_vector_subcore>, window_params = [{transform_indices = #map}, {transform_indices = #map}, {transform_indices = #map1}, {transform_indices = #map1}, {transform_indices = #map2}]} {
    %mul3A = arith.constant 16 : i32
    %mul3A_0 = arith.muli %arg0, %mul3A : i32
    %add3A = arith.addi %mul3A_0, %arg1 : i32
    %lt3A = arith.constant 4 : i32
    %lt3A_1 = arith.cmpi slt, %add3A, %lt3A : i32
    %mul3A_2 = arith.constant 10112 : i32
    %mul3A_3 = arith.muli %add3A, %mul3A_2 : i32
    %sub3A = arith.constant 4 : i32
    %sub3A_4 = arith.subi %add3A, %sub3A : i32
    %mul3A_5 = arith.constant 9984 : i32
    %mul3A_6 = arith.muli %sub3A_4, %mul3A_5 : i32
    %add3A_7 = arith.constant 40448 : i32
    %add3A_8 = arith.addi %add3A_7, %mul3A_6 : i32
    %select_n3A = arith.select %lt3A_1, %mul3A_3, %add3A_8 : i32
    %lt3A_9 = arith.constant 4 : i32
    %lt3A_10 = arith.cmpi slt, %add3A, %lt3A_9 : i32
    %jit3A = arith.constant 79 : i32
    %jit3A_11 = arith.constant 78 : i32
    %select_n3A_12 = arith.select %lt3A_10, %jit3A, %jit3A_11 : i32
    %add3A_13 = arith.constant 0 : i32
    %add3A_14 = arith.addi %select_n3A, %add3A_13 : i32
    %multiple_of3A = tpu.assume_multiple %add3A_14, 8 : i32
    %dma_start3A = tpu.memref_slice %arg3[%multiple_of3A] : memref<320000xi32, #tpu.memory_space<hbm>> -> memref<128xi32, #tpu.memory_space<hbm>>
    %dma_start3A_15 = tpu.memref_slice %arg3[%multiple_of3A] : memref<320000xi32, #tpu.memory_space<hbm>> -> memref<128xi32, #tpu.memory_space<hbm>>
    tpu.enqueue_dma source(%dma_start3A_15 : memref<128xi32, #tpu.memory_space<hbm>>) target(%arg7 : memref<128xi32, #tpu.memory_space<vmem>>) target_semaphore(%arg19 : memref<!tpu.dma_semaphore, #tpu.memory_space<semaphore_mem>>)
    %dma_start3A_16 = tpu.memref_slice %arg2[%multiple_of3A] : memref<320000xi32, #tpu.memory_space<hbm>> -> memref<128xi32, #tpu.memory_space<hbm>>
    %dma_start3A_17 = tpu.memref_slice %arg2[%multiple_of3A] : memref<320000xi32, #tpu.memory_space<hbm>> -> memref<128xi32, #tpu.memory_space<hbm>>
    tpu.enqueue_dma source(%dma_start3A_17 : memref<128xi32, #tpu.memory_space<hbm>>) target(%arg11 : memref<128xi32, #tpu.memory_space<vmem>>) target_semaphore(%arg19 : memref<!tpu.dma_semaphore, #tpu.memory_space<semaphore_mem>>)
    "tpu.region"() ({
      %run_scoped3A = tpu.sem_alloc : memref<!tpu.dma_semaphore, #tpu.memory_space<semaphore_mem>>
      tpu.enqueue_dma source(%arg5 : memref<32x128xf32, #tpu.memory_space<hbm>>) target(%arg17 : memref<32x128xf32, #tpu.memory_space<vmem>>) target_semaphore(%run_scoped3A : memref<!tpu.dma_semaphore, #tpu.memory_space<semaphore_mem>>)
      tpu.wait_dma2 semaphore(%run_scoped3A : memref<!tpu.dma_semaphore, #tpu.memory_space<semaphore_mem>>) src(%arg5 : memref<32x128xf32, #tpu.memory_space<hbm>>) dst(%arg17 : memref<32x128xf32, #tpu.memory_space<vmem>>)
      tpu.yield
    }) : () -> ()
    %add3A_18 = arith.constant 0 : i32
    %add3A_19 = arith.addi %select_n3A, %add3A_18 : i32
    %multiple_of3A_20 = tpu.assume_multiple %add3A_19, 8 : i32
    %dma_wait3A = tpu.memref_slice %arg3[%multiple_of3A_20] : memref<320000xi32, #tpu.memory_space<hbm>> -> memref<128xi32, #tpu.memory_space<hbm>>
    %dma_wait3A_21 = tpu.memref_slice %arg3[%multiple_of3A_20] : memref<320000xi32, #tpu.memory_space<hbm>> -> memref<128xi32, #tpu.memory_space<hbm>>
    tpu.wait_dma2 semaphore(%arg19 : memref<!tpu.dma_semaphore, #tpu.memory_space<semaphore_mem>>) src(%dma_wait3A_21 : memref<128xi32, #tpu.memory_space<hbm>>) dst(%arg7 : memref<128xi32, #tpu.memory_space<vmem>>)
    %dma_wait3A_22 = tpu.memref_slice %arg2[%multiple_of3A_20] : memref<320000xi32, #tpu.memory_space<hbm>> -> memref<128xi32, #tpu.memory_space<hbm>>
    %dma_wait3A_23 = tpu.memref_slice %arg2[%multiple_of3A_20] : memref<320000xi32, #tpu.memory_space<hbm>> -> memref<128xi32, #tpu.memory_space<hbm>>
    tpu.wait_dma2 semaphore(%arg19 : memref<!tpu.dma_semaphore, #tpu.memory_space<semaphore_mem>>) src(%dma_wait3A_23 : memref<128xi32, #tpu.memory_space<hbm>>) dst(%arg11 : memref<128xi32, #tpu.memory_space<vmem>>)
    %dma_start3A_24 = arith.constant 0 : i32
    %dma_start3A_25 = arith.constant 0 : i32
    %dma_start3A_26 = tpu.memref_slice %arg4[%dma_start3A_24, %dma_start3A_25] : memref<10000x128xf32, #tpu.memory_space<hbm>> -> memref<10000x128xf32, #tpu.memory_space<hbm>>
    tpu.enqueue_indirect_dma source(%dma_start3A_26 : memref<10000x128xf32, #tpu.memory_space<hbm>>) target(%arg15 : memref<128x128xf32, #tpu.memory_space<vmem>>) offsets(%arg7 : memref<128xi32, #tpu.memory_space<vmem>>) semaphore(%arg23 : memref<!tpu.dma_semaphore, #tpu.memory_space<semaphore_mem>>)
    %add3A_27 = arith.constant 128 : i32
    %add3A_28 = arith.addi %select_n3A, %add3A_27 : i32
    %multiple_of3A_29 = tpu.assume_multiple %add3A_28, 8 : i32
    %dma_start3A_30 = tpu.memref_slice %arg3[%multiple_of3A_29] : memref<320000xi32, #tpu.memory_space<hbm>> -> memref<128xi32, #tpu.memory_space<hbm>>
    %dma_start3A_31 = tpu.memref_slice %arg3[%multiple_of3A_29] : memref<320000xi32, #tpu.memory_space<hbm>> -> memref<128xi32, #tpu.memory_space<hbm>>
    tpu.enqueue_dma source(%dma_start3A_31 : memref<128xi32, #tpu.memory_space<hbm>>) target(%arg8 : memref<128xi32, #tpu.memory_space<vmem>>) target_semaphore(%arg20 : memref<!tpu.dma_semaphore, #tpu.memory_space<semaphore_mem>>)
    %dma_start3A_32 = tpu.memref_slice %arg2[%multiple_of3A_29] : memref<320000xi32, #tpu.memory_space<hbm>> -> memref<128xi32, #tpu.memory_space<hbm>>
    %dma_start3A_33 = tpu.memref_slice %arg2[%multiple_of3A_29] : memref<320000xi32, #tpu.memory_space<hbm>> -> memref<128xi32, #tpu.memory_space<hbm>>
    tpu.enqueue_dma source(%dma_start3A_33 : memref<128xi32, #tpu.memory_space<hbm>>) target(%arg12 : memref<128xi32, #tpu.memory_space<vmem>>) target_semaphore(%arg20 : memref<!tpu.dma_semaphore, #tpu.memory_space<semaphore_mem>>)
    %add3A_34 = arith.constant 256 : i32
    %add3A_35 = arith.addi %select_n3A, %add3A_34 : i32
    %multiple_of3A_36 = tpu.assume_multiple %add3A_35, 8 : i32
    %dma_start3A_37 = tpu.memref_slice %arg3[%multiple_of3A_36] : memref<320000xi32, #tpu.memory_space<hbm>> -> memref<128xi32, #tpu.memory_space<hbm>>
    %dma_start3A_38 = tpu.memref_slice %arg3[%multiple_of3A_36] : memref<320000xi32, #tpu.memory_space<hbm>> -> memref<128xi32, #tpu.memory_space<hbm>>
    tpu.enqueue_dma source(%dma_start3A_38 : memref<128xi32, #tpu.memory_space<hbm>>) target(%arg9 : memref<128xi32, #tpu.memory_space<vmem>>) target_semaphore(%arg21 : memref<!tpu.dma_semaphore, #tpu.memory_space<semaphore_mem>>)
    %dma_start3A_39 = tpu.memref_slice %arg2[%multiple_of3A_36] : memref<320000xi32, #tpu.memory_space<hbm>> -> memref<128xi32, #tpu.memory_space<hbm>>
    %dma_start3A_40 = tpu.memref_slice %arg2[%multiple_of3A_36] : memref<320000xi32, #tpu.memory_space<hbm>> -> memref<128xi32, #tpu.memory_space<hbm>>
    tpu.enqueue_dma source(%dma_start3A_40 : memref<128xi32, #tpu.memory_space<hbm>>) target(%arg13 : memref<128xi32, #tpu.memory_space<vmem>>) target_semaphore(%arg21 : memref<!tpu.dma_semaphore, #tpu.memory_space<semaphore_mem>>)
    %mul3A_41 = arith.constant 640 : i32
    %mul3A_42 = arith.muli %arg1, %mul3A_41 : i32
    %add3A_43 = arith.constant 0 : i32
    %add3A_44 = arith.addi %mul3A_42, %add3A_43 : i32
    "tpu.region"() ({
      %run_scoped3A = tpu.sem_alloc : memref<!tpu.dma_semaphore, #tpu.memory_space<semaphore_mem>>
      %dma_start3A_117 = arith.constant 0 : i32
      %dma_start3A_118 = tpu.memref_slice %arg18[%add3A_44, %dma_start3A_117] : memref<10240x128xf32, #tpu.memory_space<vmem_shared>> -> memref<32x128xf32, #tpu.memory_space<vmem_shared>>
      %dma_start3A_119 = arith.constant 0 : i32
      %dma_start3A_120 = tpu.memref_slice %arg18[%add3A_44, %dma_start3A_119] : memref<10240x128xf32, #tpu.memory_space<vmem_shared>> -> memref<32x128xf32, #tpu.memory_space<vmem_shared>>
      tpu.enqueue_dma source(%arg17 : memref<32x128xf32, #tpu.memory_space<vmem>>) target(%dma_start3A_120 : memref<32x128xf32, #tpu.memory_space<vmem_shared>>) target_semaphore(%run_scoped3A : memref<!tpu.dma_semaphore, #tpu.memory_space<semaphore_mem>>)
      %dma_wait3A_121 = arith.constant 0 : i32
      %dma_wait3A_122 = tpu.memref_slice %arg18[%add3A_44, %dma_wait3A_121] : memref<10240x128xf32, #tpu.memory_space<vmem_shared>> -> memref<32x128xf32, #tpu.memory_space<vmem_shared>>
      %dma_wait3A_123 = arith.constant 0 : i32
      %dma_wait3A_124 = tpu.memref_slice %arg18[%add3A_44, %dma_wait3A_123] : memref<10240x128xf32, #tpu.memory_space<vmem_shared>> -> memref<32x128xf32, #tpu.memory_space<vmem_shared>>
      tpu.wait_dma2 semaphore(%run_scoped3A : memref<!tpu.dma_semaphore, #tpu.memory_space<semaphore_mem>>) src(%arg17 : memref<32x128xf32, #tpu.memory_space<vmem>>) dst(%dma_wait3A_124 : memref<32x128xf32, #tpu.memory_space<vmem_shared>>)
      tpu.yield
    }) : () -> ()
    %add3A_45 = arith.constant 32 : i32
    %add3A_46 = arith.addi %mul3A_42, %add3A_45 : i32
    "tpu.region"() ({
      %run_scoped3A = tpu.sem_alloc : memref<!tpu.dma_semaphore, #tpu.memory_space<semaphore_mem>>
      %dma_start3A_117 = arith.constant 0 : i32
      %dma_start3A_118 = tpu.memref_slice %arg18[%add3A_46, %dma_start3A_117] : memref<10240x128xf32, #tpu.memory_space<vmem_shared>> -> memref<32x128xf32, #tpu.memory_space<vmem_shared>>
      %dma_start3A_119 = arith.constant 0 : i32
      %dma_start3A_120 = tpu.memref_slice %arg18[%add3A_46, %dma_start3A_119] : memref<10240x128xf32, #tpu.memory_space<vmem_shared>> -> memref<32x128xf32, #tpu.memory_space<vmem_shared>>
      tpu.enqueue_dma source(%arg17 : memref<32x128xf32, #tpu.memory_space<vmem>>) target(%dma_start3A_120 : memref<32x128xf32, #tpu.memory_space<vmem_shared>>) target_semaphore(%run_scoped3A : memref<!tpu.dma_semaphore, #tpu.memory_space<semaphore_mem>>)
      %dma_wait3A_121 = arith.constant 0 : i32
      %dma_wait3A_122 = tpu.memref_slice %arg18[%add3A_46, %dma_wait3A_121] : memref<10240x128xf32, #tpu.memory_space<vmem_shared>> -> memref<32x128xf32, #tpu.memory_space<vmem_shared>>
      %dma_wait3A_123 = arith.constant 0 : i32
      %dma_wait3A_124 = tpu.memref_slice %arg18[%add3A_46, %dma_wait3A_123] : memref<10240x128xf32, #tpu.memory_space<vmem_shared>> -> memref<32x128xf32, #tpu.memory_space<vmem_shared>>
      tpu.wait_dma2 semaphore(%run_scoped3A : memref<!tpu.dma_semaphore, #tpu.memory_space<semaphore_mem>>) src(%arg17 : memref<32x128xf32, #tpu.memory_space<vmem>>) dst(%dma_wait3A_124 : memref<32x128xf32, #tpu.memory_space<vmem_shared>>)
      tpu.yield
    }) : () -> ()
    %add3A_47 = arith.constant 64 : i32
    %add3A_48 = arith.addi %mul3A_42, %add3A_47 : i32
    "tpu.region"() ({
      %run_scoped3A = tpu.sem_alloc : memref<!tpu.dma_semaphore, #tpu.memory_space<semaphore_mem>>
      %dma_start3A_117 = arith.constant 0 : i32
      %dma_start3A_118 = tpu.memref_slice %arg18[%add3A_48, %dma_start3A_117] : memref<10240x128xf32, #tpu.memory_space<vmem_shared>> -> memref<32x128xf32, #tpu.memory_space<vmem_shared>>
      %dma_start3A_119 = arith.constant 0 : i32
      %dma_start3A_120 = tpu.memref_slice %arg18[%add3A_48, %dma_start3A_119] : memref<10240x128xf32, #tpu.memory_space<vmem_shared>> -> memref<32x128xf32, #tpu.memory_space<vmem_shared>>
      tpu.enqueue_dma source(%arg17 : memref<32x128xf32, #tpu.memory_space<vmem>>) target(%dma_start3A_120 : memref<32x128xf32, #tpu.memory_space<vmem_shared>>) target_semaphore(%run_scoped3A : memref<!tpu.dma_semaphore, #tpu.memory_space<semaphore_mem>>)
      %dma_wait3A_121 = arith.constant 0 : i32
      %dma_wait3A_122 = tpu.memref_slice %arg18[%add3A_48, %dma_wait3A_121] : memref<10240x128xf32, #tpu.memory_space<vmem_shared>> -> memref<32x128xf32, #tpu.memory_space<vmem_shared>>
      %dma_wait3A_123 = arith.constant 0 : i32
      %dma_wait3A_124 = tpu.memref_slice %arg18[%add3A_48, %dma_wait3A_123] : memref<10240x128xf32, #tpu.memory_space<vmem_shared>> -> memref<32x128xf32, #tpu.memory_space<vmem_shared>>
      tpu.wait_dma2 semaphore(%run_scoped3A : memref<!tpu.dma_semaphore, #tpu.memory_space<semaphore_mem>>) src(%arg17 : memref<32x128xf32, #tpu.memory_space<vmem>>) dst(%dma_wait3A_124 : memref<32x128xf32, #tpu.memory_space<vmem_shared>>)
      tpu.yield
    }) : () -> ()
    %add3A_49 = arith.constant 96 : i32
    %add3A_50 = arith.addi %mul3A_42, %add3A_49 : i32
    "tpu.region"() ({
      %run_scoped3A = tpu.sem_alloc : memref<!tpu.dma_semaphore, #tpu.memory_space<semaphore_mem>>
      %dma_start3A_117 = arith.constant 0 : i32
      %dma_start3A_118 = tpu.memref_slice %arg18[%add3A_50, %dma_start3A_117] : memref<10240x128xf32, #tpu.memory_space<vmem_shared>> -> memref<32x128xf32, #tpu.memory_space<vmem_shared>>
      %dma_start3A_119 = arith.constant 0 : i32
      %dma_start3A_120 = tpu.memref_slice %arg18[%add3A_50, %dma_start3A_119] : memref<10240x128xf32, #tpu.memory_space<vmem_shared>> -> memref<32x128xf32, #tpu.memory_space<vmem_shared>>
      tpu.enqueue_dma source(%arg17 : memref<32x128xf32, #tpu.memory_space<vmem>>) target(%dma_start3A_120 : memref<32x128xf32, #tpu.memory_space<vmem_shared>>) target_semaphore(%run_scoped3A : memref<!tpu.dma_semaphore, #tpu.memory_space<semaphore_mem>>)
      %dma_wait3A_121 = arith.constant 0 : i32
      %dma_wait3A_122 = tpu.memref_slice %arg18[%add3A_50, %dma_wait3A_121] : memref<10240x128xf32, #tpu.memory_space<vmem_shared>> -> memref<32x128xf32, #tpu.memory_space<vmem_shared>>
      %dma_wait3A_123 = arith.constant 0 : i32
      %dma_wait3A_124 = tpu.memref_slice %arg18[%add3A_50, %dma_wait3A_123] : memref<10240x128xf32, #tpu.memory_space<vmem_shared>> -> memref<32x128xf32, #tpu.memory_space<vmem_shared>>
      tpu.wait_dma2 semaphore(%run_scoped3A : memref<!tpu.dma_semaphore, #tpu.memory_space<semaphore_mem>>) src(%arg17 : memref<32x128xf32, #tpu.memory_space<vmem>>) dst(%dma_wait3A_124 : memref<32x128xf32, #tpu.memory_space<vmem_shared>>)
      tpu.yield
    }) : () -> ()
    %add3A_51 = arith.constant 128 : i32
    %add3A_52 = arith.addi %mul3A_42, %add3A_51 : i32
    "tpu.region"() ({
      %run_scoped3A = tpu.sem_alloc : memref<!tpu.dma_semaphore, #tpu.memory_space<semaphore_mem>>
      %dma_start3A_117 = arith.constant 0 : i32
      %dma_start3A_118 = tpu.memref_slice %arg18[%add3A_52, %dma_start3A_117] : memref<10240x128xf32, #tpu.memory_space<vmem_shared>> -> memref<32x128xf32, #tpu.memory_space<vmem_shared>>
      %dma_start3A_119 = arith.constant 0 : i32
      %dma_start3A_120 = tpu.memref_slice %arg18[%add3A_52, %dma_start3A_119] : memref<10240x128xf32, #tpu.memory_space<vmem_shared>> -> memref<32x128xf32, #tpu.memory_space<vmem_shared>>
      tpu.enqueue_dma source(%arg17 : memref<32x128xf32, #tpu.memory_space<vmem>>) target(%dma_start3A_120 : memref<32x128xf32, #tpu.memory_space<vmem_shared>>) target_semaphore(%run_scoped3A : memref<!tpu.dma_semaphore, #tpu.memory_space<semaphore_mem>>)
      %dma_wait3A_121 = arith.constant 0 : i32
      %dma_wait3A_122 = tpu.memref_slice %arg18[%add3A_52, %dma_wait3A_121] : memref<10240x128xf32, #tpu.memory_space<vmem_shared>> -> memref<32x128xf32, #tpu.memory_space<vmem_shared>>
      %dma_wait3A_123 = arith.constant 0 : i32
      %dma_wait3A_124 = tpu.memref_slice %arg18[%add3A_52, %dma_wait3A_123] : memref<10240x128xf32, #tpu.memory_space<vmem_shared>> -> memref<32x128xf32, #tpu.memory_space<vmem_shared>>
      tpu.wait_dma2 semaphore(%run_scoped3A : memref<!tpu.dma_semaphore, #tpu.memory_space<semaphore_mem>>) src(%arg17 : memref<32x128xf32, #tpu.memory_space<vmem>>) dst(%dma_wait3A_124 : memref<32x128xf32, #tpu.memory_space<vmem_shared>>)
      tpu.yield
    }) : () -> ()
    %add3A_53 = arith.constant 160 : i32
    %add3A_54 = arith.addi %mul3A_42, %add3A_53 : i32
    "tpu.region"() ({
      %run_scoped3A = tpu.sem_alloc : memref<!tpu.dma_semaphore, #tpu.memory_space<semaphore_mem>>
      %dma_start3A_117 = arith.constant 0 : i32
      %dma_start3A_118 = tpu.memref_slice %arg18[%add3A_54, %dma_start3A_117] : memref<10240x128xf32, #tpu.memory_space<vmem_shared>> -> memref<32x128xf32, #tpu.memory_space<vmem_shared>>
      %dma_start3A_119 = arith.constant 0 : i32
      %dma_start3A_120 = tpu.memref_slice %arg18[%add3A_54, %dma_start3A_119] : memref<10240x128xf32, #tpu.memory_space<vmem_shared>> -> memref<32x128xf32, #tpu.memory_space<vmem_shared>>
      tpu.enqueue_dma source(%arg17 : memref<32x128xf32, #tpu.memory_space<vmem>>) target(%dma_start3A_120 : memref<32x128xf32, #tpu.memory_space<vmem_shared>>) target_semaphore(%run_scoped3A : memref<!tpu.dma_semaphore, #tpu.memory_space<semaphore_mem>>)
      %dma_wait3A_121 = arith.constant 0 : i32
      %dma_wait3A_122 = tpu.memref_slice %arg18[%add3A_54, %dma_wait3A_121] : memref<10240x128xf32, #tpu.memory_space<vmem_shared>> -> memref<32x128xf32, #tpu.memory_space<vmem_shared>>
      %dma_wait3A_123 = arith.constant 0 : i32
      %dma_wait3A_124 = tpu.memref_slice %arg18[%add3A_54, %dma_wait3A_123] : memref<10240x128xf32, #tpu.memory_space<vmem_shared>> -> memref<32x128xf32, #tpu.memory_space<vmem_shared>>
      tpu.wait_dma2 semaphore(%run_scoped3A : memref<!tpu.dma_semaphore, #tpu.memory_space<semaphore_mem>>) src(%arg17 : memref<32x128xf32, #tpu.memory_space<vmem>>) dst(%dma_wait3A_124 : memref<32x128xf32, #tpu.memory_space<vmem_shared>>)
      tpu.yield
    }) : () -> ()
    %add3A_55 = arith.constant 192 : i32
    %add3A_56 = arith.addi %mul3A_42, %add3A_55 : i32
    "tpu.region"() ({
      %run_scoped3A = tpu.sem_alloc : memref<!tpu.dma_semaphore, #tpu.memory_space<semaphore_mem>>
      %dma_start3A_117 = arith.constant 0 : i32
      %dma_start3A_118 = tpu.memref_slice %arg18[%add3A_56, %dma_start3A_117] : memref<10240x128xf32, #tpu.memory_space<vmem_shared>> -> memref<32x128xf32, #tpu.memory_space<vmem_shared>>
      %dma_start3A_119 = arith.constant 0 : i32
      %dma_start3A_120 = tpu.memref_slice %arg18[%add3A_56, %dma_start3A_119] : memref<10240x128xf32, #tpu.memory_space<vmem_shared>> -> memref<32x128xf32, #tpu.memory_space<vmem_shared>>
      tpu.enqueue_dma source(%arg17 : memref<32x128xf32, #tpu.memory_space<vmem>>) target(%dma_start3A_120 : memref<32x128xf32, #tpu.memory_space<vmem_shared>>) target_semaphore(%run_scoped3A : memref<!tpu.dma_semaphore, #tpu.memory_space<semaphore_mem>>)
      %dma_wait3A_121 = arith.constant 0 : i32
      %dma_wait3A_122 = tpu.memref_slice %arg18[%add3A_56, %dma_wait3A_121] : memref<10240x128xf32, #tpu.memory_space<vmem_shared>> -> memref<32x128xf32, #tpu.memory_space<vmem_shared>>
      %dma_wait3A_123 = arith.constant 0 : i32
      %dma_wait3A_124 = tpu.memref_slice %arg18[%add3A_56, %dma_wait3A_123] : memref<10240x128xf32, #tpu.memory_space<vmem_shared>> -> memref<32x128xf32, #tpu.memory_space<vmem_shared>>
      tpu.wait_dma2 semaphore(%run_scoped3A : memref<!tpu.dma_semaphore, #tpu.memory_space<semaphore_mem>>) src(%arg17 : memref<32x128xf32, #tpu.memory_space<vmem>>) dst(%dma_wait3A_124 : memref<32x128xf32, #tpu.memory_space<vmem_shared>>)
      tpu.yield
    }) : () -> ()
    %add3A_57 = arith.constant 224 : i32
    %add3A_58 = arith.addi %mul3A_42, %add3A_57 : i32
    "tpu.region"() ({
      %run_scoped3A = tpu.sem_alloc : memref<!tpu.dma_semaphore, #tpu.memory_space<semaphore_mem>>
      %dma_start3A_117 = arith.constant 0 : i32
      %dma_start3A_118 = tpu.memref_slice %arg18[%add3A_58, %dma_start3A_117] : memref<10240x128xf32, #tpu.memory_space<vmem_shared>> -> memref<32x128xf32, #tpu.memory_space<vmem_shared>>
      %dma_start3A_119 = arith.constant 0 : i32
      %dma_start3A_120 = tpu.memref_slice %arg18[%add3A_58, %dma_start3A_119] : memref<10240x128xf32, #tpu.memory_space<vmem_shared>> -> memref<32x128xf32, #tpu.memory_space<vmem_shared>>
      tpu.enqueue_dma source(%arg17 : memref<32x128xf32, #tpu.memory_space<vmem>>) target(%dma_start3A_120 : memref<32x128xf32, #tpu.memory_space<vmem_shared>>) target_semaphore(%run_scoped3A : memref<!tpu.dma_semaphore, #tpu.memory_space<semaphore_mem>>)
      %dma_wait3A_121 = arith.constant 0 : i32
      %dma_wait3A_122 = tpu.memref_slice %arg18[%add3A_58, %dma_wait3A_121] : memref<10240x128xf32, #tpu.memory_space<vmem_shared>> -> memref<32x128xf32, #tpu.memory_space<vmem_shared>>
      %dma_wait3A_123 = arith.constant 0 : i32
      %dma_wait3A_124 = tpu.memref_slice %arg18[%add3A_58, %dma_wait3A_123] : memref<10240x128xf32, #tpu.memory_space<vmem_shared>> -> memref<32x128xf32, #tpu.memory_space<vmem_shared>>
      tpu.wait_dma2 semaphore(%run_scoped3A : memref<!tpu.dma_semaphore, #tpu.memory_space<semaphore_mem>>) src(%arg17 : memref<32x128xf32, #tpu.memory_space<vmem>>) dst(%dma_wait3A_124 : memref<32x128xf32, #tpu.memory_space<vmem_shared>>)
      tpu.yield
    }) : () -> ()
    %add3A_59 = arith.constant 256 : i32
    %add3A_60 = arith.addi %mul3A_42, %add3A_59 : i32
    "tpu.region"() ({
      %run_scoped3A = tpu.sem_alloc : memref<!tpu.dma_semaphore, #tpu.memory_space<semaphore_mem>>
      %dma_start3A_117 = arith.constant 0 : i32
      %dma_start3A_118 = tpu.memref_slice %arg18[%add3A_60, %dma_start3A_117] : memref<10240x128xf32, #tpu.memory_space<vmem_shared>> -> memref<32x128xf32, #tpu.memory_space<vmem_shared>>
      %dma_start3A_119 = arith.constant 0 : i32
      %dma_start3A_120 = tpu.memref_slice %arg18[%add3A_60, %dma_start3A_119] : memref<10240x128xf32, #tpu.memory_space<vmem_shared>> -> memref<32x128xf32, #tpu.memory_space<vmem_shared>>
      tpu.enqueue_dma source(%arg17 : memref<32x128xf32, #tpu.memory_space<vmem>>) target(%dma_start3A_120 : memref<32x128xf32, #tpu.memory_space<vmem_shared>>) target_semaphore(%run_scoped3A : memref<!tpu.dma_semaphore, #tpu.memory_space<semaphore_mem>>)
      %dma_wait3A_121 = arith.constant 0 : i32
      %dma_wait3A_122 = tpu.memref_slice %arg18[%add3A_60, %dma_wait3A_121] : memref<10240x128xf32, #tpu.memory_space<vmem_shared>> -> memref<32x128xf32, #tpu.memory_space<vmem_shared>>
      %dma_wait3A_123 = arith.constant 0 : i32
      %dma_wait3A_124 = tpu.memref_slice %arg18[%add3A_60, %dma_wait3A_123] : memref<10240x128xf32, #tpu.memory_space<vmem_shared>> -> memref<32x128xf32, #tpu.memory_space<vmem_shared>>
      tpu.wait_dma2 semaphore(%run_scoped3A : memref<!tpu.dma_semaphore, #tpu.memory_space<semaphore_mem>>) src(%arg17 : memref<32x128xf32, #tpu.memory_space<vmem>>) dst(%dma_wait3A_124 : memref<32x128xf32, #tpu.memory_space<vmem_shared>>)
      tpu.yield
    }) : () -> ()
    %add3A_61 = arith.constant 288 : i32
    %add3A_62 = arith.addi %mul3A_42, %add3A_61 : i32
    "tpu.region"() ({
      %run_scoped3A = tpu.sem_alloc : memref<!tpu.dma_semaphore, #tpu.memory_space<semaphore_mem>>
      %dma_start3A_117 = arith.constant 0 : i32
      %dma_start3A_118 = tpu.memref_slice %arg18[%add3A_62, %dma_start3A_117] : memref<10240x128xf32, #tpu.memory_space<vmem_shared>> -> memref<32x128xf32, #tpu.memory_space<vmem_shared>>
      %dma_start3A_119 = arith.constant 0 : i32
      %dma_start3A_120 = tpu.memref_slice %arg18[%add3A_62, %dma_start3A_119] : memref<10240x128xf32, #tpu.memory_space<vmem_shared>> -> memref<32x128xf32, #tpu.memory_space<vmem_shared>>
      tpu.enqueue_dma source(%arg17 : memref<32x128xf32, #tpu.memory_space<vmem>>) target(%dma_start3A_120 : memref<32x128xf32, #tpu.memory_space<vmem_shared>>) target_semaphore(%run_scoped3A : memref<!tpu.dma_semaphore, #tpu.memory_space<semaphore_mem>>)
      %dma_wait3A_121 = arith.constant 0 : i32
      %dma_wait3A_122 = tpu.memref_slice %arg18[%add3A_62, %dma_wait3A_121] : memref<10240x128xf32, #tpu.memory_space<vmem_shared>> -> memref<32x128xf32, #tpu.memory_space<vmem_shared>>
      %dma_wait3A_123 = arith.constant 0 : i32
      %dma_wait3A_124 = tpu.memref_slice %arg18[%add3A_62, %dma_wait3A_123] : memref<10240x128xf32, #tpu.memory_space<vmem_shared>> -> memref<32x128xf32, #tpu.memory_space<vmem_shared>>
      tpu.wait_dma2 semaphore(%run_scoped3A : memref<!tpu.dma_semaphore, #tpu.memory_space<semaphore_mem>>) src(%arg17 : memref<32x128xf32, #tpu.memory_space<vmem>>) dst(%dma_wait3A_124 : memref<32x128xf32, #tpu.memory_space<vmem_shared>>)
      tpu.yield
    }) : () -> ()
    %add3A_63 = arith.constant 320 : i32
    %add3A_64 = arith.addi %mul3A_42, %add3A_63 : i32
    "tpu.region"() ({
      %run_scoped3A = tpu.sem_alloc : memref<!tpu.dma_semaphore, #tpu.memory_space<semaphore_mem>>
      %dma_start3A_117 = arith.constant 0 : i32
      %dma_start3A_118 = tpu.memref_slice %arg18[%add3A_64, %dma_start3A_117] : memref<10240x128xf32, #tpu.memory_space<vmem_shared>> -> memref<32x128xf32, #tpu.memory_space<vmem_shared>>
      %dma_start3A_119 = arith.constant 0 : i32
      %dma_start3A_120 = tpu.memref_slice %arg18[%add3A_64, %dma_start3A_119] : memref<10240x128xf32, #tpu.memory_space<vmem_shared>> -> memref<32x128xf32, #tpu.memory_space<vmem_shared>>
      tpu.enqueue_dma source(%arg17 : memref<32x128xf32, #tpu.memory_space<vmem>>) target(%dma_start3A_120 : memref<32x128xf32, #tpu.memory_space<vmem_shared>>) target_semaphore(%run_scoped3A : memref<!tpu.dma_semaphore, #tpu.memory_space<semaphore_mem>>)
      %dma_wait3A_121 = arith.constant 0 : i32
      %dma_wait3A_122 = tpu.memref_slice %arg18[%add3A_64, %dma_wait3A_121] : memref<10240x128xf32, #tpu.memory_space<vmem_shared>> -> memref<32x128xf32, #tpu.memory_space<vmem_shared>>
      %dma_wait3A_123 = arith.constant 0 : i32
      %dma_wait3A_124 = tpu.memref_slice %arg18[%add3A_64, %dma_wait3A_123] : memref<10240x128xf32, #tpu.memory_space<vmem_shared>> -> memref<32x128xf32, #tpu.memory_space<vmem_shared>>
      tpu.wait_dma2 semaphore(%run_scoped3A : memref<!tpu.dma_semaphore, #tpu.memory_space<semaphore_mem>>) src(%arg17 : memref<32x128xf32, #tpu.memory_space<vmem>>) dst(%dma_wait3A_124 : memref<32x128xf32, #tpu.memory_space<vmem_shared>>)
      tpu.yield
    }) : () -> ()
    %add3A_65 = arith.constant 352 : i32
    %add3A_66 = arith.addi %mul3A_42, %add3A_65 : i32
    "tpu.region"() ({
      %run_scoped3A = tpu.sem_alloc : memref<!tpu.dma_semaphore, #tpu.memory_space<semaphore_mem>>
      %dma_start3A_117 = arith.constant 0 : i32
      %dma_start3A_118 = tpu.memref_slice %arg18[%add3A_66, %dma_start3A_117] : memref<10240x128xf32, #tpu.memory_space<vmem_shared>> -> memref<32x128xf32, #tpu.memory_space<vmem_shared>>
      %dma_start3A_119 = arith.constant 0 : i32
      %dma_start3A_120 = tpu.memref_slice %arg18[%add3A_66, %dma_start3A_119] : memref<10240x128xf32, #tpu.memory_space<vmem_shared>> -> memref<32x128xf32, #tpu.memory_space<vmem_shared>>
      tpu.enqueue_dma source(%arg17 : memref<32x128xf32, #tpu.memory_space<vmem>>) target(%dma_start3A_120 : memref<32x128xf32, #tpu.memory_space<vmem_shared>>) target_semaphore(%run_scoped3A : memref<!tpu.dma_semaphore, #tpu.memory_space<semaphore_mem>>)
      %dma_wait3A_121 = arith.constant 0 : i32
      %dma_wait3A_122 = tpu.memref_slice %arg18[%add3A_66, %dma_wait3A_121] : memref<10240x128xf32, #tpu.memory_space<vmem_shared>> -> memref<32x128xf32, #tpu.memory_space<vmem_shared>>
      %dma_wait3A_123 = arith.constant 0 : i32
      %dma_wait3A_124 = tpu.memref_slice %arg18[%add3A_66, %dma_wait3A_123] : memref<10240x128xf32, #tpu.memory_space<vmem_shared>> -> memref<32x128xf32, #tpu.memory_space<vmem_shared>>
      tpu.wait_dma2 semaphore(%run_scoped3A : memref<!tpu.dma_semaphore, #tpu.memory_space<semaphore_mem>>) src(%arg17 : memref<32x128xf32, #tpu.memory_space<vmem>>) dst(%dma_wait3A_124 : memref<32x128xf32, #tpu.memory_space<vmem_shared>>)
      tpu.yield
    }) : () -> ()
    %add3A_67 = arith.constant 384 : i32
    %add3A_68 = arith.addi %mul3A_42, %add3A_67 : i32
    "tpu.region"() ({
      %run_scoped3A = tpu.sem_alloc : memref<!tpu.dma_semaphore, #tpu.memory_space<semaphore_mem>>
      %dma_start3A_117 = arith.constant 0 : i32
      %dma_start3A_118 = tpu.memref_slice %arg18[%add3A_68, %dma_start3A_117] : memref<10240x128xf32, #tpu.memory_space<vmem_shared>> -> memref<32x128xf32, #tpu.memory_space<vmem_shared>>
      %dma_start3A_119 = arith.constant 0 : i32
      %dma_start3A_120 = tpu.memref_slice %arg18[%add3A_68, %dma_start3A_119] : memref<10240x128xf32, #tpu.memory_space<vmem_shared>> -> memref<32x128xf32, #tpu.memory_space<vmem_shared>>
      tpu.enqueue_dma source(%arg17 : memref<32x128xf32, #tpu.memory_space<vmem>>) target(%dma_start3A_120 : memref<32x128xf32, #tpu.memory_space<vmem_shared>>) target_semaphore(%run_scoped3A : memref<!tpu.dma_semaphore, #tpu.memory_space<semaphore_mem>>)
      %dma_wait3A_121 = arith.constant 0 : i32
      %dma_wait3A_122 = tpu.memref_slice %arg18[%add3A_68, %dma_wait3A_121] : memref<10240x128xf32, #tpu.memory_space<vmem_shared>> -> memref<32x128xf32, #tpu.memory_space<vmem_shared>>
      %dma_wait3A_123 = arith.constant 0 : i32
      %dma_wait3A_124 = tpu.memref_slice %arg18[%add3A_68, %dma_wait3A_123] : memref<10240x128xf32, #tpu.memory_space<vmem_shared>> -> memref<32x128xf32, #tpu.memory_space<vmem_shared>>
      tpu.wait_dma2 semaphore(%run_scoped3A : memref<!tpu.dma_semaphore, #tpu.memory_space<semaphore_mem>>) src(%arg17 : memref<32x128xf32, #tpu.memory_space<vmem>>) dst(%dma_wait3A_124 : memref<32x128xf32, #tpu.memory_space<vmem_shared>>)
      tpu.yield
    }) : () -> ()
    %add3A_69 = arith.constant 416 : i32
    %add3A_70 = arith.addi %mul3A_42, %add3A_69 : i32
    "tpu.region"() ({
      %run_scoped3A = tpu.sem_alloc : memref<!tpu.dma_semaphore, #tpu.memory_space<semaphore_mem>>
      %dma_start3A_117 = arith.constant 0 : i32
      %dma_start3A_118 = tpu.memref_slice %arg18[%add3A_70, %dma_start3A_117] : memref<10240x128xf32, #tpu.memory_space<vmem_shared>> -> memref<32x128xf32, #tpu.memory_space<vmem_shared>>
      %dma_start3A_119 = arith.constant 0 : i32
      %dma_start3A_120 = tpu.memref_slice %arg18[%add3A_70, %dma_start3A_119] : memref<10240x128xf32, #tpu.memory_space<vmem_shared>> -> memref<32x128xf32, #tpu.memory_space<vmem_shared>>
      tpu.enqueue_dma source(%arg17 : memref<32x128xf32, #tpu.memory_space<vmem>>) target(%dma_start3A_120 : memref<32x128xf32, #tpu.memory_space<vmem_shared>>) target_semaphore(%run_scoped3A : memref<!tpu.dma_semaphore, #tpu.memory_space<semaphore_mem>>)
      %dma_wait3A_121 = arith.constant 0 : i32
      %dma_wait3A_122 = tpu.memref_slice %arg18[%add3A_70, %dma_wait3A_121] : memref<10240x128xf32, #tpu.memory_space<vmem_shared>> -> memref<32x128xf32, #tpu.memory_space<vmem_shared>>
      %dma_wait3A_123 = arith.constant 0 : i32
      %dma_wait3A_124 = tpu.memref_slice %arg18[%add3A_70, %dma_wait3A_123] : memref<10240x128xf32, #tpu.memory_space<vmem_shared>> -> memref<32x128xf32, #tpu.memory_space<vmem_shared>>
      tpu.wait_dma2 semaphore(%run_scoped3A : memref<!tpu.dma_semaphore, #tpu.memory_space<semaphore_mem>>) src(%arg17 : memref<32x128xf32, #tpu.memory_space<vmem>>) dst(%dma_wait3A_124 : memref<32x128xf32, #tpu.memory_space<vmem_shared>>)
      tpu.yield
    }) : () -> ()
    %add3A_71 = arith.constant 448 : i32
    %add3A_72 = arith.addi %mul3A_42, %add3A_71 : i32
    "tpu.region"() ({
      %run_scoped3A = tpu.sem_alloc : memref<!tpu.dma_semaphore, #tpu.memory_space<semaphore_mem>>
      %dma_start3A_117 = arith.constant 0 : i32
      %dma_start3A_118 = tpu.memref_slice %arg18[%add3A_72, %dma_start3A_117] : memref<10240x128xf32, #tpu.memory_space<vmem_shared>> -> memref<32x128xf32, #tpu.memory_space<vmem_shared>>
      %dma_start3A_119 = arith.constant 0 : i32
      %dma_start3A_120 = tpu.memref_slice %arg18[%add3A_72, %dma_start3A_119] : memref<10240x128xf32, #tpu.memory_space<vmem_shared>> -> memref<32x128xf32, #tpu.memory_space<vmem_shared>>
      tpu.enqueue_dma source(%arg17 : memref<32x128xf32, #tpu.memory_space<vmem>>) target(%dma_start3A_120 : memref<32x128xf32, #tpu.memory_space<vmem_shared>>) target_semaphore(%run_scoped3A : memref<!tpu.dma_semaphore, #tpu.memory_space<semaphore_mem>>)
      %dma_wait3A_121 = arith.constant 0 : i32
      %dma_wait3A_122 = tpu.memref_slice %arg18[%add3A_72, %dma_wait3A_121] : memref<10240x128xf32, #tpu.memory_space<vmem_shared>> -> memref<32x128xf32, #tpu.memory_space<vmem_shared>>
      %dma_wait3A_123 = arith.constant 0 : i32
      %dma_wait3A_124 = tpu.memref_slice %arg18[%add3A_72, %dma_wait3A_123] : memref<10240x128xf32, #tpu.memory_space<vmem_shared>> -> memref<32x128xf32, #tpu.memory_space<vmem_shared>>
      tpu.wait_dma2 semaphore(%run_scoped3A : memref<!tpu.dma_semaphore, #tpu.memory_space<semaphore_mem>>) src(%arg17 : memref<32x128xf32, #tpu.memory_space<vmem>>) dst(%dma_wait3A_124 : memref<32x128xf32, #tpu.memory_space<vmem_shared>>)
      tpu.yield
    }) : () -> ()
    %add3A_73 = arith.constant 480 : i32
    %add3A_74 = arith.addi %mul3A_42, %add3A_73 : i32
    "tpu.region"() ({
      %run_scoped3A = tpu.sem_alloc : memref<!tpu.dma_semaphore, #tpu.memory_space<semaphore_mem>>
      %dma_start3A_117 = arith.constant 0 : i32
      %dma_start3A_118 = tpu.memref_slice %arg18[%add3A_74, %dma_start3A_117] : memref<10240x128xf32, #tpu.memory_space<vmem_shared>> -> memref<32x128xf32, #tpu.memory_space<vmem_shared>>
      %dma_start3A_119 = arith.constant 0 : i32
      %dma_start3A_120 = tpu.memref_slice %arg18[%add3A_74, %dma_start3A_119] : memref<10240x128xf32, #tpu.memory_space<vmem_shared>> -> memref<32x128xf32, #tpu.memory_space<vmem_shared>>
      tpu.enqueue_dma source(%arg17 : memref<32x128xf32, #tpu.memory_space<vmem>>) target(%dma_start3A_120 : memref<32x128xf32, #tpu.memory_space<vmem_shared>>) target_semaphore(%run_scoped3A : memref<!tpu.dma_semaphore, #tpu.memory_space<semaphore_mem>>)
      %dma_wait3A_121 = arith.constant 0 : i32
      %dma_wait3A_122 = tpu.memref_slice %arg18[%add3A_74, %dma_wait3A_121] : memref<10240x128xf32, #tpu.memory_space<vmem_shared>> -> memref<32x128xf32, #tpu.memory_space<vmem_shared>>
      %dma_wait3A_123 = arith.constant 0 : i32
      %dma_wait3A_124 = tpu.memref_slice %arg18[%add3A_74, %dma_wait3A_123] : memref<10240x128xf32, #tpu.memory_space<vmem_shared>> -> memref<32x128xf32, #tpu.memory_space<vmem_shared>>
      tpu.wait_dma2 semaphore(%run_scoped3A : memref<!tpu.dma_semaphore, #tpu.memory_space<semaphore_mem>>) src(%arg17 : memref<32x128xf32, #tpu.memory_space<vmem>>) dst(%dma_wait3A_124 : memref<32x128xf32, #tpu.memory_space<vmem_shared>>)
      tpu.yield
    }) : () -> ()
    %add3A_75 = arith.constant 512 : i32
    %add3A_76 = arith.addi %mul3A_42, %add3A_75 : i32
    "tpu.region"() ({
      %run_scoped3A = tpu.sem_alloc : memref<!tpu.dma_semaphore, #tpu.memory_space<semaphore_mem>>
      %dma_start3A_117 = arith.constant 0 : i32
      %dma_start3A_118 = tpu.memref_slice %arg18[%add3A_76, %dma_start3A_117] : memref<10240x128xf32, #tpu.memory_space<vmem_shared>> -> memref<32x128xf32, #tpu.memory_space<vmem_shared>>
      %dma_start3A_119 = arith.constant 0 : i32
      %dma_start3A_120 = tpu.memref_slice %arg18[%add3A_76, %dma_start3A_119] : memref<10240x128xf32, #tpu.memory_space<vmem_shared>> -> memref<32x128xf32, #tpu.memory_space<vmem_shared>>
      tpu.enqueue_dma source(%arg17 : memref<32x128xf32, #tpu.memory_space<vmem>>) target(%dma_start3A_120 : memref<32x128xf32, #tpu.memory_space<vmem_shared>>) target_semaphore(%run_scoped3A : memref<!tpu.dma_semaphore, #tpu.memory_space<semaphore_mem>>)
      %dma_wait3A_121 = arith.constant 0 : i32
      %dma_wait3A_122 = tpu.memref_slice %arg18[%add3A_76, %dma_wait3A_121] : memref<10240x128xf32, #tpu.memory_space<vmem_shared>> -> memref<32x128xf32, #tpu.memory_space<vmem_shared>>
      %dma_wait3A_123 = arith.constant 0 : i32
      %dma_wait3A_124 = tpu.memref_slice %arg18[%add3A_76, %dma_wait3A_123] : memref<10240x128xf32, #tpu.memory_space<vmem_shared>> -> memref<32x128xf32, #tpu.memory_space<vmem_shared>>
      tpu.wait_dma2 semaphore(%run_scoped3A : memref<!tpu.dma_semaphore, #tpu.memory_space<semaphore_mem>>) src(%arg17 : memref<32x128xf32, #tpu.memory_space<vmem>>) dst(%dma_wait3A_124 : memref<32x128xf32, #tpu.memory_space<vmem_shared>>)
      tpu.yield
    }) : () -> ()
    %add3A_77 = arith.constant 544 : i32
    %add3A_78 = arith.addi %mul3A_42, %add3A_77 : i32
    "tpu.region"() ({
      %run_scoped3A = tpu.sem_alloc : memref<!tpu.dma_semaphore, #tpu.memory_space<semaphore_mem>>
      %dma_start3A_117 = arith.constant 0 : i32
      %dma_start3A_118 = tpu.memref_slice %arg18[%add3A_78, %dma_start3A_117] : memref<10240x128xf32, #tpu.memory_space<vmem_shared>> -> memref<32x128xf32, #tpu.memory_space<vmem_shared>>
      %dma_start3A_119 = arith.constant 0 : i32
      %dma_start3A_120 = tpu.memref_slice %arg18[%add3A_78, %dma_start3A_119] : memref<10240x128xf32, #tpu.memory_space<vmem_shared>> -> memref<32x128xf32, #tpu.memory_space<vmem_shared>>
      tpu.enqueue_dma source(%arg17 : memref<32x128xf32, #tpu.memory_space<vmem>>) target(%dma_start3A_120 : memref<32x128xf32, #tpu.memory_space<vmem_shared>>) target_semaphore(%run_scoped3A : memref<!tpu.dma_semaphore, #tpu.memory_space<semaphore_mem>>)
      %dma_wait3A_121 = arith.constant 0 : i32
      %dma_wait3A_122 = tpu.memref_slice %arg18[%add3A_78, %dma_wait3A_121] : memref<10240x128xf32, #tpu.memory_space<vmem_shared>> -> memref<32x128xf32, #tpu.memory_space<vmem_shared>>
      %dma_wait3A_123 = arith.constant 0 : i32
      %dma_wait3A_124 = tpu.memref_slice %arg18[%add3A_78, %dma_wait3A_123] : memref<10240x128xf32, #tpu.memory_space<vmem_shared>> -> memref<32x128xf32, #tpu.memory_space<vmem_shared>>
      tpu.wait_dma2 semaphore(%run_scoped3A : memref<!tpu.dma_semaphore, #tpu.memory_space<semaphore_mem>>) src(%arg17 : memref<32x128xf32, #tpu.memory_space<vmem>>) dst(%dma_wait3A_124 : memref<32x128xf32, #tpu.memory_space<vmem_shared>>)
      tpu.yield
    }) : () -> ()
    %add3A_79 = arith.constant 576 : i32
    %add3A_80 = arith.addi %mul3A_42, %add3A_79 : i32
    "tpu.region"() ({
      %run_scoped3A = tpu.sem_alloc : memref<!tpu.dma_semaphore, #tpu.memory_space<semaphore_mem>>
      %dma_start3A_117 = arith.constant 0 : i32
      %dma_start3A_118 = tpu.memref_slice %arg18[%add3A_80, %dma_start3A_117] : memref<10240x128xf32, #tpu.memory_space<vmem_shared>> -> memref<32x128xf32, #tpu.memory_space<vmem_shared>>
      %dma_start3A_119 = arith.constant 0 : i32
      %dma_start3A_120 = tpu.memref_slice %arg18[%add3A_80, %dma_start3A_119] : memref<10240x128xf32, #tpu.memory_space<vmem_shared>> -> memref<32x128xf32, #tpu.memory_space<vmem_shared>>
      tpu.enqueue_dma source(%arg17 : memref<32x128xf32, #tpu.memory_space<vmem>>) target(%dma_start3A_120 : memref<32x128xf32, #tpu.memory_space<vmem_shared>>) target_semaphore(%run_scoped3A : memref<!tpu.dma_semaphore, #tpu.memory_space<semaphore_mem>>)
      %dma_wait3A_121 = arith.constant 0 : i32
      %dma_wait3A_122 = tpu.memref_slice %arg18[%add3A_80, %dma_wait3A_121] : memref<10240x128xf32, #tpu.memory_space<vmem_shared>> -> memref<32x128xf32, #tpu.memory_space<vmem_shared>>
      %dma_wait3A_123 = arith.constant 0 : i32
      %dma_wait3A_124 = tpu.memref_slice %arg18[%add3A_80, %dma_wait3A_123] : memref<10240x128xf32, #tpu.memory_space<vmem_shared>> -> memref<32x128xf32, #tpu.memory_space<vmem_shared>>
      tpu.wait_dma2 semaphore(%run_scoped3A : memref<!tpu.dma_semaphore, #tpu.memory_space<semaphore_mem>>) src(%arg17 : memref<32x128xf32, #tpu.memory_space<vmem>>) dst(%dma_wait3A_124 : memref<32x128xf32, #tpu.memory_space<vmem_shared>>)
      tpu.yield
    }) : () -> ()
    %add3A_81 = arith.constant 608 : i32
    %add3A_82 = arith.addi %mul3A_42, %add3A_81 : i32
    "tpu.region"() ({
      %run_scoped3A = tpu.sem_alloc : memref<!tpu.dma_semaphore, #tpu.memory_space<semaphore_mem>>
      %dma_start3A_117 = arith.constant 0 : i32
      %dma_start3A_118 = tpu.memref_slice %arg18[%add3A_82, %dma_start3A_117] : memref<10240x128xf32, #tpu.memory_space<vmem_shared>> -> memref<32x128xf32, #tpu.memory_space<vmem_shared>>
      %dma_start3A_119 = arith.constant 0 : i32
      %dma_start3A_120 = tpu.memref_slice %arg18[%add3A_82, %dma_start3A_119] : memref<10240x128xf32, #tpu.memory_space<vmem_shared>> -> memref<32x128xf32, #tpu.memory_space<vmem_shared>>
      tpu.enqueue_dma source(%arg17 : memref<32x128xf32, #tpu.memory_space<vmem>>) target(%dma_start3A_120 : memref<32x128xf32, #tpu.memory_space<vmem_shared>>) target_semaphore(%run_scoped3A : memref<!tpu.dma_semaphore, #tpu.memory_space<semaphore_mem>>)
      %dma_wait3A_121 = arith.constant 0 : i32
      %dma_wait3A_122 = tpu.memref_slice %arg18[%add3A_82, %dma_wait3A_121] : memref<10240x128xf32, #tpu.memory_space<vmem_shared>> -> memref<32x128xf32, #tpu.memory_space<vmem_shared>>
      %dma_wait3A_123 = arith.constant 0 : i32
      %dma_wait3A_124 = tpu.memref_slice %arg18[%add3A_82, %dma_wait3A_123] : memref<10240x128xf32, #tpu.memory_space<vmem_shared>> -> memref<32x128xf32, #tpu.memory_space<vmem_shared>>
      tpu.wait_dma2 semaphore(%run_scoped3A : memref<!tpu.dma_semaphore, #tpu.memory_space<semaphore_mem>>) src(%arg17 : memref<32x128xf32, #tpu.memory_space<vmem>>) dst(%dma_wait3A_124 : memref<32x128xf32, #tpu.memory_space<vmem_shared>>)
      tpu.yield
    }) : () -> ()
    %barrier3A = arith.constant 0 : index
    tpu.barrier barrier_id(%barrier3A)
    %scan3A = arith.constant 0 : i32
    %scan3A_83 = arith.constant 0 : i32
    %scan3A_84 = arith.constant 19 : i32
    %scan3A_85 = arith.addi %scan3A_83, %scan3A_84 : i32
    %scan3A_86 = arith.constant 1 : i32
    scf.for %scan3A_117 = %scan3A_83 to %scan3A_85 step %scan3A_86  : i32 {
      %mul3A_118 = arith.constant 4 : i32
      %mul3A_119 = arith.muli %scan3A_117, %mul3A_118 : i32
      %add3A_120 = arith.constant 0 : i32
      %add3A_121 = arith.addi %mul3A_119, %add3A_120 : i32
      %add3A_122 = arith.constant 1 : i32
      %add3A_123 = arith.addi %add3A_121, %add3A_122 : i32
      %lt3A_124 = arith.cmpi slt, %add3A_123, %select_n3A_12 : i32
      %convert_element_type3A_125 = arith.extui %lt3A_124 : i1 to i32
      %cond3A_126 = arith.constant 0 : i32
      %cond3A_127 = arith.cmpi ne, %convert_element_type3A_125, %cond3A_126 : i32
      scf.if %cond3A_127 {
        %add3A_194 = arith.constant 1 : i32
        %add3A_195 = arith.addi %add3A_121, %add3A_194 : i32
        %mul3A_196 = arith.constant 128 : i32
        %mul3A_197 = arith.muli %add3A_195, %mul3A_196 : i32
        %add3A_198 = arith.addi %select_n3A, %mul3A_197 : i32
        %multiple_of3A_199 = tpu.assume_multiple %add3A_198, 8 : i32
        %dma_wait3A_200 = tpu.memref_slice %arg3[%multiple_of3A_199] : memref<320000xi32, #tpu.memory_space<hbm>> -> memref<128xi32, #tpu.memory_space<hbm>>
        %dma_wait3A_201 = tpu.memref_slice %arg3[%multiple_of3A_199] : memref<320000xi32, #tpu.memory_space<hbm>> -> memref<128xi32, #tpu.memory_space<hbm>>
        tpu.wait_dma2 semaphore(%arg20 : memref<!tpu.dma_semaphore, #tpu.memory_space<semaphore_mem>>) src(%dma_wait3A_201 : memref<128xi32, #tpu.memory_space<hbm>>) dst(%arg8 : memref<128xi32, #tpu.memory_space<vmem>>)
        %dma_wait3A_202 = tpu.memref_slice %arg2[%multiple_of3A_199] : memref<320000xi32, #tpu.memory_space<hbm>> -> memref<128xi32, #tpu.memory_space<hbm>>
        %dma_wait3A_203 = tpu.memref_slice %arg2[%multiple_of3A_199] : memref<320000xi32, #tpu.memory_space<hbm>> -> memref<128xi32, #tpu.memory_space<hbm>>
        tpu.wait_dma2 semaphore(%arg20 : memref<!tpu.dma_semaphore, #tpu.memory_space<semaphore_mem>>) src(%dma_wait3A_203 : memref<128xi32, #tpu.memory_space<hbm>>) dst(%arg12 : memref<128xi32, #tpu.memory_space<vmem>>)
        %dma_start3A_204 = arith.constant 0 : i32
        %dma_start3A_205 = arith.constant 0 : i32
        %dma_start3A_206 = tpu.memref_slice %arg4[%dma_start3A_204, %dma_start3A_205] : memref<10000x128xf32, #tpu.memory_space<hbm>> -> memref<10000x128xf32, #tpu.memory_space<hbm>>
        tpu.enqueue_indirect_dma source(%dma_start3A_206 : memref<10000x128xf32, #tpu.memory_space<hbm>>) target(%arg16 : memref<128x128xf32, #tpu.memory_space<vmem>>) offsets(%arg8 : memref<128xi32, #tpu.memory_space<vmem>>) semaphore(%arg24 : memref<!tpu.dma_semaphore, #tpu.memory_space<semaphore_mem>>)
      } else {
      }
      %add3A_128 = arith.constant 3 : i32
      %add3A_129 = arith.addi %add3A_121, %add3A_128 : i32
      %lt3A_130 = arith.cmpi slt, %add3A_129, %select_n3A_12 : i32
      %convert_element_type3A_131 = arith.extui %lt3A_130 : i1 to i32
      %cond3A_132 = arith.constant 0 : i32
      %cond3A_133 = arith.cmpi ne, %convert_element_type3A_131, %cond3A_132 : i32
      scf.if %cond3A_133 {
        %add3A_194 = arith.constant 3 : i32
        %add3A_195 = arith.addi %add3A_121, %add3A_194 : i32
        %mul3A_196 = arith.constant 128 : i32
        %mul3A_197 = arith.muli %add3A_195, %mul3A_196 : i32
        %add3A_198 = arith.addi %select_n3A, %mul3A_197 : i32
        %multiple_of3A_199 = tpu.assume_multiple %add3A_198, 8 : i32
        %dma_start3A_200 = tpu.memref_slice %arg3[%multiple_of3A_199] : memref<320000xi32, #tpu.memory_space<hbm>> -> memref<128xi32, #tpu.memory_space<hbm>>
        %dma_start3A_201 = tpu.memref_slice %arg3[%multiple_of3A_199] : memref<320000xi32, #tpu.memory_space<hbm>> -> memref<128xi32, #tpu.memory_space<hbm>>
        tpu.enqueue_dma source(%dma_start3A_201 : memref<128xi32, #tpu.memory_space<hbm>>) target(%arg10 : memref<128xi32, #tpu.memory_space<vmem>>) target_semaphore(%arg22 : memref<!tpu.dma_semaphore, #tpu.memory_space<semaphore_mem>>)
        %dma_start3A_202 = tpu.memref_slice %arg2[%multiple_of3A_199] : memref<320000xi32, #tpu.memory_space<hbm>> -> memref<128xi32, #tpu.memory_space<hbm>>
        %dma_start3A_203 = tpu.memref_slice %arg2[%multiple_of3A_199] : memref<320000xi32, #tpu.memory_space<hbm>> -> memref<128xi32, #tpu.memory_space<hbm>>
        tpu.enqueue_dma source(%dma_start3A_203 : memref<128xi32, #tpu.memory_space<hbm>>) target(%arg14 : memref<128xi32, #tpu.memory_space<vmem>>) target_semaphore(%arg22 : memref<!tpu.dma_semaphore, #tpu.memory_space<semaphore_mem>>)
      } else {
      }
      %dma_wait3A_134 = arith.constant 0 : i32
      %dma_wait3A_135 = arith.constant 0 : i32
      %dma_wait3A_136 = tpu.memref_slice %arg4[%dma_wait3A_134, %dma_wait3A_135] : memref<10000x128xf32, #tpu.memory_space<hbm>> -> memref<10000x128xf32, #tpu.memory_space<hbm>>
      tpu.wait_indirect_dma semaphore(%arg23 : memref<!tpu.dma_semaphore, #tpu.memory_space<semaphore_mem>>) src(%dma_wait3A_136 : memref<10000x128xf32, #tpu.memory_space<hbm>>) dst(%arg15 : memref<128x128xf32, #tpu.memory_space<vmem>>)
      "tpu.region"() ({
        %run_scoped3A = tpu.sem_alloc : memref<!tpu.dma_semaphore, #tpu.memory_space<semaphore_mem>>
        %dma_start3A_194 = arith.constant 0 : i32
        %dma_start3A_195 = arith.constant 0 : i32
        %dma_start3A_196 = tpu.memref_slice %arg18[%dma_start3A_194, %dma_start3A_195] : memref<10240x128xf32, #tpu.memory_space<vmem_shared>> -> memref<10240x128xf32, #tpu.memory_space<vmem_shared>>
        tpu.enqueue_indirect_dma source(%arg15 : memref<128x128xf32, #tpu.memory_space<vmem>>) target(%dma_start3A_196 : memref<10240x128xf32, #tpu.memory_space<vmem_shared>>) offsets(%arg11 : memref<128xi32, #tpu.memory_space<vmem>>) semaphore(%run_scoped3A : memref<!tpu.dma_semaphore, #tpu.memory_space<semaphore_mem>>) {add = true}
        %dma_wait3A_197 = arith.constant 0 : i32
        %dma_wait3A_198 = arith.constant 0 : i32
        %dma_wait3A_199 = tpu.memref_slice %arg18[%dma_wait3A_197, %dma_wait3A_198] : memref<10240x128xf32, #tpu.memory_space<vmem_shared>> -> memref<10240x128xf32, #tpu.memory_space<vmem_shared>>
        tpu.wait_indirect_dma semaphore(%run_scoped3A : memref<!tpu.dma_semaphore, #tpu.memory_space<semaphore_mem>>) src(%arg15 : memref<128x128xf32, #tpu.memory_space<vmem>>) dst(%dma_wait3A_199 : memref<10240x128xf32, #tpu.memory_space<vmem_shared>>)
        tpu.yield
      }) : () -> ()
      %mul3A_137 = arith.constant 4 : i32
      %mul3A_138 = arith.muli %scan3A_117, %mul3A_137 : i32
      %add3A_139 = arith.constant 1 : i32
      %add3A_140 = arith.addi %mul3A_138, %add3A_139 : i32
      %add3A_141 = arith.constant 1 : i32
      %add3A_142 = arith.addi %add3A_140, %add3A_141 : i32
      %lt3A_143 = arith.cmpi slt, %add3A_142, %select_n3A_12 : i32
      %convert_element_type3A_144 = arith.extui %lt3A_143 : i1 to i32
      %cond3A_145 = arith.constant 0 : i32
      %cond3A_146 = arith.cmpi ne, %convert_element_type3A_144, %cond3A_145 : i32
      scf.if %cond3A_146 {
        %add3A_194 = arith.constant 1 : i32
        %add3A_195 = arith.addi %add3A_140, %add3A_194 : i32
        %mul3A_196 = arith.constant 128 : i32
        %mul3A_197 = arith.muli %add3A_195, %mul3A_196 : i32
        %add3A_198 = arith.addi %select_n3A, %mul3A_197 : i32
        %multiple_of3A_199 = tpu.assume_multiple %add3A_198, 8 : i32
        %dma_wait3A_200 = tpu.memref_slice %arg3[%multiple_of3A_199] : memref<320000xi32, #tpu.memory_space<hbm>> -> memref<128xi32, #tpu.memory_space<hbm>>
        %dma_wait3A_201 = tpu.memref_slice %arg3[%multiple_of3A_199] : memref<320000xi32, #tpu.memory_space<hbm>> -> memref<128xi32, #tpu.memory_space<hbm>>
        tpu.wait_dma2 semaphore(%arg21 : memref<!tpu.dma_semaphore, #tpu.memory_space<semaphore_mem>>) src(%dma_wait3A_201 : memref<128xi32, #tpu.memory_space<hbm>>) dst(%arg9 : memref<128xi32, #tpu.memory_space<vmem>>)
        %dma_wait3A_202 = tpu.memref_slice %arg2[%multiple_of3A_199] : memref<320000xi32, #tpu.memory_space<hbm>> -> memref<128xi32, #tpu.memory_space<hbm>>
        %dma_wait3A_203 = tpu.memref_slice %arg2[%multiple_of3A_199] : memref<320000xi32, #tpu.memory_space<hbm>> -> memref<128xi32, #tpu.memory_space<hbm>>
        tpu.wait_dma2 semaphore(%arg21 : memref<!tpu.dma_semaphore, #tpu.memory_space<semaphore_mem>>) src(%dma_wait3A_203 : memref<128xi32, #tpu.memory_space<hbm>>) dst(%arg13 : memref<128xi32, #tpu.memory_space<vmem>>)
        %dma_start3A_204 = arith.constant 0 : i32
        %dma_start3A_205 = arith.constant 0 : i32
        %dma_start3A_206 = tpu.memref_slice %arg4[%dma_start3A_204, %dma_start3A_205] : memref<10000x128xf32, #tpu.memory_space<hbm>> -> memref<10000x128xf32, #tpu.memory_space<hbm>>
        tpu.enqueue_indirect_dma source(%dma_start3A_206 : memref<10000x128xf32, #tpu.memory_space<hbm>>) target(%arg15 : memref<128x128xf32, #tpu.memory_space<vmem>>) offsets(%arg9 : memref<128xi32, #tpu.memory_space<vmem>>) semaphore(%arg23 : memref<!tpu.dma_semaphore, #tpu.memory_space<semaphore_mem>>)
      } else {
      }
      %add3A_147 = arith.constant 3 : i32
      %add3A_148 = arith.addi %add3A_140, %add3A_147 : i32
      %lt3A_149 = arith.cmpi slt, %add3A_148, %select_n3A_12 : i32
      %convert_element_type3A_150 = arith.extui %lt3A_149 : i1 to i32
      %cond3A_151 = arith.constant 0 : i32
      %cond3A_152 = arith.cmpi ne, %convert_element_type3A_150, %cond3A_151 : i32
      scf.if %cond3A_152 {
        %add3A_194 = arith.constant 3 : i32
        %add3A_195 = arith.addi %add3A_140, %add3A_194 : i32
        %mul3A_196 = arith.constant 128 : i32
        %mul3A_197 = arith.muli %add3A_195, %mul3A_196 : i32
        %add3A_198 = arith.addi %select_n3A, %mul3A_197 : i32
        %multiple_of3A_199 = tpu.assume_multiple %add3A_198, 8 : i32
        %dma_start3A_200 = tpu.memref_slice %arg3[%multiple_of3A_199] : memref<320000xi32, #tpu.memory_space<hbm>> -> memref<128xi32, #tpu.memory_space<hbm>>
        %dma_start3A_201 = tpu.memref_slice %arg3[%multiple_of3A_199] : memref<320000xi32, #tpu.memory_space<hbm>> -> memref<128xi32, #tpu.memory_space<hbm>>
        tpu.enqueue_dma source(%dma_start3A_201 : memref<128xi32, #tpu.memory_space<hbm>>) target(%arg7 : memref<128xi32, #tpu.memory_space<vmem>>) target_semaphore(%arg19 : memref<!tpu.dma_semaphore, #tpu.memory_space<semaphore_mem>>)
        %dma_start3A_202 = tpu.memref_slice %arg2[%multiple_of3A_199] : memref<320000xi32, #tpu.memory_space<hbm>> -> memref<128xi32, #tpu.memory_space<hbm>>
        %dma_start3A_203 = tpu.memref_slice %arg2[%multiple_of3A_199] : memref<320000xi32, #tpu.memory_space<hbm>> -> memref<128xi32, #tpu.memory_space<hbm>>
        tpu.enqueue_dma source(%dma_start3A_203 : memref<128xi32, #tpu.memory_space<hbm>>) target(%arg11 : memref<128xi32, #tpu.memory_space<vmem>>) target_semaphore(%arg19 : memref<!tpu.dma_semaphore, #tpu.memory_space<semaphore_mem>>)
      } else {
      }
      %dma_wait3A_153 = arith.constant 0 : i32
      %dma_wait3A_154 = arith.constant 0 : i32
      %dma_wait3A_155 = tpu.memref_slice %arg4[%dma_wait3A_153, %dma_wait3A_154] : memref<10000x128xf32, #tpu.memory_space<hbm>> -> memref<10000x128xf32, #tpu.memory_space<hbm>>
      tpu.wait_indirect_dma semaphore(%arg24 : memref<!tpu.dma_semaphore, #tpu.memory_space<semaphore_mem>>) src(%dma_wait3A_155 : memref<10000x128xf32, #tpu.memory_space<hbm>>) dst(%arg16 : memref<128x128xf32, #tpu.memory_space<vmem>>)
      "tpu.region"() ({
        %run_scoped3A = tpu.sem_alloc : memref<!tpu.dma_semaphore, #tpu.memory_space<semaphore_mem>>
        %dma_start3A_194 = arith.constant 0 : i32
        %dma_start3A_195 = arith.constant 0 : i32
        %dma_start3A_196 = tpu.memref_slice %arg18[%dma_start3A_194, %dma_start3A_195] : memref<10240x128xf32, #tpu.memory_space<vmem_shared>> -> memref<10240x128xf32, #tpu.memory_space<vmem_shared>>
        tpu.enqueue_indirect_dma source(%arg16 : memref<128x128xf32, #tpu.memory_space<vmem>>) target(%dma_start3A_196 : memref<10240x128xf32, #tpu.memory_space<vmem_shared>>) offsets(%arg12 : memref<128xi32, #tpu.memory_space<vmem>>) semaphore(%run_scoped3A : memref<!tpu.dma_semaphore, #tpu.memory_space<semaphore_mem>>) {add = true}
        %dma_wait3A_197 = arith.constant 0 : i32
        %dma_wait3A_198 = arith.constant 0 : i32
        %dma_wait3A_199 = tpu.memref_slice %arg18[%dma_wait3A_197, %dma_wait3A_198] : memref<10240x128xf32, #tpu.memory_space<vmem_shared>> -> memref<10240x128xf32, #tpu.memory_space<vmem_shared>>
        tpu.wait_indirect_dma semaphore(%run_scoped3A : memref<!tpu.dma_semaphore, #tpu.memory_space<semaphore_mem>>) src(%arg16 : memref<128x128xf32, #tpu.memory_space<vmem>>) dst(%dma_wait3A_199 : memref<10240x128xf32, #tpu.memory_space<vmem_shared>>)
        tpu.yield
      }) : () -> ()
      %mul3A_156 = arith.constant 4 : i32
      %mul3A_157 = arith.muli %scan3A_117, %mul3A_156 : i32
      %add3A_158 = arith.constant 2 : i32
      %add3A_159 = arith.addi %mul3A_157, %add3A_158 : i32
      %add3A_160 = arith.constant 1 : i32
      %add3A_161 = arith.addi %add3A_159, %add3A_160 : i32
      %lt3A_162 = arith.cmpi slt, %add3A_161, %select_n3A_12 : i32
      %convert_element_type3A_163 = arith.extui %lt3A_162 : i1 to i32
      %cond3A_164 = arith.constant 0 : i32
      %cond3A_165 = arith.cmpi ne, %convert_element_type3A_163, %cond3A_164 : i32
      scf.if %cond3A_165 {
        %add3A_194 = arith.constant 1 : i32
        %add3A_195 = arith.addi %add3A_159, %add3A_194 : i32
        %mul3A_196 = arith.constant 128 : i32
        %mul3A_197 = arith.muli %add3A_195, %mul3A_196 : i32
        %add3A_198 = arith.addi %select_n3A, %mul3A_197 : i32
        %multiple_of3A_199 = tpu.assume_multiple %add3A_198, 8 : i32
        %dma_wait3A_200 = tpu.memref_slice %arg3[%multiple_of3A_199] : memref<320000xi32, #tpu.memory_space<hbm>> -> memref<128xi32, #tpu.memory_space<hbm>>
        %dma_wait3A_201 = tpu.memref_slice %arg3[%multiple_of3A_199] : memref<320000xi32, #tpu.memory_space<hbm>> -> memref<128xi32, #tpu.memory_space<hbm>>
        tpu.wait_dma2 semaphore(%arg22 : memref<!tpu.dma_semaphore, #tpu.memory_space<semaphore_mem>>) src(%dma_wait3A_201 : memref<128xi32, #tpu.memory_space<hbm>>) dst(%arg10 : memref<128xi32, #tpu.memory_space<vmem>>)
        %dma_wait3A_202 = tpu.memref_slice %arg2[%multiple_of3A_199] : memref<320000xi32, #tpu.memory_space<hbm>> -> memref<128xi32, #tpu.memory_space<hbm>>
        %dma_wait3A_203 = tpu.memref_slice %arg2[%multiple_of3A_199] : memref<320000xi32, #tpu.memory_space<hbm>> -> memref<128xi32, #tpu.memory_space<hbm>>
        tpu.wait_dma2 semaphore(%arg22 : memref<!tpu.dma_semaphore, #tpu.memory_space<semaphore_mem>>) src(%dma_wait3A_203 : memref<128xi32, #tpu.memory_space<hbm>>) dst(%arg14 : memref<128xi32, #tpu.memory_space<vmem>>)
        %dma_start3A_204 = arith.constant 0 : i32
        %dma_start3A_205 = arith.constant 0 : i32
        %dma_start3A_206 = tpu.memref_slice %arg4[%dma_start3A_204, %dma_start3A_205] : memref<10000x128xf32, #tpu.memory_space<hbm>> -> memref<10000x128xf32, #tpu.memory_space<hbm>>
        tpu.enqueue_indirect_dma source(%dma_start3A_206 : memref<10000x128xf32, #tpu.memory_space<hbm>>) target(%arg16 : memref<128x128xf32, #tpu.memory_space<vmem>>) offsets(%arg10 : memref<128xi32, #tpu.memory_space<vmem>>) semaphore(%arg24 : memref<!tpu.dma_semaphore, #tpu.memory_space<semaphore_mem>>)
      } else {
      }
      %add3A_166 = arith.constant 3 : i32
      %add3A_167 = arith.addi %add3A_159, %add3A_166 : i32
      %lt3A_168 = arith.cmpi slt, %add3A_167, %select_n3A_12 : i32
      %convert_element_type3A_169 = arith.extui %lt3A_168 : i1 to i32
      %cond3A_170 = arith.constant 0 : i32
      %cond3A_171 = arith.cmpi ne, %convert_element_type3A_169, %cond3A_170 : i32
      scf.if %cond3A_171 {
        %add3A_194 = arith.constant 3 : i32
        %add3A_195 = arith.addi %add3A_159, %add3A_194 : i32
        %mul3A_196 = arith.constant 128 : i32
        %mul3A_197 = arith.muli %add3A_195, %mul3A_196 : i32
        %add3A_198 = arith.addi %select_n3A, %mul3A_197 : i32
        %multiple_of3A_199 = tpu.assume_multiple %add3A_198, 8 : i32
        %dma_start3A_200 = tpu.memref_slice %arg3[%multiple_of3A_199] : memref<320000xi32, #tpu.memory_space<hbm>> -> memref<128xi32, #tpu.memory_space<hbm>>
        %dma_start3A_201 = tpu.memref_slice %arg3[%multiple_of3A_199] : memref<320000xi32, #tpu.memory_space<hbm>> -> memref<128xi32, #tpu.memory_space<hbm>>
        tpu.enqueue_dma source(%dma_start3A_201 : memref<128xi32, #tpu.memory_space<hbm>>) target(%arg8 : memref<128xi32, #tpu.memory_space<vmem>>) target_semaphore(%arg20 : memref<!tpu.dma_semaphore, #tpu.memory_space<semaphore_mem>>)
        %dma_start3A_202 = tpu.memref_slice %arg2[%multiple_of3A_199] : memref<320000xi32, #tpu.memory_space<hbm>> -> memref<128xi32, #tpu.memory_space<hbm>>
        %dma_start3A_203 = tpu.memref_slice %arg2[%multiple_of3A_199] : memref<320000xi32, #tpu.memory_space<hbm>> -> memref<128xi32, #tpu.memory_space<hbm>>
        tpu.enqueue_dma source(%dma_start3A_203 : memref<128xi32, #tpu.memory_space<hbm>>) target(%arg12 : memref<128xi32, #tpu.memory_space<vmem>>) target_semaphore(%arg20 : memref<!tpu.dma_semaphore, #tpu.memory_space<semaphore_mem>>)
      } else {
      }
      %dma_wait3A_172 = arith.constant 0 : i32
      %dma_wait3A_173 = arith.constant 0 : i32
      %dma_wait3A_174 = tpu.memref_slice %arg4[%dma_wait3A_172, %dma_wait3A_173] : memref<10000x128xf32, #tpu.memory_space<hbm>> -> memref<10000x128xf32, #tpu.memory_space<hbm>>
      tpu.wait_indirect_dma semaphore(%arg23 : memref<!tpu.dma_semaphore, #tpu.memory_space<semaphore_mem>>) src(%dma_wait3A_174 : memref<10000x128xf32, #tpu.memory_space<hbm>>) dst(%arg15 : memref<128x128xf32, #tpu.memory_space<vmem>>)
      "tpu.region"() ({
        %run_scoped3A = tpu.sem_alloc : memref<!tpu.dma_semaphore, #tpu.memory_space<semaphore_mem>>
        %dma_start3A_194 = arith.constant 0 : i32
        %dma_start3A_195 = arith.constant 0 : i32
        %dma_start3A_196 = tpu.memref_slice %arg18[%dma_start3A_194, %dma_start3A_195] : memref<10240x128xf32, #tpu.memory_space<vmem_shared>> -> memref<10240x128xf32, #tpu.memory_space<vmem_shared>>
        tpu.enqueue_indirect_dma source(%arg15 : memref<128x128xf32, #tpu.memory_space<vmem>>) target(%dma_start3A_196 : memref<10240x128xf32, #tpu.memory_space<vmem_shared>>) offsets(%arg13 : memref<128xi32, #tpu.memory_space<vmem>>) semaphore(%run_scoped3A : memref<!tpu.dma_semaphore, #tpu.memory_space<semaphore_mem>>) {add = true}
        %dma_wait3A_197 = arith.constant 0 : i32
        %dma_wait3A_198 = arith.constant 0 : i32
        %dma_wait3A_199 = tpu.memref_slice %arg18[%dma_wait3A_197, %dma_wait3A_198] : memref<10240x128xf32, #tpu.memory_space<vmem_shared>> -> memref<10240x128xf32, #tpu.memory_space<vmem_shared>>
        tpu.wait_indirect_dma semaphore(%run_scoped3A : memref<!tpu.dma_semaphore, #tpu.memory_space<semaphore_mem>>) src(%arg15 : memref<128x128xf32, #tpu.memory_space<vmem>>) dst(%dma_wait3A_199 : memref<10240x128xf32, #tpu.memory_space<vmem_shared>>)
        tpu.yield
      }) : () -> ()
      %mul3A_175 = arith.constant 4 : i32
      %mul3A_176 = arith.muli %scan3A_117, %mul3A_175 : i32
      %add3A_177 = arith.constant 3 : i32
      %add3A_178 = arith.addi %mul3A_176, %add3A_177 : i32
      %add3A_179 = arith.constant 1 : i32
      %add3A_180 = arith.addi %add3A_178, %add3A_179 : i32
      %lt3A_181 = arith.cmpi slt, %add3A_180, %select_n3A_12 : i32
      %convert_element_type3A_182 = arith.extui %lt3A_181 : i1 to i32
      %cond3A_183 = arith.constant 0 : i32
      %cond3A_184 = arith.cmpi ne, %convert_element_type3A_182, %cond3A_183 : i32
      scf.if %cond3A_184 {
        %add3A_194 = arith.constant 1 : i32
        %add3A_195 = arith.addi %add3A_178, %add3A_194 : i32
        %mul3A_196 = arith.constant 128 : i32
        %mul3A_197 = arith.muli %add3A_195, %mul3A_196 : i32
        %add3A_198 = arith.addi %select_n3A, %mul3A_197 : i32
        %multiple_of3A_199 = tpu.assume_multiple %add3A_198, 8 : i32
        %dma_wait3A_200 = tpu.memref_slice %arg3[%multiple_of3A_199] : memref<320000xi32, #tpu.memory_space<hbm>> -> memref<128xi32, #tpu.memory_space<hbm>>
        %dma_wait3A_201 = tpu.memref_slice %arg3[%multiple_of3A_199] : memref<320000xi32, #tpu.memory_space<hbm>> -> memref<128xi32, #tpu.memory_space<hbm>>
        tpu.wait_dma2 semaphore(%arg19 : memref<!tpu.dma_semaphore, #tpu.memory_space<semaphore_mem>>) src(%dma_wait3A_201 : memref<128xi32, #tpu.memory_space<hbm>>) dst(%arg7 : memref<128xi32, #tpu.memory_space<vmem>>)
        %dma_wait3A_202 = tpu.memref_slice %arg2[%multiple_of3A_199] : memref<320000xi32, #tpu.memory_space<hbm>> -> memref<128xi32, #tpu.memory_space<hbm>>
        %dma_wait3A_203 = tpu.memref_slice %arg2[%multiple_of3A_199] : memref<320000xi32, #tpu.memory_space<hbm>> -> memref<128xi32, #tpu.memory_space<hbm>>
        tpu.wait_dma2 semaphore(%arg19 : memref<!tpu.dma_semaphore, #tpu.memory_space<semaphore_mem>>) src(%dma_wait3A_203 : memref<128xi32, #tpu.memory_space<hbm>>) dst(%arg11 : memref<128xi32, #tpu.memory_space<vmem>>)
        %dma_start3A_204 = arith.constant 0 : i32
        %dma_start3A_205 = arith.constant 0 : i32
        %dma_start3A_206 = tpu.memref_slice %arg4[%dma_start3A_204, %dma_start3A_205] : memref<10000x128xf32, #tpu.memory_space<hbm>> -> memref<10000x128xf32, #tpu.memory_space<hbm>>
        tpu.enqueue_indirect_dma source(%dma_start3A_206 : memref<10000x128xf32, #tpu.memory_space<hbm>>) target(%arg15 : memref<128x128xf32, #tpu.memory_space<vmem>>) offsets(%arg7 : memref<128xi32, #tpu.memory_space<vmem>>) semaphore(%arg23 : memref<!tpu.dma_semaphore, #tpu.memory_space<semaphore_mem>>)
      } else {
      }
      %add3A_185 = arith.constant 3 : i32
      %add3A_186 = arith.addi %add3A_178, %add3A_185 : i32
      %lt3A_187 = arith.cmpi slt, %add3A_186, %select_n3A_12 : i32
      %convert_element_type3A_188 = arith.extui %lt3A_187 : i1 to i32
      %cond3A_189 = arith.constant 0 : i32
      %cond3A_190 = arith.cmpi ne, %convert_element_type3A_188, %cond3A_189 : i32
      scf.if %cond3A_190 {
        %add3A_194 = arith.constant 3 : i32
        %add3A_195 = arith.addi %add3A_178, %add3A_194 : i32
        %mul3A_196 = arith.constant 128 : i32
        %mul3A_197 = arith.muli %add3A_195, %mul3A_196 : i32
        %add3A_198 = arith.addi %select_n3A, %mul3A_197 : i32
        %multiple_of3A_199 = tpu.assume_multiple %add3A_198, 8 : i32
        %dma_start3A_200 = tpu.memref_slice %arg3[%multiple_of3A_199] : memref<320000xi32, #tpu.memory_space<hbm>> -> memref<128xi32, #tpu.memory_space<hbm>>
        %dma_start3A_201 = tpu.memref_slice %arg3[%multiple_of3A_199] : memref<320000xi32, #tpu.memory_space<hbm>> -> memref<128xi32, #tpu.memory_space<hbm>>
        tpu.enqueue_dma source(%dma_start3A_201 : memref<128xi32, #tpu.memory_space<hbm>>) target(%arg9 : memref<128xi32, #tpu.memory_space<vmem>>) target_semaphore(%arg21 : memref<!tpu.dma_semaphore, #tpu.memory_space<semaphore_mem>>)
        %dma_start3A_202 = tpu.memref_slice %arg2[%multiple_of3A_199] : memref<320000xi32, #tpu.memory_space<hbm>> -> memref<128xi32, #tpu.memory_space<hbm>>
        %dma_start3A_203 = tpu.memref_slice %arg2[%multiple_of3A_199] : memref<320000xi32, #tpu.memory_space<hbm>> -> memref<128xi32, #tpu.memory_space<hbm>>
        tpu.enqueue_dma source(%dma_start3A_203 : memref<128xi32, #tpu.memory_space<hbm>>) target(%arg13 : memref<128xi32, #tpu.memory_space<vmem>>) target_semaphore(%arg21 : memref<!tpu.dma_semaphore, #tpu.memory_space<semaphore_mem>>)
      } else {
      }
      %dma_wait3A_191 = arith.constant 0 : i32
      %dma_wait3A_192 = arith.constant 0 : i32
      %dma_wait3A_193 = tpu.memref_slice %arg4[%dma_wait3A_191, %dma_wait3A_192] : memref<10000x128xf32, #tpu.memory_space<hbm>> -> memref<10000x128xf32, #tpu.memory_space<hbm>>
      tpu.wait_indirect_dma semaphore(%arg24 : memref<!tpu.dma_semaphore, #tpu.memory_space<semaphore_mem>>) src(%dma_wait3A_193 : memref<10000x128xf32, #tpu.memory_space<hbm>>) dst(%arg16 : memref<128x128xf32, #tpu.memory_space<vmem>>)
      "tpu.region"() ({
        %run_scoped3A = tpu.sem_alloc : memref<!tpu.dma_semaphore, #tpu.memory_space<semaphore_mem>>
        %dma_start3A_194 = arith.constant 0 : i32
        %dma_start3A_195 = arith.constant 0 : i32
        %dma_start3A_196 = tpu.memref_slice %arg18[%dma_start3A_194, %dma_start3A_195] : memref<10240x128xf32, #tpu.memory_space<vmem_shared>> -> memref<10240x128xf32, #tpu.memory_space<vmem_shared>>
        tpu.enqueue_indirect_dma source(%arg16 : memref<128x128xf32, #tpu.memory_space<vmem>>) target(%dma_start3A_196 : memref<10240x128xf32, #tpu.memory_space<vmem_shared>>) offsets(%arg14 : memref<128xi32, #tpu.memory_space<vmem>>) semaphore(%run_scoped3A : memref<!tpu.dma_semaphore, #tpu.memory_space<semaphore_mem>>) {add = true}
        %dma_wait3A_197 = arith.constant 0 : i32
        %dma_wait3A_198 = arith.constant 0 : i32
        %dma_wait3A_199 = tpu.memref_slice %arg18[%dma_wait3A_197, %dma_wait3A_198] : memref<10240x128xf32, #tpu.memory_space<vmem_shared>> -> memref<10240x128xf32, #tpu.memory_space<vmem_shared>>
        tpu.wait_indirect_dma semaphore(%run_scoped3A : memref<!tpu.dma_semaphore, #tpu.memory_space<semaphore_mem>>) src(%arg16 : memref<128x128xf32, #tpu.memory_space<vmem>>) dst(%dma_wait3A_199 : memref<10240x128xf32, #tpu.memory_space<vmem_shared>>)
        tpu.yield
      }) : () -> ()
    }
    %scan3A_87 = arith.constant 19 : i32
    %gt3A = arith.constant 77 : i32
    %gt3A_88 = arith.cmpi sgt, %select_n3A_12, %gt3A : i32
    %convert_element_type3A = arith.extui %gt3A_88 : i1 to i32
    %cond3A = arith.constant 0 : i32
    %cond3A_89 = arith.cmpi ne, %convert_element_type3A, %cond3A : i32
    scf.if %cond3A_89 {
      %add3A_117 = arith.constant 9856 : i32
      %add3A_118 = arith.addi %select_n3A, %add3A_117 : i32
      %multiple_of3A_119 = tpu.assume_multiple %add3A_118, 8 : i32
      %dma_wait3A_120 = tpu.memref_slice %arg3[%multiple_of3A_119] : memref<320000xi32, #tpu.memory_space<hbm>> -> memref<128xi32, #tpu.memory_space<hbm>>
      %dma_wait3A_121 = tpu.memref_slice %arg3[%multiple_of3A_119] : memref<320000xi32, #tpu.memory_space<hbm>> -> memref<128xi32, #tpu.memory_space<hbm>>
      tpu.wait_dma2 semaphore(%arg20 : memref<!tpu.dma_semaphore, #tpu.memory_space<semaphore_mem>>) src(%dma_wait3A_121 : memref<128xi32, #tpu.memory_space<hbm>>) dst(%arg8 : memref<128xi32, #tpu.memory_space<vmem>>)
      %dma_wait3A_122 = tpu.memref_slice %arg2[%multiple_of3A_119] : memref<320000xi32, #tpu.memory_space<hbm>> -> memref<128xi32, #tpu.memory_space<hbm>>
      %dma_wait3A_123 = tpu.memref_slice %arg2[%multiple_of3A_119] : memref<320000xi32, #tpu.memory_space<hbm>> -> memref<128xi32, #tpu.memory_space<hbm>>
      tpu.wait_dma2 semaphore(%arg20 : memref<!tpu.dma_semaphore, #tpu.memory_space<semaphore_mem>>) src(%dma_wait3A_123 : memref<128xi32, #tpu.memory_space<hbm>>) dst(%arg12 : memref<128xi32, #tpu.memory_space<vmem>>)
      %dma_start3A_124 = arith.constant 0 : i32
      %dma_start3A_125 = arith.constant 0 : i32
      %dma_start3A_126 = tpu.memref_slice %arg4[%dma_start3A_124, %dma_start3A_125] : memref<10000x128xf32, #tpu.memory_space<hbm>> -> memref<10000x128xf32, #tpu.memory_space<hbm>>
      tpu.enqueue_indirect_dma source(%dma_start3A_126 : memref<10000x128xf32, #tpu.memory_space<hbm>>) target(%arg16 : memref<128x128xf32, #tpu.memory_space<vmem>>) offsets(%arg8 : memref<128xi32, #tpu.memory_space<vmem>>) semaphore(%arg24 : memref<!tpu.dma_semaphore, #tpu.memory_space<semaphore_mem>>)
    } else {
    }
    %gt3A_90 = arith.constant 79 : i32
    %gt3A_91 = arith.cmpi sgt, %select_n3A_12, %gt3A_90 : i32
    %convert_element_type3A_92 = arith.extui %gt3A_91 : i1 to i32
    %cond3A_93 = arith.constant 0 : i32
    %cond3A_94 = arith.cmpi ne, %convert_element_type3A_92, %cond3A_93 : i32
    scf.if %cond3A_94 {
      %add3A_117 = arith.constant 10112 : i32
      %add3A_118 = arith.addi %select_n3A, %add3A_117 : i32
      %multiple_of3A_119 = tpu.assume_multiple %add3A_118, 8 : i32
      %dma_start3A_120 = tpu.memref_slice %arg3[%multiple_of3A_119] : memref<320000xi32, #tpu.memory_space<hbm>> -> memref<128xi32, #tpu.memory_space<hbm>>
      %dma_start3A_121 = tpu.memref_slice %arg3[%multiple_of3A_119] : memref<320000xi32, #tpu.memory_space<hbm>> -> memref<128xi32, #tpu.memory_space<hbm>>
      tpu.enqueue_dma source(%dma_start3A_121 : memref<128xi32, #tpu.memory_space<hbm>>) target(%arg10 : memref<128xi32, #tpu.memory_space<vmem>>) target_semaphore(%arg22 : memref<!tpu.dma_semaphore, #tpu.memory_space<semaphore_mem>>)
      %dma_start3A_122 = tpu.memref_slice %arg2[%multiple_of3A_119] : memref<320000xi32, #tpu.memory_space<hbm>> -> memref<128xi32, #tpu.memory_space<hbm>>
      %dma_start3A_123 = tpu.memref_slice %arg2[%multiple_of3A_119] : memref<320000xi32, #tpu.memory_space<hbm>> -> memref<128xi32, #tpu.memory_space<hbm>>
      tpu.enqueue_dma source(%dma_start3A_123 : memref<128xi32, #tpu.memory_space<hbm>>) target(%arg14 : memref<128xi32, #tpu.memory_space<vmem>>) target_semaphore(%arg22 : memref<!tpu.dma_semaphore, #tpu.memory_space<semaphore_mem>>)
    } else {
    }
    %dma_wait3A_95 = arith.constant 0 : i32
    %dma_wait3A_96 = arith.constant 0 : i32
    %dma_wait3A_97 = tpu.memref_slice %arg4[%dma_wait3A_95, %dma_wait3A_96] : memref<10000x128xf32, #tpu.memory_space<hbm>> -> memref<10000x128xf32, #tpu.memory_space<hbm>>
    tpu.wait_indirect_dma semaphore(%arg23 : memref<!tpu.dma_semaphore, #tpu.memory_space<semaphore_mem>>) src(%dma_wait3A_97 : memref<10000x128xf32, #tpu.memory_space<hbm>>) dst(%arg15 : memref<128x128xf32, #tpu.memory_space<vmem>>)
    "tpu.region"() ({
      %run_scoped3A = tpu.sem_alloc : memref<!tpu.dma_semaphore, #tpu.memory_space<semaphore_mem>>
      %dma_start3A_117 = arith.constant 0 : i32
      %dma_start3A_118 = arith.constant 0 : i32
      %dma_start3A_119 = tpu.memref_slice %arg18[%dma_start3A_117, %dma_start3A_118] : memref<10240x128xf32, #tpu.memory_space<vmem_shared>> -> memref<10240x128xf32, #tpu.memory_space<vmem_shared>>
      tpu.enqueue_indirect_dma source(%arg15 : memref<128x128xf32, #tpu.memory_space<vmem>>) target(%dma_start3A_119 : memref<10240x128xf32, #tpu.memory_space<vmem_shared>>) offsets(%arg11 : memref<128xi32, #tpu.memory_space<vmem>>) semaphore(%run_scoped3A : memref<!tpu.dma_semaphore, #tpu.memory_space<semaphore_mem>>) {add = true}
      %dma_wait3A_120 = arith.constant 0 : i32
      %dma_wait3A_121 = arith.constant 0 : i32
      %dma_wait3A_122 = tpu.memref_slice %arg18[%dma_wait3A_120, %dma_wait3A_121] : memref<10240x128xf32, #tpu.memory_space<vmem_shared>> -> memref<10240x128xf32, #tpu.memory_space<vmem_shared>>
      tpu.wait_indirect_dma semaphore(%run_scoped3A : memref<!tpu.dma_semaphore, #tpu.memory_space<semaphore_mem>>) src(%arg15 : memref<128x128xf32, #tpu.memory_space<vmem>>) dst(%dma_wait3A_122 : memref<10240x128xf32, #tpu.memory_space<vmem_shared>>)
      tpu.yield
    }) : () -> ()
    %gt3A_98 = arith.constant 78 : i32
    %gt3A_99 = arith.cmpi sgt, %select_n3A_12, %gt3A_98 : i32
    %convert_element_type3A_100 = arith.extui %gt3A_99 : i1 to i32
    %cond3A_101 = arith.constant 0 : i32
    %cond3A_102 = arith.cmpi ne, %convert_element_type3A_100, %cond3A_101 : i32
    scf.if %cond3A_102 {
      %add3A_117 = arith.constant 9984 : i32
      %add3A_118 = arith.addi %select_n3A, %add3A_117 : i32
      %multiple_of3A_119 = tpu.assume_multiple %add3A_118, 8 : i32
      %dma_wait3A_120 = tpu.memref_slice %arg3[%multiple_of3A_119] : memref<320000xi32, #tpu.memory_space<hbm>> -> memref<128xi32, #tpu.memory_space<hbm>>
      %dma_wait3A_121 = tpu.memref_slice %arg3[%multiple_of3A_119] : memref<320000xi32, #tpu.memory_space<hbm>> -> memref<128xi32, #tpu.memory_space<hbm>>
      tpu.wait_dma2 semaphore(%arg21 : memref<!tpu.dma_semaphore, #tpu.memory_space<semaphore_mem>>) src(%dma_wait3A_121 : memref<128xi32, #tpu.memory_space<hbm>>) dst(%arg9 : memref<128xi32, #tpu.memory_space<vmem>>)
      %dma_wait3A_122 = tpu.memref_slice %arg2[%multiple_of3A_119] : memref<320000xi32, #tpu.memory_space<hbm>> -> memref<128xi32, #tpu.memory_space<hbm>>
      %dma_wait3A_123 = tpu.memref_slice %arg2[%multiple_of3A_119] : memref<320000xi32, #tpu.memory_space<hbm>> -> memref<128xi32, #tpu.memory_space<hbm>>
      tpu.wait_dma2 semaphore(%arg21 : memref<!tpu.dma_semaphore, #tpu.memory_space<semaphore_mem>>) src(%dma_wait3A_123 : memref<128xi32, #tpu.memory_space<hbm>>) dst(%arg13 : memref<128xi32, #tpu.memory_space<vmem>>)
      %dma_start3A_124 = arith.constant 0 : i32
      %dma_start3A_125 = arith.constant 0 : i32
      %dma_start3A_126 = tpu.memref_slice %arg4[%dma_start3A_124, %dma_start3A_125] : memref<10000x128xf32, #tpu.memory_space<hbm>> -> memref<10000x128xf32, #tpu.memory_space<hbm>>
      tpu.enqueue_indirect_dma source(%dma_start3A_126 : memref<10000x128xf32, #tpu.memory_space<hbm>>) target(%arg15 : memref<128x128xf32, #tpu.memory_space<vmem>>) offsets(%arg9 : memref<128xi32, #tpu.memory_space<vmem>>) semaphore(%arg23 : memref<!tpu.dma_semaphore, #tpu.memory_space<semaphore_mem>>)
    } else {
    }
    %gt3A_103 = arith.constant 80 : i32
    %gt3A_104 = arith.cmpi sgt, %select_n3A_12, %gt3A_103 : i32
    %convert_element_type3A_105 = arith.extui %gt3A_104 : i1 to i32
    %cond3A_106 = arith.constant 0 : i32
    %cond3A_107 = arith.cmpi ne, %convert_element_type3A_105, %cond3A_106 : i32
    scf.if %cond3A_107 {
      %add3A_117 = arith.constant 10240 : i32
      %add3A_118 = arith.addi %select_n3A, %add3A_117 : i32
      %multiple_of3A_119 = tpu.assume_multiple %add3A_118, 8 : i32
      %dma_start3A_120 = tpu.memref_slice %arg3[%multiple_of3A_119] : memref<320000xi32, #tpu.memory_space<hbm>> -> memref<128xi32, #tpu.memory_space<hbm>>
      %dma_start3A_121 = tpu.memref_slice %arg3[%multiple_of3A_119] : memref<320000xi32, #tpu.memory_space<hbm>> -> memref<128xi32, #tpu.memory_space<hbm>>
      tpu.enqueue_dma source(%dma_start3A_121 : memref<128xi32, #tpu.memory_space<hbm>>) target(%arg7 : memref<128xi32, #tpu.memory_space<vmem>>) target_semaphore(%arg19 : memref<!tpu.dma_semaphore, #tpu.memory_space<semaphore_mem>>)
      %dma_start3A_122 = tpu.memref_slice %arg2[%multiple_of3A_119] : memref<320000xi32, #tpu.memory_space<hbm>> -> memref<128xi32, #tpu.memory_space<hbm>>
      %dma_start3A_123 = tpu.memref_slice %arg2[%multiple_of3A_119] : memref<320000xi32, #tpu.memory_space<hbm>> -> memref<128xi32, #tpu.memory_space<hbm>>
      tpu.enqueue_dma source(%dma_start3A_123 : memref<128xi32, #tpu.memory_space<hbm>>) target(%arg11 : memref<128xi32, #tpu.memory_space<vmem>>) target_semaphore(%arg19 : memref<!tpu.dma_semaphore, #tpu.memory_space<semaphore_mem>>)
    } else {
    }
    %dma_wait3A_108 = arith.constant 0 : i32
    %dma_wait3A_109 = arith.constant 0 : i32
    %dma_wait3A_110 = tpu.memref_slice %arg4[%dma_wait3A_108, %dma_wait3A_109] : memref<10000x128xf32, #tpu.memory_space<hbm>> -> memref<10000x128xf32, #tpu.memory_space<hbm>>
    tpu.wait_indirect_dma semaphore(%arg24 : memref<!tpu.dma_semaphore, #tpu.memory_space<semaphore_mem>>) src(%dma_wait3A_110 : memref<10000x128xf32, #tpu.memory_space<hbm>>) dst(%arg16 : memref<128x128xf32, #tpu.memory_space<vmem>>)
    "tpu.region"() ({
      %run_scoped3A = tpu.sem_alloc : memref<!tpu.dma_semaphore, #tpu.memory_space<semaphore_mem>>
      %dma_start3A_117 = arith.constant 0 : i32
      %dma_start3A_118 = arith.constant 0 : i32
      %dma_start3A_119 = tpu.memref_slice %arg18[%dma_start3A_117, %dma_start3A_118] : memref<10240x128xf32, #tpu.memory_space<vmem_shared>> -> memref<10240x128xf32, #tpu.memory_space<vmem_shared>>
      tpu.enqueue_indirect_dma source(%arg16 : memref<128x128xf32, #tpu.memory_space<vmem>>) target(%dma_start3A_119 : memref<10240x128xf32, #tpu.memory_space<vmem_shared>>) offsets(%arg12 : memref<128xi32, #tpu.memory_space<vmem>>) semaphore(%run_scoped3A : memref<!tpu.dma_semaphore, #tpu.memory_space<semaphore_mem>>) {add = true}
      %dma_wait3A_120 = arith.constant 0 : i32
      %dma_wait3A_121 = arith.constant 0 : i32
      %dma_wait3A_122 = tpu.memref_slice %arg18[%dma_wait3A_120, %dma_wait3A_121] : memref<10240x128xf32, #tpu.memory_space<vmem_shared>> -> memref<10240x128xf32, #tpu.memory_space<vmem_shared>>
      tpu.wait_indirect_dma semaphore(%run_scoped3A : memref<!tpu.dma_semaphore, #tpu.memory_space<semaphore_mem>>) src(%arg16 : memref<128x128xf32, #tpu.memory_space<vmem>>) dst(%dma_wait3A_122 : memref<10240x128xf32, #tpu.memory_space<vmem_shared>>)
      tpu.yield
    }) : () -> ()
    %lt3A_111 = arith.constant 4 : i32
    %lt3A_112 = arith.cmpi slt, %add3A, %lt3A_111 : i32
    %convert_element_type3A_113 = arith.extui %lt3A_112 : i1 to i32
    %cond3A_114 = arith.constant 0 : i32
    %cond3A_115 = arith.cmpi ne, %convert_element_type3A_113, %cond3A_114 : i32
    scf.if %cond3A_115 {
      %gt3A_117 = arith.constant 79 : i32
      %gt3A_118 = arith.cmpi sgt, %select_n3A_12, %gt3A_117 : i32
      %convert_element_type3A_119 = arith.extui %gt3A_118 : i1 to i32
      %cond3A_120 = arith.constant 0 : i32
      %cond3A_121 = arith.cmpi ne, %convert_element_type3A_119, %cond3A_120 : i32
      scf.if %cond3A_121 {
        %add3A_130 = arith.constant 10112 : i32
        %add3A_131 = arith.addi %select_n3A, %add3A_130 : i32
        %multiple_of3A_132 = tpu.assume_multiple %add3A_131, 8 : i32
        %dma_wait3A_133 = tpu.memref_slice %arg3[%multiple_of3A_132] : memref<320000xi32, #tpu.memory_space<hbm>> -> memref<128xi32, #tpu.memory_space<hbm>>
        %dma_wait3A_134 = tpu.memref_slice %arg3[%multiple_of3A_132] : memref<320000xi32, #tpu.memory_space<hbm>> -> memref<128xi32, #tpu.memory_space<hbm>>
        tpu.wait_dma2 semaphore(%arg22 : memref<!tpu.dma_semaphore, #tpu.memory_space<semaphore_mem>>) src(%dma_wait3A_134 : memref<128xi32, #tpu.memory_space<hbm>>) dst(%arg10 : memref<128xi32, #tpu.memory_space<vmem>>)
        %dma_wait3A_135 = tpu.memref_slice %arg2[%multiple_of3A_132] : memref<320000xi32, #tpu.memory_space<hbm>> -> memref<128xi32, #tpu.memory_space<hbm>>
        %dma_wait3A_136 = tpu.memref_slice %arg2[%multiple_of3A_132] : memref<320000xi32, #tpu.memory_space<hbm>> -> memref<128xi32, #tpu.memory_space<hbm>>
        tpu.wait_dma2 semaphore(%arg22 : memref<!tpu.dma_semaphore, #tpu.memory_space<semaphore_mem>>) src(%dma_wait3A_136 : memref<128xi32, #tpu.memory_space<hbm>>) dst(%arg14 : memref<128xi32, #tpu.memory_space<vmem>>)
        %dma_start3A_137 = arith.constant 0 : i32
        %dma_start3A_138 = arith.constant 0 : i32
        %dma_start3A_139 = tpu.memref_slice %arg4[%dma_start3A_137, %dma_start3A_138] : memref<10000x128xf32, #tpu.memory_space<hbm>> -> memref<10000x128xf32, #tpu.memory_space<hbm>>
        tpu.enqueue_indirect_dma source(%dma_start3A_139 : memref<10000x128xf32, #tpu.memory_space<hbm>>) target(%arg16 : memref<128x128xf32, #tpu.memory_space<vmem>>) offsets(%arg10 : memref<128xi32, #tpu.memory_space<vmem>>) semaphore(%arg24 : memref<!tpu.dma_semaphore, #tpu.memory_space<semaphore_mem>>)
      } else {
      }
      %gt3A_122 = arith.constant 81 : i32
      %gt3A_123 = arith.cmpi sgt, %select_n3A_12, %gt3A_122 : i32
      %convert_element_type3A_124 = arith.extui %gt3A_123 : i1 to i32
      %cond3A_125 = arith.constant 0 : i32
      %cond3A_126 = arith.cmpi ne, %convert_element_type3A_124, %cond3A_125 : i32
      scf.if %cond3A_126 {
        %add3A_130 = arith.constant 10368 : i32
        %add3A_131 = arith.addi %select_n3A, %add3A_130 : i32
        %multiple_of3A_132 = tpu.assume_multiple %add3A_131, 8 : i32
        %dma_start3A_133 = tpu.memref_slice %arg3[%multiple_of3A_132] : memref<320000xi32, #tpu.memory_space<hbm>> -> memref<128xi32, #tpu.memory_space<hbm>>
        %dma_start3A_134 = tpu.memref_slice %arg3[%multiple_of3A_132] : memref<320000xi32, #tpu.memory_space<hbm>> -> memref<128xi32, #tpu.memory_space<hbm>>
        tpu.enqueue_dma source(%dma_start3A_134 : memref<128xi32, #tpu.memory_space<hbm>>) target(%arg8 : memref<128xi32, #tpu.memory_space<vmem>>) target_semaphore(%arg20 : memref<!tpu.dma_semaphore, #tpu.memory_space<semaphore_mem>>)
        %dma_start3A_135 = tpu.memref_slice %arg2[%multiple_of3A_132] : memref<320000xi32, #tpu.memory_space<hbm>> -> memref<128xi32, #tpu.memory_space<hbm>>
        %dma_start3A_136 = tpu.memref_slice %arg2[%multiple_of3A_132] : memref<320000xi32, #tpu.memory_space<hbm>> -> memref<128xi32, #tpu.memory_space<hbm>>
        tpu.enqueue_dma source(%dma_start3A_136 : memref<128xi32, #tpu.memory_space<hbm>>) target(%arg12 : memref<128xi32, #tpu.memory_space<vmem>>) target_semaphore(%arg20 : memref<!tpu.dma_semaphore, #tpu.memory_space<semaphore_mem>>)
      } else {
      }
      %dma_wait3A_127 = arith.constant 0 : i32
      %dma_wait3A_128 = arith.constant 0 : i32
      %dma_wait3A_129 = tpu.memref_slice %arg4[%dma_wait3A_127, %dma_wait3A_128] : memref<10000x128xf32, #tpu.memory_space<hbm>> -> memref<10000x128xf32, #tpu.memory_space<hbm>>
      tpu.wait_indirect_dma semaphore(%arg23 : memref<!tpu.dma_semaphore, #tpu.memory_space<semaphore_mem>>) src(%dma_wait3A_129 : memref<10000x128xf32, #tpu.memory_space<hbm>>) dst(%arg15 : memref<128x128xf32, #tpu.memory_space<vmem>>)
      "tpu.region"() ({
        %run_scoped3A = tpu.sem_alloc : memref<!tpu.dma_semaphore, #tpu.memory_space<semaphore_mem>>
        %dma_start3A_130 = arith.constant 0 : i32
        %dma_start3A_131 = arith.constant 0 : i32
        %dma_start3A_132 = tpu.memref_slice %arg18[%dma_start3A_130, %dma_start3A_131] : memref<10240x128xf32, #tpu.memory_space<vmem_shared>> -> memref<10240x128xf32, #tpu.memory_space<vmem_shared>>
        tpu.enqueue_indirect_dma source(%arg15 : memref<128x128xf32, #tpu.memory_space<vmem>>) target(%dma_start3A_132 : memref<10240x128xf32, #tpu.memory_space<vmem_shared>>) offsets(%arg13 : memref<128xi32, #tpu.memory_space<vmem>>) semaphore(%run_scoped3A : memref<!tpu.dma_semaphore, #tpu.memory_space<semaphore_mem>>) {add = true}
        %dma_wait3A_133 = arith.constant 0 : i32
        %dma_wait3A_134 = arith.constant 0 : i32
        %dma_wait3A_135 = tpu.memref_slice %arg18[%dma_wait3A_133, %dma_wait3A_134] : memref<10240x128xf32, #tpu.memory_space<vmem_shared>> -> memref<10240x128xf32, #tpu.memory_space<vmem_shared>>
        tpu.wait_indirect_dma semaphore(%run_scoped3A : memref<!tpu.dma_semaphore, #tpu.memory_space<semaphore_mem>>) src(%arg15 : memref<128x128xf32, #tpu.memory_space<vmem>>) dst(%dma_wait3A_135 : memref<10240x128xf32, #tpu.memory_space<vmem_shared>>)
        tpu.yield
      }) : () -> ()
    } else {
    }
    %barrier3A_116 = arith.constant 0 : index
    tpu.barrier barrier_id(%barrier3A_116)
    "tpu.region"() ({
      %run_scoped3A = tpu.sem_alloc : memref<!tpu.dma_semaphore, #tpu.memory_space<semaphore_mem>>
      %dma_start3A_117 = arith.constant 0 : i32
      %dma_start3A_118 = tpu.memref_slice %arg6[%arg0, %mul3A_42, %dma_start3A_117] : memref<2x10240x128xf32, #tpu.memory_space<hbm>> -> memref<1x640x128xf32, #tpu.memory_space<hbm>>
      %dma_start3A_119 = tpu.memref_squeeze %dma_start3A_118 : memref<1x640x128xf32, #tpu.memory_space<hbm>> -> memref<640x128xf32, #tpu.memory_space<hbm>>
      %dma_start3A_120 = arith.constant 0 : i32
      %dma_start3A_121 = tpu.memref_slice %arg18[%mul3A_42, %dma_start3A_120] : memref<10240x128xf32, #tpu.memory_space<vmem_shared>> -> memref<640x128xf32, #tpu.memory_space<vmem_shared>>
      tpu.enqueue_dma source(%dma_start3A_121 : memref<640x128xf32, #tpu.memory_space<vmem_shared>>) target(%dma_start3A_119 : memref<640x128xf32, #tpu.memory_space<hbm>>) target_semaphore(%run_scoped3A : memref<!tpu.dma_semaphore, #tpu.memory_space<semaphore_mem>>)
      %dma_wait3A_122 = arith.constant 0 : i32
      %dma_wait3A_123 = tpu.memref_slice %arg6[%arg0, %mul3A_42, %dma_wait3A_122] : memref<2x10240x128xf32, #tpu.memory_space<hbm>> -> memref<1x640x128xf32, #tpu.memory_space<hbm>>
      %dma_wait3A_124 = tpu.memref_squeeze %dma_wait3A_123 : memref<1x640x128xf32, #tpu.memory_space<hbm>> -> memref<640x128xf32, #tpu.memory_space<hbm>>
      %dma_wait3A_125 = arith.constant 0 : i32
      %dma_wait3A_126 = tpu.memref_slice %arg18[%mul3A_42, %dma_wait3A_125] : memref<10240x128xf32, #tpu.memory_space<vmem_shared>> -> memref<640x128xf32, #tpu.memory_space<vmem_shared>>
      tpu.wait_dma2 semaphore(%run_scoped3A : memref<!tpu.dma_semaphore, #tpu.memory_space<semaphore_mem>>) src(%dma_wait3A_126 : memref<640x128xf32, #tpu.memory_space<vmem_shared>>) dst(%dma_wait3A_124 : memref<640x128xf32, #tpu.memory_space<hbm>>)
      tpu.yield
    }) : () -> ()
    return
  }
}

#map = affine_map<(d0, d1) -> (0)>
#map1 = affine_map<(d0, d1) -> (0, 0)>
#map2 = affine_map<(d0, d1) -> (0, 0, 0)>
module attributes {stable_mosaic.version = 14 : i64} {
  func.func @gs_kernel(%arg0: i32, %arg1: i32, %arg2: memref<320000xi32, #tpu.memory_space<hbm>>, %arg3: memref<320000xi32, #tpu.memory_space<hbm>>, %arg4: memref<10000x128xf32, #tpu.memory_space<hbm>>, %arg5: memref<32x128xf32, #tpu.memory_space<hbm>>, %arg6: memref<2x10240x128xf32, #tpu.memory_space<hbm>>, %arg7: memref<128xi32, #tpu.memory_space<vmem>>, %arg8: memref<128xi32, #tpu.memory_space<vmem>>, %arg9: memref<128xi32, #tpu.memory_space<vmem>>, %arg10: memref<128xi32, #tpu.memory_space<vmem>>, %arg11: memref<128xi32, #tpu.memory_space<vmem>>, %arg12: memref<128xi32, #tpu.memory_space<vmem>>, %arg13: memref<128xi32, #tpu.memory_space<vmem>>, %arg14: memref<128xi32, #tpu.memory_space<vmem>>, %arg15: memref<128x128xf32, #tpu.memory_space<vmem>>, %arg16: memref<128x128xf32, #tpu.memory_space<vmem>>, %arg17: memref<32x128xf32, #tpu.memory_space<vmem>>, %arg18: memref<10240x128xf32, #tpu.memory_space<vmem_shared>>, %arg19: memref<!tpu.dma_semaphore, #tpu.memory_space<semaphore_mem>>, %arg20: memref<!tpu.dma_semaphore, #tpu.memory_space<semaphore_mem>>, %arg21: memref<!tpu.dma_semaphore, #tpu.memory_space<semaphore_mem>>, %arg22: memref<!tpu.dma_semaphore, #tpu.memory_space<semaphore_mem>>, %arg23: memref<!tpu.dma_semaphore, #tpu.memory_space<semaphore_mem>>, %arg24: memref<!tpu.dma_semaphore, #tpu.memory_space<semaphore_mem>>) attributes {dimension_semantics = [#tpu.dimension_semantics<core_parallel>, #tpu.dimension_semantics<subcore_parallel>], iteration_bounds = array<i64: 2, 16>, scalar_prefetch = 0 : i64, scratch_operands = 18 : i64, tpu.core_type = #tpu.core_type<sc_vector_subcore>, window_params = [{transform_indices = #map}, {transform_indices = #map}, {transform_indices = #map1}, {transform_indices = #map1}, {transform_indices = #map2}]} {
    %mul3A = arith.constant 16 : i32
    %mul3A_0 = arith.muli %arg0, %mul3A : i32
    %add3A = arith.addi %mul3A_0, %arg1 : i32
    %lt3A = arith.constant 4 : i32
    %lt3A_1 = arith.cmpi slt, %add3A, %lt3A : i32
    %mul3A_2 = arith.constant 10112 : i32
    %mul3A_3 = arith.muli %add3A, %mul3A_2 : i32
    %sub3A = arith.constant 4 : i32
    %sub3A_4 = arith.subi %add3A, %sub3A : i32
    %mul3A_5 = arith.constant 9984 : i32
    %mul3A_6 = arith.muli %sub3A_4, %mul3A_5 : i32
    %add3A_7 = arith.constant 40448 : i32
    %add3A_8 = arith.addi %add3A_7, %mul3A_6 : i32
    %select_n3A = arith.select %lt3A_1, %mul3A_3, %add3A_8 : i32
    %lt3A_9 = arith.constant 4 : i32
    %lt3A_10 = arith.cmpi slt, %add3A, %lt3A_9 : i32
    %jit3A = arith.constant 79 : i32
    %jit3A_11 = arith.constant 78 : i32
    %select_n3A_12 = arith.select %lt3A_10, %jit3A, %jit3A_11 : i32
    %add3A_13 = arith.constant 0 : i32
    %add3A_14 = arith.addi %select_n3A, %add3A_13 : i32
    %multiple_of3A = tpu.assume_multiple %add3A_14, 8 : i32
    %dma_start3A = tpu.memref_slice %arg3[%multiple_of3A] : memref<320000xi32, #tpu.memory_space<hbm>> -> memref<128xi32, #tpu.memory_space<hbm>>
    %dma_start3A_15 = tpu.memref_slice %arg3[%multiple_of3A] : memref<320000xi32, #tpu.memory_space<hbm>> -> memref<128xi32, #tpu.memory_space<hbm>>
    tpu.enqueue_dma source(%dma_start3A_15 : memref<128xi32, #tpu.memory_space<hbm>>) target(%arg7 : memref<128xi32, #tpu.memory_space<vmem>>) target_semaphore(%arg19 : memref<!tpu.dma_semaphore, #tpu.memory_space<semaphore_mem>>)
    %dma_start3A_16 = tpu.memref_slice %arg2[%multiple_of3A] : memref<320000xi32, #tpu.memory_space<hbm>> -> memref<128xi32, #tpu.memory_space<hbm>>
    %dma_start3A_17 = tpu.memref_slice %arg2[%multiple_of3A] : memref<320000xi32, #tpu.memory_space<hbm>> -> memref<128xi32, #tpu.memory_space<hbm>>
    tpu.enqueue_dma source(%dma_start3A_17 : memref<128xi32, #tpu.memory_space<hbm>>) target(%arg11 : memref<128xi32, #tpu.memory_space<vmem>>) target_semaphore(%arg19 : memref<!tpu.dma_semaphore, #tpu.memory_space<semaphore_mem>>)
    "tpu.region"() ({
      %run_scoped3A = tpu.sem_alloc : memref<!tpu.dma_semaphore, #tpu.memory_space<semaphore_mem>>
      tpu.enqueue_dma source(%arg5 : memref<32x128xf32, #tpu.memory_space<hbm>>) target(%arg17 : memref<32x128xf32, #tpu.memory_space<vmem>>) target_semaphore(%run_scoped3A : memref<!tpu.dma_semaphore, #tpu.memory_space<semaphore_mem>>)
      tpu.wait_dma2 semaphore(%run_scoped3A : memref<!tpu.dma_semaphore, #tpu.memory_space<semaphore_mem>>) src(%arg5 : memref<32x128xf32, #tpu.memory_space<hbm>>) dst(%arg17 : memref<32x128xf32, #tpu.memory_space<vmem>>)
      tpu.yield
    }) : () -> ()
    %add3A_18 = arith.constant 0 : i32
    %add3A_19 = arith.addi %select_n3A, %add3A_18 : i32
    %multiple_of3A_20 = tpu.assume_multiple %add3A_19, 8 : i32
    %dma_wait3A = tpu.memref_slice %arg3[%multiple_of3A_20] : memref<320000xi32, #tpu.memory_space<hbm>> -> memref<128xi32, #tpu.memory_space<hbm>>
    %dma_wait3A_21 = tpu.memref_slice %arg3[%multiple_of3A_20] : memref<320000xi32, #tpu.memory_space<hbm>> -> memref<128xi32, #tpu.memory_space<hbm>>
    tpu.wait_dma2 semaphore(%arg19 : memref<!tpu.dma_semaphore, #tpu.memory_space<semaphore_mem>>) src(%dma_wait3A_21 : memref<128xi32, #tpu.memory_space<hbm>>) dst(%arg7 : memref<128xi32, #tpu.memory_space<vmem>>)
    %dma_wait3A_22 = tpu.memref_slice %arg2[%multiple_of3A_20] : memref<320000xi32, #tpu.memory_space<hbm>> -> memref<128xi32, #tpu.memory_space<hbm>>
    %dma_wait3A_23 = tpu.memref_slice %arg2[%multiple_of3A_20] : memref<320000xi32, #tpu.memory_space<hbm>> -> memref<128xi32, #tpu.memory_space<hbm>>
    tpu.wait_dma2 semaphore(%arg19 : memref<!tpu.dma_semaphore, #tpu.memory_space<semaphore_mem>>) src(%dma_wait3A_23 : memref<128xi32, #tpu.memory_space<hbm>>) dst(%arg11 : memref<128xi32, #tpu.memory_space<vmem>>)
    %dma_start3A_24 = arith.constant 0 : i32
    %dma_start3A_25 = arith.constant 0 : i32
    %dma_start3A_26 = tpu.memref_slice %arg4[%dma_start3A_24, %dma_start3A_25] : memref<10000x128xf32, #tpu.memory_space<hbm>> -> memref<10000x128xf32, #tpu.memory_space<hbm>>
    tpu.enqueue_indirect_dma source(%dma_start3A_26 : memref<10000x128xf32, #tpu.memory_space<hbm>>) target(%arg15 : memref<128x128xf32, #tpu.memory_space<vmem>>) offsets(%arg7 : memref<128xi32, #tpu.memory_space<vmem>>) semaphore(%arg23 : memref<!tpu.dma_semaphore, #tpu.memory_space<semaphore_mem>>)
    %add3A_27 = arith.constant 128 : i32
    %add3A_28 = arith.addi %select_n3A, %add3A_27 : i32
    %multiple_of3A_29 = tpu.assume_multiple %add3A_28, 8 : i32
    %dma_start3A_30 = tpu.memref_slice %arg3[%multiple_of3A_29] : memref<320000xi32, #tpu.memory_space<hbm>> -> memref<128xi32, #tpu.memory_space<hbm>>
    %dma_start3A_31 = tpu.memref_slice %arg3[%multiple_of3A_29] : memref<320000xi32, #tpu.memory_space<hbm>> -> memref<128xi32, #tpu.memory_space<hbm>>
    tpu.enqueue_dma source(%dma_start3A_31 : memref<128xi32, #tpu.memory_space<hbm>>) target(%arg8 : memref<128xi32, #tpu.memory_space<vmem>>) target_semaphore(%arg20 : memref<!tpu.dma_semaphore, #tpu.memory_space<semaphore_mem>>)
    %dma_start3A_32 = tpu.memref_slice %arg2[%multiple_of3A_29] : memref<320000xi32, #tpu.memory_space<hbm>> -> memref<128xi32, #tpu.memory_space<hbm>>
    %dma_start3A_33 = tpu.memref_slice %arg2[%multiple_of3A_29] : memref<320000xi32, #tpu.memory_space<hbm>> -> memref<128xi32, #tpu.memory_space<hbm>>
    tpu.enqueue_dma source(%dma_start3A_33 : memref<128xi32, #tpu.memory_space<hbm>>) target(%arg12 : memref<128xi32, #tpu.memory_space<vmem>>) target_semaphore(%arg20 : memref<!tpu.dma_semaphore, #tpu.memory_space<semaphore_mem>>)
    %add3A_34 = arith.constant 256 : i32
    %add3A_35 = arith.addi %select_n3A, %add3A_34 : i32
    %multiple_of3A_36 = tpu.assume_multiple %add3A_35, 8 : i32
    %dma_start3A_37 = tpu.memref_slice %arg3[%multiple_of3A_36] : memref<320000xi32, #tpu.memory_space<hbm>> -> memref<128xi32, #tpu.memory_space<hbm>>
    %dma_start3A_38 = tpu.memref_slice %arg3[%multiple_of3A_36] : memref<320000xi32, #tpu.memory_space<hbm>> -> memref<128xi32, #tpu.memory_space<hbm>>
    tpu.enqueue_dma source(%dma_start3A_38 : memref<128xi32, #tpu.memory_space<hbm>>) target(%arg9 : memref<128xi32, #tpu.memory_space<vmem>>) target_semaphore(%arg21 : memref<!tpu.dma_semaphore, #tpu.memory_space<semaphore_mem>>)
    %dma_start3A_39 = tpu.memref_slice %arg2[%multiple_of3A_36] : memref<320000xi32, #tpu.memory_space<hbm>> -> memref<128xi32, #tpu.memory_space<hbm>>
    %dma_start3A_40 = tpu.memref_slice %arg2[%multiple_of3A_36] : memref<320000xi32, #tpu.memory_space<hbm>> -> memref<128xi32, #tpu.memory_space<hbm>>
    tpu.enqueue_dma source(%dma_start3A_40 : memref<128xi32, #tpu.memory_space<hbm>>) target(%arg13 : memref<128xi32, #tpu.memory_space<vmem>>) target_semaphore(%arg21 : memref<!tpu.dma_semaphore, #tpu.memory_space<semaphore_mem>>)
    %mul3A_41 = arith.constant 640 : i32
    %mul3A_42 = arith.muli %arg1, %mul3A_41 : i32
    %add3A_43 = arith.constant 0 : i32
    %add3A_44 = arith.addi %mul3A_42, %add3A_43 : i32
    "tpu.region"() ({
      %run_scoped3A = tpu.sem_alloc : memref<!tpu.dma_semaphore, #tpu.memory_space<semaphore_mem>>
      %dma_start3A_117 = arith.constant 0 : i32
      %dma_start3A_118 = tpu.memref_slice %arg18[%add3A_44, %dma_start3A_117] : memref<10240x128xf32, #tpu.memory_space<vmem_shared>> -> memref<32x128xf32, #tpu.memory_space<vmem_shared>>
      %dma_start3A_119 = arith.constant 0 : i32
      %dma_start3A_120 = tpu.memref_slice %arg18[%add3A_44, %dma_start3A_119] : memref<10240x128xf32, #tpu.memory_space<vmem_shared>> -> memref<32x128xf32, #tpu.memory_space<vmem_shared>>
      tpu.enqueue_dma source(%arg17 : memref<32x128xf32, #tpu.memory_space<vmem>>) target(%dma_start3A_120 : memref<32x128xf32, #tpu.memory_space<vmem_shared>>) target_semaphore(%run_scoped3A : memref<!tpu.dma_semaphore, #tpu.memory_space<semaphore_mem>>)
      %dma_wait3A_121 = arith.constant 0 : i32
      %dma_wait3A_122 = tpu.memref_slice %arg18[%add3A_44, %dma_wait3A_121] : memref<10240x128xf32, #tpu.memory_space<vmem_shared>> -> memref<32x128xf32, #tpu.memory_space<vmem_shared>>
      %dma_wait3A_123 = arith.constant 0 : i32
      %dma_wait3A_124 = tpu.memref_slice %arg18[%add3A_44, %dma_wait3A_123] : memref<10240x128xf32, #tpu.memory_space<vmem_shared>> -> memref<32x128xf32, #tpu.memory_space<vmem_shared>>
      tpu.wait_dma2 semaphore(%run_scoped3A : memref<!tpu.dma_semaphore, #tpu.memory_space<semaphore_mem>>) src(%arg17 : memref<32x128xf32, #tpu.memory_space<vmem>>) dst(%dma_wait3A_124 : memref<32x128xf32, #tpu.memory_space<vmem_shared>>)
      tpu.yield
    }) : () -> ()
    %add3A_45 = arith.constant 32 : i32
    %add3A_46 = arith.addi %mul3A_42, %add3A_45 : i32
    "tpu.region"() ({
      %run_scoped3A = tpu.sem_alloc : memref<!tpu.dma_semaphore, #tpu.memory_space<semaphore_mem>>
      %dma_start3A_117 = arith.constant 0 : i32
      %dma_start3A_118 = tpu.memref_slice %arg18[%add3A_46, %dma_start3A_117] : memref<10240x128xf32, #tpu.memory_space<vmem_shared>> -> memref<32x128xf32, #tpu.memory_space<vmem_shared>>
      %dma_start3A_119 = arith.constant 0 : i32
      %dma_start3A_120 = tpu.memref_slice %arg18[%add3A_46, %dma_start3A_119] : memref<10240x128xf32, #tpu.memory_space<vmem_shared>> -> memref<32x128xf32, #tpu.memory_space<vmem_shared>>
      tpu.enqueue_dma source(%arg17 : memref<32x128xf32, #tpu.memory_space<vmem>>) target(%dma_start3A_120 : memref<32x128xf32, #tpu.memory_space<vmem_shared>>) target_semaphore(%run_scoped3A : memref<!tpu.dma_semaphore, #tpu.memory_space<semaphore_mem>>)
      %dma_wait3A_121 = arith.constant 0 : i32
      %dma_wait3A_122 = tpu.memref_slice %arg18[%add3A_46, %dma_wait3A_121] : memref<10240x128xf32, #tpu.memory_space<vmem_shared>> -> memref<32x128xf32, #tpu.memory_space<vmem_shared>>
      %dma_wait3A_123 = arith.constant 0 : i32
      %dma_wait3A_124 = tpu.memref_slice %arg18[%add3A_46, %dma_wait3A_123] : memref<10240x128xf32, #tpu.memory_space<vmem_shared>> -> memref<32x128xf32, #tpu.memory_space<vmem_shared>>
      tpu.wait_dma2 semaphore(%run_scoped3A : memref<!tpu.dma_semaphore, #tpu.memory_space<semaphore_mem>>) src(%arg17 : memref<32x128xf32, #tpu.memory_space<vmem>>) dst(%dma_wait3A_124 : memref<32x128xf32, #tpu.memory_space<vmem_shared>>)
      tpu.yield
    }) : () -> ()
    %add3A_47 = arith.constant 64 : i32
    %add3A_48 = arith.addi %mul3A_42, %add3A_47 : i32
    "tpu.region"() ({
      %run_scoped3A = tpu.sem_alloc : memref<!tpu.dma_semaphore, #tpu.memory_space<semaphore_mem>>
      %dma_start3A_117 = arith.constant 0 : i32
      %dma_start3A_118 = tpu.memref_slice %arg18[%add3A_48, %dma_start3A_117] : memref<10240x128xf32, #tpu.memory_space<vmem_shared>> -> memref<32x128xf32, #tpu.memory_space<vmem_shared>>
      %dma_start3A_119 = arith.constant 0 : i32
      %dma_start3A_120 = tpu.memref_slice %arg18[%add3A_48, %dma_start3A_119] : memref<10240x128xf32, #tpu.memory_space<vmem_shared>> -> memref<32x128xf32, #tpu.memory_space<vmem_shared>>
      tpu.enqueue_dma source(%arg17 : memref<32x128xf32, #tpu.memory_space<vmem>>) target(%dma_start3A_120 : memref<32x128xf32, #tpu.memory_space<vmem_shared>>) target_semaphore(%run_scoped3A : memref<!tpu.dma_semaphore, #tpu.memory_space<semaphore_mem>>)
      %dma_wait3A_121 = arith.constant 0 : i32
      %dma_wait3A_122 = tpu.memref_slice %arg18[%add3A_48, %dma_wait3A_121] : memref<10240x128xf32, #tpu.memory_space<vmem_shared>> -> memref<32x128xf32, #tpu.memory_space<vmem_shared>>
      %dma_wait3A_123 = arith.constant 0 : i32
      %dma_wait3A_124 = tpu.memref_slice %arg18[%add3A_48, %dma_wait3A_123] : memref<10240x128xf32, #tpu.memory_space<vmem_shared>> -> memref<32x128xf32, #tpu.memory_space<vmem_shared>>
      tpu.wait_dma2 semaphore(%run_scoped3A : memref<!tpu.dma_semaphore, #tpu.memory_space<semaphore_mem>>) src(%arg17 : memref<32x128xf32, #tpu.memory_space<vmem>>) dst(%dma_wait3A_124 : memref<32x128xf32, #tpu.memory_space<vmem_shared>>)
      tpu.yield
    }) : () -> ()
    %add3A_49 = arith.constant 96 : i32
    %add3A_50 = arith.addi %mul3A_42, %add3A_49 : i32
    "tpu.region"() ({
      %run_scoped3A = tpu.sem_alloc : memref<!tpu.dma_semaphore, #tpu.memory_space<semaphore_mem>>
      %dma_start3A_117 = arith.constant 0 : i32
      %dma_start3A_118 = tpu.memref_slice %arg18[%add3A_50, %dma_start3A_117] : memref<10240x128xf32, #tpu.memory_space<vmem_shared>> -> memref<32x128xf32, #tpu.memory_space<vmem_shared>>
      %dma_start3A_119 = arith.constant 0 : i32
      %dma_start3A_120 = tpu.memref_slice %arg18[%add3A_50, %dma_start3A_119] : memref<10240x128xf32, #tpu.memory_space<vmem_shared>> -> memref<32x128xf32, #tpu.memory_space<vmem_shared>>
      tpu.enqueue_dma source(%arg17 : memref<32x128xf32, #tpu.memory_space<vmem>>) target(%dma_start3A_120 : memref<32x128xf32, #tpu.memory_space<vmem_shared>>) target_semaphore(%run_scoped3A : memref<!tpu.dma_semaphore, #tpu.memory_space<semaphore_mem>>)
      %dma_wait3A_121 = arith.constant 0 : i32
      %dma_wait3A_122 = tpu.memref_slice %arg18[%add3A_50, %dma_wait3A_121] : memref<10240x128xf32, #tpu.memory_space<vmem_shared>> -> memref<32x128xf32, #tpu.memory_space<vmem_shared>>
      %dma_wait3A_123 = arith.constant 0 : i32
      %dma_wait3A_124 = tpu.memref_slice %arg18[%add3A_50, %dma_wait3A_123] : memref<10240x128xf32, #tpu.memory_space<vmem_shared>> -> memref<32x128xf32, #tpu.memory_space<vmem_shared>>
      tpu.wait_dma2 semaphore(%run_scoped3A : memref<!tpu.dma_semaphore, #tpu.memory_space<semaphore_mem>>) src(%arg17 : memref<32x128xf32, #tpu.memory_space<vmem>>) dst(%dma_wait3A_124 : memref<32x128xf32, #tpu.memory_space<vmem_shared>>)
      tpu.yield
    }) : () -> ()
    %add3A_51 = arith.constant 128 : i32
    %add3A_52 = arith.addi %mul3A_42, %add3A_51 : i32
    "tpu.region"() ({
      %run_scoped3A = tpu.sem_alloc : memref<!tpu.dma_semaphore, #tpu.memory_space<semaphore_mem>>
      %dma_start3A_117 = arith.constant 0 : i32
      %dma_start3A_118 = tpu.memref_slice %arg18[%add3A_52, %dma_start3A_117] : memref<10240x128xf32, #tpu.memory_space<vmem_shared>> -> memref<32x128xf32, #tpu.memory_space<vmem_shared>>
      %dma_start3A_119 = arith.constant 0 : i32
      %dma_start3A_120 = tpu.memref_slice %arg18[%add3A_52, %dma_start3A_119] : memref<10240x128xf32, #tpu.memory_space<vmem_shared>> -> memref<32x128xf32, #tpu.memory_space<vmem_shared>>
      tpu.enqueue_dma source(%arg17 : memref<32x128xf32, #tpu.memory_space<vmem>>) target(%dma_start3A_120 : memref<32x128xf32, #tpu.memory_space<vmem_shared>>) target_semaphore(%run_scoped3A : memref<!tpu.dma_semaphore, #tpu.memory_space<semaphore_mem>>)
      %dma_wait3A_121 = arith.constant 0 : i32
      %dma_wait3A_122 = tpu.memref_slice %arg18[%add3A_52, %dma_wait3A_121] : memref<10240x128xf32, #tpu.memory_space<vmem_shared>> -> memref<32x128xf32, #tpu.memory_space<vmem_shared>>
      %dma_wait3A_123 = arith.constant 0 : i32
      %dma_wait3A_124 = tpu.memref_slice %arg18[%add3A_52, %dma_wait3A_123] : memref<10240x128xf32, #tpu.memory_space<vmem_shared>> -> memref<32x128xf32, #tpu.memory_space<vmem_shared>>
      tpu.wait_dma2 semaphore(%run_scoped3A : memref<!tpu.dma_semaphore, #tpu.memory_space<semaphore_mem>>) src(%arg17 : memref<32x128xf32, #tpu.memory_space<vmem>>) dst(%dma_wait3A_124 : memref<32x128xf32, #tpu.memory_space<vmem_shared>>)
      tpu.yield
    }) : () -> ()
    %add3A_53 = arith.constant 160 : i32
    %add3A_54 = arith.addi %mul3A_42, %add3A_53 : i32
    "tpu.region"() ({
      %run_scoped3A = tpu.sem_alloc : memref<!tpu.dma_semaphore, #tpu.memory_space<semaphore_mem>>
      %dma_start3A_117 = arith.constant 0 : i32
      %dma_start3A_118 = tpu.memref_slice %arg18[%add3A_54, %dma_start3A_117] : memref<10240x128xf32, #tpu.memory_space<vmem_shared>> -> memref<32x128xf32, #tpu.memory_space<vmem_shared>>
      %dma_start3A_119 = arith.constant 0 : i32
      %dma_start3A_120 = tpu.memref_slice %arg18[%add3A_54, %dma_start3A_119] : memref<10240x128xf32, #tpu.memory_space<vmem_shared>> -> memref<32x128xf32, #tpu.memory_space<vmem_shared>>
      tpu.enqueue_dma source(%arg17 : memref<32x128xf32, #tpu.memory_space<vmem>>) target(%dma_start3A_120 : memref<32x128xf32, #tpu.memory_space<vmem_shared>>) target_semaphore(%run_scoped3A : memref<!tpu.dma_semaphore, #tpu.memory_space<semaphore_mem>>)
      %dma_wait3A_121 = arith.constant 0 : i32
      %dma_wait3A_122 = tpu.memref_slice %arg18[%add3A_54, %dma_wait3A_121] : memref<10240x128xf32, #tpu.memory_space<vmem_shared>> -> memref<32x128xf32, #tpu.memory_space<vmem_shared>>
      %dma_wait3A_123 = arith.constant 0 : i32
      %dma_wait3A_124 = tpu.memref_slice %arg18[%add3A_54, %dma_wait3A_123] : memref<10240x128xf32, #tpu.memory_space<vmem_shared>> -> memref<32x128xf32, #tpu.memory_space<vmem_shared>>
      tpu.wait_dma2 semaphore(%run_scoped3A : memref<!tpu.dma_semaphore, #tpu.memory_space<semaphore_mem>>) src(%arg17 : memref<32x128xf32, #tpu.memory_space<vmem>>) dst(%dma_wait3A_124 : memref<32x128xf32, #tpu.memory_space<vmem_shared>>)
      tpu.yield
    }) : () -> ()
    %add3A_55 = arith.constant 192 : i32
    %add3A_56 = arith.addi %mul3A_42, %add3A_55 : i32
    "tpu.region"() ({
      %run_scoped3A = tpu.sem_alloc : memref<!tpu.dma_semaphore, #tpu.memory_space<semaphore_mem>>
      %dma_start3A_117 = arith.constant 0 : i32
      %dma_start3A_118 = tpu.memref_slice %arg18[%add3A_56, %dma_start3A_117] : memref<10240x128xf32, #tpu.memory_space<vmem_shared>> -> memref<32x128xf32, #tpu.memory_space<vmem_shared>>
      %dma_start3A_119 = arith.constant 0 : i32
      %dma_start3A_120 = tpu.memref_slice %arg18[%add3A_56, %dma_start3A_119] : memref<10240x128xf32, #tpu.memory_space<vmem_shared>> -> memref<32x128xf32, #tpu.memory_space<vmem_shared>>
      tpu.enqueue_dma source(%arg17 : memref<32x128xf32, #tpu.memory_space<vmem>>) target(%dma_start3A_120 : memref<32x128xf32, #tpu.memory_space<vmem_shared>>) target_semaphore(%run_scoped3A : memref<!tpu.dma_semaphore, #tpu.memory_space<semaphore_mem>>)
      %dma_wait3A_121 = arith.constant 0 : i32
      %dma_wait3A_122 = tpu.memref_slice %arg18[%add3A_56, %dma_wait3A_121] : memref<10240x128xf32, #tpu.memory_space<vmem_shared>> -> memref<32x128xf32, #tpu.memory_space<vmem_shared>>
      %dma_wait3A_123 = arith.constant 0 : i32
      %dma_wait3A_124 = tpu.memref_slice %arg18[%add3A_56, %dma_wait3A_123] : memref<10240x128xf32, #tpu.memory_space<vmem_shared>> -> memref<32x128xf32, #tpu.memory_space<vmem_shared>>
      tpu.wait_dma2 semaphore(%run_scoped3A : memref<!tpu.dma_semaphore, #tpu.memory_space<semaphore_mem>>) src(%arg17 : memref<32x128xf32, #tpu.memory_space<vmem>>) dst(%dma_wait3A_124 : memref<32x128xf32, #tpu.memory_space<vmem_shared>>)
      tpu.yield
    }) : () -> ()
    %add3A_57 = arith.constant 224 : i32
    %add3A_58 = arith.addi %mul3A_42, %add3A_57 : i32
    "tpu.region"() ({
      %run_scoped3A = tpu.sem_alloc : memref<!tpu.dma_semaphore, #tpu.memory_space<semaphore_mem>>
      %dma_start3A_117 = arith.constant 0 : i32
      %dma_start3A_118 = tpu.memref_slice %arg18[%add3A_58, %dma_start3A_117] : memref<10240x128xf32, #tpu.memory_space<vmem_shared>> -> memref<32x128xf32, #tpu.memory_space<vmem_shared>>
      %dma_start3A_119 = arith.constant 0 : i32
      %dma_start3A_120 = tpu.memref_slice %arg18[%add3A_58, %dma_start3A_119] : memref<10240x128xf32, #tpu.memory_space<vmem_shared>> -> memref<32x128xf32, #tpu.memory_space<vmem_shared>>
      tpu.enqueue_dma source(%arg17 : memref<32x128xf32, #tpu.memory_space<vmem>>) target(%dma_start3A_120 : memref<32x128xf32, #tpu.memory_space<vmem_shared>>) target_semaphore(%run_scoped3A : memref<!tpu.dma_semaphore, #tpu.memory_space<semaphore_mem>>)
      %dma_wait3A_121 = arith.constant 0 : i32
      %dma_wait3A_122 = tpu.memref_slice %arg18[%add3A_58, %dma_wait3A_121] : memref<10240x128xf32, #tpu.memory_space<vmem_shared>> -> memref<32x128xf32, #tpu.memory_space<vmem_shared>>
      %dma_wait3A_123 = arith.constant 0 : i32
      %dma_wait3A_124 = tpu.memref_slice %arg18[%add3A_58, %dma_wait3A_123] : memref<10240x128xf32, #tpu.memory_space<vmem_shared>> -> memref<32x128xf32, #tpu.memory_space<vmem_shared>>
      tpu.wait_dma2 semaphore(%run_scoped3A : memref<!tpu.dma_semaphore, #tpu.memory_space<semaphore_mem>>) src(%arg17 : memref<32x128xf32, #tpu.memory_space<vmem>>) dst(%dma_wait3A_124 : memref<32x128xf32, #tpu.memory_space<vmem_shared>>)
      tpu.yield
    }) : () -> ()
    %add3A_59 = arith.constant 256 : i32
    %add3A_60 = arith.addi %mul3A_42, %add3A_59 : i32
    "tpu.region"() ({
      %run_scoped3A = tpu.sem_alloc : memref<!tpu.dma_semaphore, #tpu.memory_space<semaphore_mem>>
      %dma_start3A_117 = arith.constant 0 : i32
      %dma_start3A_118 = tpu.memref_slice %arg18[%add3A_60, %dma_start3A_117] : memref<10240x128xf32, #tpu.memory_space<vmem_shared>> -> memref<32x128xf32, #tpu.memory_space<vmem_shared>>
      %dma_start3A_119 = arith.constant 0 : i32
      %dma_start3A_120 = tpu.memref_slice %arg18[%add3A_60, %dma_start3A_119] : memref<10240x128xf32, #tpu.memory_space<vmem_shared>> -> memref<32x128xf32, #tpu.memory_space<vmem_shared>>
      tpu.enqueue_dma source(%arg17 : memref<32x128xf32, #tpu.memory_space<vmem>>) target(%dma_start3A_120 : memref<32x128xf32, #tpu.memory_space<vmem_shared>>) target_semaphore(%run_scoped3A : memref<!tpu.dma_semaphore, #tpu.memory_space<semaphore_mem>>)
      %dma_wait3A_121 = arith.constant 0 : i32
      %dma_wait3A_122 = tpu.memref_slice %arg18[%add3A_60, %dma_wait3A_121] : memref<10240x128xf32, #tpu.memory_space<vmem_shared>> -> memref<32x128xf32, #tpu.memory_space<vmem_shared>>
      %dma_wait3A_123 = arith.constant 0 : i32
      %dma_wait3A_124 = tpu.memref_slice %arg18[%add3A_60, %dma_wait3A_123] : memref<10240x128xf32, #tpu.memory_space<vmem_shared>> -> memref<32x128xf32, #tpu.memory_space<vmem_shared>>
      tpu.wait_dma2 semaphore(%run_scoped3A : memref<!tpu.dma_semaphore, #tpu.memory_space<semaphore_mem>>) src(%arg17 : memref<32x128xf32, #tpu.memory_space<vmem>>) dst(%dma_wait3A_124 : memref<32x128xf32, #tpu.memory_space<vmem_shared>>)
      tpu.yield
    }) : () -> ()
    %add3A_61 = arith.constant 288 : i32
    %add3A_62 = arith.addi %mul3A_42, %add3A_61 : i32
    "tpu.region"() ({
      %run_scoped3A = tpu.sem_alloc : memref<!tpu.dma_semaphore, #tpu.memory_space<semaphore_mem>>
      %dma_start3A_117 = arith.constant 0 : i32
      %dma_start3A_118 = tpu.memref_slice %arg18[%add3A_62, %dma_start3A_117] : memref<10240x128xf32, #tpu.memory_space<vmem_shared>> -> memref<32x128xf32, #tpu.memory_space<vmem_shared>>
      %dma_start3A_119 = arith.constant 0 : i32
      %dma_start3A_120 = tpu.memref_slice %arg18[%add3A_62, %dma_start3A_119] : memref<10240x128xf32, #tpu.memory_space<vmem_shared>> -> memref<32x128xf32, #tpu.memory_space<vmem_shared>>
      tpu.enqueue_dma source(%arg17 : memref<32x128xf32, #tpu.memory_space<vmem>>) target(%dma_start3A_120 : memref<32x128xf32, #tpu.memory_space<vmem_shared>>) target_semaphore(%run_scoped3A : memref<!tpu.dma_semaphore, #tpu.memory_space<semaphore_mem>>)
      %dma_wait3A_121 = arith.constant 0 : i32
      %dma_wait3A_122 = tpu.memref_slice %arg18[%add3A_62, %dma_wait3A_121] : memref<10240x128xf32, #tpu.memory_space<vmem_shared>> -> memref<32x128xf32, #tpu.memory_space<vmem_shared>>
      %dma_wait3A_123 = arith.constant 0 : i32
      %dma_wait3A_124 = tpu.memref_slice %arg18[%add3A_62, %dma_wait3A_123] : memref<10240x128xf32, #tpu.memory_space<vmem_shared>> -> memref<32x128xf32, #tpu.memory_space<vmem_shared>>
      tpu.wait_dma2 semaphore(%run_scoped3A : memref<!tpu.dma_semaphore, #tpu.memory_space<semaphore_mem>>) src(%arg17 : memref<32x128xf32, #tpu.memory_space<vmem>>) dst(%dma_wait3A_124 : memref<32x128xf32, #tpu.memory_space<vmem_shared>>)
      tpu.yield
    }) : () -> ()
    %add3A_63 = arith.constant 320 : i32
    %add3A_64 = arith.addi %mul3A_42, %add3A_63 : i32
    "tpu.region"() ({
      %run_scoped3A = tpu.sem_alloc : memref<!tpu.dma_semaphore, #tpu.memory_space<semaphore_mem>>
      %dma_start3A_117 = arith.constant 0 : i32
      %dma_start3A_118 = tpu.memref_slice %arg18[%add3A_64, %dma_start3A_117] : memref<10240x128xf32, #tpu.memory_space<vmem_shared>> -> memref<32x128xf32, #tpu.memory_space<vmem_shared>>
      %dma_start3A_119 = arith.constant 0 : i32
      %dma_start3A_120 = tpu.memref_slice %arg18[%add3A_64, %dma_start3A_119] : memref<10240x128xf32, #tpu.memory_space<vmem_shared>> -> memref<32x128xf32, #tpu.memory_space<vmem_shared>>
      tpu.enqueue_dma source(%arg17 : memref<32x128xf32, #tpu.memory_space<vmem>>) target(%dma_start3A_120 : memref<32x128xf32, #tpu.memory_space<vmem_shared>>) target_semaphore(%run_scoped3A : memref<!tpu.dma_semaphore, #tpu.memory_space<semaphore_mem>>)
      %dma_wait3A_121 = arith.constant 0 : i32
      %dma_wait3A_122 = tpu.memref_slice %arg18[%add3A_64, %dma_wait3A_121] : memref<10240x128xf32, #tpu.memory_space<vmem_shared>> -> memref<32x128xf32, #tpu.memory_space<vmem_shared>>
      %dma_wait3A_123 = arith.constant 0 : i32
      %dma_wait3A_124 = tpu.memref_slice %arg18[%add3A_64, %dma_wait3A_123] : memref<10240x128xf32, #tpu.memory_space<vmem_shared>> -> memref<32x128xf32, #tpu.memory_space<vmem_shared>>
      tpu.wait_dma2 semaphore(%run_scoped3A : memref<!tpu.dma_semaphore, #tpu.memory_space<semaphore_mem>>) src(%arg17 : memref<32x128xf32, #tpu.memory_space<vmem>>) dst(%dma_wait3A_124 : memref<32x128xf32, #tpu.memory_space<vmem_shared>>)
      tpu.yield
    }) : () -> ()
    %add3A_65 = arith.constant 352 : i32
    %add3A_66 = arith.addi %mul3A_42, %add3A_65 : i32
    "tpu.region"() ({
      %run_scoped3A = tpu.sem_alloc : memref<!tpu.dma_semaphore, #tpu.memory_space<semaphore_mem>>
      %dma_start3A_117 = arith.constant 0 : i32
      %dma_start3A_118 = tpu.memref_slice %arg18[%add3A_66, %dma_start3A_117] : memref<10240x128xf32, #tpu.memory_space<vmem_shared>> -> memref<32x128xf32, #tpu.memory_space<vmem_shared>>
      %dma_start3A_119 = arith.constant 0 : i32
      %dma_start3A_120 = tpu.memref_slice %arg18[%add3A_66, %dma_start3A_119] : memref<10240x128xf32, #tpu.memory_space<vmem_shared>> -> memref<32x128xf32, #tpu.memory_space<vmem_shared>>
      tpu.enqueue_dma source(%arg17 : memref<32x128xf32, #tpu.memory_space<vmem>>) target(%dma_start3A_120 : memref<32x128xf32, #tpu.memory_space<vmem_shared>>) target_semaphore(%run_scoped3A : memref<!tpu.dma_semaphore, #tpu.memory_space<semaphore_mem>>)
      %dma_wait3A_121 = arith.constant 0 : i32
      %dma_wait3A_122 = tpu.memref_slice %arg18[%add3A_66, %dma_wait3A_121] : memref<10240x128xf32, #tpu.memory_space<vmem_shared>> -> memref<32x128xf32, #tpu.memory_space<vmem_shared>>
      %dma_wait3A_123 = arith.constant 0 : i32
      %dma_wait3A_124 = tpu.memref_slice %arg18[%add3A_66, %dma_wait3A_123] : memref<10240x128xf32, #tpu.memory_space<vmem_shared>> -> memref<32x128xf32, #tpu.memory_space<vmem_shared>>
      tpu.wait_dma2 semaphore(%run_scoped3A : memref<!tpu.dma_semaphore, #tpu.memory_space<semaphore_mem>>) src(%arg17 : memref<32x128xf32, #tpu.memory_space<vmem>>) dst(%dma_wait3A_124 : memref<32x128xf32, #tpu.memory_space<vmem_shared>>)
      tpu.yield
    }) : () -> ()
    %add3A_67 = arith.constant 384 : i32
    %add3A_68 = arith.addi %mul3A_42, %add3A_67 : i32
    "tpu.region"() ({
      %run_scoped3A = tpu.sem_alloc : memref<!tpu.dma_semaphore, #tpu.memory_space<semaphore_mem>>
      %dma_start3A_117 = arith.constant 0 : i32
      %dma_start3A_118 = tpu.memref_slice %arg18[%add3A_68, %dma_start3A_117] : memref<10240x128xf32, #tpu.memory_space<vmem_shared>> -> memref<32x128xf32, #tpu.memory_space<vmem_shared>>
      %dma_start3A_119 = arith.constant 0 : i32
      %dma_start3A_120 = tpu.memref_slice %arg18[%add3A_68, %dma_start3A_119] : memref<10240x128xf32, #tpu.memory_space<vmem_shared>> -> memref<32x128xf32, #tpu.memory_space<vmem_shared>>
      tpu.enqueue_dma source(%arg17 : memref<32x128xf32, #tpu.memory_space<vmem>>) target(%dma_start3A_120 : memref<32x128xf32, #tpu.memory_space<vmem_shared>>) target_semaphore(%run_scoped3A : memref<!tpu.dma_semaphore, #tpu.memory_space<semaphore_mem>>)
      %dma_wait3A_121 = arith.constant 0 : i32
      %dma_wait3A_122 = tpu.memref_slice %arg18[%add3A_68, %dma_wait3A_121] : memref<10240x128xf32, #tpu.memory_space<vmem_shared>> -> memref<32x128xf32, #tpu.memory_space<vmem_shared>>
      %dma_wait3A_123 = arith.constant 0 : i32
      %dma_wait3A_124 = tpu.memref_slice %arg18[%add3A_68, %dma_wait3A_123] : memref<10240x128xf32, #tpu.memory_space<vmem_shared>> -> memref<32x128xf32, #tpu.memory_space<vmem_shared>>
      tpu.wait_dma2 semaphore(%run_scoped3A : memref<!tpu.dma_semaphore, #tpu.memory_space<semaphore_mem>>) src(%arg17 : memref<32x128xf32, #tpu.memory_space<vmem>>) dst(%dma_wait3A_124 : memref<32x128xf32, #tpu.memory_space<vmem_shared>>)
      tpu.yield
    }) : () -> ()
    %add3A_69 = arith.constant 416 : i32
    %add3A_70 = arith.addi %mul3A_42, %add3A_69 : i32
    "tpu.region"() ({
      %run_scoped3A = tpu.sem_alloc : memref<!tpu.dma_semaphore, #tpu.memory_space<semaphore_mem>>
      %dma_start3A_117 = arith.constant 0 : i32
      %dma_start3A_118 = tpu.memref_slice %arg18[%add3A_70, %dma_start3A_117] : memref<10240x128xf32, #tpu.memory_space<vmem_shared>> -> memref<32x128xf32, #tpu.memory_space<vmem_shared>>
      %dma_start3A_119 = arith.constant 0 : i32
      %dma_start3A_120 = tpu.memref_slice %arg18[%add3A_70, %dma_start3A_119] : memref<10240x128xf32, #tpu.memory_space<vmem_shared>> -> memref<32x128xf32, #tpu.memory_space<vmem_shared>>
      tpu.enqueue_dma source(%arg17 : memref<32x128xf32, #tpu.memory_space<vmem>>) target(%dma_start3A_120 : memref<32x128xf32, #tpu.memory_space<vmem_shared>>) target_semaphore(%run_scoped3A : memref<!tpu.dma_semaphore, #tpu.memory_space<semaphore_mem>>)
      %dma_wait3A_121 = arith.constant 0 : i32
      %dma_wait3A_122 = tpu.memref_slice %arg18[%add3A_70, %dma_wait3A_121] : memref<10240x128xf32, #tpu.memory_space<vmem_shared>> -> memref<32x128xf32, #tpu.memory_space<vmem_shared>>
      %dma_wait3A_123 = arith.constant 0 : i32
      %dma_wait3A_124 = tpu.memref_slice %arg18[%add3A_70, %dma_wait3A_123] : memref<10240x128xf32, #tpu.memory_space<vmem_shared>> -> memref<32x128xf32, #tpu.memory_space<vmem_shared>>
      tpu.wait_dma2 semaphore(%run_scoped3A : memref<!tpu.dma_semaphore, #tpu.memory_space<semaphore_mem>>) src(%arg17 : memref<32x128xf32, #tpu.memory_space<vmem>>) dst(%dma_wait3A_124 : memref<32x128xf32, #tpu.memory_space<vmem_shared>>)
      tpu.yield
    }) : () -> ()
    %add3A_71 = arith.constant 448 : i32
    %add3A_72 = arith.addi %mul3A_42, %add3A_71 : i32
    "tpu.region"() ({
      %run_scoped3A = tpu.sem_alloc : memref<!tpu.dma_semaphore, #tpu.memory_space<semaphore_mem>>
      %dma_start3A_117 = arith.constant 0 : i32
      %dma_start3A_118 = tpu.memref_slice %arg18[%add3A_72, %dma_start3A_117] : memref<10240x128xf32, #tpu.memory_space<vmem_shared>> -> memref<32x128xf32, #tpu.memory_space<vmem_shared>>
      %dma_start3A_119 = arith.constant 0 : i32
      %dma_start3A_120 = tpu.memref_slice %arg18[%add3A_72, %dma_start3A_119] : memref<10240x128xf32, #tpu.memory_space<vmem_shared>> -> memref<32x128xf32, #tpu.memory_space<vmem_shared>>
      tpu.enqueue_dma source(%arg17 : memref<32x128xf32, #tpu.memory_space<vmem>>) target(%dma_start3A_120 : memref<32x128xf32, #tpu.memory_space<vmem_shared>>) target_semaphore(%run_scoped3A : memref<!tpu.dma_semaphore, #tpu.memory_space<semaphore_mem>>)
      %dma_wait3A_121 = arith.constant 0 : i32
      %dma_wait3A_122 = tpu.memref_slice %arg18[%add3A_72, %dma_wait3A_121] : memref<10240x128xf32, #tpu.memory_space<vmem_shared>> -> memref<32x128xf32, #tpu.memory_space<vmem_shared>>
      %dma_wait3A_123 = arith.constant 0 : i32
      %dma_wait3A_124 = tpu.memref_slice %arg18[%add3A_72, %dma_wait3A_123] : memref<10240x128xf32, #tpu.memory_space<vmem_shared>> -> memref<32x128xf32, #tpu.memory_space<vmem_shared>>
      tpu.wait_dma2 semaphore(%run_scoped3A : memref<!tpu.dma_semaphore, #tpu.memory_space<semaphore_mem>>) src(%arg17 : memref<32x128xf32, #tpu.memory_space<vmem>>) dst(%dma_wait3A_124 : memref<32x128xf32, #tpu.memory_space<vmem_shared>>)
      tpu.yield
    }) : () -> ()
    %add3A_73 = arith.constant 480 : i32
    %add3A_74 = arith.addi %mul3A_42, %add3A_73 : i32
    "tpu.region"() ({
      %run_scoped3A = tpu.sem_alloc : memref<!tpu.dma_semaphore, #tpu.memory_space<semaphore_mem>>
      %dma_start3A_117 = arith.constant 0 : i32
      %dma_start3A_118 = tpu.memref_slice %arg18[%add3A_74, %dma_start3A_117] : memref<10240x128xf32, #tpu.memory_space<vmem_shared>> -> memref<32x128xf32, #tpu.memory_space<vmem_shared>>
      %dma_start3A_119 = arith.constant 0 : i32
      %dma_start3A_120 = tpu.memref_slice %arg18[%add3A_74, %dma_start3A_119] : memref<10240x128xf32, #tpu.memory_space<vmem_shared>> -> memref<32x128xf32, #tpu.memory_space<vmem_shared>>
      tpu.enqueue_dma source(%arg17 : memref<32x128xf32, #tpu.memory_space<vmem>>) target(%dma_start3A_120 : memref<32x128xf32, #tpu.memory_space<vmem_shared>>) target_semaphore(%run_scoped3A : memref<!tpu.dma_semaphore, #tpu.memory_space<semaphore_mem>>)
      %dma_wait3A_121 = arith.constant 0 : i32
      %dma_wait3A_122 = tpu.memref_slice %arg18[%add3A_74, %dma_wait3A_121] : memref<10240x128xf32, #tpu.memory_space<vmem_shared>> -> memref<32x128xf32, #tpu.memory_space<vmem_shared>>
      %dma_wait3A_123 = arith.constant 0 : i32
      %dma_wait3A_124 = tpu.memref_slice %arg18[%add3A_74, %dma_wait3A_123] : memref<10240x128xf32, #tpu.memory_space<vmem_shared>> -> memref<32x128xf32, #tpu.memory_space<vmem_shared>>
      tpu.wait_dma2 semaphore(%run_scoped3A : memref<!tpu.dma_semaphore, #tpu.memory_space<semaphore_mem>>) src(%arg17 : memref<32x128xf32, #tpu.memory_space<vmem>>) dst(%dma_wait3A_124 : memref<32x128xf32, #tpu.memory_space<vmem_shared>>)
      tpu.yield
    }) : () -> ()
    %add3A_75 = arith.constant 512 : i32
    %add3A_76 = arith.addi %mul3A_42, %add3A_75 : i32
    "tpu.region"() ({
      %run_scoped3A = tpu.sem_alloc : memref<!tpu.dma_semaphore, #tpu.memory_space<semaphore_mem>>
      %dma_start3A_117 = arith.constant 0 : i32
      %dma_start3A_118 = tpu.memref_slice %arg18[%add3A_76, %dma_start3A_117] : memref<10240x128xf32, #tpu.memory_space<vmem_shared>> -> memref<32x128xf32, #tpu.memory_space<vmem_shared>>
      %dma_start3A_119 = arith.constant 0 : i32
      %dma_start3A_120 = tpu.memref_slice %arg18[%add3A_76, %dma_start3A_119] : memref<10240x128xf32, #tpu.memory_space<vmem_shared>> -> memref<32x128xf32, #tpu.memory_space<vmem_shared>>
      tpu.enqueue_dma source(%arg17 : memref<32x128xf32, #tpu.memory_space<vmem>>) target(%dma_start3A_120 : memref<32x128xf32, #tpu.memory_space<vmem_shared>>) target_semaphore(%run_scoped3A : memref<!tpu.dma_semaphore, #tpu.memory_space<semaphore_mem>>)
      %dma_wait3A_121 = arith.constant 0 : i32
      %dma_wait3A_122 = tpu.memref_slice %arg18[%add3A_76, %dma_wait3A_121] : memref<10240x128xf32, #tpu.memory_space<vmem_shared>> -> memref<32x128xf32, #tpu.memory_space<vmem_shared>>
      %dma_wait3A_123 = arith.constant 0 : i32
      %dma_wait3A_124 = tpu.memref_slice %arg18[%add3A_76, %dma_wait3A_123] : memref<10240x128xf32, #tpu.memory_space<vmem_shared>> -> memref<32x128xf32, #tpu.memory_space<vmem_shared>>
      tpu.wait_dma2 semaphore(%run_scoped3A : memref<!tpu.dma_semaphore, #tpu.memory_space<semaphore_mem>>) src(%arg17 : memref<32x128xf32, #tpu.memory_space<vmem>>) dst(%dma_wait3A_124 : memref<32x128xf32, #tpu.memory_space<vmem_shared>>)
      tpu.yield
    }) : () -> ()
    %add3A_77 = arith.constant 544 : i32
    %add3A_78 = arith.addi %mul3A_42, %add3A_77 : i32
    "tpu.region"() ({
      %run_scoped3A = tpu.sem_alloc : memref<!tpu.dma_semaphore, #tpu.memory_space<semaphore_mem>>
      %dma_start3A_117 = arith.constant 0 : i32
      %dma_start3A_118 = tpu.memref_slice %arg18[%add3A_78, %dma_start3A_117] : memref<10240x128xf32, #tpu.memory_space<vmem_shared>> -> memref<32x128xf32, #tpu.memory_space<vmem_shared>>
      %dma_start3A_119 = arith.constant 0 : i32
      %dma_start3A_120 = tpu.memref_slice %arg18[%add3A_78, %dma_start3A_119] : memref<10240x128xf32, #tpu.memory_space<vmem_shared>> -> memref<32x128xf32, #tpu.memory_space<vmem_shared>>
      tpu.enqueue_dma source(%arg17 : memref<32x128xf32, #tpu.memory_space<vmem>>) target(%dma_start3A_120 : memref<32x128xf32, #tpu.memory_space<vmem_shared>>) target_semaphore(%run_scoped3A : memref<!tpu.dma_semaphore, #tpu.memory_space<semaphore_mem>>)
      %dma_wait3A_121 = arith.constant 0 : i32
      %dma_wait3A_122 = tpu.memref_slice %arg18[%add3A_78, %dma_wait3A_121] : memref<10240x128xf32, #tpu.memory_space<vmem_shared>> -> memref<32x128xf32, #tpu.memory_space<vmem_shared>>
      %dma_wait3A_123 = arith.constant 0 : i32
      %dma_wait3A_124 = tpu.memref_slice %arg18[%add3A_78, %dma_wait3A_123] : memref<10240x128xf32, #tpu.memory_space<vmem_shared>> -> memref<32x128xf32, #tpu.memory_space<vmem_shared>>
      tpu.wait_dma2 semaphore(%run_scoped3A : memref<!tpu.dma_semaphore, #tpu.memory_space<semaphore_mem>>) src(%arg17 : memref<32x128xf32, #tpu.memory_space<vmem>>) dst(%dma_wait3A_124 : memref<32x128xf32, #tpu.memory_space<vmem_shared>>)
      tpu.yield
    }) : () -> ()
    %add3A_79 = arith.constant 576 : i32
    %add3A_80 = arith.addi %mul3A_42, %add3A_79 : i32
    "tpu.region"() ({
      %run_scoped3A = tpu.sem_alloc : memref<!tpu.dma_semaphore, #tpu.memory_space<semaphore_mem>>
      %dma_start3A_117 = arith.constant 0 : i32
      %dma_start3A_118 = tpu.memref_slice %arg18[%add3A_80, %dma_start3A_117] : memref<10240x128xf32, #tpu.memory_space<vmem_shared>> -> memref<32x128xf32, #tpu.memory_space<vmem_shared>>
      %dma_start3A_119 = arith.constant 0 : i32
      %dma_start3A_120 = tpu.memref_slice %arg18[%add3A_80, %dma_start3A_119] : memref<10240x128xf32, #tpu.memory_space<vmem_shared>> -> memref<32x128xf32, #tpu.memory_space<vmem_shared>>
      tpu.enqueue_dma source(%arg17 : memref<32x128xf32, #tpu.memory_space<vmem>>) target(%dma_start3A_120 : memref<32x128xf32, #tpu.memory_space<vmem_shared>>) target_semaphore(%run_scoped3A : memref<!tpu.dma_semaphore, #tpu.memory_space<semaphore_mem>>)
      %dma_wait3A_121 = arith.constant 0 : i32
      %dma_wait3A_122 = tpu.memref_slice %arg18[%add3A_80, %dma_wait3A_121] : memref<10240x128xf32, #tpu.memory_space<vmem_shared>> -> memref<32x128xf32, #tpu.memory_space<vmem_shared>>
      %dma_wait3A_123 = arith.constant 0 : i32
      %dma_wait3A_124 = tpu.memref_slice %arg18[%add3A_80, %dma_wait3A_123] : memref<10240x128xf32, #tpu.memory_space<vmem_shared>> -> memref<32x128xf32, #tpu.memory_space<vmem_shared>>
      tpu.wait_dma2 semaphore(%run_scoped3A : memref<!tpu.dma_semaphore, #tpu.memory_space<semaphore_mem>>) src(%arg17 : memref<32x128xf32, #tpu.memory_space<vmem>>) dst(%dma_wait3A_124 : memref<32x128xf32, #tpu.memory_space<vmem_shared>>)
      tpu.yield
    }) : () -> ()
    %add3A_81 = arith.constant 608 : i32
    %add3A_82 = arith.addi %mul3A_42, %add3A_81 : i32
    "tpu.region"() ({
      %run_scoped3A = tpu.sem_alloc : memref<!tpu.dma_semaphore, #tpu.memory_space<semaphore_mem>>
      %dma_start3A_117 = arith.constant 0 : i32
      %dma_start3A_118 = tpu.memref_slice %arg18[%add3A_82, %dma_start3A_117] : memref<10240x128xf32, #tpu.memory_space<vmem_shared>> -> memref<32x128xf32, #tpu.memory_space<vmem_shared>>
      %dma_start3A_119 = arith.constant 0 : i32
      %dma_start3A_120 = tpu.memref_slice %arg18[%add3A_82, %dma_start3A_119] : memref<10240x128xf32, #tpu.memory_space<vmem_shared>> -> memref<32x128xf32, #tpu.memory_space<vmem_shared>>
      tpu.enqueue_dma source(%arg17 : memref<32x128xf32, #tpu.memory_space<vmem>>) target(%dma_start3A_120 : memref<32x128xf32, #tpu.memory_space<vmem_shared>>) target_semaphore(%run_scoped3A : memref<!tpu.dma_semaphore, #tpu.memory_space<semaphore_mem>>)
      %dma_wait3A_121 = arith.constant 0 : i32
      %dma_wait3A_122 = tpu.memref_slice %arg18[%add3A_82, %dma_wait3A_121] : memref<10240x128xf32, #tpu.memory_space<vmem_shared>> -> memref<32x128xf32, #tpu.memory_space<vmem_shared>>
      %dma_wait3A_123 = arith.constant 0 : i32
      %dma_wait3A_124 = tpu.memref_slice %arg18[%add3A_82, %dma_wait3A_123] : memref<10240x128xf32, #tpu.memory_space<vmem_shared>> -> memref<32x128xf32, #tpu.memory_space<vmem_shared>>
      tpu.wait_dma2 semaphore(%run_scoped3A : memref<!tpu.dma_semaphore, #tpu.memory_space<semaphore_mem>>) src(%arg17 : memref<32x128xf32, #tpu.memory_space<vmem>>) dst(%dma_wait3A_124 : memref<32x128xf32, #tpu.memory_space<vmem_shared>>)
      tpu.yield
    }) : () -> ()
    %barrier3A = arith.constant 0 : index
    tpu.barrier barrier_id(%barrier3A)
    %scan3A = arith.constant 0 : i32
    %scan3A_83 = arith.constant 0 : i32
    %scan3A_84 = arith.constant 19 : i32
    %scan3A_85 = arith.addi %scan3A_83, %scan3A_84 : i32
    %scan3A_86 = arith.constant 1 : i32
    scf.for %scan3A_117 = %scan3A_83 to %scan3A_85 step %scan3A_86  : i32 {
      %mul3A_118 = arith.constant 4 : i32
      %mul3A_119 = arith.muli %scan3A_117, %mul3A_118 : i32
      %add3A_120 = arith.constant 0 : i32
      %add3A_121 = arith.addi %mul3A_119, %add3A_120 : i32
      %add3A_122 = arith.constant 1 : i32
      %add3A_123 = arith.addi %add3A_121, %add3A_122 : i32
      %lt3A_124 = arith.cmpi slt, %add3A_123, %select_n3A_12 : i32
      %convert_element_type3A_125 = arith.extui %lt3A_124 : i1 to i32
      %cond3A_126 = arith.constant 0 : i32
      %cond3A_127 = arith.cmpi ne, %convert_element_type3A_125, %cond3A_126 : i32
      scf.if %cond3A_127 {
        %add3A_194 = arith.constant 1 : i32
        %add3A_195 = arith.addi %add3A_121, %add3A_194 : i32
        %mul3A_196 = arith.constant 128 : i32
        %mul3A_197 = arith.muli %add3A_195, %mul3A_196 : i32
        %add3A_198 = arith.addi %select_n3A, %mul3A_197 : i32
        %multiple_of3A_199 = tpu.assume_multiple %add3A_198, 8 : i32
        %dma_wait3A_200 = tpu.memref_slice %arg3[%multiple_of3A_199] : memref<320000xi32, #tpu.memory_space<hbm>> -> memref<128xi32, #tpu.memory_space<hbm>>
        %dma_wait3A_201 = tpu.memref_slice %arg3[%multiple_of3A_199] : memref<320000xi32, #tpu.memory_space<hbm>> -> memref<128xi32, #tpu.memory_space<hbm>>
        tpu.wait_dma2 semaphore(%arg20 : memref<!tpu.dma_semaphore, #tpu.memory_space<semaphore_mem>>) src(%dma_wait3A_201 : memref<128xi32, #tpu.memory_space<hbm>>) dst(%arg8 : memref<128xi32, #tpu.memory_space<vmem>>)
        %dma_wait3A_202 = tpu.memref_slice %arg2[%multiple_of3A_199] : memref<320000xi32, #tpu.memory_space<hbm>> -> memref<128xi32, #tpu.memory_space<hbm>>
        %dma_wait3A_203 = tpu.memref_slice %arg2[%multiple_of3A_199] : memref<320000xi32, #tpu.memory_space<hbm>> -> memref<128xi32, #tpu.memory_space<hbm>>
        tpu.wait_dma2 semaphore(%arg20 : memref<!tpu.dma_semaphore, #tpu.memory_space<semaphore_mem>>) src(%dma_wait3A_203 : memref<128xi32, #tpu.memory_space<hbm>>) dst(%arg12 : memref<128xi32, #tpu.memory_space<vmem>>)
        %dma_start3A_204 = arith.constant 0 : i32
        %dma_start3A_205 = arith.constant 0 : i32
        %dma_start3A_206 = tpu.memref_slice %arg4[%dma_start3A_204, %dma_start3A_205] : memref<10000x128xf32, #tpu.memory_space<hbm>> -> memref<10000x128xf32, #tpu.memory_space<hbm>>
        tpu.enqueue_indirect_dma source(%dma_start3A_206 : memref<10000x128xf32, #tpu.memory_space<hbm>>) target(%arg16 : memref<128x128xf32, #tpu.memory_space<vmem>>) offsets(%arg8 : memref<128xi32, #tpu.memory_space<vmem>>) semaphore(%arg24 : memref<!tpu.dma_semaphore, #tpu.memory_space<semaphore_mem>>)
      } else {
      }
      %add3A_128 = arith.constant 3 : i32
      %add3A_129 = arith.addi %add3A_121, %add3A_128 : i32
      %lt3A_130 = arith.cmpi slt, %add3A_129, %select_n3A_12 : i32
      %convert_element_type3A_131 = arith.extui %lt3A_130 : i1 to i32
      %cond3A_132 = arith.constant 0 : i32
      %cond3A_133 = arith.cmpi ne, %convert_element_type3A_131, %cond3A_132 : i32
      scf.if %cond3A_133 {
        %add3A_194 = arith.constant 3 : i32
        %add3A_195 = arith.addi %add3A_121, %add3A_194 : i32
        %mul3A_196 = arith.constant 128 : i32
        %mul3A_197 = arith.muli %add3A_195, %mul3A_196 : i32
        %add3A_198 = arith.addi %select_n3A, %mul3A_197 : i32
        %multiple_of3A_199 = tpu.assume_multiple %add3A_198, 8 : i32
        %dma_start3A_200 = tpu.memref_slice %arg3[%multiple_of3A_199] : memref<320000xi32, #tpu.memory_space<hbm>> -> memref<128xi32, #tpu.memory_space<hbm>>
        %dma_start3A_201 = tpu.memref_slice %arg3[%multiple_of3A_199] : memref<320000xi32, #tpu.memory_space<hbm>> -> memref<128xi32, #tpu.memory_space<hbm>>
        tpu.enqueue_dma source(%dma_start3A_201 : memref<128xi32, #tpu.memory_space<hbm>>) target(%arg10 : memref<128xi32, #tpu.memory_space<vmem>>) target_semaphore(%arg22 : memref<!tpu.dma_semaphore, #tpu.memory_space<semaphore_mem>>)
        %dma_start3A_202 = tpu.memref_slice %arg2[%multiple_of3A_199] : memref<320000xi32, #tpu.memory_space<hbm>> -> memref<128xi32, #tpu.memory_space<hbm>>
        %dma_start3A_203 = tpu.memref_slice %arg2[%multiple_of3A_199] : memref<320000xi32, #tpu.memory_space<hbm>> -> memref<128xi32, #tpu.memory_space<hbm>>
        tpu.enqueue_dma source(%dma_start3A_203 : memref<128xi32, #tpu.memory_space<hbm>>) target(%arg14 : memref<128xi32, #tpu.memory_space<vmem>>) target_semaphore(%arg22 : memref<!tpu.dma_semaphore, #tpu.memory_space<semaphore_mem>>)
      } else {
      }
      %dma_wait3A_134 = arith.constant 0 : i32
      %dma_wait3A_135 = arith.constant 0 : i32
      %dma_wait3A_136 = tpu.memref_slice %arg4[%dma_wait3A_134, %dma_wait3A_135] : memref<10000x128xf32, #tpu.memory_space<hbm>> -> memref<10000x128xf32, #tpu.memory_space<hbm>>
      tpu.wait_indirect_dma semaphore(%arg23 : memref<!tpu.dma_semaphore, #tpu.memory_space<semaphore_mem>>) src(%dma_wait3A_136 : memref<10000x128xf32, #tpu.memory_space<hbm>>) dst(%arg15 : memref<128x128xf32, #tpu.memory_space<vmem>>)
      "tpu.region"() ({
        %run_scoped3A = tpu.sem_alloc : memref<!tpu.dma_semaphore, #tpu.memory_space<semaphore_mem>>
        %dma_start3A_194 = arith.constant 0 : i32
        %dma_start3A_195 = arith.constant 0 : i32
        %dma_start3A_196 = tpu.memref_slice %arg18[%dma_start3A_194, %dma_start3A_195] : memref<10240x128xf32, #tpu.memory_space<vmem_shared>> -> memref<10240x128xf32, #tpu.memory_space<vmem_shared>>
        tpu.enqueue_indirect_dma source(%arg15 : memref<128x128xf32, #tpu.memory_space<vmem>>) target(%dma_start3A_196 : memref<10240x128xf32, #tpu.memory_space<vmem_shared>>) offsets(%arg11 : memref<128xi32, #tpu.memory_space<vmem>>) semaphore(%run_scoped3A : memref<!tpu.dma_semaphore, #tpu.memory_space<semaphore_mem>>) {add = true}
        %dma_wait3A_197 = arith.constant 0 : i32
        %dma_wait3A_198 = arith.constant 0 : i32
        %dma_wait3A_199 = tpu.memref_slice %arg18[%dma_wait3A_197, %dma_wait3A_198] : memref<10240x128xf32, #tpu.memory_space<vmem_shared>> -> memref<10240x128xf32, #tpu.memory_space<vmem_shared>>
        tpu.wait_indirect_dma semaphore(%run_scoped3A : memref<!tpu.dma_semaphore, #tpu.memory_space<semaphore_mem>>) src(%arg15 : memref<128x128xf32, #tpu.memory_space<vmem>>) dst(%dma_wait3A_199 : memref<10240x128xf32, #tpu.memory_space<vmem_shared>>)
        tpu.yield
      }) : () -> ()
      %mul3A_137 = arith.constant 4 : i32
      %mul3A_138 = arith.muli %scan3A_117, %mul3A_137 : i32
      %add3A_139 = arith.constant 1 : i32
      %add3A_140 = arith.addi %mul3A_138, %add3A_139 : i32
      %add3A_141 = arith.constant 1 : i32
      %add3A_142 = arith.addi %add3A_140, %add3A_141 : i32
      %lt3A_143 = arith.cmpi slt, %add3A_142, %select_n3A_12 : i32
      %convert_element_type3A_144 = arith.extui %lt3A_143 : i1 to i32
      %cond3A_145 = arith.constant 0 : i32
      %cond3A_146 = arith.cmpi ne, %convert_element_type3A_144, %cond3A_145 : i32
      scf.if %cond3A_146 {
        %add3A_194 = arith.constant 1 : i32
        %add3A_195 = arith.addi %add3A_140, %add3A_194 : i32
        %mul3A_196 = arith.constant 128 : i32
        %mul3A_197 = arith.muli %add3A_195, %mul3A_196 : i32
        %add3A_198 = arith.addi %select_n3A, %mul3A_197 : i32
        %multiple_of3A_199 = tpu.assume_multiple %add3A_198, 8 : i32
        %dma_wait3A_200 = tpu.memref_slice %arg3[%multiple_of3A_199] : memref<320000xi32, #tpu.memory_space<hbm>> -> memref<128xi32, #tpu.memory_space<hbm>>
        %dma_wait3A_201 = tpu.memref_slice %arg3[%multiple_of3A_199] : memref<320000xi32, #tpu.memory_space<hbm>> -> memref<128xi32, #tpu.memory_space<hbm>>
        tpu.wait_dma2 semaphore(%arg21 : memref<!tpu.dma_semaphore, #tpu.memory_space<semaphore_mem>>) src(%dma_wait3A_201 : memref<128xi32, #tpu.memory_space<hbm>>) dst(%arg9 : memref<128xi32, #tpu.memory_space<vmem>>)
        %dma_wait3A_202 = tpu.memref_slice %arg2[%multiple_of3A_199] : memref<320000xi32, #tpu.memory_space<hbm>> -> memref<128xi32, #tpu.memory_space<hbm>>
        %dma_wait3A_203 = tpu.memref_slice %arg2[%multiple_of3A_199] : memref<320000xi32, #tpu.memory_space<hbm>> -> memref<128xi32, #tpu.memory_space<hbm>>
        tpu.wait_dma2 semaphore(%arg21 : memref<!tpu.dma_semaphore, #tpu.memory_space<semaphore_mem>>) src(%dma_wait3A_203 : memref<128xi32, #tpu.memory_space<hbm>>) dst(%arg13 : memref<128xi32, #tpu.memory_space<vmem>>)
        %dma_start3A_204 = arith.constant 0 : i32
        %dma_start3A_205 = arith.constant 0 : i32
        %dma_start3A_206 = tpu.memref_slice %arg4[%dma_start3A_204, %dma_start3A_205] : memref<10000x128xf32, #tpu.memory_space<hbm>> -> memref<10000x128xf32, #tpu.memory_space<hbm>>
        tpu.enqueue_indirect_dma source(%dma_start3A_206 : memref<10000x128xf32, #tpu.memory_space<hbm>>) target(%arg15 : memref<128x128xf32, #tpu.memory_space<vmem>>) offsets(%arg9 : memref<128xi32, #tpu.memory_space<vmem>>) semaphore(%arg23 : memref<!tpu.dma_semaphore, #tpu.memory_space<semaphore_mem>>)
      } else {
      }
      %add3A_147 = arith.constant 3 : i32
      %add3A_148 = arith.addi %add3A_140, %add3A_147 : i32
      %lt3A_149 = arith.cmpi slt, %add3A_148, %select_n3A_12 : i32
      %convert_element_type3A_150 = arith.extui %lt3A_149 : i1 to i32
      %cond3A_151 = arith.constant 0 : i32
      %cond3A_152 = arith.cmpi ne, %convert_element_type3A_150, %cond3A_151 : i32
      scf.if %cond3A_152 {
        %add3A_194 = arith.constant 3 : i32
        %add3A_195 = arith.addi %add3A_140, %add3A_194 : i32
        %mul3A_196 = arith.constant 128 : i32
        %mul3A_197 = arith.muli %add3A_195, %mul3A_196 : i32
        %add3A_198 = arith.addi %select_n3A, %mul3A_197 : i32
        %multiple_of3A_199 = tpu.assume_multiple %add3A_198, 8 : i32
        %dma_start3A_200 = tpu.memref_slice %arg3[%multiple_of3A_199] : memref<320000xi32, #tpu.memory_space<hbm>> -> memref<128xi32, #tpu.memory_space<hbm>>
        %dma_start3A_201 = tpu.memref_slice %arg3[%multiple_of3A_199] : memref<320000xi32, #tpu.memory_space<hbm>> -> memref<128xi32, #tpu.memory_space<hbm>>
        tpu.enqueue_dma source(%dma_start3A_201 : memref<128xi32, #tpu.memory_space<hbm>>) target(%arg7 : memref<128xi32, #tpu.memory_space<vmem>>) target_semaphore(%arg19 : memref<!tpu.dma_semaphore, #tpu.memory_space<semaphore_mem>>)
        %dma_start3A_202 = tpu.memref_slice %arg2[%multiple_of3A_199] : memref<320000xi32, #tpu.memory_space<hbm>> -> memref<128xi32, #tpu.memory_space<hbm>>
        %dma_start3A_203 = tpu.memref_slice %arg2[%multiple_of3A_199] : memref<320000xi32, #tpu.memory_space<hbm>> -> memref<128xi32, #tpu.memory_space<hbm>>
        tpu.enqueue_dma source(%dma_start3A_203 : memref<128xi32, #tpu.memory_space<hbm>>) target(%arg11 : memref<128xi32, #tpu.memory_space<vmem>>) target_semaphore(%arg19 : memref<!tpu.dma_semaphore, #tpu.memory_space<semaphore_mem>>)
      } else {
      }
      %dma_wait3A_153 = arith.constant 0 : i32
      %dma_wait3A_154 = arith.constant 0 : i32
      %dma_wait3A_155 = tpu.memref_slice %arg4[%dma_wait3A_153, %dma_wait3A_154] : memref<10000x128xf32, #tpu.memory_space<hbm>> -> memref<10000x128xf32, #tpu.memory_space<hbm>>
      tpu.wait_indirect_dma semaphore(%arg24 : memref<!tpu.dma_semaphore, #tpu.memory_space<semaphore_mem>>) src(%dma_wait3A_155 : memref<10000x128xf32, #tpu.memory_space<hbm>>) dst(%arg16 : memref<128x128xf32, #tpu.memory_space<vmem>>)
      "tpu.region"() ({
        %run_scoped3A = tpu.sem_alloc : memref<!tpu.dma_semaphore, #tpu.memory_space<semaphore_mem>>
        %dma_start3A_194 = arith.constant 0 : i32
        %dma_start3A_195 = arith.constant 0 : i32
        %dma_start3A_196 = tpu.memref_slice %arg18[%dma_start3A_194, %dma_start3A_195] : memref<10240x128xf32, #tpu.memory_space<vmem_shared>> -> memref<10240x128xf32, #tpu.memory_space<vmem_shared>>
        tpu.enqueue_indirect_dma source(%arg16 : memref<128x128xf32, #tpu.memory_space<vmem>>) target(%dma_start3A_196 : memref<10240x128xf32, #tpu.memory_space<vmem_shared>>) offsets(%arg12 : memref<128xi32, #tpu.memory_space<vmem>>) semaphore(%run_scoped3A : memref<!tpu.dma_semaphore, #tpu.memory_space<semaphore_mem>>) {add = true}
        %dma_wait3A_197 = arith.constant 0 : i32
        %dma_wait3A_198 = arith.constant 0 : i32
        %dma_wait3A_199 = tpu.memref_slice %arg18[%dma_wait3A_197, %dma_wait3A_198] : memref<10240x128xf32, #tpu.memory_space<vmem_shared>> -> memref<10240x128xf32, #tpu.memory_space<vmem_shared>>
        tpu.wait_indirect_dma semaphore(%run_scoped3A : memref<!tpu.dma_semaphore, #tpu.memory_space<semaphore_mem>>) src(%arg16 : memref<128x128xf32, #tpu.memory_space<vmem>>) dst(%dma_wait3A_199 : memref<10240x128xf32, #tpu.memory_space<vmem_shared>>)
        tpu.yield
      }) : () -> ()
      %mul3A_156 = arith.constant 4 : i32
      %mul3A_157 = arith.muli %scan3A_117, %mul3A_156 : i32
      %add3A_158 = arith.constant 2 : i32
      %add3A_159 = arith.addi %mul3A_157, %add3A_158 : i32
      %add3A_160 = arith.constant 1 : i32
      %add3A_161 = arith.addi %add3A_159, %add3A_160 : i32
      %lt3A_162 = arith.cmpi slt, %add3A_161, %select_n3A_12 : i32
      %convert_element_type3A_163 = arith.extui %lt3A_162 : i1 to i32
      %cond3A_164 = arith.constant 0 : i32
      %cond3A_165 = arith.cmpi ne, %convert_element_type3A_163, %cond3A_164 : i32
      scf.if %cond3A_165 {
        %add3A_194 = arith.constant 1 : i32
        %add3A_195 = arith.addi %add3A_159, %add3A_194 : i32
        %mul3A_196 = arith.constant 128 : i32
        %mul3A_197 = arith.muli %add3A_195, %mul3A_196 : i32
        %add3A_198 = arith.addi %select_n3A, %mul3A_197 : i32
        %multiple_of3A_199 = tpu.assume_multiple %add3A_198, 8 : i32
        %dma_wait3A_200 = tpu.memref_slice %arg3[%multiple_of3A_199] : memref<320000xi32, #tpu.memory_space<hbm>> -> memref<128xi32, #tpu.memory_space<hbm>>
        %dma_wait3A_201 = tpu.memref_slice %arg3[%multiple_of3A_199] : memref<320000xi32, #tpu.memory_space<hbm>> -> memref<128xi32, #tpu.memory_space<hbm>>
        tpu.wait_dma2 semaphore(%arg22 : memref<!tpu.dma_semaphore, #tpu.memory_space<semaphore_mem>>) src(%dma_wait3A_201 : memref<128xi32, #tpu.memory_space<hbm>>) dst(%arg10 : memref<128xi32, #tpu.memory_space<vmem>>)
        %dma_wait3A_202 = tpu.memref_slice %arg2[%multiple_of3A_199] : memref<320000xi32, #tpu.memory_space<hbm>> -> memref<128xi32, #tpu.memory_space<hbm>>
        %dma_wait3A_203 = tpu.memref_slice %arg2[%multiple_of3A_199] : memref<320000xi32, #tpu.memory_space<hbm>> -> memref<128xi32, #tpu.memory_space<hbm>>
        tpu.wait_dma2 semaphore(%arg22 : memref<!tpu.dma_semaphore, #tpu.memory_space<semaphore_mem>>) src(%dma_wait3A_203 : memref<128xi32, #tpu.memory_space<hbm>>) dst(%arg14 : memref<128xi32, #tpu.memory_space<vmem>>)
        %dma_start3A_204 = arith.constant 0 : i32
        %dma_start3A_205 = arith.constant 0 : i32
        %dma_start3A_206 = tpu.memref_slice %arg4[%dma_start3A_204, %dma_start3A_205] : memref<10000x128xf32, #tpu.memory_space<hbm>> -> memref<10000x128xf32, #tpu.memory_space<hbm>>
        tpu.enqueue_indirect_dma source(%dma_start3A_206 : memref<10000x128xf32, #tpu.memory_space<hbm>>) target(%arg16 : memref<128x128xf32, #tpu.memory_space<vmem>>) offsets(%arg10 : memref<128xi32, #tpu.memory_space<vmem>>) semaphore(%arg24 : memref<!tpu.dma_semaphore, #tpu.memory_space<semaphore_mem>>)
      } else {
      }
      %add3A_166 = arith.constant 3 : i32
      %add3A_167 = arith.addi %add3A_159, %add3A_166 : i32
      %lt3A_168 = arith.cmpi slt, %add3A_167, %select_n3A_12 : i32
      %convert_element_type3A_169 = arith.extui %lt3A_168 : i1 to i32
      %cond3A_170 = arith.constant 0 : i32
      %cond3A_171 = arith.cmpi ne, %convert_element_type3A_169, %cond3A_170 : i32
      scf.if %cond3A_171 {
        %add3A_194 = arith.constant 3 : i32
        %add3A_195 = arith.addi %add3A_159, %add3A_194 : i32
        %mul3A_196 = arith.constant 128 : i32
        %mul3A_197 = arith.muli %add3A_195, %mul3A_196 : i32
        %add3A_198 = arith.addi %select_n3A, %mul3A_197 : i32
        %multiple_of3A_199 = tpu.assume_multiple %add3A_198, 8 : i32
        %dma_start3A_200 = tpu.memref_slice %arg3[%multiple_of3A_199] : memref<320000xi32, #tpu.memory_space<hbm>> -> memref<128xi32, #tpu.memory_space<hbm>>
        %dma_start3A_201 = tpu.memref_slice %arg3[%multiple_of3A_199] : memref<320000xi32, #tpu.memory_space<hbm>> -> memref<128xi32, #tpu.memory_space<hbm>>
        tpu.enqueue_dma source(%dma_start3A_201 : memref<128xi32, #tpu.memory_space<hbm>>) target(%arg8 : memref<128xi32, #tpu.memory_space<vmem>>) target_semaphore(%arg20 : memref<!tpu.dma_semaphore, #tpu.memory_space<semaphore_mem>>)
        %dma_start3A_202 = tpu.memref_slice %arg2[%multiple_of3A_199] : memref<320000xi32, #tpu.memory_space<hbm>> -> memref<128xi32, #tpu.memory_space<hbm>>
        %dma_start3A_203 = tpu.memref_slice %arg2[%multiple_of3A_199] : memref<320000xi32, #tpu.memory_space<hbm>> -> memref<128xi32, #tpu.memory_space<hbm>>
        tpu.enqueue_dma source(%dma_start3A_203 : memref<128xi32, #tpu.memory_space<hbm>>) target(%arg12 : memref<128xi32, #tpu.memory_space<vmem>>) target_semaphore(%arg20 : memref<!tpu.dma_semaphore, #tpu.memory_space<semaphore_mem>>)
      } else {
      }
      %dma_wait3A_172 = arith.constant 0 : i32
      %dma_wait3A_173 = arith.constant 0 : i32
      %dma_wait3A_174 = tpu.memref_slice %arg4[%dma_wait3A_172, %dma_wait3A_173] : memref<10000x128xf32, #tpu.memory_space<hbm>> -> memref<10000x128xf32, #tpu.memory_space<hbm>>
      tpu.wait_indirect_dma semaphore(%arg23 : memref<!tpu.dma_semaphore, #tpu.memory_space<semaphore_mem>>) src(%dma_wait3A_174 : memref<10000x128xf32, #tpu.memory_space<hbm>>) dst(%arg15 : memref<128x128xf32, #tpu.memory_space<vmem>>)
      "tpu.region"() ({
        %run_scoped3A = tpu.sem_alloc : memref<!tpu.dma_semaphore, #tpu.memory_space<semaphore_mem>>
        %dma_start3A_194 = arith.constant 0 : i32
        %dma_start3A_195 = arith.constant 0 : i32
        %dma_start3A_196 = tpu.memref_slice %arg18[%dma_start3A_194, %dma_start3A_195] : memref<10240x128xf32, #tpu.memory_space<vmem_shared>> -> memref<10240x128xf32, #tpu.memory_space<vmem_shared>>
        tpu.enqueue_indirect_dma source(%arg15 : memref<128x128xf32, #tpu.memory_space<vmem>>) target(%dma_start3A_196 : memref<10240x128xf32, #tpu.memory_space<vmem_shared>>) offsets(%arg13 : memref<128xi32, #tpu.memory_space<vmem>>) semaphore(%run_scoped3A : memref<!tpu.dma_semaphore, #tpu.memory_space<semaphore_mem>>) {add = true}
        %dma_wait3A_197 = arith.constant 0 : i32
        %dma_wait3A_198 = arith.constant 0 : i32
        %dma_wait3A_199 = tpu.memref_slice %arg18[%dma_wait3A_197, %dma_wait3A_198] : memref<10240x128xf32, #tpu.memory_space<vmem_shared>> -> memref<10240x128xf32, #tpu.memory_space<vmem_shared>>
        tpu.wait_indirect_dma semaphore(%run_scoped3A : memref<!tpu.dma_semaphore, #tpu.memory_space<semaphore_mem>>) src(%arg15 : memref<128x128xf32, #tpu.memory_space<vmem>>) dst(%dma_wait3A_199 : memref<10240x128xf32, #tpu.memory_space<vmem_shared>>)
        tpu.yield
      }) : () -> ()
      %mul3A_175 = arith.constant 4 : i32
      %mul3A_176 = arith.muli %scan3A_117, %mul3A_175 : i32
      %add3A_177 = arith.constant 3 : i32
      %add3A_178 = arith.addi %mul3A_176, %add3A_177 : i32
      %add3A_179 = arith.constant 1 : i32
      %add3A_180 = arith.addi %add3A_178, %add3A_179 : i32
      %lt3A_181 = arith.cmpi slt, %add3A_180, %select_n3A_12 : i32
      %convert_element_type3A_182 = arith.extui %lt3A_181 : i1 to i32
      %cond3A_183 = arith.constant 0 : i32
      %cond3A_184 = arith.cmpi ne, %convert_element_type3A_182, %cond3A_183 : i32
      scf.if %cond3A_184 {
        %add3A_194 = arith.constant 1 : i32
        %add3A_195 = arith.addi %add3A_178, %add3A_194 : i32
        %mul3A_196 = arith.constant 128 : i32
        %mul3A_197 = arith.muli %add3A_195, %mul3A_196 : i32
        %add3A_198 = arith.addi %select_n3A, %mul3A_197 : i32
        %multiple_of3A_199 = tpu.assume_multiple %add3A_198, 8 : i32
        %dma_wait3A_200 = tpu.memref_slice %arg3[%multiple_of3A_199] : memref<320000xi32, #tpu.memory_space<hbm>> -> memref<128xi32, #tpu.memory_space<hbm>>
        %dma_wait3A_201 = tpu.memref_slice %arg3[%multiple_of3A_199] : memref<320000xi32, #tpu.memory_space<hbm>> -> memref<128xi32, #tpu.memory_space<hbm>>
        tpu.wait_dma2 semaphore(%arg19 : memref<!tpu.dma_semaphore, #tpu.memory_space<semaphore_mem>>) src(%dma_wait3A_201 : memref<128xi32, #tpu.memory_space<hbm>>) dst(%arg7 : memref<128xi32, #tpu.memory_space<vmem>>)
        %dma_wait3A_202 = tpu.memref_slice %arg2[%multiple_of3A_199] : memref<320000xi32, #tpu.memory_space<hbm>> -> memref<128xi32, #tpu.memory_space<hbm>>
        %dma_wait3A_203 = tpu.memref_slice %arg2[%multiple_of3A_199] : memref<320000xi32, #tpu.memory_space<hbm>> -> memref<128xi32, #tpu.memory_space<hbm>>
        tpu.wait_dma2 semaphore(%arg19 : memref<!tpu.dma_semaphore, #tpu.memory_space<semaphore_mem>>) src(%dma_wait3A_203 : memref<128xi32, #tpu.memory_space<hbm>>) dst(%arg11 : memref<128xi32, #tpu.memory_space<vmem>>)
        %dma_start3A_204 = arith.constant 0 : i32
        %dma_start3A_205 = arith.constant 0 : i32
        %dma_start3A_206 = tpu.memref_slice %arg4[%dma_start3A_204, %dma_start3A_205] : memref<10000x128xf32, #tpu.memory_space<hbm>> -> memref<10000x128xf32, #tpu.memory_space<hbm>>
        tpu.enqueue_indirect_dma source(%dma_start3A_206 : memref<10000x128xf32, #tpu.memory_space<hbm>>) target(%arg15 : memref<128x128xf32, #tpu.memory_space<vmem>>) offsets(%arg7 : memref<128xi32, #tpu.memory_space<vmem>>) semaphore(%arg23 : memref<!tpu.dma_semaphore, #tpu.memory_space<semaphore_mem>>)
      } else {
      }
      %add3A_185 = arith.constant 3 : i32
      %add3A_186 = arith.addi %add3A_178, %add3A_185 : i32
      %lt3A_187 = arith.cmpi slt, %add3A_186, %select_n3A_12 : i32
      %convert_element_type3A_188 = arith.extui %lt3A_187 : i1 to i32
      %cond3A_189 = arith.constant 0 : i32
      %cond3A_190 = arith.cmpi ne, %convert_element_type3A_188, %cond3A_189 : i32
      scf.if %cond3A_190 {
        %add3A_194 = arith.constant 3 : i32
        %add3A_195 = arith.addi %add3A_178, %add3A_194 : i32
        %mul3A_196 = arith.constant 128 : i32
        %mul3A_197 = arith.muli %add3A_195, %mul3A_196 : i32
        %add3A_198 = arith.addi %select_n3A, %mul3A_197 : i32
        %multiple_of3A_199 = tpu.assume_multiple %add3A_198, 8 : i32
        %dma_start3A_200 = tpu.memref_slice %arg3[%multiple_of3A_199] : memref<320000xi32, #tpu.memory_space<hbm>> -> memref<128xi32, #tpu.memory_space<hbm>>
        %dma_start3A_201 = tpu.memref_slice %arg3[%multiple_of3A_199] : memref<320000xi32, #tpu.memory_space<hbm>> -> memref<128xi32, #tpu.memory_space<hbm>>
        tpu.enqueue_dma source(%dma_start3A_201 : memref<128xi32, #tpu.memory_space<hbm>>) target(%arg9 : memref<128xi32, #tpu.memory_space<vmem>>) target_semaphore(%arg21 : memref<!tpu.dma_semaphore, #tpu.memory_space<semaphore_mem>>)
        %dma_start3A_202 = tpu.memref_slice %arg2[%multiple_of3A_199] : memref<320000xi32, #tpu.memory_space<hbm>> -> memref<128xi32, #tpu.memory_space<hbm>>
        %dma_start3A_203 = tpu.memref_slice %arg2[%multiple_of3A_199] : memref<320000xi32, #tpu.memory_space<hbm>> -> memref<128xi32, #tpu.memory_space<hbm>>
        tpu.enqueue_dma source(%dma_start3A_203 : memref<128xi32, #tpu.memory_space<hbm>>) target(%arg13 : memref<128xi32, #tpu.memory_space<vmem>>) target_semaphore(%arg21 : memref<!tpu.dma_semaphore, #tpu.memory_space<semaphore_mem>>)
      } else {
      }
      %dma_wait3A_191 = arith.constant 0 : i32
      %dma_wait3A_192 = arith.constant 0 : i32
      %dma_wait3A_193 = tpu.memref_slice %arg4[%dma_wait3A_191, %dma_wait3A_192] : memref<10000x128xf32, #tpu.memory_space<hbm>> -> memref<10000x128xf32, #tpu.memory_space<hbm>>
      tpu.wait_indirect_dma semaphore(%arg24 : memref<!tpu.dma_semaphore, #tpu.memory_space<semaphore_mem>>) src(%dma_wait3A_193 : memref<10000x128xf32, #tpu.memory_space<hbm>>) dst(%arg16 : memref<128x128xf32, #tpu.memory_space<vmem>>)
      "tpu.region"() ({
        %run_scoped3A = tpu.sem_alloc : memref<!tpu.dma_semaphore, #tpu.memory_space<semaphore_mem>>
        %dma_start3A_194 = arith.constant 0 : i32
        %dma_start3A_195 = arith.constant 0 : i32
        %dma_start3A_196 = tpu.memref_slice %arg18[%dma_start3A_194, %dma_start3A_195] : memref<10240x128xf32, #tpu.memory_space<vmem_shared>> -> memref<10240x128xf32, #tpu.memory_space<vmem_shared>>
        tpu.enqueue_indirect_dma source(%arg16 : memref<128x128xf32, #tpu.memory_space<vmem>>) target(%dma_start3A_196 : memref<10240x128xf32, #tpu.memory_space<vmem_shared>>) offsets(%arg14 : memref<128xi32, #tpu.memory_space<vmem>>) semaphore(%run_scoped3A : memref<!tpu.dma_semaphore, #tpu.memory_space<semaphore_mem>>) {add = true}
        %dma_wait3A_197 = arith.constant 0 : i32
        %dma_wait3A_198 = arith.constant 0 : i32
        %dma_wait3A_199 = tpu.memref_slice %arg18[%dma_wait3A_197, %dma_wait3A_198] : memref<10240x128xf32, #tpu.memory_space<vmem_shared>> -> memref<10240x128xf32, #tpu.memory_space<vmem_shared>>
        tpu.wait_indirect_dma semaphore(%run_scoped3A : memref<!tpu.dma_semaphore, #tpu.memory_space<semaphore_mem>>) src(%arg16 : memref<128x128xf32, #tpu.memory_space<vmem>>) dst(%dma_wait3A_199 : memref<10240x128xf32, #tpu.memory_space<vmem_shared>>)
        tpu.yield
      }) : () -> ()
    }
    %scan3A_87 = arith.constant 19 : i32
    %gt3A = arith.constant 77 : i32
    %gt3A_88 = arith.cmpi sgt, %select_n3A_12, %gt3A : i32
    %convert_element_type3A = arith.extui %gt3A_88 : i1 to i32
    %cond3A = arith.constant 0 : i32
    %cond3A_89 = arith.cmpi ne, %convert_element_type3A, %cond3A : i32
    scf.if %cond3A_89 {
      %add3A_117 = arith.constant 9856 : i32
      %add3A_118 = arith.addi %select_n3A, %add3A_117 : i32
      %multiple_of3A_119 = tpu.assume_multiple %add3A_118, 8 : i32
      %dma_wait3A_120 = tpu.memref_slice %arg3[%multiple_of3A_119] : memref<320000xi32, #tpu.memory_space<hbm>> -> memref<128xi32, #tpu.memory_space<hbm>>
      %dma_wait3A_121 = tpu.memref_slice %arg3[%multiple_of3A_119] : memref<320000xi32, #tpu.memory_space<hbm>> -> memref<128xi32, #tpu.memory_space<hbm>>
      tpu.wait_dma2 semaphore(%arg20 : memref<!tpu.dma_semaphore, #tpu.memory_space<semaphore_mem>>) src(%dma_wait3A_121 : memref<128xi32, #tpu.memory_space<hbm>>) dst(%arg8 : memref<128xi32, #tpu.memory_space<vmem>>)
      %dma_wait3A_122 = tpu.memref_slice %arg2[%multiple_of3A_119] : memref<320000xi32, #tpu.memory_space<hbm>> -> memref<128xi32, #tpu.memory_space<hbm>>
      %dma_wait3A_123 = tpu.memref_slice %arg2[%multiple_of3A_119] : memref<320000xi32, #tpu.memory_space<hbm>> -> memref<128xi32, #tpu.memory_space<hbm>>
      tpu.wait_dma2 semaphore(%arg20 : memref<!tpu.dma_semaphore, #tpu.memory_space<semaphore_mem>>) src(%dma_wait3A_123 : memref<128xi32, #tpu.memory_space<hbm>>) dst(%arg12 : memref<128xi32, #tpu.memory_space<vmem>>)
      %dma_start3A_124 = arith.constant 0 : i32
      %dma_start3A_125 = arith.constant 0 : i32
      %dma_start3A_126 = tpu.memref_slice %arg4[%dma_start3A_124, %dma_start3A_125] : memref<10000x128xf32, #tpu.memory_space<hbm>> -> memref<10000x128xf32, #tpu.memory_space<hbm>>
      tpu.enqueue_indirect_dma source(%dma_start3A_126 : memref<10000x128xf32, #tpu.memory_space<hbm>>) target(%arg16 : memref<128x128xf32, #tpu.memory_space<vmem>>) offsets(%arg8 : memref<128xi32, #tpu.memory_space<vmem>>) semaphore(%arg24 : memref<!tpu.dma_semaphore, #tpu.memory_space<semaphore_mem>>)
    } else {
    }
    %gt3A_90 = arith.constant 79 : i32
    %gt3A_91 = arith.cmpi sgt, %select_n3A_12, %gt3A_90 : i32
    %convert_element_type3A_92 = arith.extui %gt3A_91 : i1 to i32
    %cond3A_93 = arith.constant 0 : i32
    %cond3A_94 = arith.cmpi ne, %convert_element_type3A_92, %cond3A_93 : i32
    scf.if %cond3A_94 {
      %add3A_117 = arith.constant 10112 : i32
      %add3A_118 = arith.addi %select_n3A, %add3A_117 : i32
      %multiple_of3A_119 = tpu.assume_multiple %add3A_118, 8 : i32
      %dma_start3A_120 = tpu.memref_slice %arg3[%multiple_of3A_119] : memref<320000xi32, #tpu.memory_space<hbm>> -> memref<128xi32, #tpu.memory_space<hbm>>
      %dma_start3A_121 = tpu.memref_slice %arg3[%multiple_of3A_119] : memref<320000xi32, #tpu.memory_space<hbm>> -> memref<128xi32, #tpu.memory_space<hbm>>
      tpu.enqueue_dma source(%dma_start3A_121 : memref<128xi32, #tpu.memory_space<hbm>>) target(%arg10 : memref<128xi32, #tpu.memory_space<vmem>>) target_semaphore(%arg22 : memref<!tpu.dma_semaphore, #tpu.memory_space<semaphore_mem>>)
      %dma_start3A_122 = tpu.memref_slice %arg2[%multiple_of3A_119] : memref<320000xi32, #tpu.memory_space<hbm>> -> memref<128xi32, #tpu.memory_space<hbm>>
      %dma_start3A_123 = tpu.memref_slice %arg2[%multiple_of3A_119] : memref<320000xi32, #tpu.memory_space<hbm>> -> memref<128xi32, #tpu.memory_space<hbm>>
      tpu.enqueue_dma source(%dma_start3A_123 : memref<128xi32, #tpu.memory_space<hbm>>) target(%arg14 : memref<128xi32, #tpu.memory_space<vmem>>) target_semaphore(%arg22 : memref<!tpu.dma_semaphore, #tpu.memory_space<semaphore_mem>>)
    } else {
    }
    %dma_wait3A_95 = arith.constant 0 : i32
    %dma_wait3A_96 = arith.constant 0 : i32
    %dma_wait3A_97 = tpu.memref_slice %arg4[%dma_wait3A_95, %dma_wait3A_96] : memref<10000x128xf32, #tpu.memory_space<hbm>> -> memref<10000x128xf32, #tpu.memory_space<hbm>>
    tpu.wait_indirect_dma semaphore(%arg23 : memref<!tpu.dma_semaphore, #tpu.memory_space<semaphore_mem>>) src(%dma_wait3A_97 : memref<10000x128xf32, #tpu.memory_space<hbm>>) dst(%arg15 : memref<128x128xf32, #tpu.memory_space<vmem>>)
    "tpu.region"() ({
      %run_scoped3A = tpu.sem_alloc : memref<!tpu.dma_semaphore, #tpu.memory_space<semaphore_mem>>
      %dma_start3A_117 = arith.constant 0 : i32
      %dma_start3A_118 = arith.constant 0 : i32
      %dma_start3A_119 = tpu.memref_slice %arg18[%dma_start3A_117, %dma_start3A_118] : memref<10240x128xf32, #tpu.memory_space<vmem_shared>> -> memref<10240x128xf32, #tpu.memory_space<vmem_shared>>
      tpu.enqueue_indirect_dma source(%arg15 : memref<128x128xf32, #tpu.memory_space<vmem>>) target(%dma_start3A_119 : memref<10240x128xf32, #tpu.memory_space<vmem_shared>>) offsets(%arg11 : memref<128xi32, #tpu.memory_space<vmem>>) semaphore(%run_scoped3A : memref<!tpu.dma_semaphore, #tpu.memory_space<semaphore_mem>>) {add = true}
      %dma_wait3A_120 = arith.constant 0 : i32
      %dma_wait3A_121 = arith.constant 0 : i32
      %dma_wait3A_122 = tpu.memref_slice %arg18[%dma_wait3A_120, %dma_wait3A_121] : memref<10240x128xf32, #tpu.memory_space<vmem_shared>> -> memref<10240x128xf32, #tpu.memory_space<vmem_shared>>
      tpu.wait_indirect_dma semaphore(%run_scoped3A : memref<!tpu.dma_semaphore, #tpu.memory_space<semaphore_mem>>) src(%arg15 : memref<128x128xf32, #tpu.memory_space<vmem>>) dst(%dma_wait3A_122 : memref<10240x128xf32, #tpu.memory_space<vmem_shared>>)
      tpu.yield
    }) : () -> ()
    %gt3A_98 = arith.constant 78 : i32
    %gt3A_99 = arith.cmpi sgt, %select_n3A_12, %gt3A_98 : i32
    %convert_element_type3A_100 = arith.extui %gt3A_99 : i1 to i32
    %cond3A_101 = arith.constant 0 : i32
    %cond3A_102 = arith.cmpi ne, %convert_element_type3A_100, %cond3A_101 : i32
    scf.if %cond3A_102 {
      %add3A_117 = arith.constant 9984 : i32
      %add3A_118 = arith.addi %select_n3A, %add3A_117 : i32
      %multiple_of3A_119 = tpu.assume_multiple %add3A_118, 8 : i32
      %dma_wait3A_120 = tpu.memref_slice %arg3[%multiple_of3A_119] : memref<320000xi32, #tpu.memory_space<hbm>> -> memref<128xi32, #tpu.memory_space<hbm>>
      %dma_wait3A_121 = tpu.memref_slice %arg3[%multiple_of3A_119] : memref<320000xi32, #tpu.memory_space<hbm>> -> memref<128xi32, #tpu.memory_space<hbm>>
      tpu.wait_dma2 semaphore(%arg21 : memref<!tpu.dma_semaphore, #tpu.memory_space<semaphore_mem>>) src(%dma_wait3A_121 : memref<128xi32, #tpu.memory_space<hbm>>) dst(%arg9 : memref<128xi32, #tpu.memory_space<vmem>>)
      %dma_wait3A_122 = tpu.memref_slice %arg2[%multiple_of3A_119] : memref<320000xi32, #tpu.memory_space<hbm>> -> memref<128xi32, #tpu.memory_space<hbm>>
      %dma_wait3A_123 = tpu.memref_slice %arg2[%multiple_of3A_119] : memref<320000xi32, #tpu.memory_space<hbm>> -> memref<128xi32, #tpu.memory_space<hbm>>
      tpu.wait_dma2 semaphore(%arg21 : memref<!tpu.dma_semaphore, #tpu.memory_space<semaphore_mem>>) src(%dma_wait3A_123 : memref<128xi32, #tpu.memory_space<hbm>>) dst(%arg13 : memref<128xi32, #tpu.memory_space<vmem>>)
      %dma_start3A_124 = arith.constant 0 : i32
      %dma_start3A_125 = arith.constant 0 : i32
      %dma_start3A_126 = tpu.memref_slice %arg4[%dma_start3A_124, %dma_start3A_125] : memref<10000x128xf32, #tpu.memory_space<hbm>> -> memref<10000x128xf32, #tpu.memory_space<hbm>>
      tpu.enqueue_indirect_dma source(%dma_start3A_126 : memref<10000x128xf32, #tpu.memory_space<hbm>>) target(%arg15 : memref<128x128xf32, #tpu.memory_space<vmem>>) offsets(%arg9 : memref<128xi32, #tpu.memory_space<vmem>>) semaphore(%arg23 : memref<!tpu.dma_semaphore, #tpu.memory_space<semaphore_mem>>)
    } else {
    }
    %gt3A_103 = arith.constant 80 : i32
    %gt3A_104 = arith.cmpi sgt, %select_n3A_12, %gt3A_103 : i32
    %convert_element_type3A_105 = arith.extui %gt3A_104 : i1 to i32
    %cond3A_106 = arith.constant 0 : i32
    %cond3A_107 = arith.cmpi ne, %convert_element_type3A_105, %cond3A_106 : i32
    scf.if %cond3A_107 {
      %add3A_117 = arith.constant 10240 : i32
      %add3A_118 = arith.addi %select_n3A, %add3A_117 : i32
      %multiple_of3A_119 = tpu.assume_multiple %add3A_118, 8 : i32
      %dma_start3A_120 = tpu.memref_slice %arg3[%multiple_of3A_119] : memref<320000xi32, #tpu.memory_space<hbm>> -> memref<128xi32, #tpu.memory_space<hbm>>
      %dma_start3A_121 = tpu.memref_slice %arg3[%multiple_of3A_119] : memref<320000xi32, #tpu.memory_space<hbm>> -> memref<128xi32, #tpu.memory_space<hbm>>
      tpu.enqueue_dma source(%dma_start3A_121 : memref<128xi32, #tpu.memory_space<hbm>>) target(%arg7 : memref<128xi32, #tpu.memory_space<vmem>>) target_semaphore(%arg19 : memref<!tpu.dma_semaphore, #tpu.memory_space<semaphore_mem>>)
      %dma_start3A_122 = tpu.memref_slice %arg2[%multiple_of3A_119] : memref<320000xi32, #tpu.memory_space<hbm>> -> memref<128xi32, #tpu.memory_space<hbm>>
      %dma_start3A_123 = tpu.memref_slice %arg2[%multiple_of3A_119] : memref<320000xi32, #tpu.memory_space<hbm>> -> memref<128xi32, #tpu.memory_space<hbm>>
      tpu.enqueue_dma source(%dma_start3A_123 : memref<128xi32, #tpu.memory_space<hbm>>) target(%arg11 : memref<128xi32, #tpu.memory_space<vmem>>) target_semaphore(%arg19 : memref<!tpu.dma_semaphore, #tpu.memory_space<semaphore_mem>>)
    } else {
    }
    %dma_wait3A_108 = arith.constant 0 : i32
    %dma_wait3A_109 = arith.constant 0 : i32
    %dma_wait3A_110 = tpu.memref_slice %arg4[%dma_wait3A_108, %dma_wait3A_109] : memref<10000x128xf32, #tpu.memory_space<hbm>> -> memref<10000x128xf32, #tpu.memory_space<hbm>>
    tpu.wait_indirect_dma semaphore(%arg24 : memref<!tpu.dma_semaphore, #tpu.memory_space<semaphore_mem>>) src(%dma_wait3A_110 : memref<10000x128xf32, #tpu.memory_space<hbm>>) dst(%arg16 : memref<128x128xf32, #tpu.memory_space<vmem>>)
    "tpu.region"() ({
      %run_scoped3A = tpu.sem_alloc : memref<!tpu.dma_semaphore, #tpu.memory_space<semaphore_mem>>
      %dma_start3A_117 = arith.constant 0 : i32
      %dma_start3A_118 = arith.constant 0 : i32
      %dma_start3A_119 = tpu.memref_slice %arg18[%dma_start3A_117, %dma_start3A_118] : memref<10240x128xf32, #tpu.memory_space<vmem_shared>> -> memref<10240x128xf32, #tpu.memory_space<vmem_shared>>
      tpu.enqueue_indirect_dma source(%arg16 : memref<128x128xf32, #tpu.memory_space<vmem>>) target(%dma_start3A_119 : memref<10240x128xf32, #tpu.memory_space<vmem_shared>>) offsets(%arg12 : memref<128xi32, #tpu.memory_space<vmem>>) semaphore(%run_scoped3A : memref<!tpu.dma_semaphore, #tpu.memory_space<semaphore_mem>>) {add = true}
      %dma_wait3A_120 = arith.constant 0 : i32
      %dma_wait3A_121 = arith.constant 0 : i32
      %dma_wait3A_122 = tpu.memref_slice %arg18[%dma_wait3A_120, %dma_wait3A_121] : memref<10240x128xf32, #tpu.memory_space<vmem_shared>> -> memref<10240x128xf32, #tpu.memory_space<vmem_shared>>
      tpu.wait_indirect_dma semaphore(%run_scoped3A : memref<!tpu.dma_semaphore, #tpu.memory_space<semaphore_mem>>) src(%arg16 : memref<128x128xf32, #tpu.memory_space<vmem>>) dst(%dma_wait3A_122 : memref<10240x128xf32, #tpu.memory_space<vmem_shared>>)
      tpu.yield
    }) : () -> ()
    %lt3A_111 = arith.constant 4 : i32
    %lt3A_112 = arith.cmpi slt, %add3A, %lt3A_111 : i32
    %convert_element_type3A_113 = arith.extui %lt3A_112 : i1 to i32
    %cond3A_114 = arith.constant 0 : i32
    %cond3A_115 = arith.cmpi ne, %convert_element_type3A_113, %cond3A_114 : i32
    scf.if %cond3A_115 {
      %gt3A_117 = arith.constant 79 : i32
      %gt3A_118 = arith.cmpi sgt, %select_n3A_12, %gt3A_117 : i32
      %convert_element_type3A_119 = arith.extui %gt3A_118 : i1 to i32
      %cond3A_120 = arith.constant 0 : i32
      %cond3A_121 = arith.cmpi ne, %convert_element_type3A_119, %cond3A_120 : i32
      scf.if %cond3A_121 {
        %add3A_130 = arith.constant 10112 : i32
        %add3A_131 = arith.addi %select_n3A, %add3A_130 : i32
        %multiple_of3A_132 = tpu.assume_multiple %add3A_131, 8 : i32
        %dma_wait3A_133 = tpu.memref_slice %arg3[%multiple_of3A_132] : memref<320000xi32, #tpu.memory_space<hbm>> -> memref<128xi32, #tpu.memory_space<hbm>>
        %dma_wait3A_134 = tpu.memref_slice %arg3[%multiple_of3A_132] : memref<320000xi32, #tpu.memory_space<hbm>> -> memref<128xi32, #tpu.memory_space<hbm>>
        tpu.wait_dma2 semaphore(%arg22 : memref<!tpu.dma_semaphore, #tpu.memory_space<semaphore_mem>>) src(%dma_wait3A_134 : memref<128xi32, #tpu.memory_space<hbm>>) dst(%arg10 : memref<128xi32, #tpu.memory_space<vmem>>)
        %dma_wait3A_135 = tpu.memref_slice %arg2[%multiple_of3A_132] : memref<320000xi32, #tpu.memory_space<hbm>> -> memref<128xi32, #tpu.memory_space<hbm>>
        %dma_wait3A_136 = tpu.memref_slice %arg2[%multiple_of3A_132] : memref<320000xi32, #tpu.memory_space<hbm>> -> memref<128xi32, #tpu.memory_space<hbm>>
        tpu.wait_dma2 semaphore(%arg22 : memref<!tpu.dma_semaphore, #tpu.memory_space<semaphore_mem>>) src(%dma_wait3A_136 : memref<128xi32, #tpu.memory_space<hbm>>) dst(%arg14 : memref<128xi32, #tpu.memory_space<vmem>>)
        %dma_start3A_137 = arith.constant 0 : i32
        %dma_start3A_138 = arith.constant 0 : i32
        %dma_start3A_139 = tpu.memref_slice %arg4[%dma_start3A_137, %dma_start3A_138] : memref<10000x128xf32, #tpu.memory_space<hbm>> -> memref<10000x128xf32, #tpu.memory_space<hbm>>
        tpu.enqueue_indirect_dma source(%dma_start3A_139 : memref<10000x128xf32, #tpu.memory_space<hbm>>) target(%arg16 : memref<128x128xf32, #tpu.memory_space<vmem>>) offsets(%arg10 : memref<128xi32, #tpu.memory_space<vmem>>) semaphore(%arg24 : memref<!tpu.dma_semaphore, #tpu.memory_space<semaphore_mem>>)
      } else {
      }
      %gt3A_122 = arith.constant 81 : i32
      %gt3A_123 = arith.cmpi sgt, %select_n3A_12, %gt3A_122 : i32
      %convert_element_type3A_124 = arith.extui %gt3A_123 : i1 to i32
      %cond3A_125 = arith.constant 0 : i32
      %cond3A_126 = arith.cmpi ne, %convert_element_type3A_124, %cond3A_125 : i32
      scf.if %cond3A_126 {
        %add3A_130 = arith.constant 10368 : i32
        %add3A_131 = arith.addi %select_n3A, %add3A_130 : i32
        %multiple_of3A_132 = tpu.assume_multiple %add3A_131, 8 : i32
        %dma_start3A_133 = tpu.memref_slice %arg3[%multiple_of3A_132] : memref<320000xi32, #tpu.memory_space<hbm>> -> memref<128xi32, #tpu.memory_space<hbm>>
        %dma_start3A_134 = tpu.memref_slice %arg3[%multiple_of3A_132] : memref<320000xi32, #tpu.memory_space<hbm>> -> memref<128xi32, #tpu.memory_space<hbm>>
        tpu.enqueue_dma source(%dma_start3A_134 : memref<128xi32, #tpu.memory_space<hbm>>) target(%arg8 : memref<128xi32, #tpu.memory_space<vmem>>) target_semaphore(%arg20 : memref<!tpu.dma_semaphore, #tpu.memory_space<semaphore_mem>>)
        %dma_start3A_135 = tpu.memref_slice %arg2[%multiple_of3A_132] : memref<320000xi32, #tpu.memory_space<hbm>> -> memref<128xi32, #tpu.memory_space<hbm>>
        %dma_start3A_136 = tpu.memref_slice %arg2[%multiple_of3A_132] : memref<320000xi32, #tpu.memory_space<hbm>> -> memref<128xi32, #tpu.memory_space<hbm>>
        tpu.enqueue_dma source(%dma_start3A_136 : memref<128xi32, #tpu.memory_space<hbm>>) target(%arg12 : memref<128xi32, #tpu.memory_space<vmem>>) target_semaphore(%arg20 : memref<!tpu.dma_semaphore, #tpu.memory_space<semaphore_mem>>)
      } else {
      }
      %dma_wait3A_127 = arith.constant 0 : i32
      %dma_wait3A_128 = arith.constant 0 : i32
      %dma_wait3A_129 = tpu.memref_slice %arg4[%dma_wait3A_127, %dma_wait3A_128] : memref<10000x128xf32, #tpu.memory_space<hbm>> -> memref<10000x128xf32, #tpu.memory_space<hbm>>
      tpu.wait_indirect_dma semaphore(%arg23 : memref<!tpu.dma_semaphore, #tpu.memory_space<semaphore_mem>>) src(%dma_wait3A_129 : memref<10000x128xf32, #tpu.memory_space<hbm>>) dst(%arg15 : memref<128x128xf32, #tpu.memory_space<vmem>>)
      "tpu.region"() ({
        %run_scoped3A = tpu.sem_alloc : memref<!tpu.dma_semaphore, #tpu.memory_space<semaphore_mem>>
        %dma_start3A_130 = arith.constant 0 : i32
        %dma_start3A_131 = arith.constant 0 : i32
        %dma_start3A_132 = tpu.memref_slice %arg18[%dma_start3A_130, %dma_start3A_131] : memref<10240x128xf32, #tpu.memory_space<vmem_shared>> -> memref<10240x128xf32, #tpu.memory_space<vmem_shared>>
        tpu.enqueue_indirect_dma source(%arg15 : memref<128x128xf32, #tpu.memory_space<vmem>>) target(%dma_start3A_132 : memref<10240x128xf32, #tpu.memory_space<vmem_shared>>) offsets(%arg13 : memref<128xi32, #tpu.memory_space<vmem>>) semaphore(%run_scoped3A : memref<!tpu.dma_semaphore, #tpu.memory_space<semaphore_mem>>) {add = true}
        %dma_wait3A_133 = arith.constant 0 : i32
        %dma_wait3A_134 = arith.constant 0 : i32
        %dma_wait3A_135 = tpu.memref_slice %arg18[%dma_wait3A_133, %dma_wait3A_134] : memref<10240x128xf32, #tpu.memory_space<vmem_shared>> -> memref<10240x128xf32, #tpu.memory_space<vmem_shared>>
        tpu.wait_indirect_dma semaphore(%run_scoped3A : memref<!tpu.dma_semaphore, #tpu.memory_space<semaphore_mem>>) src(%arg15 : memref<128x128xf32, #tpu.memory_space<vmem>>) dst(%dma_wait3A_135 : memref<10240x128xf32, #tpu.memory_space<vmem_shared>>)
        tpu.yield
      }) : () -> ()
    } else {
    }
    %barrier3A_116 = arith.constant 0 : index
    tpu.barrier barrier_id(%barrier3A_116)
    "tpu.region"() ({
      %run_scoped3A = tpu.sem_alloc : memref<!tpu.dma_semaphore, #tpu.memory_space<semaphore_mem>>
      %dma_start3A_117 = arith.constant 0 : i32
      %dma_start3A_118 = tpu.memref_slice %arg6[%arg0, %mul3A_42, %dma_start3A_117] : memref<2x10240x128xf32, #tpu.memory_space<hbm>> -> memref<1x640x128xf32, #tpu.memory_space<hbm>>
      %dma_start3A_119 = tpu.memref_squeeze %dma_start3A_118 : memref<1x640x128xf32, #tpu.memory_space<hbm>> -> memref<640x128xf32, #tpu.memory_space<hbm>>
      %dma_start3A_120 = arith.constant 0 : i32
      %dma_start3A_121 = tpu.memref_slice %arg18[%mul3A_42, %dma_start3A_120] : memref<10240x128xf32, #tpu.memory_space<vmem_shared>> -> memref<640x128xf32, #tpu.memory_space<vmem_shared>>
      tpu.enqueue_dma source(%dma_start3A_121 : memref<640x128xf32, #tpu.memory_space<vmem_shared>>) target(%dma_start3A_119 : memref<640x128xf32, #tpu.memory_space<hbm>>) target_semaphore(%run_scoped3A : memref<!tpu.dma_semaphore, #tpu.memory_space<semaphore_mem>>)
      %dma_wait3A_122 = arith.constant 0 : i32
      %dma_wait3A_123 = tpu.memref_slice %arg6[%arg0, %mul3A_42, %dma_wait3A_122] : memref<2x10240x128xf32, #tpu.memory_space<hbm>> -> memref<1x640x128xf32, #tpu.memory_space<hbm>>
      %dma_wait3A_124 = tpu.memref_squeeze %dma_wait3A_123 : memref<1x640x128xf32, #tpu.memory_space<hbm>> -> memref<640x128xf32, #tpu.memory_space<hbm>>
      %dma_wait3A_125 = arith.constant 0 : i32
      %dma_wait3A_126 = tpu.memref_slice %arg18[%mul3A_42, %dma_wait3A_125] : memref<10240x128xf32, #tpu.memory_space<vmem_shared>> -> memref<640x128xf32, #tpu.memory_space<vmem_shared>>
      tpu.wait_dma2 semaphore(%run_scoped3A : memref<!tpu.dma_semaphore, #tpu.memory_space<semaphore_mem>>) src(%dma_wait3A_126 : memref<640x128xf32, #tpu.memory_space<vmem_shared>>) dst(%dma_wait3A_124 : memref<640x128xf32, #tpu.memory_space<hbm>>)
      tpu.yield
    }) : () -> ()
    return
  }
}

#map = affine_map<(d0, d1) -> (0)>
#map1 = affine_map<(d0, d1) -> (0, 0, 0)>
module attributes {stable_mosaic.version = 14 : i64} {
  func.func @deg_kernel(%arg0: i32, %arg1: i32, %arg2: memref<320000xi32, #tpu.memory_space<hbm>>, %arg3: memref<10240xf32, #tpu.memory_space<hbm>>, %arg4: memref<2x16x640xf32, #tpu.memory_space<hbm>>, %arg5: memref<10000xi32, #tpu.memory_space<vmem>>, %arg6: memref<10240xf32, #tpu.memory_space<vmem>>, %arg7: memref<16x640xf32, #tpu.memory_space<vmem>>, %arg8: memref<640xf32, #tpu.memory_space<vmem>>, %arg9: memref<16x10240xf32, #tpu.memory_space<vmem_shared>>, %arg10: memref<!tpu.dma_semaphore, #tpu.memory_space<semaphore_mem>>) attributes {dimension_semantics = [#tpu.dimension_semantics<core_parallel>, #tpu.dimension_semantics<subcore_parallel>], iteration_bounds = array<i64: 2, 16>, scalar_prefetch = 0 : i64, scratch_operands = 6 : i64, tpu.core_type = #tpu.core_type<sc_vector_subcore>, window_params = [{transform_indices = #map}, {transform_indices = #map}, {transform_indices = #map1}]} {
    %mul3A = arith.constant 16 : i32
    %mul3A_0 = arith.muli %arg0, %mul3A : i32
    %add3A = arith.addi %mul3A_0, %arg1 : i32
    %mul3A_1 = arith.constant 10000 : i32
    %mul3A_2 = arith.muli %add3A, %mul3A_1 : i32
    %multiple_of3A = tpu.assume_multiple %mul3A_2, 8 : i32
    %dma_start3A = tpu.memref_slice %arg2[%multiple_of3A] : memref<320000xi32, #tpu.memory_space<hbm>> -> memref<10000xi32, #tpu.memory_space<hbm>>
    %dma_start3A_3 = tpu.memref_slice %arg2[%multiple_of3A] : memref<320000xi32, #tpu.memory_space<hbm>> -> memref<10000xi32, #tpu.memory_space<hbm>>
    tpu.enqueue_dma source(%dma_start3A_3 : memref<10000xi32, #tpu.memory_space<hbm>>) target(%arg5 : memref<10000xi32, #tpu.memory_space<vmem>>) target_semaphore(%arg10 : memref<!tpu.dma_semaphore, #tpu.memory_space<semaphore_mem>>)
    "tpu.region"() ({
      %run_scoped3A_51 = tpu.sem_alloc : memref<!tpu.dma_semaphore, #tpu.memory_space<semaphore_mem>>
      tpu.enqueue_dma source(%arg3 : memref<10240xf32, #tpu.memory_space<hbm>>) target(%arg6 : memref<10240xf32, #tpu.memory_space<vmem>>) target_semaphore(%run_scoped3A_51 : memref<!tpu.dma_semaphore, #tpu.memory_space<semaphore_mem>>)
      tpu.wait_dma2 semaphore(%run_scoped3A_51 : memref<!tpu.dma_semaphore, #tpu.memory_space<semaphore_mem>>) src(%arg3 : memref<10240xf32, #tpu.memory_space<hbm>>) dst(%arg6 : memref<10240xf32, #tpu.memory_space<vmem>>)
      tpu.yield
    }) : () -> ()
    %multiple_of3A_4 = tpu.assume_multiple %mul3A_2, 8 : i32
    %dma_wait3A = tpu.memref_slice %arg2[%multiple_of3A_4] : memref<320000xi32, #tpu.memory_space<hbm>> -> memref<10000xi32, #tpu.memory_space<hbm>>
    %dma_wait3A_5 = tpu.memref_slice %arg2[%multiple_of3A_4] : memref<320000xi32, #tpu.memory_space<hbm>> -> memref<10000xi32, #tpu.memory_space<hbm>>
    tpu.wait_dma2 semaphore(%arg10 : memref<!tpu.dma_semaphore, #tpu.memory_space<semaphore_mem>>) src(%dma_wait3A_5 : memref<10000xi32, #tpu.memory_space<hbm>>) dst(%arg5 : memref<10000xi32, #tpu.memory_space<vmem>>)
    %broadcast_in_dim3A = arith.constant 1.000000e+00 : f32
    %broadcast_in_dim3A_6 = vector.broadcast %broadcast_in_dim3A : f32 to vector<16xf32>
    %scan3A = arith.constant 0 : i32
    %scan3A_7 = arith.constant 0 : i32
    %scan3A_8 = arith.constant 625 : i32
    %scan3A_9 = arith.addi %scan3A_7, %scan3A_8 : i32
    %scan3A_10 = arith.constant 1 : i32
    scf.for %scan3A_51 = %scan3A_7 to %scan3A_9 step %scan3A_10  : i32 {
      %mul3A_52 = arith.constant 16 : i32
      %mul3A_53 = arith.muli %scan3A_51, %mul3A_52 : i32
      %get3A = arith.index_cast %mul3A_53 : i32 to index
      %get3A_54 = tpu.vector_load %arg5[%get3A] {strides = array<i32>} : memref<10000xi32, #tpu.memory_space<vmem>>, vector<16xi32>,
      tpu.vector_store_idx %arg6[%get3A_54], %broadcast_in_dim3A_6 {add = true} : memref<10240xf32, #tpu.memory_space<vmem>>[vector<16xi32>], vector<16xf32>,
    }
    %scan3A_11 = arith.constant 625 : i32
    "tpu.region"() ({
      %run_scoped3A_51 = tpu.sem_alloc : memref<!tpu.dma_semaphore, #tpu.memory_space<semaphore_mem>>
      %dma_start3A_52 = arith.constant 0 : i32
      %dma_start3A_53 = tpu.memref_slice %arg9[%arg1, %dma_start3A_52] : memref<16x10240xf32, #tpu.memory_space<vmem_shared>> -> memref<1x10240xf32, #tpu.memory_space<vmem_shared>>
      %dma_start3A_54 = tpu.memref_squeeze %dma_start3A_53 : memref<1x10240xf32, #tpu.memory_space<vmem_shared>> -> memref<10240xf32, #tpu.memory_space<vmem_shared>>
      %dma_start3A_55 = arith.constant 0 : i32
      %dma_start3A_56 = tpu.memref_slice %arg9[%arg1, %dma_start3A_55] : memref<16x10240xf32, #tpu.memory_space<vmem_shared>> -> memref<1x10240xf32, #tpu.memory_space<vmem_shared>>
      %dma_start3A_57 = tpu.memref_squeeze %dma_start3A_56 : memref<1x10240xf32, #tpu.memory_space<vmem_shared>> -> memref<10240xf32, #tpu.memory_space<vmem_shared>>
      tpu.enqueue_dma source(%arg6 : memref<10240xf32, #tpu.memory_space<vmem>>) target(%dma_start3A_57 : memref<10240xf32, #tpu.memory_space<vmem_shared>>) target_semaphore(%run_scoped3A_51 : memref<!tpu.dma_semaphore, #tpu.memory_space<semaphore_mem>>)
      %dma_wait3A_58 = arith.constant 0 : i32
      %dma_wait3A_59 = tpu.memref_slice %arg9[%arg1, %dma_wait3A_58] : memref<16x10240xf32, #tpu.memory_space<vmem_shared>> -> memref<1x10240xf32, #tpu.memory_space<vmem_shared>>
      %dma_wait3A_60 = tpu.memref_squeeze %dma_wait3A_59 : memref<1x10240xf32, #tpu.memory_space<vmem_shared>> -> memref<10240xf32, #tpu.memory_space<vmem_shared>>
      %dma_wait3A_61 = arith.constant 0 : i32
      %dma_wait3A_62 = tpu.memref_slice %arg9[%arg1, %dma_wait3A_61] : memref<16x10240xf32, #tpu.memory_space<vmem_shared>> -> memref<1x10240xf32, #tpu.memory_space<vmem_shared>>
      %dma_wait3A_63 = tpu.memref_squeeze %dma_wait3A_62 : memref<1x10240xf32, #tpu.memory_space<vmem_shared>> -> memref<10240xf32, #tpu.memory_space<vmem_shared>>
      tpu.wait_dma2 semaphore(%run_scoped3A_51 : memref<!tpu.dma_semaphore, #tpu.memory_space<semaphore_mem>>) src(%arg6 : memref<10240xf32, #tpu.memory_space<vmem>>) dst(%dma_wait3A_63 : memref<10240xf32, #tpu.memory_space<vmem_shared>>)
      tpu.yield
    }) : () -> ()
    %barrier3A = arith.constant 0 : index
    tpu.barrier barrier_id(%barrier3A)
    %mul3A_12 = arith.constant 640 : i32
    %mul3A_13 = arith.muli %arg1, %mul3A_12 : i32
    %run_scoped3A = arith.constant 0 : i32
    %run_scoped3A_14 = arith.constant 0 : i32
    "tpu.region"() ({
      %run_scoped3A_51 = tpu.sem_alloc : memref<!tpu.dma_semaphore, #tpu.memory_space<semaphore_mem>>
      %dma_start3A_52 = arith.constant 0 : i32
      %dma_start3A_53 = tpu.memref_slice %arg7[%run_scoped3A_14, %dma_start3A_52] : memref<16x640xf32, #tpu.memory_space<vmem>> -> memref<1x640xf32, #tpu.memory_space<vmem>>
      %dma_start3A_54 = tpu.memref_squeeze %dma_start3A_53 : memref<1x640xf32, #tpu.memory_space<vmem>> -> memref<640xf32, #tpu.memory_space<vmem>>
      %dma_start3A_55 = tpu.memref_slice %arg9[%run_scoped3A, %mul3A_13] : memref<16x10240xf32, #tpu.memory_space<vmem_shared>> -> memref<1x640xf32, #tpu.memory_space<vmem_shared>>
      %dma_start3A_56 = tpu.memref_squeeze %dma_start3A_55 : memref<1x640xf32, #tpu.memory_space<vmem_shared>> -> memref<640xf32, #tpu.memory_space<vmem_shared>>
      %dma_start3A_57 = arith.constant 0 : i32
      %dma_start3A_58 = tpu.memref_slice %arg7[%run_scoped3A_14, %dma_start3A_57] : memref<16x640xf32, #tpu.memory_space<vmem>> -> memref<1x640xf32, #tpu.memory_space<vmem>>
      %dma_start3A_59 = tpu.memref_squeeze %dma_start3A_58 : memref<1x640xf32, #tpu.memory_space<vmem>> -> memref<640xf32, #tpu.memory_space<vmem>>
      %dma_start3A_60 = tpu.memref_slice %arg9[%run_scoped3A, %mul3A_13] : memref<16x10240xf32, #tpu.memory_space<vmem_shared>> -> memref<1x640xf32, #tpu.memory_space<vmem_shared>>
      %dma_start3A_61 = tpu.memref_squeeze %dma_start3A_60 : memref<1x640xf32, #tpu.memory_space<vmem_shared>> -> memref<640xf32, #tpu.memory_space<vmem_shared>>
      tpu.enqueue_dma source(%dma_start3A_61 : memref<640xf32, #tpu.memory_space<vmem_shared>>) target(%dma_start3A_59 : memref<640xf32, #tpu.memory_space<vmem>>) target_semaphore(%run_scoped3A_51 : memref<!tpu.dma_semaphore, #tpu.memory_space<semaphore_mem>>)
      %dma_wait3A_62 = arith.constant 0 : i32
      %dma_wait3A_63 = tpu.memref_slice %arg7[%run_scoped3A_14, %dma_wait3A_62] : memref<16x640xf32, #tpu.memory_space<vmem>> -> memref<1x640xf32, #tpu.memory_space<vmem>>
      %dma_wait3A_64 = tpu.memref_squeeze %dma_wait3A_63 : memref<1x640xf32, #tpu.memory_space<vmem>> -> memref<640xf32, #tpu.memory_space<vmem>>
      %dma_wait3A_65 = tpu.memref_slice %arg9[%run_scoped3A, %mul3A_13] : memref<16x10240xf32, #tpu.memory_space<vmem_shared>> -> memref<1x640xf32, #tpu.memory_space<vmem_shared>>
      %dma_wait3A_66 = tpu.memref_squeeze %dma_wait3A_65 : memref<1x640xf32, #tpu.memory_space<vmem_shared>> -> memref<640xf32, #tpu.memory_space<vmem_shared>>
      %dma_wait3A_67 = arith.constant 0 : i32
      %dma_wait3A_68 = tpu.memref_slice %arg7[%run_scoped3A_14, %dma_wait3A_67] : memref<16x640xf32, #tpu.memory_space<vmem>> -> memref<1x640xf32, #tpu.memory_space<vmem>>
      %dma_wait3A_69 = tpu.memref_squeeze %dma_wait3A_68 : memref<1x640xf32, #tpu.memory_space<vmem>> -> memref<640xf32, #tpu.memory_space<vmem>>
      %dma_wait3A_70 = tpu.memref_slice %arg9[%run_scoped3A, %mul3A_13] : memref<16x10240xf32, #tpu.memory_space<vmem_shared>> -> memref<1x640xf32, #tpu.memory_space<vmem_shared>>
      %dma_wait3A_71 = tpu.memref_squeeze %dma_wait3A_70 : memref<1x640xf32, #tpu.memory_space<vmem_shared>> -> memref<640xf32, #tpu.memory_space<vmem_shared>>
      tpu.wait_dma2 semaphore(%run_scoped3A_51 : memref<!tpu.dma_semaphore, #tpu.memory_space<semaphore_mem>>) src(%dma_wait3A_71 : memref<640xf32, #tpu.memory_space<vmem_shared>>) dst(%dma_wait3A_69 : memref<640xf32, #tpu.memory_space<vmem>>)
      tpu.yield
    }) : () -> ()
    %run_scoped3A_15 = arith.constant 1 : i32
    %run_scoped3A_16 = arith.constant 1 : i32
    "tpu.region"() ({
      %run_scoped3A_51 = tpu.sem_alloc : memref<!tpu.dma_semaphore, #tpu.memory_space<semaphore_mem>>
      %dma_start3A_52 = arith.constant 0 : i32
      %dma_start3A_53 = tpu.memref_slice %arg7[%run_scoped3A_16, %dma_start3A_52] : memref<16x640xf32, #tpu.memory_space<vmem>> -> memref<1x640xf32, #tpu.memory_space<vmem>>
      %dma_start3A_54 = tpu.memref_squeeze %dma_start3A_53 : memref<1x640xf32, #tpu.memory_space<vmem>> -> memref<640xf32, #tpu.memory_space<vmem>>
      %dma_start3A_55 = tpu.memref_slice %arg9[%run_scoped3A_15, %mul3A_13] : memref<16x10240xf32, #tpu.memory_space<vmem_shared>> -> memref<1x640xf32, #tpu.memory_space<vmem_shared>>
      %dma_start3A_56 = tpu.memref_squeeze %dma_start3A_55 : memref<1x640xf32, #tpu.memory_space<vmem_shared>> -> memref<640xf32, #tpu.memory_space<vmem_shared>>
      %dma_start3A_57 = arith.constant 0 : i32
      %dma_start3A_58 = tpu.memref_slice %arg7[%run_scoped3A_16, %dma_start3A_57] : memref<16x640xf32, #tpu.memory_space<vmem>> -> memref<1x640xf32, #tpu.memory_space<vmem>>
      %dma_start3A_59 = tpu.memref_squeeze %dma_start3A_58 : memref<1x640xf32, #tpu.memory_space<vmem>> -> memref<640xf32, #tpu.memory_space<vmem>>
      %dma_start3A_60 = tpu.memref_slice %arg9[%run_scoped3A_15, %mul3A_13] : memref<16x10240xf32, #tpu.memory_space<vmem_shared>> -> memref<1x640xf32, #tpu.memory_space<vmem_shared>>
      %dma_start3A_61 = tpu.memref_squeeze %dma_start3A_60 : memref<1x640xf32, #tpu.memory_space<vmem_shared>> -> memref<640xf32, #tpu.memory_space<vmem_shared>>
      tpu.enqueue_dma source(%dma_start3A_61 : memref<640xf32, #tpu.memory_space<vmem_shared>>) target(%dma_start3A_59 : memref<640xf32, #tpu.memory_space<vmem>>) target_semaphore(%run_scoped3A_51 : memref<!tpu.dma_semaphore, #tpu.memory_space<semaphore_mem>>)
      %dma_wait3A_62 = arith.constant 0 : i32
      %dma_wait3A_63 = tpu.memref_slice %arg7[%run_scoped3A_16, %dma_wait3A_62] : memref<16x640xf32, #tpu.memory_space<vmem>> -> memref<1x640xf32, #tpu.memory_space<vmem>>
      %dma_wait3A_64 = tpu.memref_squeeze %dma_wait3A_63 : memref<1x640xf32, #tpu.memory_space<vmem>> -> memref<640xf32, #tpu.memory_space<vmem>>
      %dma_wait3A_65 = tpu.memref_slice %arg9[%run_scoped3A_15, %mul3A_13] : memref<16x10240xf32, #tpu.memory_space<vmem_shared>> -> memref<1x640xf32, #tpu.memory_space<vmem_shared>>
      %dma_wait3A_66 = tpu.memref_squeeze %dma_wait3A_65 : memref<1x640xf32, #tpu.memory_space<vmem_shared>> -> memref<640xf32, #tpu.memory_space<vmem_shared>>
      %dma_wait3A_67 = arith.constant 0 : i32
      %dma_wait3A_68 = tpu.memref_slice %arg7[%run_scoped3A_16, %dma_wait3A_67] : memref<16x640xf32, #tpu.memory_space<vmem>> -> memref<1x640xf32, #tpu.memory_space<vmem>>
      %dma_wait3A_69 = tpu.memref_squeeze %dma_wait3A_68 : memref<1x640xf32, #tpu.memory_space<vmem>> -> memref<640xf32, #tpu.memory_space<vmem>>
      %dma_wait3A_70 = tpu.memref_slice %arg9[%run_scoped3A_15, %mul3A_13] : memref<16x10240xf32, #tpu.memory_space<vmem_shared>> -> memref<1x640xf32, #tpu.memory_space<vmem_shared>>
      %dma_wait3A_71 = tpu.memref_squeeze %dma_wait3A_70 : memref<1x640xf32, #tpu.memory_space<vmem_shared>> -> memref<640xf32, #tpu.memory_space<vmem_shared>>
      tpu.wait_dma2 semaphore(%run_scoped3A_51 : memref<!tpu.dma_semaphore, #tpu.memory_space<semaphore_mem>>) src(%dma_wait3A_71 : memref<640xf32, #tpu.memory_space<vmem_shared>>) dst(%dma_wait3A_69 : memref<640xf32, #tpu.memory_space<vmem>>)
      tpu.yield
    }) : () -> ()
    %run_scoped3A_17 = arith.constant 2 : i32
    %run_scoped3A_18 = arith.constant 2 : i32
    "tpu.region"() ({
      %run_scoped3A_51 = tpu.sem_alloc : memref<!tpu.dma_semaphore, #tpu.memory_space<semaphore_mem>>
      %dma_start3A_52 = arith.constant 0 : i32
      %dma_start3A_53 = tpu.memref_slice %arg7[%run_scoped3A_18, %dma_start3A_52] : memref<16x640xf32, #tpu.memory_space<vmem>> -> memref<1x640xf32, #tpu.memory_space<vmem>>
      %dma_start3A_54 = tpu.memref_squeeze %dma_start3A_53 : memref<1x640xf32, #tpu.memory_space<vmem>> -> memref<640xf32, #tpu.memory_space<vmem>>
      %dma_start3A_55 = tpu.memref_slice %arg9[%run_scoped3A_17, %mul3A_13] : memref<16x10240xf32, #tpu.memory_space<vmem_shared>> -> memref<1x640xf32, #tpu.memory_space<vmem_shared>>
      %dma_start3A_56 = tpu.memref_squeeze %dma_start3A_55 : memref<1x640xf32, #tpu.memory_space<vmem_shared>> -> memref<640xf32, #tpu.memory_space<vmem_shared>>
      %dma_start3A_57 = arith.constant 0 : i32
      %dma_start3A_58 = tpu.memref_slice %arg7[%run_scoped3A_18, %dma_start3A_57] : memref<16x640xf32, #tpu.memory_space<vmem>> -> memref<1x640xf32, #tpu.memory_space<vmem>>
      %dma_start3A_59 = tpu.memref_squeeze %dma_start3A_58 : memref<1x640xf32, #tpu.memory_space<vmem>> -> memref<640xf32, #tpu.memory_space<vmem>>
      %dma_start3A_60 = tpu.memref_slice %arg9[%run_scoped3A_17, %mul3A_13] : memref<16x10240xf32, #tpu.memory_space<vmem_shared>> -> memref<1x640xf32, #tpu.memory_space<vmem_shared>>
      %dma_start3A_61 = tpu.memref_squeeze %dma_start3A_60 : memref<1x640xf32, #tpu.memory_space<vmem_shared>> -> memref<640xf32, #tpu.memory_space<vmem_shared>>
      tpu.enqueue_dma source(%dma_start3A_61 : memref<640xf32, #tpu.memory_space<vmem_shared>>) target(%dma_start3A_59 : memref<640xf32, #tpu.memory_space<vmem>>) target_semaphore(%run_scoped3A_51 : memref<!tpu.dma_semaphore, #tpu.memory_space<semaphore_mem>>)
      %dma_wait3A_62 = arith.constant 0 : i32
      %dma_wait3A_63 = tpu.memref_slice %arg7[%run_scoped3A_18, %dma_wait3A_62] : memref<16x640xf32, #tpu.memory_space<vmem>> -> memref<1x640xf32, #tpu.memory_space<vmem>>
      %dma_wait3A_64 = tpu.memref_squeeze %dma_wait3A_63 : memref<1x640xf32, #tpu.memory_space<vmem>> -> memref<640xf32, #tpu.memory_space<vmem>>
      %dma_wait3A_65 = tpu.memref_slice %arg9[%run_scoped3A_17, %mul3A_13] : memref<16x10240xf32, #tpu.memory_space<vmem_shared>> -> memref<1x640xf32, #tpu.memory_space<vmem_shared>>
      %dma_wait3A_66 = tpu.memref_squeeze %dma_wait3A_65 : memref<1x640xf32, #tpu.memory_space<vmem_shared>> -> memref<640xf32, #tpu.memory_space<vmem_shared>>
      %dma_wait3A_67 = arith.constant 0 : i32
      %dma_wait3A_68 = tpu.memref_slice %arg7[%run_scoped3A_18, %dma_wait3A_67] : memref<16x640xf32, #tpu.memory_space<vmem>> -> memref<1x640xf32, #tpu.memory_space<vmem>>
      %dma_wait3A_69 = tpu.memref_squeeze %dma_wait3A_68 : memref<1x640xf32, #tpu.memory_space<vmem>> -> memref<640xf32, #tpu.memory_space<vmem>>
      %dma_wait3A_70 = tpu.memref_slice %arg9[%run_scoped3A_17, %mul3A_13] : memref<16x10240xf32, #tpu.memory_space<vmem_shared>> -> memref<1x640xf32, #tpu.memory_space<vmem_shared>>
      %dma_wait3A_71 = tpu.memref_squeeze %dma_wait3A_70 : memref<1x640xf32, #tpu.memory_space<vmem_shared>> -> memref<640xf32, #tpu.memory_space<vmem_shared>>
      tpu.wait_dma2 semaphore(%run_scoped3A_51 : memref<!tpu.dma_semaphore, #tpu.memory_space<semaphore_mem>>) src(%dma_wait3A_71 : memref<640xf32, #tpu.memory_space<vmem_shared>>) dst(%dma_wait3A_69 : memref<640xf32, #tpu.memory_space<vmem>>)
      tpu.yield
    }) : () -> ()
    %run_scoped3A_19 = arith.constant 3 : i32
    %run_scoped3A_20 = arith.constant 3 : i32
    "tpu.region"() ({
      %run_scoped3A_51 = tpu.sem_alloc : memref<!tpu.dma_semaphore, #tpu.memory_space<semaphore_mem>>
      %dma_start3A_52 = arith.constant 0 : i32
      %dma_start3A_53 = tpu.memref_slice %arg7[%run_scoped3A_20, %dma_start3A_52] : memref<16x640xf32, #tpu.memory_space<vmem>> -> memref<1x640xf32, #tpu.memory_space<vmem>>
      %dma_start3A_54 = tpu.memref_squeeze %dma_start3A_53 : memref<1x640xf32, #tpu.memory_space<vmem>> -> memref<640xf32, #tpu.memory_space<vmem>>
      %dma_start3A_55 = tpu.memref_slice %arg9[%run_scoped3A_19, %mul3A_13] : memref<16x10240xf32, #tpu.memory_space<vmem_shared>> -> memref<1x640xf32, #tpu.memory_space<vmem_shared>>
      %dma_start3A_56 = tpu.memref_squeeze %dma_start3A_55 : memref<1x640xf32, #tpu.memory_space<vmem_shared>> -> memref<640xf32, #tpu.memory_space<vmem_shared>>
      %dma_start3A_57 = arith.constant 0 : i32
      %dma_start3A_58 = tpu.memref_slice %arg7[%run_scoped3A_20, %dma_start3A_57] : memref<16x640xf32, #tpu.memory_space<vmem>> -> memref<1x640xf32, #tpu.memory_space<vmem>>
      %dma_start3A_59 = tpu.memref_squeeze %dma_start3A_58 : memref<1x640xf32, #tpu.memory_space<vmem>> -> memref<640xf32, #tpu.memory_space<vmem>>
      %dma_start3A_60 = tpu.memref_slice %arg9[%run_scoped3A_19, %mul3A_13] : memref<16x10240xf32, #tpu.memory_space<vmem_shared>> -> memref<1x640xf32, #tpu.memory_space<vmem_shared>>
      %dma_start3A_61 = tpu.memref_squeeze %dma_start3A_60 : memref<1x640xf32, #tpu.memory_space<vmem_shared>> -> memref<640xf32, #tpu.memory_space<vmem_shared>>
      tpu.enqueue_dma source(%dma_start3A_61 : memref<640xf32, #tpu.memory_space<vmem_shared>>) target(%dma_start3A_59 : memref<640xf32, #tpu.memory_space<vmem>>) target_semaphore(%run_scoped3A_51 : memref<!tpu.dma_semaphore, #tpu.memory_space<semaphore_mem>>)
      %dma_wait3A_62 = arith.constant 0 : i32
      %dma_wait3A_63 = tpu.memref_slice %arg7[%run_scoped3A_20, %dma_wait3A_62] : memref<16x640xf32, #tpu.memory_space<vmem>> -> memref<1x640xf32, #tpu.memory_space<vmem>>
      %dma_wait3A_64 = tpu.memref_squeeze %dma_wait3A_63 : memref<1x640xf32, #tpu.memory_space<vmem>> -> memref<640xf32, #tpu.memory_space<vmem>>
      %dma_wait3A_65 = tpu.memref_slice %arg9[%run_scoped3A_19, %mul3A_13] : memref<16x10240xf32, #tpu.memory_space<vmem_shared>> -> memref<1x640xf32, #tpu.memory_space<vmem_shared>>
      %dma_wait3A_66 = tpu.memref_squeeze %dma_wait3A_65 : memref<1x640xf32, #tpu.memory_space<vmem_shared>> -> memref<640xf32, #tpu.memory_space<vmem_shared>>
      %dma_wait3A_67 = arith.constant 0 : i32
      %dma_wait3A_68 = tpu.memref_slice %arg7[%run_scoped3A_20, %dma_wait3A_67] : memref<16x640xf32, #tpu.memory_space<vmem>> -> memref<1x640xf32, #tpu.memory_space<vmem>>
      %dma_wait3A_69 = tpu.memref_squeeze %dma_wait3A_68 : memref<1x640xf32, #tpu.memory_space<vmem>> -> memref<640xf32, #tpu.memory_space<vmem>>
      %dma_wait3A_70 = tpu.memref_slice %arg9[%run_scoped3A_19, %mul3A_13] : memref<16x10240xf32, #tpu.memory_space<vmem_shared>> -> memref<1x640xf32, #tpu.memory_space<vmem_shared>>
      %dma_wait3A_71 = tpu.memref_squeeze %dma_wait3A_70 : memref<1x640xf32, #tpu.memory_space<vmem_shared>> -> memref<640xf32, #tpu.memory_space<vmem_shared>>
      tpu.wait_dma2 semaphore(%run_scoped3A_51 : memref<!tpu.dma_semaphore, #tpu.memory_space<semaphore_mem>>) src(%dma_wait3A_71 : memref<640xf32, #tpu.memory_space<vmem_shared>>) dst(%dma_wait3A_69 : memref<640xf32, #tpu.memory_space<vmem>>)
      tpu.yield
    }) : () -> ()
    %run_scoped3A_21 = arith.constant 4 : i32
    %run_scoped3A_22 = arith.constant 4 : i32
    "tpu.region"() ({
      %run_scoped3A_51 = tpu.sem_alloc : memref<!tpu.dma_semaphore, #tpu.memory_space<semaphore_mem>>
      %dma_start3A_52 = arith.constant 0 : i32
      %dma_start3A_53 = tpu.memref_slice %arg7[%run_scoped3A_22, %dma_start3A_52] : memref<16x640xf32, #tpu.memory_space<vmem>> -> memref<1x640xf32, #tpu.memory_space<vmem>>
      %dma_start3A_54 = tpu.memref_squeeze %dma_start3A_53 : memref<1x640xf32, #tpu.memory_space<vmem>> -> memref<640xf32, #tpu.memory_space<vmem>>
      %dma_start3A_55 = tpu.memref_slice %arg9[%run_scoped3A_21, %mul3A_13] : memref<16x10240xf32, #tpu.memory_space<vmem_shared>> -> memref<1x640xf32, #tpu.memory_space<vmem_shared>>
      %dma_start3A_56 = tpu.memref_squeeze %dma_start3A_55 : memref<1x640xf32, #tpu.memory_space<vmem_shared>> -> memref<640xf32, #tpu.memory_space<vmem_shared>>
      %dma_start3A_57 = arith.constant 0 : i32
      %dma_start3A_58 = tpu.memref_slice %arg7[%run_scoped3A_22, %dma_start3A_57] : memref<16x640xf32, #tpu.memory_space<vmem>> -> memref<1x640xf32, #tpu.memory_space<vmem>>
      %dma_start3A_59 = tpu.memref_squeeze %dma_start3A_58 : memref<1x640xf32, #tpu.memory_space<vmem>> -> memref<640xf32, #tpu.memory_space<vmem>>
      %dma_start3A_60 = tpu.memref_slice %arg9[%run_scoped3A_21, %mul3A_13] : memref<16x10240xf32, #tpu.memory_space<vmem_shared>> -> memref<1x640xf32, #tpu.memory_space<vmem_shared>>
      %dma_start3A_61 = tpu.memref_squeeze %dma_start3A_60 : memref<1x640xf32, #tpu.memory_space<vmem_shared>> -> memref<640xf32, #tpu.memory_space<vmem_shared>>
      tpu.enqueue_dma source(%dma_start3A_61 : memref<640xf32, #tpu.memory_space<vmem_shared>>) target(%dma_start3A_59 : memref<640xf32, #tpu.memory_space<vmem>>) target_semaphore(%run_scoped3A_51 : memref<!tpu.dma_semaphore, #tpu.memory_space<semaphore_mem>>)
      %dma_wait3A_62 = arith.constant 0 : i32
      %dma_wait3A_63 = tpu.memref_slice %arg7[%run_scoped3A_22, %dma_wait3A_62] : memref<16x640xf32, #tpu.memory_space<vmem>> -> memref<1x640xf32, #tpu.memory_space<vmem>>
      %dma_wait3A_64 = tpu.memref_squeeze %dma_wait3A_63 : memref<1x640xf32, #tpu.memory_space<vmem>> -> memref<640xf32, #tpu.memory_space<vmem>>
      %dma_wait3A_65 = tpu.memref_slice %arg9[%run_scoped3A_21, %mul3A_13] : memref<16x10240xf32, #tpu.memory_space<vmem_shared>> -> memref<1x640xf32, #tpu.memory_space<vmem_shared>>
      %dma_wait3A_66 = tpu.memref_squeeze %dma_wait3A_65 : memref<1x640xf32, #tpu.memory_space<vmem_shared>> -> memref<640xf32, #tpu.memory_space<vmem_shared>>
      %dma_wait3A_67 = arith.constant 0 : i32
      %dma_wait3A_68 = tpu.memref_slice %arg7[%run_scoped3A_22, %dma_wait3A_67] : memref<16x640xf32, #tpu.memory_space<vmem>> -> memref<1x640xf32, #tpu.memory_space<vmem>>
      %dma_wait3A_69 = tpu.memref_squeeze %dma_wait3A_68 : memref<1x640xf32, #tpu.memory_space<vmem>> -> memref<640xf32, #tpu.memory_space<vmem>>
      %dma_wait3A_70 = tpu.memref_slice %arg9[%run_scoped3A_21, %mul3A_13] : memref<16x10240xf32, #tpu.memory_space<vmem_shared>> -> memref<1x640xf32, #tpu.memory_space<vmem_shared>>
      %dma_wait3A_71 = tpu.memref_squeeze %dma_wait3A_70 : memref<1x640xf32, #tpu.memory_space<vmem_shared>> -> memref<640xf32, #tpu.memory_space<vmem_shared>>
      tpu.wait_dma2 semaphore(%run_scoped3A_51 : memref<!tpu.dma_semaphore, #tpu.memory_space<semaphore_mem>>) src(%dma_wait3A_71 : memref<640xf32, #tpu.memory_space<vmem_shared>>) dst(%dma_wait3A_69 : memref<640xf32, #tpu.memory_space<vmem>>)
      tpu.yield
    }) : () -> ()
    %run_scoped3A_23 = arith.constant 5 : i32
    %run_scoped3A_24 = arith.constant 5 : i32
    "tpu.region"() ({
      %run_scoped3A_51 = tpu.sem_alloc : memref<!tpu.dma_semaphore, #tpu.memory_space<semaphore_mem>>
      %dma_start3A_52 = arith.constant 0 : i32
      %dma_start3A_53 = tpu.memref_slice %arg7[%run_scoped3A_24, %dma_start3A_52] : memref<16x640xf32, #tpu.memory_space<vmem>> -> memref<1x640xf32, #tpu.memory_space<vmem>>
      %dma_start3A_54 = tpu.memref_squeeze %dma_start3A_53 : memref<1x640xf32, #tpu.memory_space<vmem>> -> memref<640xf32, #tpu.memory_space<vmem>>
      %dma_start3A_55 = tpu.memref_slice %arg9[%run_scoped3A_23, %mul3A_13] : memref<16x10240xf32, #tpu.memory_space<vmem_shared>> -> memref<1x640xf32, #tpu.memory_space<vmem_shared>>
      %dma_start3A_56 = tpu.memref_squeeze %dma_start3A_55 : memref<1x640xf32, #tpu.memory_space<vmem_shared>> -> memref<640xf32, #tpu.memory_space<vmem_shared>>
      %dma_start3A_57 = arith.constant 0 : i32
      %dma_start3A_58 = tpu.memref_slice %arg7[%run_scoped3A_24, %dma_start3A_57] : memref<16x640xf32, #tpu.memory_space<vmem>> -> memref<1x640xf32, #tpu.memory_space<vmem>>
      %dma_start3A_59 = tpu.memref_squeeze %dma_start3A_58 : memref<1x640xf32, #tpu.memory_space<vmem>> -> memref<640xf32, #tpu.memory_space<vmem>>
      %dma_start3A_60 = tpu.memref_slice %arg9[%run_scoped3A_23, %mul3A_13] : memref<16x10240xf32, #tpu.memory_space<vmem_shared>> -> memref<1x640xf32, #tpu.memory_space<vmem_shared>>
      %dma_start3A_61 = tpu.memref_squeeze %dma_start3A_60 : memref<1x640xf32, #tpu.memory_space<vmem_shared>> -> memref<640xf32, #tpu.memory_space<vmem_shared>>
      tpu.enqueue_dma source(%dma_start3A_61 : memref<640xf32, #tpu.memory_space<vmem_shared>>) target(%dma_start3A_59 : memref<640xf32, #tpu.memory_space<vmem>>) target_semaphore(%run_scoped3A_51 : memref<!tpu.dma_semaphore, #tpu.memory_space<semaphore_mem>>)
      %dma_wait3A_62 = arith.constant 0 : i32
      %dma_wait3A_63 = tpu.memref_slice %arg7[%run_scoped3A_24, %dma_wait3A_62] : memref<16x640xf32, #tpu.memory_space<vmem>> -> memref<1x640xf32, #tpu.memory_space<vmem>>
      %dma_wait3A_64 = tpu.memref_squeeze %dma_wait3A_63 : memref<1x640xf32, #tpu.memory_space<vmem>> -> memref<640xf32, #tpu.memory_space<vmem>>
      %dma_wait3A_65 = tpu.memref_slice %arg9[%run_scoped3A_23, %mul3A_13] : memref<16x10240xf32, #tpu.memory_space<vmem_shared>> -> memref<1x640xf32, #tpu.memory_space<vmem_shared>>
      %dma_wait3A_66 = tpu.memref_squeeze %dma_wait3A_65 : memref<1x640xf32, #tpu.memory_space<vmem_shared>> -> memref<640xf32, #tpu.memory_space<vmem_shared>>
      %dma_wait3A_67 = arith.constant 0 : i32
      %dma_wait3A_68 = tpu.memref_slice %arg7[%run_scoped3A_24, %dma_wait3A_67] : memref<16x640xf32, #tpu.memory_space<vmem>> -> memref<1x640xf32, #tpu.memory_space<vmem>>
      %dma_wait3A_69 = tpu.memref_squeeze %dma_wait3A_68 : memref<1x640xf32, #tpu.memory_space<vmem>> -> memref<640xf32, #tpu.memory_space<vmem>>
      %dma_wait3A_70 = tpu.memref_slice %arg9[%run_scoped3A_23, %mul3A_13] : memref<16x10240xf32, #tpu.memory_space<vmem_shared>> -> memref<1x640xf32, #tpu.memory_space<vmem_shared>>
      %dma_wait3A_71 = tpu.memref_squeeze %dma_wait3A_70 : memref<1x640xf32, #tpu.memory_space<vmem_shared>> -> memref<640xf32, #tpu.memory_space<vmem_shared>>
      tpu.wait_dma2 semaphore(%run_scoped3A_51 : memref<!tpu.dma_semaphore, #tpu.memory_space<semaphore_mem>>) src(%dma_wait3A_71 : memref<640xf32, #tpu.memory_space<vmem_shared>>) dst(%dma_wait3A_69 : memref<640xf32, #tpu.memory_space<vmem>>)
      tpu.yield
    }) : () -> ()
    %run_scoped3A_25 = arith.constant 6 : i32
    %run_scoped3A_26 = arith.constant 6 : i32
    "tpu.region"() ({
      %run_scoped3A_51 = tpu.sem_alloc : memref<!tpu.dma_semaphore, #tpu.memory_space<semaphore_mem>>
      %dma_start3A_52 = arith.constant 0 : i32
      %dma_start3A_53 = tpu.memref_slice %arg7[%run_scoped3A_26, %dma_start3A_52] : memref<16x640xf32, #tpu.memory_space<vmem>> -> memref<1x640xf32, #tpu.memory_space<vmem>>
      %dma_start3A_54 = tpu.memref_squeeze %dma_start3A_53 : memref<1x640xf32, #tpu.memory_space<vmem>> -> memref<640xf32, #tpu.memory_space<vmem>>
      %dma_start3A_55 = tpu.memref_slice %arg9[%run_scoped3A_25, %mul3A_13] : memref<16x10240xf32, #tpu.memory_space<vmem_shared>> -> memref<1x640xf32, #tpu.memory_space<vmem_shared>>
      %dma_start3A_56 = tpu.memref_squeeze %dma_start3A_55 : memref<1x640xf32, #tpu.memory_space<vmem_shared>> -> memref<640xf32, #tpu.memory_space<vmem_shared>>
      %dma_start3A_57 = arith.constant 0 : i32
      %dma_start3A_58 = tpu.memref_slice %arg7[%run_scoped3A_26, %dma_start3A_57] : memref<16x640xf32, #tpu.memory_space<vmem>> -> memref<1x640xf32, #tpu.memory_space<vmem>>
      %dma_start3A_59 = tpu.memref_squeeze %dma_start3A_58 : memref<1x640xf32, #tpu.memory_space<vmem>> -> memref<640xf32, #tpu.memory_space<vmem>>
      %dma_start3A_60 = tpu.memref_slice %arg9[%run_scoped3A_25, %mul3A_13] : memref<16x10240xf32, #tpu.memory_space<vmem_shared>> -> memref<1x640xf32, #tpu.memory_space<vmem_shared>>
      %dma_start3A_61 = tpu.memref_squeeze %dma_start3A_60 : memref<1x640xf32, #tpu.memory_space<vmem_shared>> -> memref<640xf32, #tpu.memory_space<vmem_shared>>
      tpu.enqueue_dma source(%dma_start3A_61 : memref<640xf32, #tpu.memory_space<vmem_shared>>) target(%dma_start3A_59 : memref<640xf32, #tpu.memory_space<vmem>>) target_semaphore(%run_scoped3A_51 : memref<!tpu.dma_semaphore, #tpu.memory_space<semaphore_mem>>)
      %dma_wait3A_62 = arith.constant 0 : i32
      %dma_wait3A_63 = tpu.memref_slice %arg7[%run_scoped3A_26, %dma_wait3A_62] : memref<16x640xf32, #tpu.memory_space<vmem>> -> memref<1x640xf32, #tpu.memory_space<vmem>>
      %dma_wait3A_64 = tpu.memref_squeeze %dma_wait3A_63 : memref<1x640xf32, #tpu.memory_space<vmem>> -> memref<640xf32, #tpu.memory_space<vmem>>
      %dma_wait3A_65 = tpu.memref_slice %arg9[%run_scoped3A_25, %mul3A_13] : memref<16x10240xf32, #tpu.memory_space<vmem_shared>> -> memref<1x640xf32, #tpu.memory_space<vmem_shared>>
      %dma_wait3A_66 = tpu.memref_squeeze %dma_wait3A_65 : memref<1x640xf32, #tpu.memory_space<vmem_shared>> -> memref<640xf32, #tpu.memory_space<vmem_shared>>
      %dma_wait3A_67 = arith.constant 0 : i32
      %dma_wait3A_68 = tpu.memref_slice %arg7[%run_scoped3A_26, %dma_wait3A_67] : memref<16x640xf32, #tpu.memory_space<vmem>> -> memref<1x640xf32, #tpu.memory_space<vmem>>
      %dma_wait3A_69 = tpu.memref_squeeze %dma_wait3A_68 : memref<1x640xf32, #tpu.memory_space<vmem>> -> memref<640xf32, #tpu.memory_space<vmem>>
      %dma_wait3A_70 = tpu.memref_slice %arg9[%run_scoped3A_25, %mul3A_13] : memref<16x10240xf32, #tpu.memory_space<vmem_shared>> -> memref<1x640xf32, #tpu.memory_space<vmem_shared>>
      %dma_wait3A_71 = tpu.memref_squeeze %dma_wait3A_70 : memref<1x640xf32, #tpu.memory_space<vmem_shared>> -> memref<640xf32, #tpu.memory_space<vmem_shared>>
      tpu.wait_dma2 semaphore(%run_scoped3A_51 : memref<!tpu.dma_semaphore, #tpu.memory_space<semaphore_mem>>) src(%dma_wait3A_71 : memref<640xf32, #tpu.memory_space<vmem_shared>>) dst(%dma_wait3A_69 : memref<640xf32, #tpu.memory_space<vmem>>)
      tpu.yield
    }) : () -> ()
    %run_scoped3A_27 = arith.constant 7 : i32
    %run_scoped3A_28 = arith.constant 7 : i32
    "tpu.region"() ({
      %run_scoped3A_51 = tpu.sem_alloc : memref<!tpu.dma_semaphore, #tpu.memory_space<semaphore_mem>>
      %dma_start3A_52 = arith.constant 0 : i32
      %dma_start3A_53 = tpu.memref_slice %arg7[%run_scoped3A_28, %dma_start3A_52] : memref<16x640xf32, #tpu.memory_space<vmem>> -> memref<1x640xf32, #tpu.memory_space<vmem>>
      %dma_start3A_54 = tpu.memref_squeeze %dma_start3A_53 : memref<1x640xf32, #tpu.memory_space<vmem>> -> memref<640xf32, #tpu.memory_space<vmem>>
      %dma_start3A_55 = tpu.memref_slice %arg9[%run_scoped3A_27, %mul3A_13] : memref<16x10240xf32, #tpu.memory_space<vmem_shared>> -> memref<1x640xf32, #tpu.memory_space<vmem_shared>>
      %dma_start3A_56 = tpu.memref_squeeze %dma_start3A_55 : memref<1x640xf32, #tpu.memory_space<vmem_shared>> -> memref<640xf32, #tpu.memory_space<vmem_shared>>
      %dma_start3A_57 = arith.constant 0 : i32
      %dma_start3A_58 = tpu.memref_slice %arg7[%run_scoped3A_28, %dma_start3A_57] : memref<16x640xf32, #tpu.memory_space<vmem>> -> memref<1x640xf32, #tpu.memory_space<vmem>>
      %dma_start3A_59 = tpu.memref_squeeze %dma_start3A_58 : memref<1x640xf32, #tpu.memory_space<vmem>> -> memref<640xf32, #tpu.memory_space<vmem>>
      %dma_start3A_60 = tpu.memref_slice %arg9[%run_scoped3A_27, %mul3A_13] : memref<16x10240xf32, #tpu.memory_space<vmem_shared>> -> memref<1x640xf32, #tpu.memory_space<vmem_shared>>
      %dma_start3A_61 = tpu.memref_squeeze %dma_start3A_60 : memref<1x640xf32, #tpu.memory_space<vmem_shared>> -> memref<640xf32, #tpu.memory_space<vmem_shared>>
      tpu.enqueue_dma source(%dma_start3A_61 : memref<640xf32, #tpu.memory_space<vmem_shared>>) target(%dma_start3A_59 : memref<640xf32, #tpu.memory_space<vmem>>) target_semaphore(%run_scoped3A_51 : memref<!tpu.dma_semaphore, #tpu.memory_space<semaphore_mem>>)
      %dma_wait3A_62 = arith.constant 0 : i32
      %dma_wait3A_63 = tpu.memref_slice %arg7[%run_scoped3A_28, %dma_wait3A_62] : memref<16x640xf32, #tpu.memory_space<vmem>> -> memref<1x640xf32, #tpu.memory_space<vmem>>
      %dma_wait3A_64 = tpu.memref_squeeze %dma_wait3A_63 : memref<1x640xf32, #tpu.memory_space<vmem>> -> memref<640xf32, #tpu.memory_space<vmem>>
      %dma_wait3A_65 = tpu.memref_slice %arg9[%run_scoped3A_27, %mul3A_13] : memref<16x10240xf32, #tpu.memory_space<vmem_shared>> -> memref<1x640xf32, #tpu.memory_space<vmem_shared>>
      %dma_wait3A_66 = tpu.memref_squeeze %dma_wait3A_65 : memref<1x640xf32, #tpu.memory_space<vmem_shared>> -> memref<640xf32, #tpu.memory_space<vmem_shared>>
      %dma_wait3A_67 = arith.constant 0 : i32
      %dma_wait3A_68 = tpu.memref_slice %arg7[%run_scoped3A_28, %dma_wait3A_67] : memref<16x640xf32, #tpu.memory_space<vmem>> -> memref<1x640xf32, #tpu.memory_space<vmem>>
      %dma_wait3A_69 = tpu.memref_squeeze %dma_wait3A_68 : memref<1x640xf32, #tpu.memory_space<vmem>> -> memref<640xf32, #tpu.memory_space<vmem>>
      %dma_wait3A_70 = tpu.memref_slice %arg9[%run_scoped3A_27, %mul3A_13] : memref<16x10240xf32, #tpu.memory_space<vmem_shared>> -> memref<1x640xf32, #tpu.memory_space<vmem_shared>>
      %dma_wait3A_71 = tpu.memref_squeeze %dma_wait3A_70 : memref<1x640xf32, #tpu.memory_space<vmem_shared>> -> memref<640xf32, #tpu.memory_space<vmem_shared>>
      tpu.wait_dma2 semaphore(%run_scoped3A_51 : memref<!tpu.dma_semaphore, #tpu.memory_space<semaphore_mem>>) src(%dma_wait3A_71 : memref<640xf32, #tpu.memory_space<vmem_shared>>) dst(%dma_wait3A_69 : memref<640xf32, #tpu.memory_space<vmem>>)
      tpu.yield
    }) : () -> ()
    %run_scoped3A_29 = arith.constant 8 : i32
    %run_scoped3A_30 = arith.constant 8 : i32
    "tpu.region"() ({
      %run_scoped3A_51 = tpu.sem_alloc : memref<!tpu.dma_semaphore, #tpu.memory_space<semaphore_mem>>
      %dma_start3A_52 = arith.constant 0 : i32
      %dma_start3A_53 = tpu.memref_slice %arg7[%run_scoped3A_30, %dma_start3A_52] : memref<16x640xf32, #tpu.memory_space<vmem>> -> memref<1x640xf32, #tpu.memory_space<vmem>>
      %dma_start3A_54 = tpu.memref_squeeze %dma_start3A_53 : memref<1x640xf32, #tpu.memory_space<vmem>> -> memref<640xf32, #tpu.memory_space<vmem>>
      %dma_start3A_55 = tpu.memref_slice %arg9[%run_scoped3A_29, %mul3A_13] : memref<16x10240xf32, #tpu.memory_space<vmem_shared>> -> memref<1x640xf32, #tpu.memory_space<vmem_shared>>
      %dma_start3A_56 = tpu.memref_squeeze %dma_start3A_55 : memref<1x640xf32, #tpu.memory_space<vmem_shared>> -> memref<640xf32, #tpu.memory_space<vmem_shared>>
      %dma_start3A_57 = arith.constant 0 : i32
      %dma_start3A_58 = tpu.memref_slice %arg7[%run_scoped3A_30, %dma_start3A_57] : memref<16x640xf32, #tpu.memory_space<vmem>> -> memref<1x640xf32, #tpu.memory_space<vmem>>
      %dma_start3A_59 = tpu.memref_squeeze %dma_start3A_58 : memref<1x640xf32, #tpu.memory_space<vmem>> -> memref<640xf32, #tpu.memory_space<vmem>>
      %dma_start3A_60 = tpu.memref_slice %arg9[%run_scoped3A_29, %mul3A_13] : memref<16x10240xf32, #tpu.memory_space<vmem_shared>> -> memref<1x640xf32, #tpu.memory_space<vmem_shared>>
      %dma_start3A_61 = tpu.memref_squeeze %dma_start3A_60 : memref<1x640xf32, #tpu.memory_space<vmem_shared>> -> memref<640xf32, #tpu.memory_space<vmem_shared>>
      tpu.enqueue_dma source(%dma_start3A_61 : memref<640xf32, #tpu.memory_space<vmem_shared>>) target(%dma_start3A_59 : memref<640xf32, #tpu.memory_space<vmem>>) target_semaphore(%run_scoped3A_51 : memref<!tpu.dma_semaphore, #tpu.memory_space<semaphore_mem>>)
      %dma_wait3A_62 = arith.constant 0 : i32
      %dma_wait3A_63 = tpu.memref_slice %arg7[%run_scoped3A_30, %dma_wait3A_62] : memref<16x640xf32, #tpu.memory_space<vmem>> -> memref<1x640xf32, #tpu.memory_space<vmem>>
      %dma_wait3A_64 = tpu.memref_squeeze %dma_wait3A_63 : memref<1x640xf32, #tpu.memory_space<vmem>> -> memref<640xf32, #tpu.memory_space<vmem>>
      %dma_wait3A_65 = tpu.memref_slice %arg9[%run_scoped3A_29, %mul3A_13] : memref<16x10240xf32, #tpu.memory_space<vmem_shared>> -> memref<1x640xf32, #tpu.memory_space<vmem_shared>>
      %dma_wait3A_66 = tpu.memref_squeeze %dma_wait3A_65 : memref<1x640xf32, #tpu.memory_space<vmem_shared>> -> memref<640xf32, #tpu.memory_space<vmem_shared>>
      %dma_wait3A_67 = arith.constant 0 : i32
      %dma_wait3A_68 = tpu.memref_slice %arg7[%run_scoped3A_30, %dma_wait3A_67] : memref<16x640xf32, #tpu.memory_space<vmem>> -> memref<1x640xf32, #tpu.memory_space<vmem>>
      %dma_wait3A_69 = tpu.memref_squeeze %dma_wait3A_68 : memref<1x640xf32, #tpu.memory_space<vmem>> -> memref<640xf32, #tpu.memory_space<vmem>>
      %dma_wait3A_70 = tpu.memref_slice %arg9[%run_scoped3A_29, %mul3A_13] : memref<16x10240xf32, #tpu.memory_space<vmem_shared>> -> memref<1x640xf32, #tpu.memory_space<vmem_shared>>
      %dma_wait3A_71 = tpu.memref_squeeze %dma_wait3A_70 : memref<1x640xf32, #tpu.memory_space<vmem_shared>> -> memref<640xf32, #tpu.memory_space<vmem_shared>>
      tpu.wait_dma2 semaphore(%run_scoped3A_51 : memref<!tpu.dma_semaphore, #tpu.memory_space<semaphore_mem>>) src(%dma_wait3A_71 : memref<640xf32, #tpu.memory_space<vmem_shared>>) dst(%dma_wait3A_69 : memref<640xf32, #tpu.memory_space<vmem>>)
      tpu.yield
    }) : () -> ()
    %run_scoped3A_31 = arith.constant 9 : i32
    %run_scoped3A_32 = arith.constant 9 : i32
    "tpu.region"() ({
      %run_scoped3A_51 = tpu.sem_alloc : memref<!tpu.dma_semaphore, #tpu.memory_space<semaphore_mem>>
      %dma_start3A_52 = arith.constant 0 : i32
      %dma_start3A_53 = tpu.memref_slice %arg7[%run_scoped3A_32, %dma_start3A_52] : memref<16x640xf32, #tpu.memory_space<vmem>> -> memref<1x640xf32, #tpu.memory_space<vmem>>
      %dma_start3A_54 = tpu.memref_squeeze %dma_start3A_53 : memref<1x640xf32, #tpu.memory_space<vmem>> -> memref<640xf32, #tpu.memory_space<vmem>>
      %dma_start3A_55 = tpu.memref_slice %arg9[%run_scoped3A_31, %mul3A_13] : memref<16x10240xf32, #tpu.memory_space<vmem_shared>> -> memref<1x640xf32, #tpu.memory_space<vmem_shared>>
      %dma_start3A_56 = tpu.memref_squeeze %dma_start3A_55 : memref<1x640xf32, #tpu.memory_space<vmem_shared>> -> memref<640xf32, #tpu.memory_space<vmem_shared>>
      %dma_start3A_57 = arith.constant 0 : i32
      %dma_start3A_58 = tpu.memref_slice %arg7[%run_scoped3A_32, %dma_start3A_57] : memref<16x640xf32, #tpu.memory_space<vmem>> -> memref<1x640xf32, #tpu.memory_space<vmem>>
      %dma_start3A_59 = tpu.memref_squeeze %dma_start3A_58 : memref<1x640xf32, #tpu.memory_space<vmem>> -> memref<640xf32, #tpu.memory_space<vmem>>
      %dma_start3A_60 = tpu.memref_slice %arg9[%run_scoped3A_31, %mul3A_13] : memref<16x10240xf32, #tpu.memory_space<vmem_shared>> -> memref<1x640xf32, #tpu.memory_space<vmem_shared>>
      %dma_start3A_61 = tpu.memref_squeeze %dma_start3A_60 : memref<1x640xf32, #tpu.memory_space<vmem_shared>> -> memref<640xf32, #tpu.memory_space<vmem_shared>>
      tpu.enqueue_dma source(%dma_start3A_61 : memref<640xf32, #tpu.memory_space<vmem_shared>>) target(%dma_start3A_59 : memref<640xf32, #tpu.memory_space<vmem>>) target_semaphore(%run_scoped3A_51 : memref<!tpu.dma_semaphore, #tpu.memory_space<semaphore_mem>>)
      %dma_wait3A_62 = arith.constant 0 : i32
      %dma_wait3A_63 = tpu.memref_slice %arg7[%run_scoped3A_32, %dma_wait3A_62] : memref<16x640xf32, #tpu.memory_space<vmem>> -> memref<1x640xf32, #tpu.memory_space<vmem>>
      %dma_wait3A_64 = tpu.memref_squeeze %dma_wait3A_63 : memref<1x640xf32, #tpu.memory_space<vmem>> -> memref<640xf32, #tpu.memory_space<vmem>>
      %dma_wait3A_65 = tpu.memref_slice %arg9[%run_scoped3A_31, %mul3A_13] : memref<16x10240xf32, #tpu.memory_space<vmem_shared>> -> memref<1x640xf32, #tpu.memory_space<vmem_shared>>
      %dma_wait3A_66 = tpu.memref_squeeze %dma_wait3A_65 : memref<1x640xf32, #tpu.memory_space<vmem_shared>> -> memref<640xf32, #tpu.memory_space<vmem_shared>>
      %dma_wait3A_67 = arith.constant 0 : i32
      %dma_wait3A_68 = tpu.memref_slice %arg7[%run_scoped3A_32, %dma_wait3A_67] : memref<16x640xf32, #tpu.memory_space<vmem>> -> memref<1x640xf32, #tpu.memory_space<vmem>>
      %dma_wait3A_69 = tpu.memref_squeeze %dma_wait3A_68 : memref<1x640xf32, #tpu.memory_space<vmem>> -> memref<640xf32, #tpu.memory_space<vmem>>
      %dma_wait3A_70 = tpu.memref_slice %arg9[%run_scoped3A_31, %mul3A_13] : memref<16x10240xf32, #tpu.memory_space<vmem_shared>> -> memref<1x640xf32, #tpu.memory_space<vmem_shared>>
      %dma_wait3A_71 = tpu.memref_squeeze %dma_wait3A_70 : memref<1x640xf32, #tpu.memory_space<vmem_shared>> -> memref<640xf32, #tpu.memory_space<vmem_shared>>
      tpu.wait_dma2 semaphore(%run_scoped3A_51 : memref<!tpu.dma_semaphore, #tpu.memory_space<semaphore_mem>>) src(%dma_wait3A_71 : memref<640xf32, #tpu.memory_space<vmem_shared>>) dst(%dma_wait3A_69 : memref<640xf32, #tpu.memory_space<vmem>>)
      tpu.yield
    }) : () -> ()
    %run_scoped3A_33 = arith.constant 10 : i32
    %run_scoped3A_34 = arith.constant 10 : i32
    "tpu.region"() ({
      %run_scoped3A_51 = tpu.sem_alloc : memref<!tpu.dma_semaphore, #tpu.memory_space<semaphore_mem>>
      %dma_start3A_52 = arith.constant 0 : i32
      %dma_start3A_53 = tpu.memref_slice %arg7[%run_scoped3A_34, %dma_start3A_52] : memref<16x640xf32, #tpu.memory_space<vmem>> -> memref<1x640xf32, #tpu.memory_space<vmem>>
      %dma_start3A_54 = tpu.memref_squeeze %dma_start3A_53 : memref<1x640xf32, #tpu.memory_space<vmem>> -> memref<640xf32, #tpu.memory_space<vmem>>
      %dma_start3A_55 = tpu.memref_slice %arg9[%run_scoped3A_33, %mul3A_13] : memref<16x10240xf32, #tpu.memory_space<vmem_shared>> -> memref<1x640xf32, #tpu.memory_space<vmem_shared>>
      %dma_start3A_56 = tpu.memref_squeeze %dma_start3A_55 : memref<1x640xf32, #tpu.memory_space<vmem_shared>> -> memref<640xf32, #tpu.memory_space<vmem_shared>>
      %dma_start3A_57 = arith.constant 0 : i32
      %dma_start3A_58 = tpu.memref_slice %arg7[%run_scoped3A_34, %dma_start3A_57] : memref<16x640xf32, #tpu.memory_space<vmem>> -> memref<1x640xf32, #tpu.memory_space<vmem>>
      %dma_start3A_59 = tpu.memref_squeeze %dma_start3A_58 : memref<1x640xf32, #tpu.memory_space<vmem>> -> memref<640xf32, #tpu.memory_space<vmem>>
      %dma_start3A_60 = tpu.memref_slice %arg9[%run_scoped3A_33, %mul3A_13] : memref<16x10240xf32, #tpu.memory_space<vmem_shared>> -> memref<1x640xf32, #tpu.memory_space<vmem_shared>>
      %dma_start3A_61 = tpu.memref_squeeze %dma_start3A_60 : memref<1x640xf32, #tpu.memory_space<vmem_shared>> -> memref<640xf32, #tpu.memory_space<vmem_shared>>
      tpu.enqueue_dma source(%dma_start3A_61 : memref<640xf32, #tpu.memory_space<vmem_shared>>) target(%dma_start3A_59 : memref<640xf32, #tpu.memory_space<vmem>>) target_semaphore(%run_scoped3A_51 : memref<!tpu.dma_semaphore, #tpu.memory_space<semaphore_mem>>)
      %dma_wait3A_62 = arith.constant 0 : i32
      %dma_wait3A_63 = tpu.memref_slice %arg7[%run_scoped3A_34, %dma_wait3A_62] : memref<16x640xf32, #tpu.memory_space<vmem>> -> memref<1x640xf32, #tpu.memory_space<vmem>>
      %dma_wait3A_64 = tpu.memref_squeeze %dma_wait3A_63 : memref<1x640xf32, #tpu.memory_space<vmem>> -> memref<640xf32, #tpu.memory_space<vmem>>
      %dma_wait3A_65 = tpu.memref_slice %arg9[%run_scoped3A_33, %mul3A_13] : memref<16x10240xf32, #tpu.memory_space<vmem_shared>> -> memref<1x640xf32, #tpu.memory_space<vmem_shared>>
      %dma_wait3A_66 = tpu.memref_squeeze %dma_wait3A_65 : memref<1x640xf32, #tpu.memory_space<vmem_shared>> -> memref<640xf32, #tpu.memory_space<vmem_shared>>
      %dma_wait3A_67 = arith.constant 0 : i32
      %dma_wait3A_68 = tpu.memref_slice %arg7[%run_scoped3A_34, %dma_wait3A_67] : memref<16x640xf32, #tpu.memory_space<vmem>> -> memref<1x640xf32, #tpu.memory_space<vmem>>
      %dma_wait3A_69 = tpu.memref_squeeze %dma_wait3A_68 : memref<1x640xf32, #tpu.memory_space<vmem>> -> memref<640xf32, #tpu.memory_space<vmem>>
      %dma_wait3A_70 = tpu.memref_slice %arg9[%run_scoped3A_33, %mul3A_13] : memref<16x10240xf32, #tpu.memory_space<vmem_shared>> -> memref<1x640xf32, #tpu.memory_space<vmem_shared>>
      %dma_wait3A_71 = tpu.memref_squeeze %dma_wait3A_70 : memref<1x640xf32, #tpu.memory_space<vmem_shared>> -> memref<640xf32, #tpu.memory_space<vmem_shared>>
      tpu.wait_dma2 semaphore(%run_scoped3A_51 : memref<!tpu.dma_semaphore, #tpu.memory_space<semaphore_mem>>) src(%dma_wait3A_71 : memref<640xf32, #tpu.memory_space<vmem_shared>>) dst(%dma_wait3A_69 : memref<640xf32, #tpu.memory_space<vmem>>)
      tpu.yield
    }) : () -> ()
    %run_scoped3A_35 = arith.constant 11 : i32
    %run_scoped3A_36 = arith.constant 11 : i32
    "tpu.region"() ({
      %run_scoped3A_51 = tpu.sem_alloc : memref<!tpu.dma_semaphore, #tpu.memory_space<semaphore_mem>>
      %dma_start3A_52 = arith.constant 0 : i32
      %dma_start3A_53 = tpu.memref_slice %arg7[%run_scoped3A_36, %dma_start3A_52] : memref<16x640xf32, #tpu.memory_space<vmem>> -> memref<1x640xf32, #tpu.memory_space<vmem>>
      %dma_start3A_54 = tpu.memref_squeeze %dma_start3A_53 : memref<1x640xf32, #tpu.memory_space<vmem>> -> memref<640xf32, #tpu.memory_space<vmem>>
      %dma_start3A_55 = tpu.memref_slice %arg9[%run_scoped3A_35, %mul3A_13] : memref<16x10240xf32, #tpu.memory_space<vmem_shared>> -> memref<1x640xf32, #tpu.memory_space<vmem_shared>>
      %dma_start3A_56 = tpu.memref_squeeze %dma_start3A_55 : memref<1x640xf32, #tpu.memory_space<vmem_shared>> -> memref<640xf32, #tpu.memory_space<vmem_shared>>
      %dma_start3A_57 = arith.constant 0 : i32
      %dma_start3A_58 = tpu.memref_slice %arg7[%run_scoped3A_36, %dma_start3A_57] : memref<16x640xf32, #tpu.memory_space<vmem>> -> memref<1x640xf32, #tpu.memory_space<vmem>>
      %dma_start3A_59 = tpu.memref_squeeze %dma_start3A_58 : memref<1x640xf32, #tpu.memory_space<vmem>> -> memref<640xf32, #tpu.memory_space<vmem>>
      %dma_start3A_60 = tpu.memref_slice %arg9[%run_scoped3A_35, %mul3A_13] : memref<16x10240xf32, #tpu.memory_space<vmem_shared>> -> memref<1x640xf32, #tpu.memory_space<vmem_shared>>
      %dma_start3A_61 = tpu.memref_squeeze %dma_start3A_60 : memref<1x640xf32, #tpu.memory_space<vmem_shared>> -> memref<640xf32, #tpu.memory_space<vmem_shared>>
      tpu.enqueue_dma source(%dma_start3A_61 : memref<640xf32, #tpu.memory_space<vmem_shared>>) target(%dma_start3A_59 : memref<640xf32, #tpu.memory_space<vmem>>) target_semaphore(%run_scoped3A_51 : memref<!tpu.dma_semaphore, #tpu.memory_space<semaphore_mem>>)
      %dma_wait3A_62 = arith.constant 0 : i32
      %dma_wait3A_63 = tpu.memref_slice %arg7[%run_scoped3A_36, %dma_wait3A_62] : memref<16x640xf32, #tpu.memory_space<vmem>> -> memref<1x640xf32, #tpu.memory_space<vmem>>
      %dma_wait3A_64 = tpu.memref_squeeze %dma_wait3A_63 : memref<1x640xf32, #tpu.memory_space<vmem>> -> memref<640xf32, #tpu.memory_space<vmem>>
      %dma_wait3A_65 = tpu.memref_slice %arg9[%run_scoped3A_35, %mul3A_13] : memref<16x10240xf32, #tpu.memory_space<vmem_shared>> -> memref<1x640xf32, #tpu.memory_space<vmem_shared>>
      %dma_wait3A_66 = tpu.memref_squeeze %dma_wait3A_65 : memref<1x640xf32, #tpu.memory_space<vmem_shared>> -> memref<640xf32, #tpu.memory_space<vmem_shared>>
      %dma_wait3A_67 = arith.constant 0 : i32
      %dma_wait3A_68 = tpu.memref_slice %arg7[%run_scoped3A_36, %dma_wait3A_67] : memref<16x640xf32, #tpu.memory_space<vmem>> -> memref<1x640xf32, #tpu.memory_space<vmem>>
      %dma_wait3A_69 = tpu.memref_squeeze %dma_wait3A_68 : memref<1x640xf32, #tpu.memory_space<vmem>> -> memref<640xf32, #tpu.memory_space<vmem>>
      %dma_wait3A_70 = tpu.memref_slice %arg9[%run_scoped3A_35, %mul3A_13] : memref<16x10240xf32, #tpu.memory_space<vmem_shared>> -> memref<1x640xf32, #tpu.memory_space<vmem_shared>>
      %dma_wait3A_71 = tpu.memref_squeeze %dma_wait3A_70 : memref<1x640xf32, #tpu.memory_space<vmem_shared>> -> memref<640xf32, #tpu.memory_space<vmem_shared>>
      tpu.wait_dma2 semaphore(%run_scoped3A_51 : memref<!tpu.dma_semaphore, #tpu.memory_space<semaphore_mem>>) src(%dma_wait3A_71 : memref<640xf32, #tpu.memory_space<vmem_shared>>) dst(%dma_wait3A_69 : memref<640xf32, #tpu.memory_space<vmem>>)
      tpu.yield
    }) : () -> ()
    %run_scoped3A_37 = arith.constant 12 : i32
    %run_scoped3A_38 = arith.constant 12 : i32
    "tpu.region"() ({
      %run_scoped3A_51 = tpu.sem_alloc : memref<!tpu.dma_semaphore, #tpu.memory_space<semaphore_mem>>
      %dma_start3A_52 = arith.constant 0 : i32
      %dma_start3A_53 = tpu.memref_slice %arg7[%run_scoped3A_38, %dma_start3A_52] : memref<16x640xf32, #tpu.memory_space<vmem>> -> memref<1x640xf32, #tpu.memory_space<vmem>>
      %dma_start3A_54 = tpu.memref_squeeze %dma_start3A_53 : memref<1x640xf32, #tpu.memory_space<vmem>> -> memref<640xf32, #tpu.memory_space<vmem>>
      %dma_start3A_55 = tpu.memref_slice %arg9[%run_scoped3A_37, %mul3A_13] : memref<16x10240xf32, #tpu.memory_space<vmem_shared>> -> memref<1x640xf32, #tpu.memory_space<vmem_shared>>
      %dma_start3A_56 = tpu.memref_squeeze %dma_start3A_55 : memref<1x640xf32, #tpu.memory_space<vmem_shared>> -> memref<640xf32, #tpu.memory_space<vmem_shared>>
      %dma_start3A_57 = arith.constant 0 : i32
      %dma_start3A_58 = tpu.memref_slice %arg7[%run_scoped3A_38, %dma_start3A_57] : memref<16x640xf32, #tpu.memory_space<vmem>> -> memref<1x640xf32, #tpu.memory_space<vmem>>
      %dma_start3A_59 = tpu.memref_squeeze %dma_start3A_58 : memref<1x640xf32, #tpu.memory_space<vmem>> -> memref<640xf32, #tpu.memory_space<vmem>>
      %dma_start3A_60 = tpu.memref_slice %arg9[%run_scoped3A_37, %mul3A_13] : memref<16x10240xf32, #tpu.memory_space<vmem_shared>> -> memref<1x640xf32, #tpu.memory_space<vmem_shared>>
      %dma_start3A_61 = tpu.memref_squeeze %dma_start3A_60 : memref<1x640xf32, #tpu.memory_space<vmem_shared>> -> memref<640xf32, #tpu.memory_space<vmem_shared>>
      tpu.enqueue_dma source(%dma_start3A_61 : memref<640xf32, #tpu.memory_space<vmem_shared>>) target(%dma_start3A_59 : memref<640xf32, #tpu.memory_space<vmem>>) target_semaphore(%run_scoped3A_51 : memref<!tpu.dma_semaphore, #tpu.memory_space<semaphore_mem>>)
      %dma_wait3A_62 = arith.constant 0 : i32
      %dma_wait3A_63 = tpu.memref_slice %arg7[%run_scoped3A_38, %dma_wait3A_62] : memref<16x640xf32, #tpu.memory_space<vmem>> -> memref<1x640xf32, #tpu.memory_space<vmem>>
      %dma_wait3A_64 = tpu.memref_squeeze %dma_wait3A_63 : memref<1x640xf32, #tpu.memory_space<vmem>> -> memref<640xf32, #tpu.memory_space<vmem>>
      %dma_wait3A_65 = tpu.memref_slice %arg9[%run_scoped3A_37, %mul3A_13] : memref<16x10240xf32, #tpu.memory_space<vmem_shared>> -> memref<1x640xf32, #tpu.memory_space<vmem_shared>>
      %dma_wait3A_66 = tpu.memref_squeeze %dma_wait3A_65 : memref<1x640xf32, #tpu.memory_space<vmem_shared>> -> memref<640xf32, #tpu.memory_space<vmem_shared>>
      %dma_wait3A_67 = arith.constant 0 : i32
      %dma_wait3A_68 = tpu.memref_slice %arg7[%run_scoped3A_38, %dma_wait3A_67] : memref<16x640xf32, #tpu.memory_space<vmem>> -> memref<1x640xf32, #tpu.memory_space<vmem>>
      %dma_wait3A_69 = tpu.memref_squeeze %dma_wait3A_68 : memref<1x640xf32, #tpu.memory_space<vmem>> -> memref<640xf32, #tpu.memory_space<vmem>>
      %dma_wait3A_70 = tpu.memref_slice %arg9[%run_scoped3A_37, %mul3A_13] : memref<16x10240xf32, #tpu.memory_space<vmem_shared>> -> memref<1x640xf32, #tpu.memory_space<vmem_shared>>
      %dma_wait3A_71 = tpu.memref_squeeze %dma_wait3A_70 : memref<1x640xf32, #tpu.memory_space<vmem_shared>> -> memref<640xf32, #tpu.memory_space<vmem_shared>>
      tpu.wait_dma2 semaphore(%run_scoped3A_51 : memref<!tpu.dma_semaphore, #tpu.memory_space<semaphore_mem>>) src(%dma_wait3A_71 : memref<640xf32, #tpu.memory_space<vmem_shared>>) dst(%dma_wait3A_69 : memref<640xf32, #tpu.memory_space<vmem>>)
      tpu.yield
    }) : () -> ()
    %run_scoped3A_39 = arith.constant 13 : i32
    %run_scoped3A_40 = arith.constant 13 : i32
    "tpu.region"() ({
      %run_scoped3A_51 = tpu.sem_alloc : memref<!tpu.dma_semaphore, #tpu.memory_space<semaphore_mem>>
      %dma_start3A_52 = arith.constant 0 : i32
      %dma_start3A_53 = tpu.memref_slice %arg7[%run_scoped3A_40, %dma_start3A_52] : memref<16x640xf32, #tpu.memory_space<vmem>> -> memref<1x640xf32, #tpu.memory_space<vmem>>
      %dma_start3A_54 = tpu.memref_squeeze %dma_start3A_53 : memref<1x640xf32, #tpu.memory_space<vmem>> -> memref<640xf32, #tpu.memory_space<vmem>>
      %dma_start3A_55 = tpu.memref_slice %arg9[%run_scoped3A_39, %mul3A_13] : memref<16x10240xf32, #tpu.memory_space<vmem_shared>> -> memref<1x640xf32, #tpu.memory_space<vmem_shared>>
      %dma_start3A_56 = tpu.memref_squeeze %dma_start3A_55 : memref<1x640xf32, #tpu.memory_space<vmem_shared>> -> memref<640xf32, #tpu.memory_space<vmem_shared>>
      %dma_start3A_57 = arith.constant 0 : i32
      %dma_start3A_58 = tpu.memref_slice %arg7[%run_scoped3A_40, %dma_start3A_57] : memref<16x640xf32, #tpu.memory_space<vmem>> -> memref<1x640xf32, #tpu.memory_space<vmem>>
      %dma_start3A_59 = tpu.memref_squeeze %dma_start3A_58 : memref<1x640xf32, #tpu.memory_space<vmem>> -> memref<640xf32, #tpu.memory_space<vmem>>
      %dma_start3A_60 = tpu.memref_slice %arg9[%run_scoped3A_39, %mul3A_13] : memref<16x10240xf32, #tpu.memory_space<vmem_shared>> -> memref<1x640xf32, #tpu.memory_space<vmem_shared>>
      %dma_start3A_61 = tpu.memref_squeeze %dma_start3A_60 : memref<1x640xf32, #tpu.memory_space<vmem_shared>> -> memref<640xf32, #tpu.memory_space<vmem_shared>>
      tpu.enqueue_dma source(%dma_start3A_61 : memref<640xf32, #tpu.memory_space<vmem_shared>>) target(%dma_start3A_59 : memref<640xf32, #tpu.memory_space<vmem>>) target_semaphore(%run_scoped3A_51 : memref<!tpu.dma_semaphore, #tpu.memory_space<semaphore_mem>>)
      %dma_wait3A_62 = arith.constant 0 : i32
      %dma_wait3A_63 = tpu.memref_slice %arg7[%run_scoped3A_40, %dma_wait3A_62] : memref<16x640xf32, #tpu.memory_space<vmem>> -> memref<1x640xf32, #tpu.memory_space<vmem>>
      %dma_wait3A_64 = tpu.memref_squeeze %dma_wait3A_63 : memref<1x640xf32, #tpu.memory_space<vmem>> -> memref<640xf32, #tpu.memory_space<vmem>>
      %dma_wait3A_65 = tpu.memref_slice %arg9[%run_scoped3A_39, %mul3A_13] : memref<16x10240xf32, #tpu.memory_space<vmem_shared>> -> memref<1x640xf32, #tpu.memory_space<vmem_shared>>
      %dma_wait3A_66 = tpu.memref_squeeze %dma_wait3A_65 : memref<1x640xf32, #tpu.memory_space<vmem_shared>> -> memref<640xf32, #tpu.memory_space<vmem_shared>>
      %dma_wait3A_67 = arith.constant 0 : i32
      %dma_wait3A_68 = tpu.memref_slice %arg7[%run_scoped3A_40, %dma_wait3A_67] : memref<16x640xf32, #tpu.memory_space<vmem>> -> memref<1x640xf32, #tpu.memory_space<vmem>>
      %dma_wait3A_69 = tpu.memref_squeeze %dma_wait3A_68 : memref<1x640xf32, #tpu.memory_space<vmem>> -> memref<640xf32, #tpu.memory_space<vmem>>
      %dma_wait3A_70 = tpu.memref_slice %arg9[%run_scoped3A_39, %mul3A_13] : memref<16x10240xf32, #tpu.memory_space<vmem_shared>> -> memref<1x640xf32, #tpu.memory_space<vmem_shared>>
      %dma_wait3A_71 = tpu.memref_squeeze %dma_wait3A_70 : memref<1x640xf32, #tpu.memory_space<vmem_shared>> -> memref<640xf32, #tpu.memory_space<vmem_shared>>
      tpu.wait_dma2 semaphore(%run_scoped3A_51 : memref<!tpu.dma_semaphore, #tpu.memory_space<semaphore_mem>>) src(%dma_wait3A_71 : memref<640xf32, #tpu.memory_space<vmem_shared>>) dst(%dma_wait3A_69 : memref<640xf32, #tpu.memory_space<vmem>>)
      tpu.yield
    }) : () -> ()
    %run_scoped3A_41 = arith.constant 14 : i32
    %run_scoped3A_42 = arith.constant 14 : i32
    "tpu.region"() ({
      %run_scoped3A_51 = tpu.sem_alloc : memref<!tpu.dma_semaphore, #tpu.memory_space<semaphore_mem>>
      %dma_start3A_52 = arith.constant 0 : i32
      %dma_start3A_53 = tpu.memref_slice %arg7[%run_scoped3A_42, %dma_start3A_52] : memref<16x640xf32, #tpu.memory_space<vmem>> -> memref<1x640xf32, #tpu.memory_space<vmem>>
      %dma_start3A_54 = tpu.memref_squeeze %dma_start3A_53 : memref<1x640xf32, #tpu.memory_space<vmem>> -> memref<640xf32, #tpu.memory_space<vmem>>
      %dma_start3A_55 = tpu.memref_slice %arg9[%run_scoped3A_41, %mul3A_13] : memref<16x10240xf32, #tpu.memory_space<vmem_shared>> -> memref<1x640xf32, #tpu.memory_space<vmem_shared>>
      %dma_start3A_56 = tpu.memref_squeeze %dma_start3A_55 : memref<1x640xf32, #tpu.memory_space<vmem_shared>> -> memref<640xf32, #tpu.memory_space<vmem_shared>>
      %dma_start3A_57 = arith.constant 0 : i32
      %dma_start3A_58 = tpu.memref_slice %arg7[%run_scoped3A_42, %dma_start3A_57] : memref<16x640xf32, #tpu.memory_space<vmem>> -> memref<1x640xf32, #tpu.memory_space<vmem>>
      %dma_start3A_59 = tpu.memref_squeeze %dma_start3A_58 : memref<1x640xf32, #tpu.memory_space<vmem>> -> memref<640xf32, #tpu.memory_space<vmem>>
      %dma_start3A_60 = tpu.memref_slice %arg9[%run_scoped3A_41, %mul3A_13] : memref<16x10240xf32, #tpu.memory_space<vmem_shared>> -> memref<1x640xf32, #tpu.memory_space<vmem_shared>>
      %dma_start3A_61 = tpu.memref_squeeze %dma_start3A_60 : memref<1x640xf32, #tpu.memory_space<vmem_shared>> -> memref<640xf32, #tpu.memory_space<vmem_shared>>
      tpu.enqueue_dma source(%dma_start3A_61 : memref<640xf32, #tpu.memory_space<vmem_shared>>) target(%dma_start3A_59 : memref<640xf32, #tpu.memory_space<vmem>>) target_semaphore(%run_scoped3A_51 : memref<!tpu.dma_semaphore, #tpu.memory_space<semaphore_mem>>)
      %dma_wait3A_62 = arith.constant 0 : i32
      %dma_wait3A_63 = tpu.memref_slice %arg7[%run_scoped3A_42, %dma_wait3A_62] : memref<16x640xf32, #tpu.memory_space<vmem>> -> memref<1x640xf32, #tpu.memory_space<vmem>>
      %dma_wait3A_64 = tpu.memref_squeeze %dma_wait3A_63 : memref<1x640xf32, #tpu.memory_space<vmem>> -> memref<640xf32, #tpu.memory_space<vmem>>
      %dma_wait3A_65 = tpu.memref_slice %arg9[%run_scoped3A_41, %mul3A_13] : memref<16x10240xf32, #tpu.memory_space<vmem_shared>> -> memref<1x640xf32, #tpu.memory_space<vmem_shared>>
      %dma_wait3A_66 = tpu.memref_squeeze %dma_wait3A_65 : memref<1x640xf32, #tpu.memory_space<vmem_shared>> -> memref<640xf32, #tpu.memory_space<vmem_shared>>
      %dma_wait3A_67 = arith.constant 0 : i32
      %dma_wait3A_68 = tpu.memref_slice %arg7[%run_scoped3A_42, %dma_wait3A_67] : memref<16x640xf32, #tpu.memory_space<vmem>> -> memref<1x640xf32, #tpu.memory_space<vmem>>
      %dma_wait3A_69 = tpu.memref_squeeze %dma_wait3A_68 : memref<1x640xf32, #tpu.memory_space<vmem>> -> memref<640xf32, #tpu.memory_space<vmem>>
      %dma_wait3A_70 = tpu.memref_slice %arg9[%run_scoped3A_41, %mul3A_13] : memref<16x10240xf32, #tpu.memory_space<vmem_shared>> -> memref<1x640xf32, #tpu.memory_space<vmem_shared>>
      %dma_wait3A_71 = tpu.memref_squeeze %dma_wait3A_70 : memref<1x640xf32, #tpu.memory_space<vmem_shared>> -> memref<640xf32, #tpu.memory_space<vmem_shared>>
      tpu.wait_dma2 semaphore(%run_scoped3A_51 : memref<!tpu.dma_semaphore, #tpu.memory_space<semaphore_mem>>) src(%dma_wait3A_71 : memref<640xf32, #tpu.memory_space<vmem_shared>>) dst(%dma_wait3A_69 : memref<640xf32, #tpu.memory_space<vmem>>)
      tpu.yield
    }) : () -> ()
    %run_scoped3A_43 = arith.constant 15 : i32
    %run_scoped3A_44 = arith.constant 15 : i32
    "tpu.region"() ({
      %run_scoped3A_51 = tpu.sem_alloc : memref<!tpu.dma_semaphore, #tpu.memory_space<semaphore_mem>>
      %dma_start3A_52 = arith.constant 0 : i32
      %dma_start3A_53 = tpu.memref_slice %arg7[%run_scoped3A_44, %dma_start3A_52] : memref<16x640xf32, #tpu.memory_space<vmem>> -> memref<1x640xf32, #tpu.memory_space<vmem>>
      %dma_start3A_54 = tpu.memref_squeeze %dma_start3A_53 : memref<1x640xf32, #tpu.memory_space<vmem>> -> memref<640xf32, #tpu.memory_space<vmem>>
      %dma_start3A_55 = tpu.memref_slice %arg9[%run_scoped3A_43, %mul3A_13] : memref<16x10240xf32, #tpu.memory_space<vmem_shared>> -> memref<1x640xf32, #tpu.memory_space<vmem_shared>>
      %dma_start3A_56 = tpu.memref_squeeze %dma_start3A_55 : memref<1x640xf32, #tpu.memory_space<vmem_shared>> -> memref<640xf32, #tpu.memory_space<vmem_shared>>
      %dma_start3A_57 = arith.constant 0 : i32
      %dma_start3A_58 = tpu.memref_slice %arg7[%run_scoped3A_44, %dma_start3A_57] : memref<16x640xf32, #tpu.memory_space<vmem>> -> memref<1x640xf32, #tpu.memory_space<vmem>>
      %dma_start3A_59 = tpu.memref_squeeze %dma_start3A_58 : memref<1x640xf32, #tpu.memory_space<vmem>> -> memref<640xf32, #tpu.memory_space<vmem>>
      %dma_start3A_60 = tpu.memref_slice %arg9[%run_scoped3A_43, %mul3A_13] : memref<16x10240xf32, #tpu.memory_space<vmem_shared>> -> memref<1x640xf32, #tpu.memory_space<vmem_shared>>
      %dma_start3A_61 = tpu.memref_squeeze %dma_start3A_60 : memref<1x640xf32, #tpu.memory_space<vmem_shared>> -> memref<640xf32, #tpu.memory_space<vmem_shared>>
      tpu.enqueue_dma source(%dma_start3A_61 : memref<640xf32, #tpu.memory_space<vmem_shared>>) target(%dma_start3A_59 : memref<640xf32, #tpu.memory_space<vmem>>) target_semaphore(%run_scoped3A_51 : memref<!tpu.dma_semaphore, #tpu.memory_space<semaphore_mem>>)
      %dma_wait3A_62 = arith.constant 0 : i32
      %dma_wait3A_63 = tpu.memref_slice %arg7[%run_scoped3A_44, %dma_wait3A_62] : memref<16x640xf32, #tpu.memory_space<vmem>> -> memref<1x640xf32, #tpu.memory_space<vmem>>
      %dma_wait3A_64 = tpu.memref_squeeze %dma_wait3A_63 : memref<1x640xf32, #tpu.memory_space<vmem>> -> memref<640xf32, #tpu.memory_space<vmem>>
      %dma_wait3A_65 = tpu.memref_slice %arg9[%run_scoped3A_43, %mul3A_13] : memref<16x10240xf32, #tpu.memory_space<vmem_shared>> -> memref<1x640xf32, #tpu.memory_space<vmem_shared>>
      %dma_wait3A_66 = tpu.memref_squeeze %dma_wait3A_65 : memref<1x640xf32, #tpu.memory_space<vmem_shared>> -> memref<640xf32, #tpu.memory_space<vmem_shared>>
      %dma_wait3A_67 = arith.constant 0 : i32
      %dma_wait3A_68 = tpu.memref_slice %arg7[%run_scoped3A_44, %dma_wait3A_67] : memref<16x640xf32, #tpu.memory_space<vmem>> -> memref<1x640xf32, #tpu.memory_space<vmem>>
      %dma_wait3A_69 = tpu.memref_squeeze %dma_wait3A_68 : memref<1x640xf32, #tpu.memory_space<vmem>> -> memref<640xf32, #tpu.memory_space<vmem>>
      %dma_wait3A_70 = tpu.memref_slice %arg9[%run_scoped3A_43, %mul3A_13] : memref<16x10240xf32, #tpu.memory_space<vmem_shared>> -> memref<1x640xf32, #tpu.memory_space<vmem_shared>>
      %dma_wait3A_71 = tpu.memref_squeeze %dma_wait3A_70 : memref<1x640xf32, #tpu.memory_space<vmem_shared>> -> memref<640xf32, #tpu.memory_space<vmem_shared>>
      tpu.wait_dma2 semaphore(%run_scoped3A_51 : memref<!tpu.dma_semaphore, #tpu.memory_space<semaphore_mem>>) src(%dma_wait3A_71 : memref<640xf32, #tpu.memory_space<vmem_shared>>) dst(%dma_wait3A_69 : memref<640xf32, #tpu.memory_space<vmem>>)
      tpu.yield
    }) : () -> ()
    %scan3A_45 = arith.constant 0 : i32
    %scan3A_46 = arith.constant 0 : i32
    %scan3A_47 = arith.constant 40 : i32
    %scan3A_48 = arith.addi %scan3A_46, %scan3A_47 : i32
    %scan3A_49 = arith.constant 1 : i32
    scf.for %scan3A_51 = %scan3A_46 to %scan3A_48 step %scan3A_49  : i32 {
      %mul3A_52 = arith.constant 16 : i32
      %mul3A_53 = arith.muli %scan3A_51, %mul3A_52 : i32
      %get3A = arith.constant 0 : i32
      %get3A_54 = arith.index_cast %get3A : i32 to index
      %get3A_55 = arith.index_cast %mul3A_53 : i32 to index
      %get3A_56 = tpu.vector_load %arg7[%get3A_54, %get3A_55] {strides = array<i32>} : memref<16x640xf32, #tpu.memory_space<vmem>>, vector<16xf32>,
      %mul3A_57 = arith.constant 16 : i32
      %mul3A_58 = arith.muli %scan3A_51, %mul3A_57 : i32
      %get3A_59 = arith.constant 1 : i32
      %get3A_60 = arith.index_cast %get3A_59 : i32 to index
      %get3A_61 = arith.index_cast %mul3A_58 : i32 to index
      %get3A_62 = tpu.vector_load %arg7[%get3A_60, %get3A_61] {strides = array<i32>} : memref<16x640xf32, #tpu.memory_space<vmem>>, vector<16xf32>,
      %add3A_63 = arith.addf %get3A_56, %get3A_62 : vector<16xf32>
      %mul3A_64 = arith.constant 16 : i32
      %mul3A_65 = arith.muli %scan3A_51, %mul3A_64 : i32
      %get3A_66 = arith.constant 2 : i32
      %get3A_67 = arith.index_cast %get3A_66 : i32 to index
      %get3A_68 = arith.index_cast %mul3A_65 : i32 to index
      %get3A_69 = tpu.vector_load %arg7[%get3A_67, %get3A_68] {strides = array<i32>} : memref<16x640xf32, #tpu.memory_space<vmem>>, vector<16xf32>,
      %add3A_70 = arith.addf %add3A_63, %get3A_69 : vector<16xf32>
      %mul3A_71 = arith.constant 16 : i32
      %mul3A_72 = arith.muli %scan3A_51, %mul3A_71 : i32
      %get3A_73 = arith.constant 3 : i32
      %get3A_74 = arith.index_cast %get3A_73 : i32 to index
      %get3A_75 = arith.index_cast %mul3A_72 : i32 to index
      %get3A_76 = tpu.vector_load %arg7[%get3A_74, %get3A_75] {strides = array<i32>} : memref<16x640xf32, #tpu.memory_space<vmem>>, vector<16xf32>,
      %add3A_77 = arith.addf %add3A_70, %get3A_76 : vector<16xf32>
      %mul3A_78 = arith.constant 16 : i32
      %mul3A_79 = arith.muli %scan3A_51, %mul3A_78 : i32
      %get3A_80 = arith.constant 4 : i32
      %get3A_81 = arith.index_cast %get3A_80 : i32 to index
      %get3A_82 = arith.index_cast %mul3A_79 : i32 to index
      %get3A_83 = tpu.vector_load %arg7[%get3A_81, %get3A_82] {strides = array<i32>} : memref<16x640xf32, #tpu.memory_space<vmem>>, vector<16xf32>,
      %add3A_84 = arith.addf %add3A_77, %get3A_83 : vector<16xf32>
      %mul3A_85 = arith.constant 16 : i32
      %mul3A_86 = arith.muli %scan3A_51, %mul3A_85 : i32
      %get3A_87 = arith.constant 5 : i32
      %get3A_88 = arith.index_cast %get3A_87 : i32 to index
      %get3A_89 = arith.index_cast %mul3A_86 : i32 to index
      %get3A_90 = tpu.vector_load %arg7[%get3A_88, %get3A_89] {strides = array<i32>} : memref<16x640xf32, #tpu.memory_space<vmem>>, vector<16xf32>,
      %add3A_91 = arith.addf %add3A_84, %get3A_90 : vector<16xf32>
      %mul3A_92 = arith.constant 16 : i32
      %mul3A_93 = arith.muli %scan3A_51, %mul3A_92 : i32
      %get3A_94 = arith.constant 6 : i32
      %get3A_95 = arith.index_cast %get3A_94 : i32 to index
      %get3A_96 = arith.index_cast %mul3A_93 : i32 to index
      %get3A_97 = tpu.vector_load %arg7[%get3A_95, %get3A_96] {strides = array<i32>} : memref<16x640xf32, #tpu.memory_space<vmem>>, vector<16xf32>,
      %add3A_98 = arith.addf %add3A_91, %get3A_97 : vector<16xf32>
      %mul3A_99 = arith.constant 16 : i32
      %mul3A_100 = arith.muli %scan3A_51, %mul3A_99 : i32
      %get3A_101 = arith.constant 7 : i32
      %get3A_102 = arith.index_cast %get3A_101 : i32 to index
      %get3A_103 = arith.index_cast %mul3A_100 : i32 to index
      %get3A_104 = tpu.vector_load %arg7[%get3A_102, %get3A_103] {strides = array<i32>} : memref<16x640xf32, #tpu.memory_space<vmem>>, vector<16xf32>,
      %add3A_105 = arith.addf %add3A_98, %get3A_104 : vector<16xf32>
      %mul3A_106 = arith.constant 16 : i32
      %mul3A_107 = arith.muli %scan3A_51, %mul3A_106 : i32
      %get3A_108 = arith.constant 8 : i32
      %get3A_109 = arith.index_cast %get3A_108 : i32 to index
      %get3A_110 = arith.index_cast %mul3A_107 : i32 to index
      %get3A_111 = tpu.vector_load %arg7[%get3A_109, %get3A_110] {strides = array<i32>} : memref<16x640xf32, #tpu.memory_space<vmem>>, vector<16xf32>,
      %add3A_112 = arith.addf %add3A_105, %get3A_111 : vector<16xf32>
      %mul3A_113 = arith.constant 16 : i32
      %mul3A_114 = arith.muli %scan3A_51, %mul3A_113 : i32
      %get3A_115 = arith.constant 9 : i32
      %get3A_116 = arith.index_cast %get3A_115 : i32 to index
      %get3A_117 = arith.index_cast %mul3A_114 : i32 to index
      %get3A_118 = tpu.vector_load %arg7[%get3A_116, %get3A_117] {strides = array<i32>} : memref<16x640xf32, #tpu.memory_space<vmem>>, vector<16xf32>,
      %add3A_119 = arith.addf %add3A_112, %get3A_118 : vector<16xf32>
      %mul3A_120 = arith.constant 16 : i32
      %mul3A_121 = arith.muli %scan3A_51, %mul3A_120 : i32
      %get3A_122 = arith.constant 10 : i32
      %get3A_123 = arith.index_cast %get3A_122 : i32 to index
      %get3A_124 = arith.index_cast %mul3A_121 : i32 to index
      %get3A_125 = tpu.vector_load %arg7[%get3A_123, %get3A_124] {strides = array<i32>} : memref<16x640xf32, #tpu.memory_space<vmem>>, vector<16xf32>,
      %add3A_126 = arith.addf %add3A_119, %get3A_125 : vector<16xf32>
      %mul3A_127 = arith.constant 16 : i32
      %mul3A_128 = arith.muli %scan3A_51, %mul3A_127 : i32
      %get3A_129 = arith.constant 11 : i32
      %get3A_130 = arith.index_cast %get3A_129 : i32 to index
      %get3A_131 = arith.index_cast %mul3A_128 : i32 to index
      %get3A_132 = tpu.vector_load %arg7[%get3A_130, %get3A_131] {strides = array<i32>} : memref<16x640xf32, #tpu.memory_space<vmem>>, vector<16xf32>,
      %add3A_133 = arith.addf %add3A_126, %get3A_132 : vector<16xf32>
      %mul3A_134 = arith.constant 16 : i32
      %mul3A_135 = arith.muli %scan3A_51, %mul3A_134 : i32
      %get3A_136 = arith.constant 12 : i32
      %get3A_137 = arith.index_cast %get3A_136 : i32 to index
      %get3A_138 = arith.index_cast %mul3A_135 : i32 to index
      %get3A_139 = tpu.vector_load %arg7[%get3A_137, %get3A_138] {strides = array<i32>} : memref<16x640xf32, #tpu.memory_space<vmem>>, vector<16xf32>,
      %add3A_140 = arith.addf %add3A_133, %get3A_139 : vector<16xf32>
      %mul3A_141 = arith.constant 16 : i32
      %mul3A_142 = arith.muli %scan3A_51, %mul3A_141 : i32
      %get3A_143 = arith.constant 13 : i32
      %get3A_144 = arith.index_cast %get3A_143 : i32 to index
      %get3A_145 = arith.index_cast %mul3A_142 : i32 to index
      %get3A_146 = tpu.vector_load %arg7[%get3A_144, %get3A_145] {strides = array<i32>} : memref<16x640xf32, #tpu.memory_space<vmem>>, vector<16xf32>,
      %add3A_147 = arith.addf %add3A_140, %get3A_146 : vector<16xf32>
      %mul3A_148 = arith.constant 16 : i32
      %mul3A_149 = arith.muli %scan3A_51, %mul3A_148 : i32
      %get3A_150 = arith.constant 14 : i32
      %get3A_151 = arith.index_cast %get3A_150 : i32 to index
      %get3A_152 = arith.index_cast %mul3A_149 : i32 to index
      %get3A_153 = tpu.vector_load %arg7[%get3A_151, %get3A_152] {strides = array<i32>} : memref<16x640xf32, #tpu.memory_space<vmem>>, vector<16xf32>,
      %add3A_154 = arith.addf %add3A_147, %get3A_153 : vector<16xf32>
      %mul3A_155 = arith.constant 16 : i32
      %mul3A_156 = arith.muli %scan3A_51, %mul3A_155 : i32
      %get3A_157 = arith.constant 15 : i32
      %get3A_158 = arith.index_cast %get3A_157 : i32 to index
      %get3A_159 = arith.index_cast %mul3A_156 : i32 to index
      %get3A_160 = tpu.vector_load %arg7[%get3A_158, %get3A_159] {strides = array<i32>} : memref<16x640xf32, #tpu.memory_space<vmem>>, vector<16xf32>,
      %add3A_161 = arith.addf %add3A_154, %get3A_160 : vector<16xf32>
      %mul3A_162 = arith.constant 16 : i32
      %mul3A_163 = arith.muli %scan3A_51, %mul3A_162 : i32
      %swap3A = arith.index_cast %mul3A_163 : i32 to index
      %swap3A_164 = tpu.vector_load %arg8[%swap3A] {strides = array<i32>} : memref<640xf32, #tpu.memory_space<vmem>>, vector<16xf32>,
      tpu.vector_store %arg8[%swap3A], %add3A_161 {strides = array<i32>} : memref<640xf32, #tpu.memory_space<vmem>>, vector<16xf32>,
    }
    %scan3A_50 = arith.constant 40 : i32
    "tpu.region"() ({
      %run_scoped3A_51 = tpu.sem_alloc : memref<!tpu.dma_semaphore, #tpu.memory_space<semaphore_mem>>
      %dma_start3A_52 = arith.constant 0 : i32
      %dma_start3A_53 = tpu.memref_slice %arg4[%arg0, %arg1, %dma_start3A_52] : memref<2x16x640xf32, #tpu.memory_space<hbm>> -> memref<1x1x640xf32, #tpu.memory_space<hbm>>
      %dma_start3A_54 = tpu.memref_squeeze %dma_start3A_53 : memref<1x1x640xf32, #tpu.memory_space<hbm>> -> memref<640xf32, #tpu.memory_space<hbm>>
      %dma_start3A_55 = arith.constant 0 : i32
      %dma_start3A_56 = tpu.memref_slice %arg4[%arg0, %arg1, %dma_start3A_55] : memref<2x16x640xf32, #tpu.memory_space<hbm>> -> memref<1x1x640xf32, #tpu.memory_space<hbm>>
      %dma_start3A_57 = tpu.memref_squeeze %dma_start3A_56 : memref<1x1x640xf32, #tpu.memory_space<hbm>> -> memref<640xf32, #tpu.memory_space<hbm>>
      tpu.enqueue_dma source(%arg8 : memref<640xf32, #tpu.memory_space<vmem>>) target(%dma_start3A_57 : memref<640xf32, #tpu.memory_space<hbm>>) target_semaphore(%run_scoped3A_51 : memref<!tpu.dma_semaphore, #tpu.memory_space<semaphore_mem>>)
      %dma_wait3A_58 = arith.constant 0 : i32
      %dma_wait3A_59 = tpu.memref_slice %arg4[%arg0, %arg1, %dma_wait3A_58] : memref<2x16x640xf32, #tpu.memory_space<hbm>> -> memref<1x1x640xf32, #tpu.memory_space<hbm>>
      %dma_wait3A_60 = tpu.memref_squeeze %dma_wait3A_59 : memref<1x1x640xf32, #tpu.memory_space<hbm>> -> memref<640xf32, #tpu.memory_space<hbm>>
      %dma_wait3A_61 = arith.constant 0 : i32
      %dma_wait3A_62 = tpu.memref_slice %arg4[%arg0, %arg1, %dma_wait3A_61] : memref<2x16x640xf32, #tpu.memory_space<hbm>> -> memref<1x1x640xf32, #tpu.memory_space<hbm>>
      %dma_wait3A_63 = tpu.memref_squeeze %dma_wait3A_62 : memref<1x1x640xf32, #tpu.memory_space<hbm>> -> memref<640xf32, #tpu.memory_space<hbm>>
      tpu.wait_dma2 semaphore(%run_scoped3A_51 : memref<!tpu.dma_semaphore, #tpu.memory_space<semaphore_mem>>) src(%arg8 : memref<640xf32, #tpu.memory_space<vmem>>) dst(%dma_wait3A_63 : memref<640xf32, #tpu.memory_space<hbm>>)
      tpu.yield
    }) : () -> ()
    return
  }
}

module attributes {stable_mosaic.version = 14 : i64} {
  func.func @body(%arg0: i32, %arg1: memref<2000x1xf32, #tpu.memory_space<vmem>>, %arg2: memref<2000x128xf32, #tpu.memory_space<vmem>>, %arg3: memref<2x2000x128xf32, #tpu.memory_space<vmem>>, %arg4: memref<128x128xf32, #tpu.memory_space<vmem>>, %arg5: memref<1x128xf32, #tpu.memory_space<vmem>>, %arg6: memref<128x128xf32, #tpu.memory_space<vmem>>, %arg7: memref<1x128xf32, #tpu.memory_space<vmem>>, %arg8: memref<2000x128xf32, #tpu.memory_space<vmem>>, %arg9: memref<2000x128xf32, #tpu.memory_space<vmem>>) attributes {dimension_semantics = [#tpu.dimension_semantics<arbitrary>], iteration_bounds = array<i64: 5>, scalar_prefetch = 0 : i64, scratch_operands = 0 : i64, tpu.core_type = #tpu.core_type<tc>, window_params = [{transform_indices = @transform_0, window_bounds = array<i64: 2000, 1>}, {transform_indices = @transform_1, window_bounds = array<i64: 2000, 128>}, {transform_indices = @transform_2, window_bounds = array<i64: 2, 2000, 128>}, {pipeline_mode = #tpu.pipeline_mode<synchronous>, transform_indices = @transform_3, window_bounds = array<i64: 128, 128>}, {pipeline_mode = #tpu.pipeline_mode<synchronous>, transform_indices = @transform_4, window_bounds = array<i64: 1, 128>}, {pipeline_mode = #tpu.pipeline_mode<synchronous>, transform_indices = @transform_5, window_bounds = array<i64: 128, 128>}, {pipeline_mode = #tpu.pipeline_mode<synchronous>, transform_indices = @transform_6, window_bounds = array<i64: 1, 128>}, {transform_indices = @transform_7, window_bounds = array<i64: 2000, 128>}, {transform_indices = @transform_8, window_bounds = array<i64: 2000, 128>}]} {
    %get3A = arith.constant 0 : index
    %get3A_0 = arith.constant 0 : index
    %get3A_1 = vector.load %arg1[%get3A, %get3A_0] : memref<2000x1xf32, #tpu.memory_space<vmem>>, vector<2000x1xf32>
    %gt3A = arith.constant 0.000000e+00 : f32
    %gt3A_2 = vector.broadcast %gt3A : f32 to vector<2000x1xf32>
    %gt3A_3 = arith.cmpf ogt, %get3A_1, %gt3A_2 : vector<2000x1xf32>
    %sqrt3A = math.sqrt %get3A_1 : vector<2000x1xf32>
    %div3A = arith.constant 1.000000e+00 : f32
    %div3A_4 = vector.broadcast %div3A : f32 to vector<2000x1xf32>
    %div3A_5 = arith.divf %div3A_4, %sqrt3A : vector<2000x1xf32>
    %jit3A = arith.constant 0.000000e+00 : f32
    %broadcast_in_dim3A = vector.broadcast %jit3A : f32 to vector<2000x1xf32>
    %select_n3A = arith.select %gt3A_3, %div3A_5, %broadcast_in_dim3A : vector<2000x1xi1>, vector<2000x1xf32>
    %get3A_6 = arith.constant 0 : index
    %get3A_7 = arith.constant 0 : index
    %get3A_8 = arith.constant 0 : index
    %get3A_9 = vector.load %arg3[%get3A_6, %get3A_7, %get3A_8] : memref<2x2000x128xf32, #tpu.memory_space<vmem>>, vector<1x2000x128xf32>
    %get3A_10 = vector.shape_cast %get3A_9 : vector<1x2000x128xf32> to vector<2000x128xf32>
    %get3A_11 = arith.constant 1 : index
    %get3A_12 = arith.constant 0 : index
    %get3A_13 = arith.constant 0 : index
    %get3A_14 = vector.load %arg3[%get3A_11, %get3A_12, %get3A_13] : memref<2x2000x128xf32, #tpu.memory_space<vmem>>, vector<1x2000x128xf32>
    %get3A_15 = vector.shape_cast %get3A_14 : vector<1x2000x128xf32> to vector<2000x128xf32>
    %add3A = arith.addf %get3A_10, %get3A_15 : vector<2000x128xf32>
    %mul3A = vector.broadcast %select_n3A : vector<2000x1xf32> to vector<2000x128xf32>
    %mul3A_16 = arith.mulf %add3A, %mul3A : vector<2000x128xf32>
    %get3A_17 = arith.constant 0 : index
    %get3A_18 = arith.constant 0 : index
    %get3A_19 = vector.load %arg2[%get3A_17, %get3A_18] : memref<2000x128xf32, #tpu.memory_space<vmem>>, vector<2000x128xf32>
    %get3A_20 = arith.constant 0 : index
    %get3A_21 = arith.constant 0 : index
    %get3A_22 = vector.load %arg4[%get3A_20, %get3A_21] : memref<128x128xf32, #tpu.memory_space<vmem>>, vector<128x128xf32>
    %dot_general3A = arith.constant dense<0.000000e+00> : vector<2000x128xf32>
    %dot_general3A_23 = tpu.matmul %mul3A_16, %get3A_22, %dot_general3A {dimension_numbers = #tpu.dot_dimension_numbers<[1], [0], [0], [1], [0, 0, 1, 1], [], []>, transpose_lhs_hint = false} : vector<2000x128xf32>, vector<128x128xf32>, vector<2000x128xf32> -> vector<2000x128xf32>
    %get3A_24 = arith.constant 0 : index
    %get3A_25 = arith.constant 0 : index
    %get3A_26 = vector.load %arg5[%get3A_24, %get3A_25] : memref<1x128xf32, #tpu.memory_space<vmem>>, vector<1x128xf32>
    %add3A_27 = vector.broadcast %get3A_26 : vector<1x128xf32> to vector<2000x128xf32>
    %add3A_28 = arith.addf %dot_general3A_23, %add3A_27 : vector<2000x128xf32>
    %ge3A = arith.constant 0.000000e+00 : f32
    %ge3A_29 = vector.broadcast %ge3A : f32 to vector<2000x128xf32>
    %ge3A_30 = arith.cmpf oge, %add3A_28, %ge3A_29 : vector<2000x128xf32>
    %mul3A_31 = arith.constant 2.000000e-01 : f32
    %mul3A_32 = vector.broadcast %mul3A_31 : f32 to vector<2000x128xf32>
    %mul3A_33 = arith.mulf %mul3A_32, %add3A_28 : vector<2000x128xf32>
    %select_n3A_34 = arith.select %ge3A_30, %add3A_28, %mul3A_33 : vector<2000x128xi1>, vector<2000x128xf32>
    %mul3A_35 = arith.mulf %get3A_19, %mul3A_16 : vector<2000x128xf32>
    %get3A_36 = arith.constant 0 : index
    %get3A_37 = arith.constant 0 : index
    %get3A_38 = vector.load %arg6[%get3A_36, %get3A_37] : memref<128x128xf32, #tpu.memory_space<vmem>>, vector<128x128xf32>
    %dot_general3A_39 = arith.constant dense<0.000000e+00> : vector<2000x128xf32>
    %dot_general3A_40 = tpu.matmul %mul3A_35, %get3A_38, %dot_general3A_39 {dimension_numbers = #tpu.dot_dimension_numbers<[1], [0], [0], [1], [0, 0, 1, 1], [], []>, transpose_lhs_hint = false} : vector<2000x128xf32>, vector<128x128xf32>, vector<2000x128xf32> -> vector<2000x128xf32>
    %get3A_41 = arith.constant 0 : index
    %get3A_42 = arith.constant 0 : index
    %get3A_43 = vector.load %arg7[%get3A_41, %get3A_42] : memref<1x128xf32, #tpu.memory_space<vmem>>, vector<1x128xf32>
    %add3A_44 = vector.broadcast %get3A_43 : vector<1x128xf32> to vector<2000x128xf32>
    %add3A_45 = arith.addf %dot_general3A_40, %add3A_44 : vector<2000x128xf32>
    %ge3A_46 = arith.constant 0.000000e+00 : f32
    %ge3A_47 = vector.broadcast %ge3A_46 : f32 to vector<2000x128xf32>
    %ge3A_48 = arith.cmpf oge, %add3A_45, %ge3A_47 : vector<2000x128xf32>
    %mul3A_49 = arith.constant 2.000000e-01 : f32
    %mul3A_50 = vector.broadcast %mul3A_49 : f32 to vector<2000x128xf32>
    %mul3A_51 = arith.mulf %mul3A_50, %add3A_45 : vector<2000x128xf32>
    %select_n3A_52 = arith.select %ge3A_48, %add3A_45, %mul3A_51 : vector<2000x128xi1>, vector<2000x128xf32>
    %add3A_53 = arith.addf %select_n3A_34, %select_n3A_52 : vector<2000x128xf32>
    %swap3A = arith.constant 0 : index
    %swap3A_54 = arith.constant 0 : index
    %swap3A_55 = vector.load %arg8[%swap3A, %swap3A_54] : memref<2000x128xf32, #tpu.memory_space<vmem>>, vector<2000x128xf32>
    tpu.vector_store %arg8[%swap3A, %swap3A_54], %add3A_53 {strides = array<i32>} : memref<2000x128xf32, #tpu.memory_space<vmem>>, vector<2000x128xf32>,
    %mul3A_56 = vector.broadcast %select_n3A : vector<2000x1xf32> to vector<2000x128xf32>
    %mul3A_57 = arith.mulf %add3A_53, %mul3A_56 : vector<2000x128xf32>
    %swap3A_58 = arith.constant 0 : index
    %swap3A_59 = arith.constant 0 : index
    %swap3A_60 = vector.load %arg9[%swap3A_58, %swap3A_59] : memref<2000x128xf32, #tpu.memory_space<vmem>>, vector<2000x128xf32>
    tpu.vector_store %arg9[%swap3A_58, %swap3A_59], %mul3A_57 {strides = array<i32>} : memref<2000x128xf32, #tpu.memory_space<vmem>>, vector<2000x128xf32>,
    return
  }
  func.func @transform_0(%arg0: i32) -> (i32, i32) {
    %c0_i32 = arith.constant 0 : i32
    %c0_i32_0 = arith.constant 0 : i32
    return %arg0, %c0_i32 : i32, i32
  }
  func.func @transform_1(%arg0: i32) -> (i32, i32) {
    %c0_i32 = arith.constant 0 : i32
    %c0_i32_0 = arith.constant 0 : i32
    return %arg0, %c0_i32 : i32, i32
  }
  func.func @transform_2(%arg0: i32) -> (i32, i32, i32) {
    %c0_i32 = arith.constant 0 : i32
    %c0_i32_0 = arith.constant 0 : i32
    %c0_i32_1 = arith.constant 0 : i32
    return %c0_i32, %arg0, %c0_i32_0 : i32, i32, i32
  }
  func.func @transform_3(%arg0: i32) -> (i32, i32) {
    %c0_i32 = arith.constant 0 : i32
    %c0_i32_0 = arith.constant 0 : i32
    %c0_i32_1 = arith.constant 0 : i32
    return %c0_i32, %c0_i32_0 : i32, i32
  }
  func.func @transform_4(%arg0: i32) -> (i32, i32) {
    %c0_i32 = arith.constant 0 : i32
    %c0_i32_0 = arith.constant 0 : i32
    %c0_i32_1 = arith.constant 0 : i32
    return %c0_i32, %c0_i32_0 : i32, i32
  }
  func.func @transform_5(%arg0: i32) -> (i32, i32) {
    %c0_i32 = arith.constant 0 : i32
    %c0_i32_0 = arith.constant 0 : i32
    %c0_i32_1 = arith.constant 0 : i32
    return %c0_i32, %c0_i32_0 : i32, i32
  }
  func.func @transform_6(%arg0: i32) -> (i32, i32) {
    %c0_i32 = arith.constant 0 : i32
    %c0_i32_0 = arith.constant 0 : i32
    %c0_i32_1 = arith.constant 0 : i32
    return %c0_i32, %c0_i32_0 : i32, i32
  }
  func.func @transform_7(%arg0: i32) -> (i32, i32) {
    %c0_i32 = arith.constant 0 : i32
    %c0_i32_0 = arith.constant 0 : i32
    return %arg0, %c0_i32 : i32, i32
  }
  func.func @transform_8(%arg0: i32) -> (i32, i32) {
    %c0_i32 = arith.constant 0 : i32
    %c0_i32_0 = arith.constant 0 : i32
    return %arg0, %c0_i32 : i32, i32
  }
}

module attributes {stable_mosaic.version = 14 : i64} {
  func.func @body(%arg0: i32, %arg1: memref<2000x1xf32, #tpu.memory_space<vmem>>, %arg2: memref<2000x128xf32, #tpu.memory_space<vmem>>, %arg3: memref<2000x128xf32, #tpu.memory_space<vmem>>) attributes {dimension_semantics = [#tpu.dimension_semantics<arbitrary>], iteration_bounds = array<i64: 5>, scalar_prefetch = 0 : i64, scratch_operands = 0 : i64, tpu.core_type = #tpu.core_type<tc>, window_params = [{transform_indices = @transform_0, window_bounds = array<i64: 2000, 1>}, {transform_indices = @transform_1, window_bounds = array<i64: 2000, 128>}, {transform_indices = @transform_2, window_bounds = array<i64: 2000, 128>}]} {
    %get3A = arith.constant 0 : index
    %get3A_0 = arith.constant 0 : index
    %get3A_1 = vector.load %arg2[%get3A, %get3A_0] : memref<2000x128xf32, #tpu.memory_space<vmem>>, vector<2000x128xf32>
    %get3A_2 = arith.constant 0 : index
    %get3A_3 = arith.constant 0 : index
    %get3A_4 = vector.load %arg1[%get3A_2, %get3A_3] : memref<2000x1xf32, #tpu.memory_space<vmem>>, vector<2000x1xf32>
    %gt3A = arith.constant 0.000000e+00 : f32
    %gt3A_5 = vector.broadcast %gt3A : f32 to vector<2000x1xf32>
    %gt3A_6 = arith.cmpf ogt, %get3A_4, %gt3A_5 : vector<2000x1xf32>
    %sqrt3A = math.sqrt %get3A_4 : vector<2000x1xf32>
    %div3A = arith.constant 1.000000e+00 : f32
    %div3A_7 = vector.broadcast %div3A : f32 to vector<2000x1xf32>
    %div3A_8 = arith.divf %div3A_7, %sqrt3A : vector<2000x1xf32>
    %jit3A = arith.constant 0.000000e+00 : f32
    %broadcast_in_dim3A = vector.broadcast %jit3A : f32 to vector<2000x1xf32>
    %select_n3A = arith.select %gt3A_6, %div3A_8, %broadcast_in_dim3A : vector<2000x1xi1>, vector<2000x1xf32>
    %mul3A = vector.broadcast %select_n3A : vector<2000x1xf32> to vector<2000x128xf32>
    %mul3A_9 = arith.mulf %get3A_1, %mul3A : vector<2000x128xf32>
    %swap3A = arith.constant 0 : index
    %swap3A_10 = arith.constant 0 : index
    %swap3A_11 = vector.load %arg3[%swap3A, %swap3A_10] : memref<2000x128xf32, #tpu.memory_space<vmem>>, vector<2000x128xf32>
    tpu.vector_store %arg3[%swap3A, %swap3A_10], %mul3A_9 {strides = array<i32>} : memref<2000x128xf32, #tpu.memory_space<vmem>>, vector<2000x128xf32>,
    return
  }
  func.func @transform_0(%arg0: i32) -> (i32, i32) {
    %c0_i32 = arith.constant 0 : i32
    %c0_i32_0 = arith.constant 0 : i32
    return %arg0, %c0_i32 : i32, i32
  }
  func.func @transform_1(%arg0: i32) -> (i32, i32) {
    %c0_i32 = arith.constant 0 : i32
    %c0_i32_0 = arith.constant 0 : i32
    return %arg0, %c0_i32 : i32, i32
  }
  func.func @transform_2(%arg0: i32) -> (i32, i32) {
    %c0_i32 = arith.constant 0 : i32
    %c0_i32_0 = arith.constant 0 : i32
    return %arg0, %c0_i32 : i32, i32
  }
}

module attributes {stable_mosaic.version = 14 : i64} {
  func.func @body(%arg0: i32, %arg1: memref<2000x128xf32, #tpu.memory_space<vmem>>, %arg2: memref<2000x128xf32, #tpu.memory_space<vmem>>) attributes {dimension_semantics = [#tpu.dimension_semantics<arbitrary>], iteration_bounds = array<i64: 5>, scalar_prefetch = 0 : i64, scratch_operands = 0 : i64, tpu.core_type = #tpu.core_type<tc>, window_params = [{transform_indices = @transform_0, window_bounds = array<i64: 2000, 128>}, {transform_indices = @transform_1, window_bounds = array<i64: 2000, 128>}]} {
    %get3A = arith.constant 0 : index
    %get3A_0 = arith.constant 0 : index
    %get3A_1 = vector.load %arg1[%get3A, %get3A_0] : memref<2000x128xf32, #tpu.memory_space<vmem>>, vector<2000x128xf32>
    %swap3A = arith.constant 0 : index
    %swap3A_2 = arith.constant 0 : index
    %swap3A_3 = vector.load %arg2[%swap3A, %swap3A_2] : memref<2000x128xf32, #tpu.memory_space<vmem>>, vector<2000x128xf32>
    tpu.vector_store %arg2[%swap3A, %swap3A_2], %get3A_1 {strides = array<i32>} : memref<2000x128xf32, #tpu.memory_space<vmem>>, vector<2000x128xf32>,
    return
  }
  func.func @transform_0(%arg0: i32) -> (i32, i32) {
    %c0_i32 = arith.constant 0 : i32
    %c0_i32_0 = arith.constant 0 : i32
    return %arg0, %c0_i32 : i32, i32
  }
  func.func @transform_1(%arg0: i32) -> (i32, i32) {
    %c0_i32 = arith.constant 0 : i32
    %c0_i32_0 = arith.constant 0 : i32
    return %arg0, %c0_i32 : i32, i32
  }
}

module attributes {stable_mosaic.version = 14 : i64} {
  func.func @body(%arg0: i32, %arg1: memref<2000x128xf32, #tpu.memory_space<vmem>>, %arg2: memref<10000x384xf32, #tpu.memory_space<any>>, %arg3: memref<2000x128xf32, #tpu.memory_space<vmem>>) attributes {dimension_semantics = [#tpu.dimension_semantics<arbitrary>], iteration_bounds = array<i64: 5>, scalar_prefetch = 0 : i64, scratch_operands = 0 : i64, tpu.core_type = #tpu.core_type<tc>, window_params = [{transform_indices = @transform_0, window_bounds = array<i64: 2000, 128>}, {}, {transform_indices = @transform_2, window_bounds = array<i64: 2000, 128>}]} {
    %get3A = arith.constant 0 : index
    %get3A_0 = arith.constant 0 : index
    %get3A_1 = vector.load %arg1[%get3A, %get3A_0] : memref<2000x128xf32, #tpu.memory_space<vmem>>, vector<2000x128xf32>
    %mul3A = arith.mulf %get3A_1, %get3A_1 : vector<2000x128xf32>
    %reduce_sum3A = arith.constant dense<0.000000e+00> : vector<2000xf32>
    %reduce_sum3A_2 = vector.multi_reduction <add>, %mul3A, %reduce_sum3A [1] : vector<2000x128xf32> to vector<2000xf32>
    %broadcast_in_dim3A = vector.shape_cast %reduce_sum3A_2 : vector<2000xf32> to vector<2000x1xf32>
    %max3A = arith.constant 9.99999996E-13 : f32
    %max3A_3 = vector.broadcast %max3A : f32 to vector<2000x1xf32>
    %max3A_4 = arith.maximumf %broadcast_in_dim3A, %max3A_3 : vector<2000x1xf32>
    %rsqrt3A = math.rsqrt %max3A_4 : vector<2000x1xf32>
    %mul3A_5 = vector.broadcast %rsqrt3A : vector<2000x1xf32> to vector<2000x128xf32>
    %mul3A_6 = arith.mulf %get3A_1, %mul3A_5 : vector<2000x128xf32>
    %swap3A = arith.constant 0 : index
    %swap3A_7 = arith.constant 0 : index
    %swap3A_8 = vector.load %arg3[%swap3A, %swap3A_7] : memref<2000x128xf32, #tpu.memory_space<vmem>>, vector<2000x128xf32>
    tpu.vector_store %arg3[%swap3A, %swap3A_7], %mul3A_6 {strides = array<i32>} : memref<2000x128xf32, #tpu.memory_space<vmem>>, vector<2000x128xf32>,
    return
  }
  func.func @transform_0(%arg0: i32) -> (i32, i32) {
    %c0_i32 = arith.constant 0 : i32
    %c0_i32_0 = arith.constant 0 : i32
    return %arg0, %c0_i32 : i32, i32
  }
  func.func @transform_2(%arg0: i32) -> (i32, i32) {
    %c1_i32 = arith.constant 1 : i32
    %c0_i32 = arith.constant 0 : i32
    return %arg0, %c1_i32 : i32, i32
  }
}

module attributes {stable_mosaic.version = 14 : i64} {
  func.func @body(%arg0: i32, %arg1: memref<2000x1xf32, #tpu.memory_space<vmem>>, %arg2: memref<2000x128xf32, #tpu.memory_space<vmem>>, %arg3: memref<2x2000x128xf32, #tpu.memory_space<vmem>>, %arg4: memref<128x128xf32, #tpu.memory_space<vmem>>, %arg5: memref<1x128xf32, #tpu.memory_space<vmem>>, %arg6: memref<128x128xf32, #tpu.memory_space<vmem>>, %arg7: memref<1x128xf32, #tpu.memory_space<vmem>>, %arg8: memref<10000x384xf32, #tpu.memory_space<any>>, %arg9: memref<2000x128xf32, #tpu.memory_space<vmem>>) attributes {dimension_semantics = [#tpu.dimension_semantics<arbitrary>], iteration_bounds = array<i64: 5>, scalar_prefetch = 0 : i64, scratch_operands = 0 : i64, tpu.core_type = #tpu.core_type<tc>, window_params = [{transform_indices = @transform_0, window_bounds = array<i64: 2000, 1>}, {transform_indices = @transform_1, window_bounds = array<i64: 2000, 128>}, {transform_indices = @transform_2, window_bounds = array<i64: 2, 2000, 128>}, {pipeline_mode = #tpu.pipeline_mode<synchronous>, transform_indices = @transform_3, window_bounds = array<i64: 128, 128>}, {pipeline_mode = #tpu.pipeline_mode<synchronous>, transform_indices = @transform_4, window_bounds = array<i64: 1, 128>}, {pipeline_mode = #tpu.pipeline_mode<synchronous>, transform_indices = @transform_5, window_bounds = array<i64: 128, 128>}, {pipeline_mode = #tpu.pipeline_mode<synchronous>, transform_indices = @transform_6, window_bounds = array<i64: 1, 128>}, {}, {transform_indices = @transform_8, window_bounds = array<i64: 2000, 128>}]} {
    %get3A = arith.constant 0 : index
    %get3A_0 = arith.constant 0 : index
    %get3A_1 = vector.load %arg1[%get3A, %get3A_0] : memref<2000x1xf32, #tpu.memory_space<vmem>>, vector<2000x1xf32>
    %gt3A = arith.constant 0.000000e+00 : f32
    %gt3A_2 = vector.broadcast %gt3A : f32 to vector<2000x1xf32>
    %gt3A_3 = arith.cmpf ogt, %get3A_1, %gt3A_2 : vector<2000x1xf32>
    %sqrt3A = math.sqrt %get3A_1 : vector<2000x1xf32>
    %div3A = arith.constant 1.000000e+00 : f32
    %div3A_4 = vector.broadcast %div3A : f32 to vector<2000x1xf32>
    %div3A_5 = arith.divf %div3A_4, %sqrt3A : vector<2000x1xf32>
    %jit3A = arith.constant 0.000000e+00 : f32
    %broadcast_in_dim3A = vector.broadcast %jit3A : f32 to vector<2000x1xf32>
    %select_n3A = arith.select %gt3A_3, %div3A_5, %broadcast_in_dim3A : vector<2000x1xi1>, vector<2000x1xf32>
    %get3A_6 = arith.constant 0 : index
    %get3A_7 = arith.constant 0 : index
    %get3A_8 = arith.constant 0 : index
    %get3A_9 = vector.load %arg3[%get3A_6, %get3A_7, %get3A_8] : memref<2x2000x128xf32, #tpu.memory_space<vmem>>, vector<1x2000x128xf32>
    %get3A_10 = vector.shape_cast %get3A_9 : vector<1x2000x128xf32> to vector<2000x128xf32>
    %get3A_11 = arith.constant 1 : index
    %get3A_12 = arith.constant 0 : index
    %get3A_13 = arith.constant 0 : index
    %get3A_14 = vector.load %arg3[%get3A_11, %get3A_12, %get3A_13] : memref<2x2000x128xf32, #tpu.memory_space<vmem>>, vector<1x2000x128xf32>
    %get3A_15 = vector.shape_cast %get3A_14 : vector<1x2000x128xf32> to vector<2000x128xf32>
    %add3A = arith.addf %get3A_10, %get3A_15 : vector<2000x128xf32>
    %mul3A = vector.broadcast %select_n3A : vector<2000x1xf32> to vector<2000x128xf32>
    %mul3A_16 = arith.mulf %add3A, %mul3A : vector<2000x128xf32>
    %get3A_17 = arith.constant 0 : index
    %get3A_18 = arith.constant 0 : index
    %get3A_19 = vector.load %arg2[%get3A_17, %get3A_18] : memref<2000x128xf32, #tpu.memory_space<vmem>>, vector<2000x128xf32>
    %get3A_20 = arith.constant 0 : index
    %get3A_21 = arith.constant 0 : index
    %get3A_22 = vector.load %arg4[%get3A_20, %get3A_21] : memref<128x128xf32, #tpu.memory_space<vmem>>, vector<128x128xf32>
    %dot_general3A = arith.constant dense<0.000000e+00> : vector<2000x128xf32>
    %dot_general3A_23 = tpu.matmul %mul3A_16, %get3A_22, %dot_general3A {dimension_numbers = #tpu.dot_dimension_numbers<[1], [0], [0], [1], [0, 0, 1, 1], [], []>, transpose_lhs_hint = false} : vector<2000x128xf32>, vector<128x128xf32>, vector<2000x128xf32> -> vector<2000x128xf32>
    %get3A_24 = arith.constant 0 : index
    %get3A_25 = arith.constant 0 : index
    %get3A_26 = vector.load %arg5[%get3A_24, %get3A_25] : memref<1x128xf32, #tpu.memory_space<vmem>>, vector<1x128xf32>
    %add3A_27 = vector.broadcast %get3A_26 : vector<1x128xf32> to vector<2000x128xf32>
    %add3A_28 = arith.addf %dot_general3A_23, %add3A_27 : vector<2000x128xf32>
    %ge3A = arith.constant 0.000000e+00 : f32
    %ge3A_29 = vector.broadcast %ge3A : f32 to vector<2000x128xf32>
    %ge3A_30 = arith.cmpf oge, %add3A_28, %ge3A_29 : vector<2000x128xf32>
    %mul3A_31 = arith.constant 2.000000e-01 : f32
    %mul3A_32 = vector.broadcast %mul3A_31 : f32 to vector<2000x128xf32>
    %mul3A_33 = arith.mulf %mul3A_32, %add3A_28 : vector<2000x128xf32>
    %select_n3A_34 = arith.select %ge3A_30, %add3A_28, %mul3A_33 : vector<2000x128xi1>, vector<2000x128xf32>
    %mul3A_35 = arith.mulf %get3A_19, %mul3A_16 : vector<2000x128xf32>
    %get3A_36 = arith.constant 0 : index
    %get3A_37 = arith.constant 0 : index
    %get3A_38 = vector.load %arg6[%get3A_36, %get3A_37] : memref<128x128xf32, #tpu.memory_space<vmem>>, vector<128x128xf32>
    %dot_general3A_39 = arith.constant dense<0.000000e+00> : vector<2000x128xf32>
    %dot_general3A_40 = tpu.matmul %mul3A_35, %get3A_38, %dot_general3A_39 {dimension_numbers = #tpu.dot_dimension_numbers<[1], [0], [0], [1], [0, 0, 1, 1], [], []>, transpose_lhs_hint = false} : vector<2000x128xf32>, vector<128x128xf32>, vector<2000x128xf32> -> vector<2000x128xf32>
    %get3A_41 = arith.constant 0 : index
    %get3A_42 = arith.constant 0 : index
    %get3A_43 = vector.load %arg7[%get3A_41, %get3A_42] : memref<1x128xf32, #tpu.memory_space<vmem>>, vector<1x128xf32>
    %add3A_44 = vector.broadcast %get3A_43 : vector<1x128xf32> to vector<2000x128xf32>
    %add3A_45 = arith.addf %dot_general3A_40, %add3A_44 : vector<2000x128xf32>
    %ge3A_46 = arith.constant 0.000000e+00 : f32
    %ge3A_47 = vector.broadcast %ge3A_46 : f32 to vector<2000x128xf32>
    %ge3A_48 = arith.cmpf oge, %add3A_45, %ge3A_47 : vector<2000x128xf32>
    %mul3A_49 = arith.constant 2.000000e-01 : f32
    %mul3A_50 = vector.broadcast %mul3A_49 : f32 to vector<2000x128xf32>
    %mul3A_51 = arith.mulf %mul3A_50, %add3A_45 : vector<2000x128xf32>
    %select_n3A_52 = arith.select %ge3A_48, %add3A_45, %mul3A_51 : vector<2000x128xi1>, vector<2000x128xf32>
    %add3A_53 = arith.addf %select_n3A_34, %select_n3A_52 : vector<2000x128xf32>
    %mul3A_54 = arith.mulf %add3A_53, %add3A_53 : vector<2000x128xf32>
    %reduce_sum3A = arith.constant dense<0.000000e+00> : vector<2000xf32>
    %reduce_sum3A_55 = vector.multi_reduction <add>, %mul3A_54, %reduce_sum3A [1] : vector<2000x128xf32> to vector<2000xf32>
    %broadcast_in_dim3A_56 = vector.shape_cast %reduce_sum3A_55 : vector<2000xf32> to vector<2000x1xf32>
    %max3A = arith.constant 9.99999996E-13 : f32
    %max3A_57 = vector.broadcast %max3A : f32 to vector<2000x1xf32>
    %max3A_58 = arith.maximumf %broadcast_in_dim3A_56, %max3A_57 : vector<2000x1xf32>
    %rsqrt3A = math.rsqrt %max3A_58 : vector<2000x1xf32>
    %mul3A_59 = vector.broadcast %rsqrt3A : vector<2000x1xf32> to vector<2000x128xf32>
    %mul3A_60 = arith.mulf %add3A_53, %mul3A_59 : vector<2000x128xf32>
    %swap3A = arith.constant 0 : index
    %swap3A_61 = arith.constant 0 : index
    %swap3A_62 = vector.load %arg9[%swap3A, %swap3A_61] : memref<2000x128xf32, #tpu.memory_space<vmem>>, vector<2000x128xf32>
    tpu.vector_store %arg9[%swap3A, %swap3A_61], %mul3A_60 {strides = array<i32>} : memref<2000x128xf32, #tpu.memory_space<vmem>>, vector<2000x128xf32>,
    return
  }
  func.func @transform_0(%arg0: i32) -> (i32, i32) {
    %c0_i32 = arith.constant 0 : i32
    %c0_i32_0 = arith.constant 0 : i32
    return %arg0, %c0_i32 : i32, i32
  }
  func.func @transform_1(%arg0: i32) -> (i32, i32) {
    %c0_i32 = arith.constant 0 : i32
    %c0_i32_0 = arith.constant 0 : i32
    return %arg0, %c0_i32 : i32, i32
  }
  func.func @transform_2(%arg0: i32) -> (i32, i32, i32) {
    %c0_i32 = arith.constant 0 : i32
    %c0_i32_0 = arith.constant 0 : i32
    %c0_i32_1 = arith.constant 0 : i32
    return %c0_i32, %arg0, %c0_i32_0 : i32, i32, i32
  }
  func.func @transform_3(%arg0: i32) -> (i32, i32) {
    %c0_i32 = arith.constant 0 : i32
    %c0_i32_0 = arith.constant 0 : i32
    %c0_i32_1 = arith.constant 0 : i32
    return %c0_i32, %c0_i32_0 : i32, i32
  }
  func.func @transform_4(%arg0: i32) -> (i32, i32) {
    %c0_i32 = arith.constant 0 : i32
    %c0_i32_0 = arith.constant 0 : i32
    %c0_i32_1 = arith.constant 0 : i32
    return %c0_i32, %c0_i32_0 : i32, i32
  }
  func.func @transform_5(%arg0: i32) -> (i32, i32) {
    %c0_i32 = arith.constant 0 : i32
    %c0_i32_0 = arith.constant 0 : i32
    %c0_i32_1 = arith.constant 0 : i32
    return %c0_i32, %c0_i32_0 : i32, i32
  }
  func.func @transform_6(%arg0: i32) -> (i32, i32) {
    %c0_i32 = arith.constant 0 : i32
    %c0_i32_0 = arith.constant 0 : i32
    %c0_i32_1 = arith.constant 0 : i32
    return %c0_i32, %c0_i32_0 : i32, i32
  }
  func.func @transform_8(%arg0: i32) -> (i32, i32) {
    %c2_i32 = arith.constant 2 : i32
    %c0_i32 = arith.constant 0 : i32
    return %arg0, %c2_i32 : i32, i32
  }
}

</mosaic_0001>

<sc_bundles>
// kernel: kernel.10.cloned.1.call-start
scs
__scs_entry_jumppad:
0x0: {  	(pc) =	sbr.rel $0x88, $3  }
0x1: {  	(tag) =	ssettag $0x0;
	lr =	simm.s32 $0x1  }
0x2: {  	[smem:$0x3F97] =	sst lr;
	_ =	strace $0xD0000000  }
0x3: {  	_ = 	snop  }
0x4: {  	_ = 	snop  }
0x5: {  	_ = 	snop  }
0x6: {  	_ = 	snop  }
0x7: {  	_ = 	snop  }
__scs_overlays_trampoline_lowered:
0x8: {  	[smem:$0x3FA6] =	sst s0  }
0x9: {  	[smem:$0x3FA7] =	sst s1  }
0xa: {  	[smem:$0x3FA8] =	sst s2  }
0xb: {  	[smem:$0x3FA9] =	sst s3  }
0xc: {  	[smem:$0x3FAA] =	sst s4  }
0xd: {  	[smem:$0x3FAB] =	sst s5  }
0xe: {  	[smem:$0x3FAC] =	sst s6  }
0xf: {  	[smem:$0x3FAD] =	sst s7  }
0x10: {  	[smem:$0x3FAE] =	sst s8  }
0x11: {  	[smem:$0x3FAF] =	sst s9;
	s0 =	simm.s32 @!p0 $0x0  }
0x12: {  	s1 =	sld [smem:$0x3F95];
	s0 =	simm.s32 @p0 $0x1  }
0x13: {  	[smem:$0x3FB0] =	sst s0;
	s0 =	simm.s32 @!p1 $0x0  }
0x14: {  	s2 =	sld [smem:$0x3F94];
	s0 =	simm.s32 @p1 $0x1  }
0x15: {  	[smem:$0x3FB1] =	sst s0;
	s0 =	simm.s32 @!p2 $0x0  }
0x16: {  	s3 =	sld [smem:$0x3FDB];
	s0 =	simm.s32 @p2 $0x1  }
0x17: {  	s4 =	simm.s32 $0x1BF5;
	[smem:$0x3FB3] =	sst s0  }
0x18: {  	s0 =	sld [smem:$0x3F96];
	_ =	swait.ge [sflag:s4], $0x0  }
0x19: {  	s7 =	sld [smem:$0x3F97]  }
0x1a: {  	s8 =	sadd.s32 $0xFFFFE003, lr  }
0x1b: {  	s9 =	sadd.s32 $0xFFFFFEF7, lr;
	s5 =	simm.s32 $0xFFFFFFFF;
	p2 =	slt.u32 s8, $0xFFFFF086  }
0x1c: {  	p1 =	slt.u32 s9, $0xF7A;
	s5 =	simm.s32 @!p2 $0x0  }
0x1d: {  	s5 =	simm.s32 @p1 $0x1;
	p0 =	seq.s32 s7, s2  }
0x1e: {  	s7 =	smul.u32 @!p0 $0xF7A, s2;
	p2 =	seq.s32 @!p0 s5, $0x0  }
0x1f: {  	s9 =	smul.u32 $0xF7A, s1;
	s8 =	simm.s32 @!p0 $0x1BF5;
	p2 =	por !p2, p0  }
0x20: {  	[sflag:s8] =	ssyncset.s32 @!p0 $0xFFFFF086;
	s6 =	sadd.s32 @!p0 s3, s7;
	s7 =	simm.s32 @!p0 $0x108  }
0x21: {  	s3 =	sadd.s32 s3, s9;
	s6 =	sadd.s32 @!p0 $0x88, s6;
	s7 =	simm.s32 @p2 $0x1082  }
0x22: {  	[simem:s7], [sflag:s8] =	dma.local @!p0 [hbm:s6], $0xF7A  }
0x23: {  	s9 =	sor.u32 $0xD0000000, s2;
	s6 =	simm.s32 $0x108;
	_ =	swait.ge @!p0 [sflag:s8], $0x0  }
0x24: {  	s3 =	sadd.s32 $0x88, s3;
	s6 =	simm.s32 @!p1 $0x1082;
	[sflag:s4] =	ssyncset.s32 $0xFFFFF086  }
0x25: {  	[simem:s6], [sflag:s4] =	dma.local [hbm:s3], $0xF7A  }
0x26: {  	[smem:$0x3F97] =	sst s1;
	(tag) =	ssettag s2;
	_ =	strace s9  }
0x27: {  	s1 =	sld [smem:$0x3FA7]  }
0x28: {  	s2 =	sld [smem:$0x3FA8]  }
0x29: {  	s4 =	sld [smem:$0x3FAA]  }
0x2a: {  	p0 =	seq.s32 s5, $0x0;
	s5 =	sld [smem:$0x3FAB]  }
0x2b: {  	s6 =	sld [smem:$0x3FAC]  }
0x2c: {  	s7 =	sld [smem:$0x3FAD]  }
0x2d: {  	s3 =	simm.s32 $0x108;
	s8 =	sld [smem:$0x3FAE]  }
0x2e: {  	s3 =	simm.s32 @!p0 $0x1082;
	s9 =	sld [smem:$0x3FAF]  }
0x2f: {  	lr =	sadd.s32 s0, s3;
	s0 =	sld [smem:$0x3FA6]  }
0x30: {  	s3 =	sld [smem:$0x3FA9]  }
0x31: {  	[smem:$0x3FB2] =	sst s10  }
0x32: {  	s10 =	sld [smem:$0x3FB0];
	_ =	sdelay $0x3  }
0x33: {  	p0 =	seq.s32 s10, $0x1;
	s10 =	sld [smem:$0x3FB2];
	_ =	sdelay $0x3  }
0x34: {  	[smem:$0x3FB2] =	sst s10  }
0x35: {  	s10 =	sld [smem:$0x3FB1];
	_ =	sdelay $0x3  }
0x36: {  	p1 =	seq.s32 s10, $0x1;
	s10 =	sld [smem:$0x3FB2];
	_ =	sdelay $0x3  }
0x37: {  	[smem:$0x3FB2] =	sst s10  }
0x38: {  	s10 =	sld [smem:$0x3FB3]  }
0x39: {  	_ = 	snop;
	(pc) =	sbr.ind lr, $3  }
0x3a: {  	_ = 	snop  }
0x3b: {  	_ = 	snop  }
0x3c: {  	p2 =	seq.s32 s10, $0x1;
	s10 =	sld [smem:$0x3FB2]  }
0x3d: {  	_ =	shalt  }
0x3e: {  	_ =	shalt  }
0x3f: {  	_ =	shalt  }
0x40: {  	_ =	shalt  }
0x41: {  	_ =	shalt  }
0x42: {  	_ =	shalt  }
0x43: {  	_ =	shalt  }
0x44: {  	_ =	shalt  }
0x45: {  	_ =	shalt  }
0x46: {  	_ =	shalt  }
0x47: {  	_ =	shalt  }
0x48: {  	_ =	shalt  }
0x49: {  	_ =	shalt  }
0x4a: {  	_ =	shalt  }
0x4b: {  	_ =	shalt  }
0x4c: {  	_ =	shalt  }
0x4d: {  	_ =	shalt  }
0x4e: {  	_ =	shalt  }
0x4f: {  	_ =	shalt  }
0x50: {  	_ =	shalt  }
0x51: {  	_ =	shalt  }
0x52: {  	_ =	shalt  }
0x53: {  	_ =	shalt  }
0x54: {  	_ =	shalt  }
0x55: {  	_ =	shalt  }
0x56: {  	_ =	shalt  }
0x57: {  	_ =	shalt  }
0x58: {  	_ =	shalt  }
0x59: {  	_ =	shalt  }
0x5a: {  	_ =	shalt  }
0x5b: {  	_ =	shalt  }
0x5c: {  	_ =	shalt  }
0x5d: {  	_ =	shalt  }
0x5e: {  	_ =	shalt  }
0x5f: {  	_ =	shalt  }
0x60: {  	_ =	shalt  }
0x61: {  	_ =	shalt  }
0x62: {  	_ =	shalt  }
0x63: {  	_ =	shalt  }
0x64: {  	_ =	shalt  }
0x65: {  	_ =	shalt  }
0x66: {  	_ =	shalt  }
0x67: {  	_ =	shalt  }
0x68: {  	_ =	shalt  }
0x69: {  	_ =	shalt  }
0x6a: {  	_ =	shalt  }
0x6b: {  	_ =	shalt  }
0x6c: {  	_ =	shalt  }
0x6d: {  	_ =	shalt  }
0x6e: {  	_ =	shalt  }
0x6f: {  	_ =	shalt  }
0x70: {  	_ =	shalt  }
0x71: {  	_ =	shalt  }
0x72: {  	_ =	shalt  }
0x73: {  	_ =	shalt  }
0x74: {  	_ =	shalt  }
0x75: {  	_ =	shalt  }
0x76: {  	_ =	shalt  }
0x77: {  	_ =	shalt  }
0x78: {  	_ =	shalt  }
0x79: {  	_ =	shalt  }
0x7a: {  	_ =	shalt  }
0x7b: {  	_ =	shalt  }
0x7c: {  	_ =	shalt  }
0x7d: {  	_ =	shalt  }
0x7e: {  	_ =	shalt  }
0x7f: {  	_ =	shalt  }
0x80: {  	_ =	shalt  }
0x81: {  	_ =	shalt  }
0x82: {  	_ =	shalt  }
0x83: {  	_ =	shalt  }
0x84: {  	_ =	shalt  }
0x85: {  	_ =	shalt  }
0x86: {  	_ =	shalt  }
0x87: {  	_ =	shalt  }
.Lfunc_end0:
.L_simem_size_0:
called_computation_lowered:
.L_overlay_start_0:
0x88: {  	s2 =	sld [smem:$0x3FD9]  }
0x89: {  	s3 =	sld [smem:$0x3FFE];
	_ =	sdelay $0x1  }
0x8a: {  	s1 =	srdreg.scid  }
0x8b: {  	s0 =	sand.u32 $0x1, s1  }
0x8c: {  	s17 =	sshll.u32 s0, $0xA;
	s2 =	sadd.s32 s3, s2  }
0x8d: {  	s2 =	sadd.s32 s2, s17  }
0x8e: {  	[smem:$0x3FBE] =	sst s2  }
0x8f: {  	_ = 	snop  }
0x90: {  	s2 =	sld [smem:$0x3FD0];
	(tm) =	ssettm $0x1  }
0x91: {  	s18 =	sld [smem:$0x3FFB];
	_ =	sdelay $0x3  }
0x92: {  	_ =	strace s18  }
0x93: {  	s3 =	sld [smem:$0x3FFC];
	_ =	sdelay $0x3  }
0x94: {  	_ =	strace s3  }
0x95: {  	s3 =	sld [smem:$0x3FFD];
	_ =	sdelay $0x3  }
0x96: {  	_ =	strace s3  }
0x97: {  	_ =	strace $0x8FFFFFFF  }
0x98: {  	s19 =	sld [smem:$0x3FDB];
	_ =	sdelay $0x1  }
0x99: {  	s4 =	simm.s32 $_scs_section_size  }
0x9a: {  	s5 =	simm.s32 $_size__tile_overlayer_lowered;
	s6 =	simm.s32 $_tile_overlayer_lowered  }
0x9b: {  	s22 =	simm.s32 $0x1BFF;
	s21 =	sshll.u32 s6, $0x1;
	s3 =	sadd.s32 s4, s19  }
0x9c: {  	s7 =	simm.s32 $0x0;
	s20 =	sshll.u32 s5, $0x1;
	s5 =	sadd.s32 s21, s3  }
0x9d: {  	[timem:s7], [sflag:s22] =	dma.local [hbm:s5], s20  }
0x9e: {  	_ =	swait.ge [sflag:s22], s20  }
0x9f: {  	s4 =	ssub.s32 $0x0, s20;
	[sflag:s22] =	ssyncset.done $0x0  }
0xa0: {  	[sflag:s22] =	ssyncadd.s32 s4;
	_ =	sdelay $0x1  }
0xa1: {  	s23 =	simm.s32 $0x1B8B  }
0xa2: {  	_ =	swait.ge [sflag:s23], $0x1  }
0xa3: {  	[sflag:s23] =	ssyncset.done $0x0  }
0xa4: {  	s25 =	simm.s32 $0x1B8E;
	s24 =	sld [smem:$0x3FFE];
	[sflag:s23] =	ssyncadd.s32 $0xFFFFFFFF  }
0xa5: {  	s26 =	simm.s32 $execute0_lowered;
	[smem:$0x3FD2] =	sst s25  }
0xa6: {  	s5 =	sshll.u32 s26, $0x1;
	_ =	strace $0x80000046;
	[dreg:$0x1] =	wrdreg $0xFFFFFFFF  }
0xa7: {  	s28 =	simm.s32 $_size_execute0_lowered;
	s3 =	sadd.s32 s3, s5;
	[dreg:$0x0] =	wrdreg $0x0  }
0xa8: {  	s5 =	sshll.u32 s28, $0x1;
	[dreg:$0x2] =	wrdreg s3  }
0xa9: {  	[dreg:$0x3] =	wrdreg s5  }
0xaa: {  	[dreg:$0x4] =	wrdreg $0xC0  }
0xab: {  	_ =	task [dreg:s7], $0x5FFFF  }
0xac: {  	[dreg:$0x1] =	wrdreg $0xFFFFFFFF  }
0xad: {  	[dreg:$0x0] =	wrdreg $0x60  }
0xae: {  	[dreg:$0x2] =	wrdreg s24  }
0xaf: {  	[dreg:$0x3] =	wrdreg s2  }
0xb0: {  	[dreg:$0x4] =	wrdreg $0x7A000  }
0xb1: {  	[dreg:$0x5] =	wrdreg $0x9  }
0xb2: {  	_ =	task.clear_ibuf [dreg:s7], $0x6FFFF;
	_ =	strace $0x90000046  }
0xb3: {  	s29 =	simm.s32 $0x9;
	_ =	strace $0x80000048  }
0xb4: {  	_ =	swait.ge [sflag:s29], $0x1  }
0xb5: {  	[sflag:s29] =	ssyncadd.s32 $0xFFFFFFFF  }
0xb6: {  	_ =	strace $0x90000048  }
0xb7: {  	_ =	sfence  }
0xb8: {  	s30 =	sld [smem:$0x0];
	_ =	sdelay $0x2  }
0xb9: {  	s31 =	sshll.u32 s1, $0xD;
	s1 =	sshrl.u32 s1, $0x2  }
0xba: {  	s3 =	sand.u32 $0x4000, s31;
	s1 =	sadd.s32 s1, s30  }
0xbb: {  	s0 =	sor.u32 s3, s0;
	s1 =	sshll.u32 s1, $0x11  }
0xbc: {  	s0 =	sor.u32 s1, s0  }
0xbd: {  	s0 =	sadd.s32 $0x8F2B, s0  }
0xbe: {  	[sflag:s0] =	ssyncadd.remote.s32 $0x1  }
0xbf: {  	_ =	sfence.sel $0xFFFF  }
0xc0: {  	[dreg:$0x0] =	wrdreg $0xFFFFFFFF;
	(pc) =	sbr.abs _section_cstart, $3  }
0xc1: {  	[dreg:$0x1] =	wrdreg $0xFFFFFFFF  }
0xc2: {  	_ =	task.clear_ibuf [dreg:s7], $0x2FFFF;
	_ =	strace $0x9FFFFFFF  }
0xc3: {  	(tm) =	ssettm $0x7FFFFFFF  }
tec
execute0_lowered:
.L_overlay_start_1:
0x0: {  	(tag) =	ssettag $0x1  }
0x1: {  	s0 =	rddreg [dreg:$0x0]  }
0x2: {  	s1 =	srdreg.scid;
	s2 =	rddreg [dreg:$0x1]  }
0x3: {  	s3 =	rddreg [dreg:$0x2];
	s1 =	sand.u32 $0x1, s1  }
0x4: {  	s10 =	stileid.u32;
	s5 =	simm.s32 $0x0;
	s4 =	sshll.u32 s1, $0x4  }
0x5: {  	[smem:$0x7FF] =	sst s5;
	s9 =	smul.u32 $0x5000, s10;
	s4 =	sor.u32 s10, s4  }
0x6: {  	s6 =	sshrl.u32 s10, $0x3;
	s5 =	sshll.u32 s10, $0x7;
	s4 =	smul.u32 $0x4E2, s4  }
0x7: {  	_ =	strace $0x80000047;
	s26 =	ssub.s32 $0x2, s1;
	s7 =	smul.u32 $0x50000, s6  }
0x8: {  	s8 =	sshrl.u32 s26, $0x1;
	s4 =	sadd.s32 s4, s0;
	s0 =	sadd.s32 $0x15A00, s0  }
0x9: {  	s10 =	sshrl.u32 s9, $0x2;
	[dreg:$0x4] =	wrdreg s0;
	s4 =	sadd.s32 $0xBC00, s4  }
0xa: {  	s0 =	ssub.s32 s26, s8;
	s8 =	sshrl.u32 s7, $0x2;
	[dreg:$0x5] =	wrdreg s4  }
0xb: {  	s4 =	sand.u32 $0x380, s5;
	s11 =	sadd.s32 s8, s3;
	s0 =	smax.u32 s0, $0x1  }
0xc: {  	s5 =	sadd.s32 s10, s3;
	s12 =	sadd.s32 s4, s11;
	[dreg:$0x17] =	wrdreg s0  }
0xd: {  	s13 =	sadd.s32 $0x80, s5;
	[dreg:$0x6] =	wrdreg s12  }
0xe: {  	s14 =	sadd.s32 $0x100, s5;
	[dreg:$0x7] =	wrdreg s13  }
0xf: {  	s15 =	sadd.s32 $0x180, s5;
	[dreg:$0x8] =	wrdreg s14  }
0x10: {  	s16 =	sadd.s32 $0x200, s5;
	[dreg:$0x9] =	wrdreg s15  }
0x11: {  	s17 =	sadd.s32 $0x280, s5;
	[dreg:$0xa] =	wrdreg s16  }
0x12: {  	s18 =	sadd.s32 $0x300, s5;
	[dreg:$0xb] =	wrdreg s17  }
0x13: {  	s20 =	sadd.s32 $0x380, s5;
	[dreg:$0xc] =	wrdreg s18  }
0x14: {  	s21 =	sadd.s32 $0x14000, s5;
	[dreg:$0xd] =	wrdreg s20  }
0x15: {  	s22 =	sadd.s32 $0x14080, s5;
	[dreg:$0xe] =	wrdreg s21  }
0x16: {  	s1 =	smul.u32 $0x2800, s1;
	s23 =	sadd.s32 $0x14100, s5;
	[dreg:$0xf] =	wrdreg s22  }
0x17: {  	s19 =	smul.u32 $0x1400, s6;
	s24 =	sadd.s32 $0x14180, s5;
	[dreg:$0x10] =	wrdreg s23  }
0x18: {  	s25 =	sadd.s32 $0x14200, s5;
	[dreg:$0x11] =	wrdreg s24  }
0x19: {  	s1 =	sadd.s32 s1, s19;
	s26 =	sadd.s32 $0x14280, s5;
	[dreg:$0x12] =	wrdreg s25  }
0x1a: {  	s1 =	sor.u32 s4, s1;
	s4 =	sadd.s32 $0x14300, s5;
	[dreg:$0x13] =	wrdreg s26  }
0x1b: {  	s6 =	sadd.s32 $0x14380, s5;
	[dreg:$0x14] =	wrdreg s4  }
0x1c: {  	s7 =	sadd.s32 $0x400, s5;
	[dreg:$0x15] =	wrdreg s6  }
0x1d: {  	s8 =	sadd.s32 $0x800, s5;
	[dreg:$0x18] =	wrdreg s7  }
0x1e: {  	s9 =	sadd.s32 $0xC00, s5;
	[dreg:$0x19] =	wrdreg s8  }
0x1f: {  	s10 =	sadd.s32 $0x1000, s5;
	[dreg:$0x1a] =	wrdreg s9  }
0x20: {  	s11 =	sadd.s32 $0x480, s5;
	[dreg:$0x1b] =	wrdreg s10  }
0x21: {  	s19 =	sadd.s32 $0x580, s5;
	[dreg:$0x1c] =	wrdreg s11  }
0x22: {  	s3 =	sadd.s32 $0xE80, s5;
	[smem:$0x7DD] =	sst s19  }
0x23: {  	s12 =	sadd.s32 $0x880, s5;
	[smem:$0x7E7] =	sst s3  }
0x24: {  	s13 =	sadd.s32 $0xC80, s5;
	[dreg:$0x1d] =	wrdreg s12  }
0x25: {  	s14 =	sadd.s32 $0x1080, s5;
	[dreg:$0x1e] =	wrdreg s13  }
0x26: {  	s15 =	sadd.s32 $0x500, s5;
	[dreg:$0x1f] =	wrdreg s14  }
0x27: {  	s16 =	sadd.s32 $0x900, s5;
	[smem:$0x7D9] =	sst s15  }
0x28: {  	s17 =	sadd.s32 $0xD00, s5;
	[smem:$0x7DA] =	sst s16  }
0x29: {  	s18 =	sadd.s32 $0x1100, s5;
	[smem:$0x7DB] =	sst s17  }
0x2a: {  	s20 =	sadd.s32 $0x980, s5;
	[smem:$0x7DC] =	sst s18  }
0x2b: {  	s21 =	sadd.s32 $0xD80, s5;
	[smem:$0x7DE] =	sst s20  }
0x2c: {  	s22 =	sadd.s32 $0x1180, s5;
	[smem:$0x7DF] =	sst s21  }
0x2d: {  	s23 =	sadd.s32 $0x600, s5;
	[smem:$0x7E0] =	sst s22  }
0x2e: {  	s24 =	sadd.s32 $0xA00, s5;
	[smem:$0x7E1] =	sst s23  }
0x2f: {  	s25 =	sadd.s32 $0xE00, s5;
	[smem:$0x7E2] =	sst s24  }
0x30: {  	s26 =	sadd.s32 $0x1200, s5;
	[smem:$0x7E3] =	sst s25  }
0x31: {  	s4 =	sadd.s32 $0x1280, s5;
	[smem:$0x7E4] =	sst s26  }
0x32: {  	s6 =	sadd.s32 $0x700, s5;
	[smem:$0x7E8] =	sst s4  }
0x33: {  	s7 =	sadd.s32 $0xB00, s5;
	[smem:$0x7E9] =	sst s6  }
0x34: {  	s8 =	sadd.s32 $0xF00, s5;
	[smem:$0x7EA] =	sst s7  }
0x35: {  	s9 =	sadd.s32 $0x1300, s5;
	[smem:$0x7EB] =	sst s8  }
0x36: {  	s10 =	sadd.s32 $0x780, s5;
	[smem:$0x7EC] =	sst s9  }
0x37: {  	s11 =	sadd.s32 $0xB80, s5;
	[smem:$0x7ED] =	sst s10  }
0x38: {  	s1 =	sshrl.u32 s1, $0x3;
	s19 =	sadd.s32 $0x14880, s5;
	[smem:$0x7EE] =	sst s11  }
0x39: {  	s1 =	sadd.s32 s2, s1;
	[smem:$0x7F6] =	sst s19  }
0x3a: {  	s2 =	sadd.s32 $0xA80, s5;
	[dreg:$0x16] =	wrdreg s1  }
0x3b: {  	s12 =	sadd.s32 $0xF80, s5;
	[smem:$0x7E6] =	sst s2  }
0x3c: {  	s13 =	sadd.s32 $0x1380, s5;
	[smem:$0x7EF] =	sst s12  }
0x3d: {  	s14 =	sadd.s32 $0x14400, s5;
	[smem:$0x7F0] =	sst s13  }
0x3e: {  	s15 =	sadd.s32 $0x14800, s5;
	[smem:$0x7F1] =	sst s14  }
0x3f: {  	s29 =	simm.s32 $0x2780;
	s16 =	sadd.s32 $0x14C00, s5;
	[smem:$0x7F2] =	sst s15  }
0x40: {  	s30 =	simm.s32 $0x2;
	s17 =	sadd.s32 $0x15000, s5;
	[smem:$0x7F3] =	sst s16  }
0x41: {  	s31 =	simm.s32 $0x1;
	s18 =	sadd.s32 $0x14480, s5;
	[smem:$0x7F4] =	sst s17  }
0x42: {  	s28 =	sadd.s32 $0x15380, s5;
	s20 =	sadd.s32 $0x14C80, s5;
	[smem:$0x7F5] =	sst s18  }
0x43: {  	s0 =	simm.s32 $0x80;
	s21 =	sadd.s32 $0x15080, s5;
	[smem:$0x7F7] =	sst s20  }
0x44: {  	s22 =	sadd.s32 $0x14500, s5;
	s23 =	sadd.s32 $0x14900, s5;
	[smem:$0x7F8] =	sst s21  }
0x45: {  	s24 =	sadd.s32 $0x14D00, s5;
	s25 =	sadd.s32 $0x15100, s5;
	[smem:$0x7F9] =	sst s22  }
0x46: {  	s26 =	sadd.s32 $0x14580, s5;
	s9 =	sadd.s32 $0x14980, s5;
	[smem:$0x7FA] =	sst s23  }
0x47: {  	s10 =	sadd.s32 $0x14D80, s5;
	s11 =	sadd.s32 $0x15180, s5;
	[smem:$0x7FB] =	sst s24  }
0x48: {  	s19 =	sadd.s32 $0x15280, s5;
	s1 =	sadd.s32 $0x680, s5;
	[smem:$0x7FC] =	sst s25  }
0x49: {  	[smem:$0x7FD] =	sst s26;
	s12 =	sadd.s32 $0x14600, s5;
	s13 =	sadd.s32 $0x14A00, s5  }
0x4a: {  	s14 =	sadd.s32 $0x14E00, s5;
	s15 =	sadd.s32 $0x15200, s5;
	s16 =	sadd.s32 $0x14680, s5  }
0x4b: {  	s17 =	sadd.s32 $0x14A80, s5;
	s18 =	sadd.s32 $0x14E80, s5;
	s20 =	sadd.s32 $0x14700, s5  }
0x4c: {  	s21 =	sadd.s32 $0x14B00, s5;
	s22 =	sadd.s32 $0x14F00, s5;
	s23 =	sadd.s32 $0x15300, s5  }
0x4d: {  	s24 =	sadd.s32 $0x14780, s5;
	s25 =	sadd.s32 $0x14B80, s5;
	s26 =	sadd.s32 $0x14F80, s5  }
0x4e: {  	v0 =	vimm.f32 $1.000000000e+00;
	s2 =	simm.s32 $0x0;
	[smem:$0x7E5] =	sst s1;
	s1 =	simm.s32 $0x400  }
.LBB2_1:
0x4f: {  	s3 =	simm.s32 $0x0;
	s4 =	rddreg [dreg:$0x5]  }
0x50: {  	[tilespmem:s3], [sflag:$0x1] =	stream.linear.gather [hbm4b:s4+s3], $0x2710, $0x38;
	[tilespmem:$0xA200] =	vst v63  }
0x51: {  	s8 =	rddreg [dreg:$0x4]  }
0x52: {  	[tilespmem:s29], [sflag:$0x2] =	stream.linear.gather [hbm4b:s8+s3], $0x2800, $0x38;
	[tilespmem:$0xA200] =	vst v63  }
0x53: {  	_ =	swait.ge [sflag:s30], $0x2800  }
0x54: {  	[sflag:s30] =	ssyncset.done $0x0  }
0x55: {  	[sflag:s30] =	ssyncadd.s32 $0xFFFFD800  }
0x56: {  	_ =	swait.ge [sflag:s31], $0x2710  }
0x57: {  	[sflag:s31] =	ssyncset.done $0x0  }
0x58: {  	s4 =	simm.s32 $0x0;
	s3 =	simm.s32 $0x40;
	[sflag:s31] =	ssyncadd.s32 $0xFFFFD8F0  }
.LBB2_2:
0x59: {  	p0 =	sne.s32 s3, $0x9C00;
	v1 =	vld [tilespmem:s4+$0x0];
	_ =	sdelay $0x3  }
.Ltmp0:
0x5a: {  	(pc) =	sbr.rel @p0 .LBB2_2-.Ltmp0, $2  }
0x5b: {  	_ =	sdelay $0x2  }
0x5c: {  	s4 =	sshra.s32 s3, $0x2;
	s3 =	sadd.s32 $0x40, s3;
	[tilespmem:v1+s29+$0x0] =	vst.idx.add.f32.msk $0xffff, v0  }
0x5d: {  	v1 =	vld [tilespmem:s4+$0x0];
	_ =	sdelay $0x7  }
0x5e: {  	s3 =	rddreg [dreg:$0x6];
	[tilespmem:v1+s29+$0x0] =	vst.idx.add.f32.msk $0xffff, v0  }
0x5f: {  	[spmem:s3] =	stream.strided.scatter [tilespmem:s29], [sflag:$0x2], $0x2800, s1, s0, $0x38;
	[tilespmem:$0xA200] =	vst v63  }
0x60: {  	_ =	swait.ge [sflag:s30], $0x2800  }
0x61: {  	[sflag:s30] =	ssyncset.done $0x0  }
0x62: {  	[sflag:s30] =	ssyncadd.s32 $0xFFFFD800  }
0x63: {  	s8 =	simm.s32 $0x4F80;
	[bflag:$0x0] =	sbarrier.arrive $0xFFFF  }
0x64: {  	[tilespmem:s8], [sflag:$0x2] =	stream.linear.gather [spmem:s5], $0x80, $0x38;
	[tilespmem:$0xA200] =	vst v63  }
0x65: {  	s6 =	simm.s32 $0x5380;
	s4 =	rddreg [dreg:$0x18]  }
0x66: {  	[tilespmem:s6], [sflag:$0x2] =	stream.linear.gather [spmem:s4], $0x80, $0x38;
	[tilespmem:$0xA200] =	vst v63  }
0x67: {  	s7 =	rddreg [dreg:$0x19];
	s8 =	simm.s32 $0x5780  }
0x68: {  	[tilespmem:s8], [sflag:$0x2] =	stream.linear.gather [spmem:s7], $0x80, $0x38;
	[tilespmem:$0xA200] =	vst v63  }
0x69: {  	s4 =	rddreg [dreg:$0x1a];
	s6 =	simm.s32 $0x5B80  }
0x6a: {  	[tilespmem:s6], [sflag:$0x2] =	stream.linear.gather [spmem:s4], $0x80, $0x38;
	[tilespmem:$0xA200] =	vst v63  }
0x6b: {  	s7 =	rddreg [dreg:$0x1b];
	s8 =	simm.s32 $0x5F80  }
0x6c: {  	[tilespmem:s8], [sflag:$0x2] =	stream.linear.gather [spmem:s7], $0x80, $0x38;
	[tilespmem:$0xA200] =	vst v63  }
0x6d: {  	_ =	swait.ge [sflag:s30], $0x280  }
0x6e: {  	[sflag:s30] =	ssyncset.done $0x0  }
0x6f: {  	s6 =	simm.s32 $0x5000;
	s4 =	rddreg [dreg:$0x7];
	[sflag:s30] =	ssyncadd.s32 $0xFFFFFD80  }
0x70: {  	[tilespmem:s6], [sflag:$0x2] =	stream.linear.gather [spmem:s4], $0x80, $0x38;
	[tilespmem:$0xA200] =	vst v63  }
0x71: {  	s8 =	simm.s32 $0x5400;
	s7 =	rddreg [dreg:$0x1c]  }
0x72: {  	[tilespmem:s8], [sflag:$0x2] =	stream.linear.gather [spmem:s7], $0x80, $0x38;
	[tilespmem:$0xA200] =	vst v63  }
0x73: {  	s4 =	rddreg [dreg:$0x1d];
	s6 =	simm.s32 $0x5800  }
0x74: {  	[tilespmem:s6], [sflag:$0x2] =	stream.linear.gather [spmem:s4], $0x80, $0x38;
	[tilespmem:$0xA200] =	vst v63  }
0x75: {  	s7 =	rddreg [dreg:$0x1e];
	s8 =	simm.s32 $0x5C00  }
0x76: {  	[tilespmem:s8], [sflag:$0x2] =	stream.linear.gather [spmem:s7], $0x80, $0x38;
	[tilespmem:$0xA200] =	vst v63  }
0x77: {  	s4 =	rddreg [dreg:$0x1f];
	s6 =	simm.s32 $0x6000  }
0x78: {  	[tilespmem:s6], [sflag:$0x2] =	stream.linear.gather [spmem:s4], $0x80, $0x38;
	[tilespmem:$0xA200] =	vst v63  }
0x79: {  	_ =	swait.ge [sflag:s30], $0x280  }
0x7a: {  	[sflag:s30] =	ssyncset.done $0x0;
	s7 =	rddreg [dreg:$0x8]  }
0x7b: {  	s8 =	simm.s32 $0x5080;
	s4 =	sld [smem:$0x7D9];
	[sflag:s30] =	ssyncadd.s32 $0xFFFFFD80  }
0x7c: {  	[tilespmem:s8], [sflag:$0x2] =	stream.linear.gather [spmem:s7], $0x80, $0x38;
	[tilespmem:$0xA200] =	vst v63  }
0x7d: {  	s6 =	simm.s32 $0x5480;
	s7 =	sld [smem:$0x7DA]  }
0x7e: {  	[tilespmem:s6], [sflag:$0x2] =	stream.linear.gather [spmem:s4], $0x80, $0x38;
	[tilespmem:$0xA200] =	vst v63  }
0x7f: {  	s8 =	simm.s32 $0x5880;
	s4 =	sld [smem:$0x7DB]  }
0x80: {  	[tilespmem:s8], [sflag:$0x2] =	stream.linear.gather [spmem:s7], $0x80, $0x38;
	[tilespmem:$0xA200] =	vst v63  }
0x81: {  	s6 =	simm.s32 $0x5C80;
	s7 =	sld [smem:$0x7DC]  }
0x82: {  	[tilespmem:s6], [sflag:$0x2] =	stream.linear.gather [spmem:s4], $0x80, $0x38;
	[tilespmem:$0xA200] =	vst v63  }
0x83: {  	s8 =	simm.s32 $0x6080  }
0x84: {  	[tilespmem:s8], [sflag:$0x2] =	stream.linear.gather [spmem:s7], $0x80, $0x38;
	[tilespmem:$0xA200] =	vst v63  }
0x85: {  	_ =	swait.ge [sflag:s30], $0x280  }
0x86: {  	[sflag:s30] =	ssyncset.done $0x0;
	s4 =	rddreg [dreg:$0x9]  }
0x87: {  	s6 =	simm.s32 $0x5100;
	s7 =	sld [smem:$0x7DD];
	[sflag:s30] =	ssyncadd.s32 $0xFFFFFD80  }
0x88: {  	[tilespmem:s6], [sflag:$0x2] =	stream.linear.gather [spmem:s4], $0x80, $0x38;
	[tilespmem:$0xA200] =	vst v63  }
0x89: {  	s8 =	simm.s32 $0x5500;
	s4 =	sld [smem:$0x7DE]  }
0x8a: {  	[tilespmem:s8], [sflag:$0x2] =	stream.linear.gather [spmem:s7], $0x80, $0x38;
	[tilespmem:$0xA200] =	vst v63  }
0x8b: {  	s6 =	simm.s32 $0x5900;
	s7 =	sld [smem:$0x7DF]  }
0x8c: {  	[tilespmem:s6], [sflag:$0x2] =	stream.linear.gather [spmem:s4], $0x80, $0x38;
	[tilespmem:$0xA200] =	vst v63  }
0x8d: {  	s8 =	simm.s32 $0x5D00;
	s4 =	sld [smem:$0x7E0]  }
0x8e: {  	[tilespmem:s8], [sflag:$0x2] =	stream.linear.gather [spmem:s7], $0x80, $0x38;
	[tilespmem:$0xA200] =	vst v63  }
0x8f: {  	s6 =	simm.s32 $0x6100  }
0x90: {  	[tilespmem:s6], [sflag:$0x2] =	stream.linear.gather [spmem:s4], $0x80, $0x38;
	[tilespmem:$0xA200] =	vst v63  }
0x91: {  	_ =	swait.ge [sflag:s30], $0x280  }
0x92: {  	[sflag:s30] =	ssyncset.done $0x0;
	s7 =	rddreg [dreg:$0xa]  }
0x93: {  	s8 =	simm.s32 $0x5180;
	s4 =	sld [smem:$0x7E1];
	[sflag:s30] =	ssyncadd.s32 $0xFFFFFD80  }
0x94: {  	[tilespmem:s8], [sflag:$0x2] =	stream.linear.gather [spmem:s7], $0x80, $0x38;
	[tilespmem:$0xA200] =	vst v63  }
0x95: {  	s6 =	simm.s32 $0x5580;
	s7 =	sld [smem:$0x7E2]  }
0x96: {  	[tilespmem:s6], [sflag:$0x2] =	stream.linear.gather [spmem:s4], $0x80, $0x38;
	[tilespmem:$0xA200] =	vst v63  }
0x97: {  	s8 =	simm.s32 $0x5980;
	s4 =	sld [smem:$0x7E3]  }
0x98: {  	[tilespmem:s8], [sflag:$0x2] =	stream.linear.gather [spmem:s7], $0x80, $0x38;
	[tilespmem:$0xA200] =	vst v63  }
0x99: {  	s6 =	simm.s32 $0x5D80;
	s7 =	sld [smem:$0x7E4]  }
0x9a: {  	[tilespmem:s6], [sflag:$0x2] =	stream.linear.gather [spmem:s4], $0x80, $0x38;
	[tilespmem:$0xA200] =	vst v63  }
0x9b: {  	s8 =	simm.s32 $0x6180  }
0x9c: {  	[tilespmem:s8], [sflag:$0x2] =	stream.linear.gather [spmem:s7], $0x80, $0x38;
	[tilespmem:$0xA200] =	vst v63  }
0x9d: {  	_ =	swait.ge [sflag:s30], $0x280  }
0x9e: {  	[sflag:s30] =	ssyncset.done $0x0;
	s4 =	rddreg [dreg:$0xb]  }
0x9f: {  	s6 =	simm.s32 $0x5200;
	s7 =	sld [smem:$0x7E5];
	[sflag:s30] =	ssyncadd.s32 $0xFFFFFD80  }
0xa0: {  	[tilespmem:s6], [sflag:$0x2] =	stream.linear.gather [spmem:s4], $0x80, $0x38;
	[tilespmem:$0xA200] =	vst v63  }
0xa1: {  	s8 =	simm.s32 $0x5600;
	s4 =	sld [smem:$0x7E6]  }
0xa2: {  	[tilespmem:s8], [sflag:$0x2] =	stream.linear.gather [spmem:s7], $0x80, $0x38;
	[tilespmem:$0xA200] =	vst v63  }
0xa3: {  	s6 =	simm.s32 $0x5A00;
	s7 =	sld [smem:$0x7E7]  }
0xa4: {  	[tilespmem:s6], [sflag:$0x2] =	stream.linear.gather [spmem:s4], $0x80, $0x38;
	[tilespmem:$0xA200] =	vst v63  }
0xa5: {  	s8 =	simm.s32 $0x5E00;
	s4 =	sld [smem:$0x7E8]  }
0xa6: {  	[tilespmem:s8], [sflag:$0x2] =	stream.linear.gather [spmem:s7], $0x80, $0x38;
	[tilespmem:$0xA200] =	vst v63  }
0xa7: {  	s6 =	simm.s32 $0x6200  }
0xa8: {  	[tilespmem:s6], [sflag:$0x2] =	stream.linear.gather [spmem:s4], $0x80, $0x38;
	[tilespmem:$0xA200] =	vst v63  }
0xa9: {  	_ =	swait.ge [sflag:s30], $0x280  }
0xaa: {  	[sflag:s30] =	ssyncset.done $0x0;
	s7 =	rddreg [dreg:$0xc]  }
0xab: {  	s8 =	simm.s32 $0x5280;
	s4 =	sld [smem:$0x7E9];
	[sflag:s30] =	ssyncadd.s32 $0xFFFFFD80  }
0xac: {  	[tilespmem:s8], [sflag:$0x2] =	stream.linear.gather [spmem:s7], $0x80, $0x38;
	[tilespmem:$0xA200] =	vst v63  }
0xad: {  	s6 =	simm.s32 $0x5680;
	s7 =	sld [smem:$0x7EA]  }
0xae: {  	[tilespmem:s6], [sflag:$0x2] =	stream.linear.gather [spmem:s4], $0x80, $0x38;
	[tilespmem:$0xA200] =	vst v63  }
0xaf: {  	s8 =	simm.s32 $0x5A80;
	s4 =	sld [smem:$0x7EB]  }
0xb0: {  	[tilespmem:s8], [sflag:$0x2] =	stream.linear.gather [spmem:s7], $0x80, $0x38;
	[tilespmem:$0xA200] =	vst v63  }
0xb1: {  	s6 =	simm.s32 $0x5E80;
	s7 =	sld [smem:$0x7EC]  }
0xb2: {  	[tilespmem:s6], [sflag:$0x2] =	stream.linear.gather [spmem:s4], $0x80, $0x38;
	[tilespmem:$0xA200] =	vst v63  }
0xb3: {  	s8 =	simm.s32 $0x6280  }
0xb4: {  	[tilespmem:s8], [sflag:$0x2] =	stream.linear.gather [spmem:s7], $0x80, $0x38;
	[tilespmem:$0xA200] =	vst v63  }
0xb5: {  	_ =	swait.ge [sflag:s30], $0x280  }
0xb6: {  	[sflag:s30] =	ssyncset.done $0x0;
	s4 =	rddreg [dreg:$0xd]  }
0xb7: {  	s6 =	simm.s32 $0x5300;
	s7 =	sld [smem:$0x7ED];
	[sflag:s30] =	ssyncadd.s32 $0xFFFFFD80  }
0xb8: {  	[tilespmem:s6], [sflag:$0x2] =	stream.linear.gather [spmem:s4], $0x80, $0x38;
	[tilespmem:$0xA200] =	vst v63  }
0xb9: {  	s8 =	simm.s32 $0x5700;
	s4 =	sld [smem:$0x7EE]  }
0xba: {  	[tilespmem:s8], [sflag:$0x2] =	stream.linear.gather [spmem:s7], $0x80, $0x38;
	[tilespmem:$0xA200] =	vst v63  }
0xbb: {  	s6 =	simm.s32 $0x5B00;
	s7 =	sld [smem:$0x7EF]  }
0xbc: {  	[tilespmem:s6], [sflag:$0x2] =	stream.linear.gather [spmem:s4], $0x80, $0x38;
	[tilespmem:$0xA200] =	vst v63  }
0xbd: {  	s8 =	simm.s32 $0x5F00;
	s4 =	sld [smem:$0x7F0]  }
0xbe: {  	[tilespmem:s8], [sflag:$0x2] =	stream.linear.gather [spmem:s7], $0x80, $0x38;
	[tilespmem:$0xA200] =	vst v63  }
0xbf: {  	s6 =	simm.s32 $0x6300  }
0xc0: {  	[tilespmem:s6], [sflag:$0x2] =	stream.linear.gather [spmem:s4], $0x80, $0x38;
	[tilespmem:$0xA200] =	vst v63  }
0xc1: {  	_ =	swait.ge [sflag:s30], $0x280  }
0xc2: {  	[sflag:s30] =	ssyncset.done $0x0;
	s7 =	rddreg [dreg:$0xe]  }
0xc3: {  	s8 =	simm.s32 $0x6380;
	s4 =	sld [smem:$0x7F1];
	[sflag:s30] =	ssyncadd.s32 $0xFFFFFD80  }
0xc4: {  	[tilespmem:s8], [sflag:$0x2] =	stream.linear.gather [spmem:s7], $0x80, $0x38;
	[tilespmem:$0xA200] =	vst v63  }
0xc5: {  	s6 =	simm.s32 $0x6780;
	s7 =	sld [smem:$0x7F2]  }
0xc6: {  	[tilespmem:s6], [sflag:$0x2] =	stream.linear.gather [spmem:s4], $0x80, $0x38;
	[tilespmem:$0xA200] =	vst v63  }
0xc7: {  	s8 =	simm.s32 $0x6B80;
	s4 =	sld [smem:$0x7F3]  }
0xc8: {  	[tilespmem:s8], [sflag:$0x2] =	stream.linear.gather [spmem:s7], $0x80, $0x38;
	[tilespmem:$0xA200] =	vst v63  }
0xc9: {  	s6 =	simm.s32 $0x6F80;
	s7 =	sld [smem:$0x7F4]  }
0xca: {  	[tilespmem:s6], [sflag:$0x2] =	stream.linear.gather [spmem:s4], $0x80, $0x38;
	[tilespmem:$0xA200] =	vst v63  }
0xcb: {  	s8 =	simm.s32 $0x7380  }
0xcc: {  	[tilespmem:s8], [sflag:$0x2] =	stream.linear.gather [spmem:s7], $0x80, $0x38;
	[tilespmem:$0xA200] =	vst v63  }
0xcd: {  	_ =	swait.ge [sflag:s30], $0x280  }
0xce: {  	[sflag:s30] =	ssyncset.done $0x0;
	s4 =	rddreg [dreg:$0xf]  }
0xcf: {  	s6 =	simm.s32 $0x6400;
	s7 =	sld [smem:$0x7F5];
	[sflag:s30] =	ssyncadd.s32 $0xFFFFFD80  }
0xd0: {  	[tilespmem:s6], [sflag:$0x2] =	stream.linear.gather [spmem:s4], $0x80, $0x38;
	[tilespmem:$0xA200] =	vst v63  }
0xd1: {  	s8 =	simm.s32 $0x6800;
	s4 =	sld [smem:$0x7F6]  }
0xd2: {  	[tilespmem:s8], [sflag:$0x2] =	stream.linear.gather [spmem:s7], $0x80, $0x38;
	[tilespmem:$0xA200] =	vst v63  }
0xd3: {  	s6 =	simm.s32 $0x6C00;
	s7 =	sld [smem:$0x7F7]  }
0xd4: {  	[tilespmem:s6], [sflag:$0x2] =	stream.linear.gather [spmem:s4], $0x80, $0x38;
	[tilespmem:$0xA200] =	vst v63  }
0xd5: {  	s8 =	simm.s32 $0x7000;
	s4 =	sld [smem:$0x7F8]  }
0xd6: {  	[tilespmem:s8], [sflag:$0x2] =	stream.linear.gather [spmem:s7], $0x80, $0x38;
	[tilespmem:$0xA200] =	vst v63  }
0xd7: {  	s6 =	simm.s32 $0x7400  }
0xd8: {  	[tilespmem:s6], [sflag:$0x2] =	stream.linear.gather [spmem:s4], $0x80, $0x38;
	[tilespmem:$0xA200] =	vst v63  }
0xd9: {  	_ =	swait.ge [sflag:s30], $0x280  }
0xda: {  	[sflag:s30] =	ssyncset.done $0x0;
	s7 =	rddreg [dreg:$0x10]  }
0xdb: {  	s8 =	simm.s32 $0x6480;
	s4 =	sld [smem:$0x7F9];
	[sflag:s30] =	ssyncadd.s32 $0xFFFFFD80  }
0xdc: {  	[tilespmem:s8], [sflag:$0x2] =	stream.linear.gather [spmem:s7], $0x80, $0x38;
	[tilespmem:$0xA200] =	vst v63  }
0xdd: {  	s6 =	simm.s32 $0x6880;
	s7 =	sld [smem:$0x7FA]  }
0xde: {  	[tilespmem:s6], [sflag:$0x2] =	stream.linear.gather [spmem:s4], $0x80, $0x38;
	[tilespmem:$0xA200] =	vst v63  }
0xdf: {  	s8 =	simm.s32 $0x6C80;
	s4 =	sld [smem:$0x7FB]  }
0xe0: {  	[tilespmem:s8], [sflag:$0x2] =	stream.linear.gather [spmem:s7], $0x80, $0x38;
	[tilespmem:$0xA200] =	vst v63  }
0xe1: {  	s6 =	simm.s32 $0x7080;
	s7 =	sld [smem:$0x7FC]  }
0xe2: {  	[tilespmem:s6], [sflag:$0x2] =	stream.linear.gather [spmem:s4], $0x80, $0x38;
	[tilespmem:$0xA200] =	vst v63  }
0xe3: {  	s8 =	simm.s32 $0x7480  }
0xe4: {  	[tilespmem:s8], [sflag:$0x2] =	stream.linear.gather [spmem:s7], $0x80, $0x38;
	[tilespmem:$0xA200] =	vst v63  }
0xe5: {  	_ =	swait.ge [sflag:s30], $0x280  }
0xe6: {  	[sflag:s30] =	ssyncset.done $0x0;
	s4 =	rddreg [dreg:$0x11]  }
0xe7: {  	s6 =	simm.s32 $0x6500;
	s7 =	sld [smem:$0x7FD];
	[sflag:s30] =	ssyncadd.s32 $0xFFFFFD80  }
0xe8: {  	[tilespmem:s6], [sflag:$0x2] =	stream.linear.gather [spmem:s4], $0x80, $0x38;
	[tilespmem:$0xA200] =	vst v63  }
0xe9: {  	s8 =	simm.s32 $0x6900  }
0xea: {  	[tilespmem:s8], [sflag:$0x2] =	stream.linear.gather [spmem:s7], $0x80, $0x38;
	[tilespmem:$0xA200] =	vst v63  }
0xeb: {  	s6 =	simm.s32 $0x6D00  }
0xec: {  	[tilespmem:s6], [sflag:$0x2] =	stream.linear.gather [spmem:s9], $0x80, $0x38;
	[tilespmem:$0xA200] =	vst v63  }
0xed: {  	s7 =	simm.s32 $0x7100  }
0xee: {  	[tilespmem:s7], [sflag:$0x2] =	stream.linear.gather [spmem:s10], $0x80, $0x38;
	[tilespmem:$0xA200] =	vst v63  }
0xef: {  	s8 =	simm.s32 $0x7500  }
0xf0: {  	[tilespmem:s8], [sflag:$0x2] =	stream.linear.gather [spmem:s11], $0x80, $0x38;
	[tilespmem:$0xA200] =	vst v63  }
0xf1: {  	_ =	swait.ge [sflag:s30], $0x280  }
0xf2: {  	[sflag:s30] =	ssyncset.done $0x0  }
0xf3: {  	s6 =	simm.s32 $0x6580;
	s4 =	rddreg [dreg:$0x12];
	[sflag:s30] =	ssyncadd.s32 $0xFFFFFD80  }
0xf4: {  	[tilespmem:s6], [sflag:$0x2] =	stream.linear.gather [spmem:s4], $0x80, $0x38;
	[tilespmem:$0xA200] =	vst v63  }
0xf5: {  	s7 =	simm.s32 $0x6980  }
0xf6: {  	[tilespmem:s7], [sflag:$0x2] =	stream.linear.gather [spmem:s12], $0x80, $0x38;
	[tilespmem:$0xA200] =	vst v63  }
0xf7: {  	s8 =	simm.s32 $0x6D80  }
0xf8: {  	[tilespmem:s8], [sflag:$0x2] =	stream.linear.gather [spmem:s13], $0x80, $0x38;
	[tilespmem:$0xA200] =	vst v63  }
0xf9: {  	s4 =	simm.s32 $0x7180  }
0xfa: {  	[tilespmem:s4], [sflag:$0x2] =	stream.linear.gather [spmem:s14], $0x80, $0x38;
	[tilespmem:$0xA200] =	vst v63  }
0xfb: {  	s6 =	simm.s32 $0x7580  }
0xfc: {  	[tilespmem:s6], [sflag:$0x2] =	stream.linear.gather [spmem:s15], $0x80, $0x38;
	[tilespmem:$0xA200] =	vst v63  }
0xfd: {  	_ =	swait.ge [sflag:s30], $0x280  }
0xfe: {  	[sflag:s30] =	ssyncset.done $0x0  }
0xff: {  	s8 =	simm.s32 $0x6600;
	s7 =	rddreg [dreg:$0x13];
	[sflag:s30] =	ssyncadd.s32 $0xFFFFFD80  }
0x100: {  	[tilespmem:s8], [sflag:$0x2] =	stream.linear.gather [spmem:s7], $0x80, $0x38;
	[tilespmem:$0xA200] =	vst v63  }
0x101: {  	s4 =	simm.s32 $0x6A00  }
0x102: {  	[tilespmem:s4], [sflag:$0x2] =	stream.linear.gather [spmem:s16], $0x80, $0x38;
	[tilespmem:$0xA200] =	vst v63  }
0x103: {  	s6 =	simm.s32 $0x6E00  }
0x104: {  	[tilespmem:s6], [sflag:$0x2] =	stream.linear.gather [spmem:s17], $0x80, $0x38;
	[tilespmem:$0xA200] =	vst v63  }
0x105: {  	s7 =	simm.s32 $0x7200  }
0x106: {  	[tilespmem:s7], [sflag:$0x2] =	stream.linear.gather [spmem:s18], $0x80, $0x38;
	[tilespmem:$0xA200] =	vst v63  }
0x107: {  	s8 =	simm.s32 $0x7600  }
0x108: {  	[tilespmem:s8], [sflag:$0x2] =	stream.linear.gather [spmem:s19], $0x80, $0x38;
	[tilespmem:$0xA200] =	vst v63  }
0x109: {  	_ =	swait.ge [sflag:s30], $0x280  }
0x10a: {  	[sflag:s30] =	ssyncset.done $0x0  }
0x10b: {  	s6 =	simm.s32 $0x6680;
	s4 =	rddreg [dreg:$0x14];
	[sflag:s30] =	ssyncadd.s32 $0xFFFFFD80  }
0x10c: {  	[tilespmem:s6], [sflag:$0x2] =	stream.linear.gather [spmem:s4], $0x80, $0x38;
	[tilespmem:$0xA200] =	vst v63  }
0x10d: {  	s7 =	simm.s32 $0x6A80  }
0x10e: {  	[tilespmem:s7], [sflag:$0x2] =	stream.linear.gather [spmem:s20], $0x80, $0x38;
	[tilespmem:$0xA200] =	vst v63  }
0x10f: {  	s8 =	simm.s32 $0x6E80  }
0x110: {  	[tilespmem:s8], [sflag:$0x2] =	stream.linear.gather [spmem:s21], $0x80, $0x38;
	[tilespmem:$0xA200] =	vst v63  }
0x111: {  	s4 =	simm.s32 $0x7280  }
0x112: {  	[tilespmem:s4], [sflag:$0x2] =	stream.linear.gather [spmem:s22], $0x80, $0x38;
	[tilespmem:$0xA200] =	vst v63  }
0x113: {  	s6 =	simm.s32 $0x7680  }
0x114: {  	[tilespmem:s6], [sflag:$0x2] =	stream.linear.gather [spmem:s23], $0x80, $0x38;
	[tilespmem:$0xA200] =	vst v63  }
0x115: {  	_ =	swait.ge [sflag:s30], $0x280  }
0x116: {  	[sflag:s30] =	ssyncset.done $0x0  }
0x117: {  	s8 =	simm.s32 $0x6700;
	s7 =	rddreg [dreg:$0x15];
	[sflag:s30] =	ssyncadd.s32 $0xFFFFFD80  }
0x118: {  	[tilespmem:s8], [sflag:$0x2] =	stream.linear.gather [spmem:s7], $0x80, $0x38;
	[tilespmem:$0xA200] =	vst v63  }
0x119: {  	s6 =	simm.s32 $0x6B00  }
0x11a: {  	[tilespmem:s6], [sflag:$0x2] =	stream.linear.gather [spmem:s24], $0x80, $0x38;
	[tilespmem:$0xA200] =	vst v63  }
0x11b: {  	s7 =	simm.s32 $0x6F00  }
0x11c: {  	[tilespmem:s7], [sflag:$0x2] =	stream.linear.gather [spmem:s25], $0x80, $0x38;
	[tilespmem:$0xA200] =	vst v63  }
0x11d: {  	s8 =	simm.s32 $0x7300  }
0x11e: {  	[tilespmem:s8], [sflag:$0x2] =	stream.linear.gather [spmem:s26], $0x80, $0x38;
	[tilespmem:$0xA200] =	vst v63  }
0x11f: {  	s4 =	simm.s32 $0x7700  }
0x120: {  	[tilespmem:s4], [sflag:$0x2] =	stream.linear.gather [spmem:s28], $0x80, $0x38;
	[tilespmem:$0xA200] =	vst v63  }
0x121: {  	s6 =	simm.s32 $0x0;
	_ =	swait.ge [sflag:s30], $0x280  }
0x122: {  	s3 =	sand.u32 $0x1C00, s6;
	s7 =	sand.u32 $0x70, s6;
	[sflag:s30] =	ssyncset.done $0x0  }
0x123: {  	s3 =	sor.u32 s7, s3;
	[sflag:s30] =	ssyncadd.s32 $0xFFFFFD80  }
0x124: {  	v1 =	vld [tilespmem:s3+$0x5000]  }
0x125: {  	v2 =	vld [tilespmem:s3+$0x4F80];
	_ =	sdelay $0x1  }
0x126: {  	v3 =	vld [tilespmem:s3+$0x5080];
	_ =	sdelay $0x1  }
0x127: {  	v4 =	vld [tilespmem:s3+$0x5100]  }
0x128: {  	v1 =	vadd.f32 v1, v2  }
0x129: {  	v2 =	vld [tilespmem:s3+$0x5180]  }
0x12a: {  	v1 =	vadd.f32 v3, v1  }
0x12b: {  	v3 =	vld [tilespmem:s3+$0x5200]  }
0x12c: {  	v1 =	vadd.f32 v4, v1  }
0x12d: {  	v60 =	vld [tilespmem:s3+$0x5280]  }
0x12e: {  	v1 =	vadd.f32 v2, v1  }
0x12f: {  	v2 =	vld [tilespmem:s3+$0x5300]  }
0x130: {  	v1 =	vadd.f32 v3, v1  }
0x131: {  	v3 =	vld [tilespmem:s3+$0x6380]  }
0x132: {  	v1 =	vadd.f32 v60, v1  }
0x133: {  	v61 =	vld [tilespmem:s3+$0x6400]  }
0x134: {  	v1 =	vadd.f32 v2, v1  }
0x135: {  	v2 =	vld [tilespmem:s3+$0x6480]  }
0x136: {  	v1 =	vadd.f32 v3, v1  }
0x137: {  	v3 =	vld [tilespmem:s3+$0x6500]  }
0x138: {  	v1 =	vadd.f32 v61, v1  }
0x139: {  	v62 =	vld [tilespmem:s3+$0x6580]  }
0x13a: {  	v1 =	vadd.f32 v2, v1  }
0x13b: {  	v2 =	vld [tilespmem:s3+$0x6600]  }
0x13c: {  	v1 =	vadd.f32 v3, v1  }
0x13d: {  	v3 =	vld [tilespmem:s3+$0x6680]  }
0x13e: {  	v1 =	vadd.f32 v62, v1  }
0x13f: {  	v63 =	vld [tilespmem:s3+$0x6700]  }
0x140: {  	v1 =	vadd.f32 v2, v1;
	_ =	sdelay $0x1  }
0x141: {  	v1 =	vadd.f32 v3, v1;
	_ =	sdelay $0x1  }
0x142: {  	s6 =	simm.s32 $0x80;
	s8 =	simm.s32 $0x10;
	v1 =	vadd.f32 v63, v1  }
0x143: {  	s7 =	sand.u32 $0x1C00, s6;
	s4 =	sand.u32 $0x70, s8;
	s3 =	simm.s32 $0x7780  }
0x144: {  	s4 =	sor.u32 s4, s7;
	s7 =	simm.s32 $0x20;
	[tilespmem:s3+$0x0] =	vst v1  }
.LBB2_4:
0x145: {  	p0 =	sne.s32 s7, $0x270;
	v1 =	vld [tilespmem:s4+$0x5000]  }
0x146: {  	v2 =	vld [tilespmem:s4+$0x4F80];
	_ =	sdelay $0x1  }
0x147: {  	v3 =	vld [tilespmem:s4+$0x5080];
	_ =	sdelay $0x1  }
0x148: {  	v4 =	vld [tilespmem:s4+$0x5100]  }
0x149: {  	v1 =	vadd.f32 v1, v2  }
0x14a: {  	v2 =	vld [tilespmem:s4+$0x5180]  }
0x14b: {  	v1 =	vadd.f32 v3, v1  }
0x14c: {  	v3 =	vld [tilespmem:s4+$0x5200]  }
0x14d: {  	v1 =	vadd.f32 v4, v1  }
0x14e: {  	v4 =	vld [tilespmem:s4+$0x5280]  }
0x14f: {  	v1 =	vadd.f32 v2, v1  }
0x150: {  	v2 =	vld [tilespmem:s4+$0x5300]  }
0x151: {  	v1 =	vadd.f32 v3, v1  }
0x152: {  	v3 =	vld [tilespmem:s4+$0x6380]  }
0x153: {  	v1 =	vadd.f32 v4, v1  }
0x154: {  	v4 =	vld [tilespmem:s4+$0x6400]  }
0x155: {  	v1 =	vadd.f32 v2, v1  }
0x156: {  	v2 =	vld [tilespmem:s4+$0x6480]  }
0x157: {  	v1 =	vadd.f32 v3, v1  }
0x158: {  	v3 =	vld [tilespmem:s4+$0x6500]  }
0x159: {  	v1 =	vadd.f32 v4, v1  }
0x15a: {  	v4 =	vld [tilespmem:s4+$0x6580]  }
0x15b: {  	v1 =	vadd.f32 v2, v1  }
0x15c: {  	v2 =	vld [tilespmem:s4+$0x6600]  }
0x15d: {  	v1 =	vadd.f32 v3, v1  }
0x15e: {  	v3 =	vld [tilespmem:s4+$0x6680]  }
0x15f: {  	v1 =	vadd.f32 v4, v1  }
0x160: {  	v4 =	vld [tilespmem:s4+$0x6700]  }
0x161: {  	v1 =	vadd.f32 v2, v1;
	_ =	sdelay $0x1  }
.Ltmp1:
0x162: {  	v1 =	vadd.f32 v3, v1;
	(pc) =	sbr.rel @p0 .LBB2_4-.Ltmp1, $4  }
0x163: {  	_ = 	snop  }
0x164: {  	s6 =	sadd.s32 $0x80, s6;
	v1 =	vadd.f32 v4, v1  }
0x165: {  	s3 =	sadd.s32 $0x10, s3;
	s8 =	sand.u32 $0x1C00, s6;
	s4 =	sand.u32 $0x70, s7  }
0x166: {  	s7 =	sadd.s32 $0x10, s7;
	s4 =	sor.u32 s4, s8;
	[tilespmem:s3+$0x0] =	vst v1  }
0x167: {  	v1 =	vld [tilespmem:s4+$0x5000]  }
0x168: {  	v2 =	vld [tilespmem:s4+$0x4F80];
	_ =	sdelay $0x1  }
0x169: {  	v3 =	vld [tilespmem:s4+$0x5080];
	_ =	sdelay $0x1  }
0x16a: {  	v4 =	vld [tilespmem:s4+$0x5100]  }
0x16b: {  	v1 =	vadd.f32 v1, v2  }
0x16c: {  	v2 =	vld [tilespmem:s4+$0x5180]  }
0x16d: {  	v1 =	vadd.f32 v3, v1  }
0x16e: {  	v3 =	vld [tilespmem:s4+$0x5200]  }
0x16f: {  	v1 =	vadd.f32 v4, v1  }
0x170: {  	v60 =	vld [tilespmem:s4+$0x5280]  }
0x171: {  	v1 =	vadd.f32 v2, v1  }
0x172: {  	v2 =	vld [tilespmem:s4+$0x5300]  }
0x173: {  	v1 =	vadd.f32 v3, v1  }
0x174: {  	v3 =	vld [tilespmem:s4+$0x6380]  }
0x175: {  	v1 =	vadd.f32 v60, v1  }
0x176: {  	v61 =	vld [tilespmem:s4+$0x6400]  }
0x177: {  	v1 =	vadd.f32 v2, v1  }
0x178: {  	v2 =	vld [tilespmem:s4+$0x6480]  }
0x179: {  	v1 =	vadd.f32 v3, v1  }
0x17a: {  	v3 =	vld [tilespmem:s4+$0x6500]  }
0x17b: {  	v1 =	vadd.f32 v61, v1  }
0x17c: {  	v62 =	vld [tilespmem:s4+$0x6580]  }
0x17d: {  	v1 =	vadd.f32 v2, v1  }
0x17e: {  	v2 =	vld [tilespmem:s4+$0x6600]  }
0x17f: {  	v1 =	vadd.f32 v3, v1  }
0x180: {  	v3 =	vld [tilespmem:s4+$0x6680]  }
0x181: {  	v1 =	vadd.f32 v62, v1  }
0x182: {  	v63 =	vld [tilespmem:s4+$0x6700]  }
0x183: {  	v1 =	vadd.f32 v2, v1;
	_ =	sdelay $0x1  }
0x184: {  	v1 =	vadd.f32 v3, v1;
	_ =	sdelay $0x1  }
0x185: {  	v1 =	vadd.f32 v63, v1  }
0x186: {  	s3 =	sadd.s32 $0x10, s3  }
0x187: {  	s6 =	rddreg [dreg:$0x16];
	s7 =	simm.s32 $0x7780;
	[tilespmem:s3+$0x0] =	vst v1  }
0x188: {  	[hbm4b:s6+s0] =	stream.strided.scatter [tilespmem:s7], [sflag:$0x2], $0x280, s1, s0, $0x38;
	[tilespmem:$0xA200] =	vst v63  }
0x189: {  	_ =	swait.ge [sflag:s30], $0x280  }
0x18a: {  	s2 =	sadd.s32 $0x1, s2;
	s8 =	rddreg [dreg:$0x17]  }
0x18b: {  	p0 =	sne.s32 s2, s8  }
.Ltmp2:
0x18c: {  	_ = 	snop;
	(pc) =	sbr.rel @p0 .LBB2_1-.Ltmp2, $3  }
0x18d: {  	_ =	sdelay $0x1  }
0x18e: {  	[sflag:s30] =	ssyncset.done $0x0  }
0x18f: {  	[sflag:s30] =	ssyncadd.s32 $0xFFFFFD80  }
0x190: {  	_ =	sfence.sel $0x180000  }
0x191: {  	[bflag:$0x0] =	sbarrier.arrive $0xFFFF  }
0x192: {  	_ =	strace $0x90000047  }
0x193: {  	s0 =	stileid.u32;
	[bflag:$0x2] =	sbarrier.arrive $0xFFFF  }
0x194: {  	p0 =	sne.s32 s0, $0x0;
	s0 =	rddreg [dreg:$0x3]  }
0x195: {  	s0 =	sadd.s32 @!p0 $0x100000, s0  }
0x196: {  	[sflag:s0] =	ssyncadd.tile.s32 @!p0 $0x1;
	_ =	shalt  }
.Lfunc_end2:
_tile_overlayer_lowered:
.L_overlay_start_2:
0x197: {  	(tag) =	ssettag $0x2  }
0x198: {  	s0 =	rddreg [dreg:$0x0];
	s2 =	stileid.u32  }
0x199: {  	s1 =	rddreg [dreg:$0x1];
	p0 =	sne.s32 s2, $0x0  }
0x19a: {  	s3 =	rddreg [dreg:$0x2];
	[bflag:$0x3] =	sbarrier.arrive $0xFFFF;
	s2 =	simm.s32 @!p0 $0x1C02  }
0x19b: {  	[timem:s3], [sflag:s2] =	dma.local @!p0 [hbm:s0], s1  }
0x19c: {  	s0 =	simm.s32 @!p0 $0x2  }
0x19d: {  	_ =	swait.ge @!p0 [sflag:s0], s1  }
0x19e: {  	s1 =	ssub.s32 @!p0 $0x0, s1;
	[sflag:s0] =	ssyncset.done @!p0 $0x0  }
0x19f: {  	[sflag:s0] =	ssyncadd.s32 @!p0 s1  }
0x1a0: {  	[bflag:$0x3] =	sbarrier.arrive $0xFFFF  }
0x1a1: {  	_ =	shalt  }

// kernel: kernel.13.cloned.1.call-start
scs
__scs_entry_jumppad:
0x0: {  	(pc) =	sbr.rel $0x88, $3  }
0x1: {  	(tag) =	ssettag $0x0;
	lr =	simm.s32 $0x1  }
0x2: {  	[smem:$0x3F97] =	sst lr;
	_ =	strace $0xD0000000  }
0x3: {  	_ = 	snop  }
0x4: {  	_ = 	snop  }
0x5: {  	_ = 	snop  }
0x6: {  	_ = 	snop  }
0x7: {  	_ = 	snop  }
__scs_overlays_trampoline_lowered:
0x8: {  	[smem:$0x3FA6] =	sst s0  }
0x9: {  	[smem:$0x3FA7] =	sst s1  }
0xa: {  	[smem:$0x3FA8] =	sst s2  }
0xb: {  	[smem:$0x3FA9] =	sst s3  }
0xc: {  	[smem:$0x3FAA] =	sst s4  }
0xd: {  	[smem:$0x3FAB] =	sst s5  }
0xe: {  	[smem:$0x3FAC] =	sst s6  }
0xf: {  	[smem:$0x3FAD] =	sst s7  }
0x10: {  	[smem:$0x3FAE] =	sst s8  }
0x11: {  	[smem:$0x3FAF] =	sst s9;
	s0 =	simm.s32 @!p0 $0x0  }
0x12: {  	s1 =	sld [smem:$0x3F95];
	s0 =	simm.s32 @p0 $0x1  }
0x13: {  	[smem:$0x3FB0] =	sst s0;
	s0 =	simm.s32 @!p1 $0x0  }
0x14: {  	s2 =	sld [smem:$0x3F94];
	s0 =	simm.s32 @p1 $0x1  }
0x15: {  	[smem:$0x3FB1] =	sst s0;
	s0 =	simm.s32 @!p2 $0x0  }
0x16: {  	s3 =	sld [smem:$0x3FDB];
	s0 =	simm.s32 @p2 $0x1  }
0x17: {  	s4 =	simm.s32 $0x1BF5;
	[smem:$0x3FB3] =	sst s0  }
0x18: {  	s0 =	sld [smem:$0x3F96];
	_ =	swait.ge [sflag:s4], $0x0  }
0x19: {  	s7 =	sld [smem:$0x3F97]  }
0x1a: {  	s8 =	sadd.s32 $0xFFFFE003, lr  }
0x1b: {  	s9 =	sadd.s32 $0xFFFFFEF7, lr;
	s5 =	simm.s32 $0xFFFFFFFF;
	p2 =	slt.u32 s8, $0xFFFFF086  }
0x1c: {  	p1 =	slt.u32 s9, $0xF7A;
	s5 =	simm.s32 @!p2 $0x0  }
0x1d: {  	s5 =	simm.s32 @p1 $0x1;
	p0 =	seq.s32 s7, s2  }
0x1e: {  	s7 =	smul.u32 @!p0 $0xF7A, s2;
	p2 =	seq.s32 @!p0 s5, $0x0  }
0x1f: {  	s9 =	smul.u32 $0xF7A, s1;
	s8 =	simm.s32 @!p0 $0x1BF5;
	p2 =	por !p2, p0  }
0x20: {  	[sflag:s8] =	ssyncset.s32 @!p0 $0xFFFFF086;
	s6 =	sadd.s32 @!p0 s3, s7;
	s7 =	simm.s32 @!p0 $0x108  }
0x21: {  	s3 =	sadd.s32 s3, s9;
	s6 =	sadd.s32 @!p0 $0x88, s6;
	s7 =	simm.s32 @p2 $0x1082  }
0x22: {  	[simem:s7], [sflag:s8] =	dma.local @!p0 [hbm:s6], $0xF7A  }
0x23: {  	s9 =	sor.u32 $0xD0000000, s2;
	s6 =	simm.s32 $0x108;
	_ =	swait.ge @!p0 [sflag:s8], $0x0  }
0x24: {  	s3 =	sadd.s32 $0x88, s3;
	s6 =	simm.s32 @!p1 $0x1082;
	[sflag:s4] =	ssyncset.s32 $0xFFFFF086  }
0x25: {  	[simem:s6], [sflag:s4] =	dma.local [hbm:s3], $0xF7A  }
0x26: {  	[smem:$0x3F97] =	sst s1;
	(tag) =	ssettag s2;
	_ =	strace s9  }
0x27: {  	s1 =	sld [smem:$0x3FA7]  }
0x28: {  	s2 =	sld [smem:$0x3FA8]  }
0x29: {  	s4 =	sld [smem:$0x3FAA]  }
0x2a: {  	p0 =	seq.s32 s5, $0x0;
	s5 =	sld [smem:$0x3FAB]  }
0x2b: {  	s6 =	sld [smem:$0x3FAC]  }
0x2c: {  	s7 =	sld [smem:$0x3FAD]  }
0x2d: {  	s3 =	simm.s32 $0x108;
	s8 =	sld [smem:$0x3FAE]  }
0x2e: {  	s3 =	simm.s32 @!p0 $0x1082;
	s9 =	sld [smem:$0x3FAF]  }
0x2f: {  	lr =	sadd.s32 s0, s3;
	s0 =	sld [smem:$0x3FA6]  }
0x30: {  	s3 =	sld [smem:$0x3FA9]  }
0x31: {  	[smem:$0x3FB2] =	sst s10  }
0x32: {  	s10 =	sld [smem:$0x3FB0];
	_ =	sdelay $0x3  }
0x33: {  	p0 =	seq.s32 s10, $0x1;
	s10 =	sld [smem:$0x3FB2];
	_ =	sdelay $0x3  }
0x34: {  	[smem:$0x3FB2] =	sst s10  }
0x35: {  	s10 =	sld [smem:$0x3FB1];
	_ =	sdelay $0x3  }
0x36: {  	p1 =	seq.s32 s10, $0x1;
	s10 =	sld [smem:$0x3FB2];
	_ =	sdelay $0x3  }
0x37: {  	[smem:$0x3FB2] =	sst s10  }
0x38: {  	s10 =	sld [smem:$0x3FB3]  }
0x39: {  	_ = 	snop;
	(pc) =	sbr.ind lr, $3  }
0x3a: {  	_ = 	snop  }
0x3b: {  	_ = 	snop  }
0x3c: {  	p2 =	seq.s32 s10, $0x1;
	s10 =	sld [smem:$0x3FB2]  }
0x3d: {  	_ =	shalt  }
0x3e: {  	_ =	shalt  }
0x3f: {  	_ =	shalt  }
0x40: {  	_ =	shalt  }
0x41: {  	_ =	shalt  }
0x42: {  	_ =	shalt  }
0x43: {  	_ =	shalt  }
0x44: {  	_ =	shalt  }
0x45: {  	_ =	shalt  }
0x46: {  	_ =	shalt  }
0x47: {  	_ =	shalt  }
0x48: {  	_ =	shalt  }
0x49: {  	_ =	shalt  }
0x4a: {  	_ =	shalt  }
0x4b: {  	_ =	shalt  }
0x4c: {  	_ =	shalt  }
0x4d: {  	_ =	shalt  }
0x4e: {  	_ =	shalt  }
0x4f: {  	_ =	shalt  }
0x50: {  	_ =	shalt  }
0x51: {  	_ =	shalt  }
0x52: {  	_ =	shalt  }
0x53: {  	_ =	shalt  }
0x54: {  	_ =	shalt  }
0x55: {  	_ =	shalt  }
0x56: {  	_ =	shalt  }
0x57: {  	_ =	shalt  }
0x58: {  	_ =	shalt  }
0x59: {  	_ =	shalt  }
0x5a: {  	_ =	shalt  }
0x5b: {  	_ =	shalt  }
0x5c: {  	_ =	shalt  }
0x5d: {  	_ =	shalt  }
0x5e: {  	_ =	shalt  }
0x5f: {  	_ =	shalt  }
0x60: {  	_ =	shalt  }
0x61: {  	_ =	shalt  }
0x62: {  	_ =	shalt  }
0x63: {  	_ =	shalt  }
0x64: {  	_ =	shalt  }
0x65: {  	_ =	shalt  }
0x66: {  	_ =	shalt  }
0x67: {  	_ =	shalt  }
0x68: {  	_ =	shalt  }
0x69: {  	_ =	shalt  }
0x6a: {  	_ =	shalt  }
0x6b: {  	_ =	shalt  }
0x6c: {  	_ =	shalt  }
0x6d: {  	_ =	shalt  }
0x6e: {  	_ =	shalt  }
0x6f: {  	_ =	shalt  }
0x70: {  	_ =	shalt  }
0x71: {  	_ =	shalt  }
0x72: {  	_ =	shalt  }
0x73: {  	_ =	shalt  }
0x74: {  	_ =	shalt  }
0x75: {  	_ =	shalt  }
0x76: {  	_ =	shalt  }
0x77: {  	_ =	shalt  }
0x78: {  	_ =	shalt  }
0x79: {  	_ =	shalt  }
0x7a: {  	_ =	shalt  }
0x7b: {  	_ =	shalt  }
0x7c: {  	_ =	shalt  }
0x7d: {  	_ =	shalt  }
0x7e: {  	_ =	shalt  }
0x7f: {  	_ =	shalt  }
0x80: {  	_ =	shalt  }
0x81: {  	_ =	shalt  }
0x82: {  	_ =	shalt  }
0x83: {  	_ =	shalt  }
0x84: {  	_ =	shalt  }
0x85: {  	_ =	shalt  }
0x86: {  	_ =	shalt  }
0x87: {  	_ =	shalt  }
.Lfunc_end0:
.L_simem_size_0:
called_computation.1_lowered:
.L_overlay_start_0:
0x88: {  	s2 =	sld [smem:$0x3FD9]  }
0x89: {  	s3 =	sld [smem:$0x3FFE];
	_ =	sdelay $0x1  }
0x8a: {  	s1 =	srdreg.scid  }
0x8b: {  	s0 =	sand.u32 $0x1, s1  }
0x8c: {  	s17 =	sshll.u32 s0, $0xA;
	s2 =	sadd.s32 s3, s2  }
0x8d: {  	s2 =	sadd.s32 s2, s17  }
0x8e: {  	[smem:$0x3FBE] =	sst s2  }
0x8f: {  	_ = 	snop  }
0x90: {  	s2 =	sld [smem:$0x3FD0];
	(tm) =	ssettm $0x1  }
0x91: {  	s18 =	sld [smem:$0x3FFB];
	_ =	sdelay $0x3  }
0x92: {  	_ =	strace s18  }
0x93: {  	s3 =	sld [smem:$0x3FFC];
	_ =	sdelay $0x3  }
0x94: {  	_ =	strace s3  }
0x95: {  	s3 =	sld [smem:$0x3FFD];
	_ =	sdelay $0x3  }
0x96: {  	_ =	strace s3  }
0x97: {  	_ =	strace $0x8FFFFFFF  }
0x98: {  	s19 =	sld [smem:$0x3FDB];
	_ =	sdelay $0x1  }
0x99: {  	s4 =	simm.s32 $_scs_section_size  }
0x9a: {  	s5 =	simm.s32 $_size__tile_overlayer_lowered;
	s6 =	simm.s32 $_tile_overlayer_lowered  }
0x9b: {  	s22 =	simm.s32 $0x1BFF;
	s21 =	sshll.u32 s6, $0x1;
	s3 =	sadd.s32 s4, s19  }
0x9c: {  	s7 =	simm.s32 $0x0;
	s20 =	sshll.u32 s5, $0x1;
	s5 =	sadd.s32 s21, s3  }
0x9d: {  	[timem:s7], [sflag:s22] =	dma.local [hbm:s5], s20  }
0x9e: {  	_ =	swait.ge [sflag:s22], s20  }
0x9f: {  	s4 =	ssub.s32 $0x0, s20;
	[sflag:s22] =	ssyncset.done $0x0  }
0xa0: {  	[sflag:s22] =	ssyncadd.s32 s4;
	_ =	sdelay $0x1  }
0xa1: {  	s23 =	simm.s32 $0x1B8B  }
0xa2: {  	_ =	swait.ge [sflag:s23], $0x1  }
0xa3: {  	[sflag:s23] =	ssyncset.done $0x0  }
0xa4: {  	s25 =	simm.s32 $0x1B8E;
	s24 =	sld [smem:$0x3FFE];
	[sflag:s23] =	ssyncadd.s32 $0xFFFFFFFF  }
0xa5: {  	s26 =	simm.s32 $execute0_lowered;
	[smem:$0x3FD2] =	sst s25  }
0xa6: {  	s5 =	sshll.u32 s26, $0x1;
	_ =	strace $0x80000049;
	[dreg:$0x1] =	wrdreg $0xFFFFFFFF  }
0xa7: {  	s28 =	simm.s32 $_size_execute0_lowered;
	s3 =	sadd.s32 s3, s5;
	[dreg:$0x0] =	wrdreg $0x0  }
0xa8: {  	s5 =	sshll.u32 s28, $0x1;
	[dreg:$0x2] =	wrdreg s3  }
0xa9: {  	[dreg:$0x3] =	wrdreg s5  }
0xaa: {  	[dreg:$0x4] =	wrdreg $0xC0  }
0xab: {  	_ =	task [dreg:s7], $0x5FFFF  }
0xac: {  	[dreg:$0x1] =	wrdreg $0xFFFFFFFF  }
0xad: {  	[dreg:$0x0] =	wrdreg $0x60  }
0xae: {  	[dreg:$0x2] =	wrdreg s24  }
0xaf: {  	[dreg:$0x3] =	wrdreg s2  }
0xb0: {  	[dreg:$0x4] =	wrdreg $0x94000  }
0xb1: {  	[dreg:$0x5] =	wrdreg $0x9  }
0xb2: {  	_ =	task.clear_ibuf [dreg:s7], $0x6FFFF;
	_ =	strace $0x90000049  }
0xb3: {  	s29 =	simm.s32 $0x9;
	_ =	strace $0x8000004B  }
0xb4: {  	_ =	swait.ge [sflag:s29], $0x1  }
0xb5: {  	[sflag:s29] =	ssyncadd.s32 $0xFFFFFFFF  }
0xb6: {  	_ =	strace $0x9000004B  }
0xb7: {  	_ =	sfence  }
0xb8: {  	s30 =	sld [smem:$0x0];
	_ =	sdelay $0x2  }
0xb9: {  	s31 =	sshll.u32 s1, $0xD;
	s1 =	sshrl.u32 s1, $0x2  }
0xba: {  	s3 =	sand.u32 $0x4000, s31;
	s1 =	sadd.s32 s1, s30  }
0xbb: {  	s0 =	sor.u32 s3, s0;
	s1 =	sshll.u32 s1, $0x11  }
0xbc: {  	s0 =	sor.u32 s1, s0  }
0xbd: {  	s0 =	sadd.s32 $0x8F2B, s0  }
0xbe: {  	[sflag:s0] =	ssyncadd.remote.s32 $0x1  }
0xbf: {  	_ =	sfence.sel $0xFFFF  }
0xc0: {  	[dreg:$0x0] =	wrdreg $0xFFFFFFFF;
	(pc) =	sbr.abs _section_cstart, $3  }
0xc1: {  	[dreg:$0x1] =	wrdreg $0xFFFFFFFF  }
0xc2: {  	_ =	task.clear_ibuf [dreg:s7], $0x2FFFF;
	_ =	strace $0x9FFFFFFF  }
0xc3: {  	(tm) =	ssettm $0x7FFFFFFF  }
tec
execute0_lowered:
.L_overlay_start_1:
0x0: {  	(tag) =	ssettag $0x1  }
0x1: {  	s2 =	rddreg [dreg:$0x0]  }
0x2: {  	s0 =	rddreg [dreg:$0x1]  }
0x3: {  	s1 =	rddreg [dreg:$0x2];
	s4 =	srdreg.scid;
	s3 =	simm.s32 $0x0  }
0x4: {  	s13 =	stileid.u32;
	s5 =	sand.u32 $0x1, s4;
	[smem:$0x7FF] =	sst s3  }
0x5: {  	s6 =	sadd.s32 $0xBC00, s2;
	s8 =	sadd.s32 $0x1E00, s2;
	s24 =	smul.u32 $0x14000, s13  }
0x6: {  	s4 =	sshll.u32 s5, $0x4;
	_ =	strace $0x8000004A;
	s30 =	ssub.s32 $0x2, s5  }
0x7: {  	s5 =	smul.u32 $0x140000, s5;
	s7 =	sor.u32 s13, s4;
	s4 =	sadd.s32 $0x15A00, s2  }
0x8: {  	s2 =	sadd.s32 $0x3CC00, s2;
	s11 =	sshrl.u32 s30, $0x1;
	s9 =	smul.u32 $0x2700, s7  }
0x9: {  	[dreg:$0xd] =	wrdreg s2;
	s10 =	smul.u32 $0x2780, s7;
	s5 =	sadd.s32 s24, s5  }
0xa: {  	p0 =	slt.u32 s7, $0x4;
	s2 =	ssub.s32 s30, s11;
	s5 =	sshrl.u32 s5, $0x3  }
0xb: {  	s24 =	smax.u32 s2, $0x1;
	s9 =	sadd.s32 $0x200, s9;
	s0 =	sadd.s32 s0, s5  }
0xc: {  	[smem:$0x7F7] =	sst s24;
	s9 =	smov.u32 @p0 s10;
	s10 =	simm.s32 $0x4F  }
0xd: {  	[dreg:$0x1c] =	wrdreg s0;
	s10 =	simm.s32 @!p0 $0x4E;
	s9 =	sshrl.u32 s9, $0x3  }
0xe: {  	[dreg:$0x4] =	wrdreg s10;
	s14 =	sadd.s32 s8, s9  }
0xf: {  	s15 =	sadd.s32 $0x10, s9;
	s12 =	sadd.s32 s6, s9;
	[dreg:$0xe] =	wrdreg s14  }
0x10: {  	[dreg:$0xf] =	wrdreg s12;
	s16 =	sadd.s32 s8, s15  }
0x11: {  	s17 =	sadd.s32 $0x20, s9;
	s10 =	sadd.s32 s6, s15;
	[dreg:$0x10] =	wrdreg s16  }
0x12: {  	s18 =	sadd.s32 s8, s17;
	[dreg:$0x11] =	wrdreg s10  }
0x13: {  	s22 =	sadd.s32 $0x50, s9;
	s19 =	sadd.s32 s6, s17;
	[dreg:$0x12] =	wrdreg s18  }
0x14: {  	s26 =	sadd.s32 $0x40, s9;
	s25 =	sadd.s32 s22, s6;
	[dreg:$0x13] =	wrdreg s19  }
0x15: {  	s28 =	sadd.s32 s26, s6;
	[dreg:$0x5] =	wrdreg s25  }
0x16: {  	s30 =	sadd.s32 $0x30, s9;
	s29 =	sadd.s32 s26, s8;
	[dreg:$0x7] =	wrdreg s28  }
0x17: {  	s31 =	smul.u32 $0x50000, s13;
	s14 =	sadd.s32 s30, s6;
	[dreg:$0x8] =	wrdreg s29  }
0x18: {  	s9 =	sadd.s32 $0x60, s9;
	s15 =	sadd.s32 s30, s8;
	[dreg:$0x9] =	wrdreg s14  }
0x19: {  	s11 =	sshrl.u32 s31, $0x2;
	s6 =	sadd.s32 s9, s6;
	[dreg:$0xa] =	wrdreg s15  }
0x1a: {  	s10 =	sadd.s32 s11, s1;
	s11 =	sadd.s32 s22, s8;
	[dreg:$0xb] =	wrdreg s6  }
0x1b: {  	s19 =	sadd.s32 s9, s8;
	[dreg:$0x6] =	wrdreg s11  }
0x1c: {  	s20 =	sadd.s32 $0x1000, s10;
	[dreg:$0xc] =	wrdreg s19  }
0x1d: {  	s13 =	simm.s32 $0x280;
	s21 =	sadd.s32 $0x2000, s10;
	[dreg:$0x14] =	wrdreg s20  }
0x1e: {  	s24 =	simm.s32 $0x0;
	s23 =	sadd.s32 $0x3000, s10;
	[dreg:$0x15] =	wrdreg s21  }
0x1f: {  	p0 =	sgt.u32 s7, $0x3;
	s31 =	sadd.s32 $0x4000, s10;
	[dreg:$0x16] =	wrdreg s23  }
0x20: {  	s7 =	simm.s32 $0x8400;
	s16 =	sadd.s32 $0x5000, s10;
	[dreg:$0x17] =	wrdreg s31  }
0x21: {  	s12 =	simm.s32 $0x400;
	s17 =	sadd.s32 $0x6000, s10;
	[dreg:$0x18] =	wrdreg s16  }
0x22: {  	s6 =	simm.s32 $0x200;
	s18 =	sadd.s32 $0x7000, s10;
	[dreg:$0x19] =	wrdreg s17  }
0x23: {  	s8 =	simm.s32 $0x7;
	s22 =	sadd.s32 $0xA000, s10;
	[dreg:$0x1a] =	wrdreg s18  }
0x24: {  	s9 =	simm.s32 $0x1;
	s25 =	sadd.s32 $0xC000, s10;
	[dreg:$0x1e] =	wrdreg s22  }
0x25: {  	s14 =	simm.s32 $0x100;
	s26 =	sadd.s32 $0xD000, s10;
	[smem:$0x7F8] =	sst s25  }
0x26: {  	s15 =	simm.s32 $0x300;
	s28 =	sadd.s32 $0xE000, s10;
	[smem:$0x7F9] =	sst s26  }
0x27: {  	s29 =	sadd.s32 $0xF000, s10;
	s30 =	sadd.s32 $0x10000, s10;
	[smem:$0x7FA] =	sst s28  }
0x28: {  	s2 =	sadd.s32 $0x12000, s10;
	s5 =	sadd.s32 $0x13000, s10;
	[smem:$0x7FB] =	sst s29  }
0x29: {  	s11 =	simm.s32 $0x80;
	s20 =	sadd.s32 $0x8000, s10;
	[smem:$0x7FC] =	sst s30  }
0x2a: {  	s19 =	simm.s32 $0x380;
	s21 =	sadd.s32 $0x9000, s10;
	[dreg:$0x1b] =	wrdreg s20  }
0x2b: {  	s23 =	sadd.s32 $0xB000, s10;
	s31 =	sadd.s32 $0x11000, s10;
	[dreg:$0x1d] =	wrdreg s21  }
0x2c: {  	s16 =	simm.s32 $0x2;
	s17 =	simm.s32 $0x4400;
	[dreg:$0x1f] =	wrdreg s23  }
0x2d: {  	s18 =	simm.s32 $0x180;
	s22 =	simm.s32 $0x6;
	[smem:$0x7FD] =	sst s31  }
0x2e: {  	s20 =	simm.s32 $0x5;
	s21 =	simm.s32 $0x3;
	s23 =	simm.s32 $0x4  }
.LBB2_1:
0x2f: {  	s0 =	rddreg [dreg:$0xe]  }
0x30: {  	[tilespmem:s3], [sflag:$0x1] =	stream.linear.gather [hbm4b:s0+s3], $0x80, $0x38;
	[tilespmem:$0x1D400] =	vst v63  }
0x31: {  	s31 =	rddreg [dreg:$0xf]  }
0x32: {  	[tilespmem:s6], [sflag:$0x1] =	stream.linear.gather [hbm4b:s31+s3], $0x80, $0x38;
	[tilespmem:$0x1D400] =	vst v63  }
0x33: {  	s25 =	rddreg [dreg:$0xd]  }
0x34: {  	[tilespmem:s7], [sflag:$0x7] =	stream.linear.gather [hbm4b:s25+s3], $0x1000, $0x38;
	[tilespmem:$0x1D400] =	vst v63  }
0x35: {  	_ =	swait.ge [sflag:s8], $0x1000  }
0x36: {  	[sflag:s8] =	ssyncset.done $0x0  }
0x37: {  	[sflag:s8] =	ssyncadd.s32 $0xFFFFF000  }
0x38: {  	_ =	swait.ge [sflag:s9], $0x80  }
0x39: {  	[sflag:s9] =	ssyncset.done $0x0  }
0x3a: {  	[sflag:s9] =	ssyncadd.s32 $0xFFFFFF80  }
0x3b: {  	_ =	swait.ge [sflag:s9], $0x80  }
0x3c: {  	[sflag:s9] =	ssyncset.done $0x0  }
0x3d: {  	[sflag:s9] =	ssyncadd.s32 $0xFFFFFF80  }
0x3e: {  	[tilespmem:s12], [sflag:$0x5] =	stream.indirect.gather [hbm4b:s4+s11], $0x80, s3, s11, $0xb8;
	[tilespmem:$0x1D400] =	vst v63  }
0x3f: {  	s26 =	rddreg [dreg:$0x10]  }
0x40: {  	[tilespmem:s11], [sflag:$0x2] =	stream.linear.gather [hbm4b:s26+s3], $0x80, $0x38;
	[tilespmem:$0x1D400] =	vst v63  }
0x41: {  	s28 =	rddreg [dreg:$0x11]  }
0x42: {  	[tilespmem:s13], [sflag:$0x2] =	stream.linear.gather [hbm4b:s28+s3], $0x80, $0x38;
	[tilespmem:$0x1D400] =	vst v63  }
0x43: {  	s29 =	rddreg [dreg:$0x12]  }
0x44: {  	[tilespmem:s14], [sflag:$0x3] =	stream.linear.gather [hbm4b:s29+s3], $0x80, $0x38;
	[tilespmem:$0x1D400] =	vst v63  }
0x45: {  	s30 =	rddreg [dreg:$0x13]  }
0x46: {  	[tilespmem:s15], [sflag:$0x3] =	stream.linear.gather [hbm4b:s30+s3], $0x80, $0x38;
	[tilespmem:$0x1D400] =	vst v63  }
0x47: {  	_ = 	snop  }
0x48: {  	[spmem:s10] =	stream.linear.scatter [tilespmem:s7], [sflag:$0x7], $0x1000, $0x38;
	[tilespmem:$0x1D400] =	vst v63  }
0x49: {  	_ =	swait.ge [sflag:s8], $0x1000  }
0x4a: {  	[sflag:s8] =	ssyncset.done $0x0  }
0x4b: {  	s31 =	rddreg [dreg:$0x14];
	[sflag:s8] =	ssyncadd.s32 $0xFFFFF000  }
0x4c: {  	[spmem:s31] =	stream.linear.scatter [tilespmem:s7], [sflag:$0x7], $0x1000, $0x38;
	[tilespmem:$0x1D400] =	vst v63  }
0x4d: {  	_ =	swait.ge [sflag:s8], $0x1000  }
0x4e: {  	[sflag:s8] =	ssyncset.done $0x0  }
0x4f: {  	s25 =	rddreg [dreg:$0x15];
	[sflag:s8] =	ssyncadd.s32 $0xFFFFF000  }
0x50: {  	[spmem:s25] =	stream.linear.scatter [tilespmem:s7], [sflag:$0x7], $0x1000, $0x38;
	[tilespmem:$0x1D400] =	vst v63  }
0x51: {  	_ =	swait.ge [sflag:s8], $0x1000  }
0x52: {  	[sflag:s8] =	ssyncset.done $0x0  }
0x53: {  	s26 =	rddreg [dreg:$0x16];
	[sflag:s8] =	ssyncadd.s32 $0xFFFFF000  }
0x54: {  	[spmem:s26] =	stream.linear.scatter [tilespmem:s7], [sflag:$0x7], $0x1000, $0x38;
	[tilespmem:$0x1D400] =	vst v63  }
0x55: {  	_ =	swait.ge [sflag:s8], $0x1000  }
0x56: {  	[sflag:s8] =	ssyncset.done $0x0  }
0x57: {  	s28 =	rddreg [dreg:$0x17];
	[sflag:s8] =	ssyncadd.s32 $0xFFFFF000  }
0x58: {  	[spmem:s28] =	stream.linear.scatter [tilespmem:s7], [sflag:$0x7], $0x1000, $0x38;
	[tilespmem:$0x1D400] =	vst v63  }
0x59: {  	_ =	swait.ge [sflag:s8], $0x1000  }
0x5a: {  	[sflag:s8] =	ssyncset.done $0x0  }
0x5b: {  	s29 =	rddreg [dreg:$0x18];
	[sflag:s8] =	ssyncadd.s32 $0xFFFFF000  }
0x5c: {  	[spmem:s29] =	stream.linear.scatter [tilespmem:s7], [sflag:$0x7], $0x1000, $0x38;
	[tilespmem:$0x1D400] =	vst v63  }
0x5d: {  	_ =	swait.ge [sflag:s8], $0x1000  }
0x5e: {  	[sflag:s8] =	ssyncset.done $0x0  }
0x5f: {  	s30 =	rddreg [dreg:$0x19];
	[sflag:s8] =	ssyncadd.s32 $0xFFFFF000  }
0x60: {  	[spmem:s30] =	stream.linear.scatter [tilespmem:s7], [sflag:$0x7], $0x1000, $0x38;
	[tilespmem:$0x1D400] =	vst v63  }
0x61: {  	_ =	swait.ge [sflag:s8], $0x1000  }
0x62: {  	[sflag:s8] =	ssyncset.done $0x0  }
0x63: {  	s31 =	rddreg [dreg:$0x1a];
	[sflag:s8] =	ssyncadd.s32 $0xFFFFF000  }
0x64: {  	[spmem:s31] =	stream.linear.scatter [tilespmem:s7], [sflag:$0x7], $0x1000, $0x38;
	[tilespmem:$0x1D400] =	vst v63  }
0x65: {  	_ =	swait.ge [sflag:s8], $0x1000  }
0x66: {  	[sflag:s8] =	ssyncset.done $0x0  }
0x67: {  	s25 =	rddreg [dreg:$0x1b];
	[sflag:s8] =	ssyncadd.s32 $0xFFFFF000  }
0x68: {  	[spmem:s25] =	stream.linear.scatter [tilespmem:s7], [sflag:$0x7], $0x1000, $0x38;
	[tilespmem:$0x1D400] =	vst v63  }
0x69: {  	_ =	swait.ge [sflag:s8], $0x1000  }
0x6a: {  	[sflag:s8] =	ssyncset.done $0x0  }
0x6b: {  	s26 =	rddreg [dreg:$0x1d];
	[sflag:s8] =	ssyncadd.s32 $0xFFFFF000  }
0x6c: {  	[spmem:s26] =	stream.linear.scatter [tilespmem:s7], [sflag:$0x7], $0x1000, $0x38;
	[tilespmem:$0x1D400] =	vst v63  }
0x6d: {  	_ =	swait.ge [sflag:s8], $0x1000  }
0x6e: {  	[sflag:s8] =	ssyncset.done $0x0  }
0x6f: {  	s28 =	rddreg [dreg:$0x1e];
	[sflag:s8] =	ssyncadd.s32 $0xFFFFF000  }
0x70: {  	[spmem:s28] =	stream.linear.scatter [tilespmem:s7], [sflag:$0x7], $0x1000, $0x38;
	[tilespmem:$0x1D400] =	vst v63  }
0x71: {  	_ =	swait.ge [sflag:s8], $0x1000  }
0x72: {  	[sflag:s8] =	ssyncset.done $0x0  }
0x73: {  	s29 =	rddreg [dreg:$0x1f];
	[sflag:s8] =	ssyncadd.s32 $0xFFFFF000  }
0x74: {  	[spmem:s29] =	stream.linear.scatter [tilespmem:s7], [sflag:$0x7], $0x1000, $0x38;
	[tilespmem:$0x1D400] =	vst v63  }
0x75: {  	_ =	swait.ge [sflag:s8], $0x1000  }
0x76: {  	s30 =	sld [smem:$0x7F8]  }
0x77: {  	[sflag:s8] =	ssyncset.done $0x0  }
0x78: {  	[sflag:s8] =	ssyncadd.s32 $0xFFFFF000  }
0x79: {  	[spmem:s30] =	stream.linear.scatter [tilespmem:s7], [sflag:$0x7], $0x1000, $0x38;
	[tilespmem:$0x1D400] =	vst v63  }
0x7a: {  	_ =	swait.ge [sflag:s8], $0x1000  }
0x7b: {  	s31 =	sld [smem:$0x7F9]  }
0x7c: {  	[sflag:s8] =	ssyncset.done $0x0  }
0x7d: {  	[sflag:s8] =	ssyncadd.s32 $0xFFFFF000  }
0x7e: {  	[spmem:s31] =	stream.linear.scatter [tilespmem:s7], [sflag:$0x7], $0x1000, $0x38;
	[tilespmem:$0x1D400] =	vst v63  }
0x7f: {  	_ =	swait.ge [sflag:s8], $0x1000  }
0x80: {  	s25 =	sld [smem:$0x7FA]  }
0x81: {  	[sflag:s8] =	ssyncset.done $0x0  }
0x82: {  	[sflag:s8] =	ssyncadd.s32 $0xFFFFF000  }
0x83: {  	[spmem:s25] =	stream.linear.scatter [tilespmem:s7], [sflag:$0x7], $0x1000, $0x38;
	[tilespmem:$0x1D400] =	vst v63  }
0x84: {  	_ =	swait.ge [sflag:s8], $0x1000  }
0x85: {  	s26 =	sld [smem:$0x7FB]  }
0x86: {  	[sflag:s8] =	ssyncset.done $0x0  }
0x87: {  	[sflag:s8] =	ssyncadd.s32 $0xFFFFF000  }
0x88: {  	[spmem:s26] =	stream.linear.scatter [tilespmem:s7], [sflag:$0x7], $0x1000, $0x38;
	[tilespmem:$0x1D400] =	vst v63  }
0x89: {  	_ =	swait.ge [sflag:s8], $0x1000  }
0x8a: {  	s28 =	sld [smem:$0x7FC]  }
0x8b: {  	[sflag:s8] =	ssyncset.done $0x0  }
0x8c: {  	[sflag:s8] =	ssyncadd.s32 $0xFFFFF000  }
0x8d: {  	[spmem:s28] =	stream.linear.scatter [tilespmem:s7], [sflag:$0x7], $0x1000, $0x38;
	[tilespmem:$0x1D400] =	vst v63  }
0x8e: {  	_ =	swait.ge [sflag:s8], $0x1000  }
0x8f: {  	s29 =	sld [smem:$0x7FD]  }
0x90: {  	[sflag:s8] =	ssyncset.done $0x0  }
0x91: {  	[sflag:s8] =	ssyncadd.s32 $0xFFFFF000  }
0x92: {  	[spmem:s29] =	stream.linear.scatter [tilespmem:s7], [sflag:$0x7], $0x1000, $0x38;
	[tilespmem:$0x1D400] =	vst v63  }
0x93: {  	_ =	swait.ge [sflag:s8], $0x1000  }
0x94: {  	[sflag:s8] =	ssyncset.done $0x0  }
0x95: {  	[sflag:s8] =	ssyncadd.s32 $0xFFFFF000  }
0x96: {  	[spmem:s2] =	stream.linear.scatter [tilespmem:s7], [sflag:$0x7], $0x1000, $0x38;
	[tilespmem:$0x1D400] =	vst v63  }
0x97: {  	_ =	swait.ge [sflag:s8], $0x1000  }
0x98: {  	[sflag:s8] =	ssyncset.done $0x0  }
0x99: {  	[sflag:s8] =	ssyncadd.s32 $0xFFFFF000  }
0x9a: {  	[spmem:s5] =	stream.linear.scatter [tilespmem:s7], [sflag:$0x7], $0x1000, $0x38;
	[tilespmem:$0x1D400] =	vst v63  }
0x9b: {  	_ =	swait.ge [sflag:s8], $0x1000  }
0x9c: {  	[sflag:s8] =	ssyncset.done $0x0  }
0x9d: {  	[sflag:s8] =	ssyncadd.s32 $0xFFFFF000  }
0x9e: {  	[bflag:$0x0] =	sbarrier.arrive $0xFFFF  }
0x9f: {  	_ =	swait.ge [sflag:s16], $0x80  }
0xa0: {  	[sflag:s16] =	ssyncset.done $0x0  }
0xa1: {  	[sflag:s16] =	ssyncadd.s32 $0xFFFFFF80  }
0xa2: {  	_ =	swait.ge [sflag:s16], $0x80  }
0xa3: {  	[sflag:s16] =	ssyncset.done $0x0  }
0xa4: {  	s25 =	rddreg [dreg:$0xa];
	[sflag:s16] =	ssyncadd.s32 $0xFFFFFF80  }
0xa5: {  	[tilespmem:s17], [sflag:$0x6] =	stream.indirect.gather [hbm4b:s4+s11], $0x80, s11, s11, $0xb8;
	[tilespmem:$0x1D400] =	vst v63  }
0xa6: {  	s26 =	rddreg [dreg:$0x9];
	s25 =	sadd.s32 $0x0, s25  }
0xa7: {  	[tilespmem:s18], [sflag:$0x4] =	stream.linear.gather [hbm4b:s25+s3], $0x80, $0x38;
	[tilespmem:$0x1D400] =	vst v63  }
0xa8: {  	s30 =	sadd.s32 $0x0, s26  }
0xa9: {  	[tilespmem:s19], [sflag:$0x4] =	stream.linear.gather [hbm4b:s30+s3], $0x80, $0x38;
	[tilespmem:$0x1D400] =	vst v63  }
0xaa: {  	_ =	swait.ge [sflag:s20], $0x4000  }
0xab: {  	[sflag:s20] =	ssyncset.done $0x0  }
0xac: {  	[sflag:s20] =	ssyncadd.s32 $0xFFFFC000  }
0xad: {  	[spmem:s1] =	stream.indirect.scatter.add.f32 [tilespmem:s12], [sflag:$0x7], $0x80, s6, s11, $0xb8;
	[tilespmem:$0x1D400] =	vst v63  }
0xae: {  	_ =	swait.ge [sflag:s8], $0x4000  }
0xaf: {  	[sflag:s8] =	ssyncset.done $0x0  }
0xb0: {  	[sflag:s8] =	ssyncadd.s32 $0xFFFFC000  }
0xb1: {  	_ =	swait.ge [sflag:s21], $0x80  }
0xb2: {  	[sflag:s21] =	ssyncset.done $0x0  }
0xb3: {  	[sflag:s21] =	ssyncadd.s32 $0xFFFFFF80  }
0xb4: {  	_ =	swait.ge [sflag:s21], $0x80  }
0xb5: {  	[sflag:s21] =	ssyncset.done $0x0  }
0xb6: {  	s31 =	rddreg [dreg:$0x8];
	[sflag:s21] =	ssyncadd.s32 $0xFFFFFF80  }
0xb7: {  	[tilespmem:s12], [sflag:$0x5] =	stream.indirect.gather [hbm4b:s4+s11], $0x80, s14, s11, $0xb8;
	[tilespmem:$0x1D400] =	vst v63  }
0xb8: {  	s0 =	rddreg [dreg:$0x7];
	s25 =	sadd.s32 $0x0, s31  }
0xb9: {  	[tilespmem:s3], [sflag:$0x1] =	stream.linear.gather [hbm4b:s25+s3], $0x80, $0x38;
	[tilespmem:$0x1D400] =	vst v63  }
0xba: {  	s26 =	sadd.s32 $0x0, s0  }
0xbb: {  	[tilespmem:s6], [sflag:$0x1] =	stream.linear.gather [hbm4b:s26+s3], $0x80, $0x38;
	[tilespmem:$0x1D400] =	vst v63  }
0xbc: {  	_ =	swait.ge [sflag:s22], $0x4000  }
0xbd: {  	[sflag:s22] =	ssyncset.done $0x0  }
0xbe: {  	[sflag:s22] =	ssyncadd.s32 $0xFFFFC000  }
0xbf: {  	[spmem:s1] =	stream.indirect.scatter.add.f32 [tilespmem:s17], [sflag:$0x7], $0x80, s13, s11, $0xb8;
	[tilespmem:$0x1D400] =	vst v63  }
0xc0: {  	_ =	swait.ge [sflag:s8], $0x4000  }
0xc1: {  	[sflag:s8] =	ssyncset.done $0x0  }
0xc2: {  	[sflag:s8] =	ssyncadd.s32 $0xFFFFC000  }
0xc3: {  	_ =	swait.ge [sflag:s23], $0x80  }
0xc4: {  	[sflag:s23] =	ssyncset.done $0x0  }
0xc5: {  	[sflag:s23] =	ssyncadd.s32 $0xFFFFFF80  }
0xc6: {  	_ =	swait.ge [sflag:s23], $0x80  }
0xc7: {  	[sflag:s23] =	ssyncset.done $0x0  }
0xc8: {  	s28 =	rddreg [dreg:$0x6];
	[sflag:s23] =	ssyncadd.s32 $0xFFFFFF80  }
0xc9: {  	[tilespmem:s17], [sflag:$0x6] =	stream.indirect.gather [hbm4b:s4+s11], $0x80, s18, s11, $0xb8;
	[tilespmem:$0x1D400] =	vst v63  }
0xca: {  	s29 =	rddreg [dreg:$0x5];
	s25 =	sadd.s32 $0x0, s28  }
0xcb: {  	[tilespmem:s11], [sflag:$0x2] =	stream.linear.gather [hbm4b:s25+s3], $0x80, $0x38;
	[tilespmem:$0x1D400] =	vst v63  }
0xcc: {  	s30 =	sadd.s32 $0x0, s29  }
0xcd: {  	[tilespmem:s13], [sflag:$0x2] =	stream.linear.gather [hbm4b:s30+s3], $0x80, $0x38;
	[tilespmem:$0x1D400] =	vst v63  }
0xce: {  	_ =	swait.ge [sflag:s20], $0x4000  }
0xcf: {  	[sflag:s20] =	ssyncset.done $0x0  }
0xd0: {  	[sflag:s20] =	ssyncadd.s32 $0xFFFFC000  }
0xd1: {  	[spmem:s1] =	stream.indirect.scatter.add.f32 [tilespmem:s12], [sflag:$0x7], $0x80, s15, s11, $0xb8;
	[tilespmem:$0x1D400] =	vst v63  }
0xd2: {  	_ =	swait.ge [sflag:s8], $0x4000  }
0xd3: {  	[sflag:s8] =	ssyncset.done $0x0  }
0xd4: {  	[sflag:s8] =	ssyncadd.s32 $0xFFFFC000  }
0xd5: {  	_ =	swait.ge [sflag:s9], $0x80  }
0xd6: {  	[sflag:s9] =	ssyncset.done $0x0  }
0xd7: {  	[sflag:s9] =	ssyncadd.s32 $0xFFFFFF80  }
0xd8: {  	_ =	swait.ge [sflag:s9], $0x80  }
0xd9: {  	s31 =	rddreg [dreg:$0x4]  }
0xda: {  	[sflag:s9] =	ssyncset.done $0x0;
	s26 =	rddreg [dreg:$0xc]  }
0xdb: {  	s25 =	rddreg [dreg:$0xb];
	[sflag:s9] =	ssyncadd.s32 $0xFFFFFF80;
	p1 =	sle.u32 s31, $0x6  }
0xdc: {  	[tilespmem:s12], [sflag:$0x5] =	stream.indirect.gather [hbm4b:s4+s11], $0x80, s3, s11, $0xb8;
	[tilespmem:$0x1D400] =	vst v63  }
0xdd: {  	s26 =	sadd.s32 @!p1 $0x0, s26;
	s28 =	simm.s32 @!p1 $0x0;
	s29 =	simm.s32 @!p1 $0x100  }
0xde: {  	[tilespmem:s29], [sflag:$0x3] =	stream.linear.gather @!p1 [hbm4b:s26+s28], $0x80, $0x38;
	[tilespmem:$0x1D400] =	vst v63  }
0xdf: {  	s25 =	sadd.s32 @!p1 $0x0, s25;
	s26 =	simm.s32 @!p1 $0x300  }
0xe0: {  	[tilespmem:s26], [sflag:$0x3] =	stream.linear.gather @!p1 [hbm4b:s25+s28], $0x80, $0x38;
	[tilespmem:$0x1D400] =	vst v63  }
0xe1: {  	_ =	swait.ge [sflag:s22], $0x4000  }
0xe2: {  	s25 =	simm.s32 $0x40;
	s26 =	simm.s32 $0x6;
	[sflag:s22] =	ssyncset.done $0x0  }
.LBB2_2:
0xe3: {  	[sflag:s22] =	ssyncadd.s32 $0xFFFFC000  }
0xe4: {  	[spmem:s1] =	stream.indirect.scatter.add.f32 [tilespmem:s17], [sflag:$0x7], $0x80, s19, s11, $0xb8;
	[tilespmem:$0x1D400] =	vst v63  }
0xe5: {  	_ =	swait.ge [sflag:s8], $0x4000  }
0xe6: {  	[sflag:s8] =	ssyncset.done $0x0  }
0xe7: {  	[sflag:s8] =	ssyncadd.s32 $0xFFFFC000  }
0xe8: {  	_ =	swait.ge [sflag:s16], $0x80  }
0xe9: {  	[sflag:s16] =	ssyncset.done $0x0  }
0xea: {  	[sflag:s16] =	ssyncadd.s32 $0xFFFFFF80  }
0xeb: {  	_ =	swait.ge [sflag:s16], $0x80  }
0xec: {  	[sflag:s16] =	ssyncset.done $0x0  }
0xed: {  	s28 =	smov.u32 s25;
	s29 =	rddreg [dreg:$0xa];
	[sflag:s16] =	ssyncadd.s32 $0xFFFFFF80  }
0xee: {  	[tilespmem:s17], [sflag:$0x6] =	stream.indirect.gather [hbm4b:s4+s11], $0x80, s11, s11, $0xb8;
	[tilespmem:$0x1D400] =	vst v63  }
0xef: {  	s30 =	rddreg [dreg:$0x9];
	s29 =	sadd.s32 s28, s29  }
0xf0: {  	[tilespmem:s18], [sflag:$0x4] =	stream.linear.gather [hbm4b:s29+s3], $0x80, $0x38;
	[tilespmem:$0x1D400] =	vst v63  }
0xf1: {  	s30 =	sadd.s32 s28, s30  }
0xf2: {  	[tilespmem:s19], [sflag:$0x4] =	stream.linear.gather [hbm4b:s30+s3], $0x80, $0x38;
	[tilespmem:$0x1D400] =	vst v63  }
0xf3: {  	_ =	swait.ge [sflag:s20], $0x4000  }
0xf4: {  	[sflag:s20] =	ssyncset.done $0x0  }
0xf5: {  	[sflag:s20] =	ssyncadd.s32 $0xFFFFC000  }
0xf6: {  	[spmem:s1] =	stream.indirect.scatter.add.f32 [tilespmem:s12], [sflag:$0x7], $0x80, s6, s11, $0xb8;
	[tilespmem:$0x1D400] =	vst v63  }
0xf7: {  	_ =	swait.ge [sflag:s8], $0x4000  }
0xf8: {  	[sflag:s8] =	ssyncset.done $0x0  }
0xf9: {  	[sflag:s8] =	ssyncadd.s32 $0xFFFFC000  }
0xfa: {  	_ =	swait.ge [sflag:s21], $0x80  }
0xfb: {  	[sflag:s21] =	ssyncset.done $0x0  }
0xfc: {  	[sflag:s21] =	ssyncadd.s32 $0xFFFFFF80  }
0xfd: {  	_ =	swait.ge [sflag:s21], $0x80  }
0xfe: {  	[sflag:s21] =	ssyncset.done $0x0  }
0xff: {  	s31 =	rddreg [dreg:$0x8];
	[sflag:s21] =	ssyncadd.s32 $0xFFFFFF80  }
0x100: {  	[tilespmem:s12], [sflag:$0x5] =	stream.indirect.gather [hbm4b:s4+s11], $0x80, s14, s11, $0xb8;
	[tilespmem:$0x1D400] =	vst v63  }
0x101: {  	s0 =	rddreg [dreg:$0x7];
	s29 =	sadd.s32 s28, s31  }
0x102: {  	[tilespmem:s3], [sflag:$0x1] =	stream.linear.gather [hbm4b:s29+s3], $0x80, $0x38;
	[tilespmem:$0x1D400] =	vst v63  }
0x103: {  	s30 =	sadd.s32 s28, s0  }
0x104: {  	[tilespmem:s6], [sflag:$0x1] =	stream.linear.gather [hbm4b:s30+s3], $0x80, $0x38;
	[tilespmem:$0x1D400] =	vst v63  }
0x105: {  	_ =	swait.ge [sflag:s22], $0x4000  }
0x106: {  	[sflag:s22] =	ssyncset.done $0x0  }
0x107: {  	[sflag:s22] =	ssyncadd.s32 $0xFFFFC000  }
0x108: {  	[spmem:s1] =	stream.indirect.scatter.add.f32 [tilespmem:s17], [sflag:$0x7], $0x80, s13, s11, $0xb8;
	[tilespmem:$0x1D400] =	vst v63  }
0x109: {  	_ =	swait.ge [sflag:s8], $0x4000  }
0x10a: {  	[sflag:s8] =	ssyncset.done $0x0  }
0x10b: {  	[sflag:s8] =	ssyncadd.s32 $0xFFFFC000  }
0x10c: {  	_ =	swait.ge [sflag:s23], $0x80  }
0x10d: {  	[sflag:s23] =	ssyncset.done $0x0  }
0x10e: {  	[sflag:s23] =	ssyncadd.s32 $0xFFFFFF80  }
0x10f: {  	_ =	swait.ge [sflag:s23], $0x80  }
0x110: {  	[sflag:s23] =	ssyncset.done $0x0  }
0x111: {  	s31 =	rddreg [dreg:$0x6];
	[sflag:s23] =	ssyncadd.s32 $0xFFFFFF80  }
0x112: {  	[tilespmem:s17], [sflag:$0x6] =	stream.indirect.gather [hbm4b:s4+s11], $0x80, s18, s11, $0xb8;
	[tilespmem:$0x1D400] =	vst v63  }
0x113: {  	s0 =	rddreg [dreg:$0x5];
	s29 =	sadd.s32 s28, s31  }
0x114: {  	[tilespmem:s11], [sflag:$0x2] =	stream.linear.gather [hbm4b:s29+s3], $0x80, $0x38;
	[tilespmem:$0x1D400] =	vst v63  }
0x115: {  	s30 =	sadd.s32 s28, s0  }
0x116: {  	[tilespmem:s13], [sflag:$0x2] =	stream.linear.gather [hbm4b:s30+s3], $0x80, $0x38;
	[tilespmem:$0x1D400] =	vst v63  }
0x117: {  	_ =	swait.ge [sflag:s20], $0x4000  }
0x118: {  	[sflag:s20] =	ssyncset.done $0x0  }
0x119: {  	[sflag:s20] =	ssyncadd.s32 $0xFFFFC000  }
0x11a: {  	[spmem:s1] =	stream.indirect.scatter.add.f32 [tilespmem:s12], [sflag:$0x7], $0x80, s15, s11, $0xb8;
	[tilespmem:$0x1D400] =	vst v63  }
0x11b: {  	_ =	swait.ge [sflag:s8], $0x4000  }
0x11c: {  	[sflag:s8] =	ssyncset.done $0x0  }
0x11d: {  	[sflag:s8] =	ssyncadd.s32 $0xFFFFC000  }
0x11e: {  	_ =	swait.ge [sflag:s9], $0x80  }
0x11f: {  	[sflag:s9] =	ssyncset.done $0x0  }
0x120: {  	[sflag:s9] =	ssyncadd.s32 $0xFFFFFF80  }
0x121: {  	s26 =	sadd.s32 $0x4, s26;
	s25 =	sadd.s32 $0x40, s25;
	_ =	swait.ge [sflag:s9], $0x80  }
0x122: {  	p1 =	sne.s32 s25, $0x4C0;
	s31 =	rddreg [dreg:$0x4];
	[sflag:s9] =	ssyncset.done $0x0  }
0x123: {  	s30 =	rddreg [dreg:$0xc];
	[sflag:s9] =	ssyncadd.s32 $0xFFFFFF80;
	p2 =	sge.u32 s26, s31  }
0x124: {  	[tilespmem:s12], [sflag:$0x5] =	stream.indirect.gather [hbm4b:s4+s11], $0x80, s3, s11, $0xb8;
	[tilespmem:$0x1D400] =	vst v63  }
0x125: {  	s30 =	sadd.s32 @!p2 s28, s30;
	s31 =	simm.s32 @!p2 $0x0;
	s0 =	simm.s32 @!p2 $0x100  }
0x126: {  	[tilespmem:s0], [sflag:$0x3] =	stream.linear.gather @!p2 [hbm4b:s30+s31], $0x80, $0x38;
	[tilespmem:$0x1D400] =	vst v63  }
.Ltmp0:
0x127: {  	s29 =	rddreg [dreg:$0xb];
	(pc) =	sbr.rel @p1 .LBB2_2-.Ltmp0, $4  }
0x128: {  	s0 =	sadd.s32 @!p2 s28, s29;
	s28 =	simm.s32 @!p2 $0x300  }
0x129: {  	[tilespmem:s28], [sflag:$0x3] =	stream.linear.gather @!p2 [hbm4b:s0+s31], $0x80, $0x38;
	[tilespmem:$0x1D400] =	vst v63  }
0x12a: {  	_ =	swait.ge [sflag:s22], $0x4000  }
0x12b: {  	[sflag:s22] =	ssyncset.done $0x0  }
0x12c: {  	[sflag:s22] =	ssyncadd.s32 $0xFFFFC000  }
0x12d: {  	[spmem:s1] =	stream.indirect.scatter.add.f32 [tilespmem:s17], [sflag:$0x7], $0x80, s19, s11, $0xb8;
	[tilespmem:$0x1D400] =	vst v63  }
0x12e: {  	_ =	swait.ge [sflag:s8], $0x4000  }
0x12f: {  	[sflag:s8] =	ssyncset.done $0x0  }
0x130: {  	[sflag:s8] =	ssyncadd.s32 $0xFFFFC000  }
0x131: {  	_ =	swait.ge [sflag:s16], $0x80  }
0x132: {  	[sflag:s16] =	ssyncset.done $0x0  }
0x133: {  	[sflag:s16] =	ssyncadd.s32 $0xFFFFFF80  }
0x134: {  	_ =	swait.ge [sflag:s16], $0x80  }
0x135: {  	[sflag:s16] =	ssyncset.done $0x0  }
0x136: {  	[sflag:s16] =	ssyncadd.s32 $0xFFFFFF80  }
0x137: {  	[tilespmem:s17], [sflag:$0x6] =	stream.indirect.gather [hbm4b:s4+s11], $0x80, s11, s11, $0xb8;
	[tilespmem:$0x1D400] =	vst v63  }
0x138: {  	_ =	swait.ge [sflag:s20], $0x4000  }
0x139: {  	[sflag:s20] =	ssyncset.done $0x0  }
0x13a: {  	[sflag:s20] =	ssyncadd.s32 $0xFFFFC000  }
0x13b: {  	[spmem:s1] =	stream.indirect.scatter.add.f32 [tilespmem:s12], [sflag:$0x7], $0x80, s6, s11, $0xb8;
	[tilespmem:$0x1D400] =	vst v63  }
0x13c: {  	_ =	swait.ge [sflag:s8], $0x4000  }
0x13d: {  	[sflag:s8] =	ssyncset.done $0x0  }
0x13e: {  	s0 =	simm.s32 @p0 $0x6;
	[sflag:s8] =	ssyncadd.s32 $0xFFFFC000  }
0x13f: {  	_ =	swait.ge @p0 [sflag:s0], $0x4000  }
0x140: {  	s25 =	simm.s32 @p0 $0x280;
	[sflag:s0] =	ssyncset.done @p0 $0x0  }
0x141: {  	s26 =	simm.s32 @p0 $0x4400;
	[sflag:s0] =	ssyncadd.s32 @p0 $0xFFFFC000;
	s0 =	simm.s32 @p0 $0x80  }
0x142: {  	[spmem:s1] =	stream.indirect.scatter.add.f32 @p0 [tilespmem:s26], [sflag:$0x7], $0x80, s25, s0, $0xb8;
	[tilespmem:$0x1D400] =	vst v63  }
0x143: {  	s0 =	simm.s32 @!p0 $0x3  }
0x144: {  	_ =	swait.ge @!p0 [sflag:s0], $0x80  }
0x145: {  	[sflag:s0] =	ssyncset.done @!p0 $0x0  }
0x146: {  	[sflag:s0] =	ssyncadd.s32 @!p0 $0xFFFFFF80  }
0x147: {  	_ =	swait.ge @!p0 [sflag:s0], $0x80  }
0x148: {  	s25 =	simm.s32 @!p0 $0x100;
	[sflag:s0] =	ssyncset.done @!p0 $0x0  }
0x149: {  	s26 =	simm.s32 @!p0 $0x400;
	[sflag:s0] =	ssyncadd.s32 @!p0 $0xFFFFFF80;
	s0 =	simm.s32 @!p0 $0x80  }
0x14a: {  	[tilespmem:s26], [sflag:$0x5] =	stream.indirect.gather @!p0 [hbm4b:s4+s0], $0x80, s25, s0, $0xb8;
	[tilespmem:$0x1D400] =	vst v63  }
0x14b: {  	s25 =	simm.s32 @!p0 $0x6  }
0x14c: {  	_ =	swait.ge @!p0 [sflag:s25], $0x4000  }
0x14d: {  	[sflag:s25] =	ssyncset.done @!p0 $0x0  }
0x14e: {  	s28 =	simm.s32 @!p0 $0x4400;
	[sflag:s25] =	ssyncadd.s32 @!p0 $0xFFFFC000;
	s25 =	simm.s32 @!p0 $0x280  }
0x14f: {  	[spmem:s1] =	stream.indirect.scatter.add.f32 @!p0 [tilespmem:s28], [sflag:$0x7], $0x80, s25, s0, $0xb8;
	[tilespmem:$0x1D400] =	vst v63  }
0x150: {  	s25 =	simm.s32 @!p0 $0x7  }
0x151: {  	_ =	swait.ge @!p0 [sflag:s25], $0x4000  }
0x152: {  	[sflag:s25] =	ssyncset.done @!p0 $0x0  }
0x153: {  	[sflag:s25] =	ssyncadd.s32 @!p0 $0xFFFFC000;
	s25 =	simm.s32 @!p0 $0x5  }
0x154: {  	_ =	swait.ge @!p0 [sflag:s25], $0x4000  }
0x155: {  	[sflag:s25] =	ssyncset.done @!p0 $0x0  }
0x156: {  	[sflag:s25] =	ssyncadd.s32 @!p0 $0xFFFFC000;
	s25 =	simm.s32 @!p0 $0x300  }
0x157: {  	[spmem:s1] =	stream.indirect.scatter.add.f32 @!p0 [tilespmem:s26], [sflag:$0x7], $0x80, s25, s0, $0xb8;
	[tilespmem:$0x1D400] =	vst v63  }
0x158: {  	_ =	swait.ge [sflag:s8], $0x4000  }
0x159: {  	[sflag:s8] =	ssyncset.done $0x0  }
0x15a: {  	s28 =	stileid.u32;
	[sflag:s8] =	ssyncadd.s32 $0xFFFFC000  }
0x15b: {  	s0 =	sshll.u32 s28, $0x6;
	[bflag:$0x0] =	sbarrier.arrive $0xFFFF  }
0x15c: {  	s29 =	sshrl.u32 s10, $0x3;
	s0 =	sor.u32 $0x1C07, s0;
	s30 =	rddreg [dreg:$0x1c]  }
0x15d: {  	[hbm:s30], [sflag:s0] =	dma.local [spmem:s29], $0x2800  }
0x15e: {  	_ =	swait.ge [sflag:s8], $0x2800  }
0x15f: {  	s31 =	sld [smem:$0x7F7];
	_ =	sdelay $0x1  }
0x160: {  	s24 =	sadd.s32 $0x1, s24  }
0x161: {  	p1 =	sne.s32 s24, s31  }
.Ltmp1:
0x162: {  	_ = 	snop;
	(pc) =	sbr.rel @p1 .LBB2_1-.Ltmp1, $3  }
0x163: {  	_ =	sdelay $0x1  }
0x164: {  	[sflag:s8] =	ssyncset.done $0x0  }
0x165: {  	[sflag:s8] =	ssyncadd.s32 $0xFFFFD800  }
0x166: {  	_ =	sfence.sel $0x180000  }
0x167: {  	[bflag:$0x0] =	sbarrier.arrive $0xFFFF  }
0x168: {  	_ =	strace $0x9000004A  }
0x169: {  	s0 =	stileid.u32;
	[bflag:$0x2] =	sbarrier.arrive $0xFFFF  }
0x16a: {  	p0 =	sne.s32 s0, $0x0;
	s0 =	rddreg [dreg:$0x3]  }
0x16b: {  	s0 =	sadd.s32 @!p0 $0x100000, s0  }
0x16c: {  	[sflag:s0] =	ssyncadd.tile.s32 @!p0 $0x1;
	_ =	shalt  }
.Lfunc_end2:
_tile_overlayer_lowered:
.L_overlay_start_2:
0x16d: {  	(tag) =	ssettag $0x2  }
0x16e: {  	s0 =	rddreg [dreg:$0x0];
	s2 =	stileid.u32  }
0x16f: {  	s1 =	rddreg [dreg:$0x1];
	p0 =	sne.s32 s2, $0x0  }
0x170: {  	s3 =	rddreg [dreg:$0x2];
	[bflag:$0x3] =	sbarrier.arrive $0xFFFF;
	s2 =	simm.s32 @!p0 $0x1C07  }
0x171: {  	[timem:s3], [sflag:s2] =	dma.local @!p0 [hbm:s0], s1  }
0x172: {  	s0 =	simm.s32 @!p0 $0x7  }
0x173: {  	_ =	swait.ge @!p0 [sflag:s0], s1  }
0x174: {  	s1 =	ssub.s32 @!p0 $0x0, s1;
	[sflag:s0] =	ssyncset.done @!p0 $0x0  }
0x175: {  	[sflag:s0] =	ssyncadd.s32 @!p0 s1  }
0x176: {  	[bflag:$0x3] =	sbarrier.arrive $0xFFFF  }
0x177: {  	_ =	shalt  }

// kernel: kernel.16.cloned.1.call-start
scs
__scs_entry_jumppad:
0x0: {  	(pc) =	sbr.rel $0x88, $3  }
0x1: {  	(tag) =	ssettag $0x0;
	lr =	simm.s32 $0x1  }
0x2: {  	[smem:$0x3F97] =	sst lr;
	_ =	strace $0xD0000000  }
0x3: {  	_ = 	snop  }
0x4: {  	_ = 	snop  }
0x5: {  	_ = 	snop  }
0x6: {  	_ = 	snop  }
0x7: {  	_ = 	snop  }
__scs_overlays_trampoline_lowered:
0x8: {  	[smem:$0x3FA6] =	sst s0  }
0x9: {  	[smem:$0x3FA7] =	sst s1  }
0xa: {  	[smem:$0x3FA8] =	sst s2  }
0xb: {  	[smem:$0x3FA9] =	sst s3  }
0xc: {  	[smem:$0x3FAA] =	sst s4  }
0xd: {  	[smem:$0x3FAB] =	sst s5  }
0xe: {  	[smem:$0x3FAC] =	sst s6  }
0xf: {  	[smem:$0x3FAD] =	sst s7  }
0x10: {  	[smem:$0x3FAE] =	sst s8  }
0x11: {  	[smem:$0x3FAF] =	sst s9;
	s0 =	simm.s32 @!p0 $0x0  }
0x12: {  	s1 =	sld [smem:$0x3F95];
	s0 =	simm.s32 @p0 $0x1  }
0x13: {  	[smem:$0x3FB0] =	sst s0;
	s0 =	simm.s32 @!p1 $0x0  }
0x14: {  	s2 =	sld [smem:$0x3F94];
	s0 =	simm.s32 @p1 $0x1  }
0x15: {  	[smem:$0x3FB1] =	sst s0;
	s0 =	simm.s32 @!p2 $0x0  }
0x16: {  	s3 =	sld [smem:$0x3FDB];
	s0 =	simm.s32 @p2 $0x1  }
0x17: {  	s4 =	simm.s32 $0x1BF5;
	[smem:$0x3FB3] =	sst s0  }
0x18: {  	s0 =	sld [smem:$0x3F96];
	_ =	swait.ge [sflag:s4], $0x0  }
0x19: {  	s7 =	sld [smem:$0x3F97]  }
0x1a: {  	s8 =	sadd.s32 $0xFFFFE003, lr  }
0x1b: {  	s9 =	sadd.s32 $0xFFFFFEF7, lr;
	s5 =	simm.s32 $0xFFFFFFFF;
	p2 =	slt.u32 s8, $0xFFFFF086  }
0x1c: {  	p1 =	slt.u32 s9, $0xF7A;
	s5 =	simm.s32 @!p2 $0x0  }
0x1d: {  	s5 =	simm.s32 @p1 $0x1;
	p0 =	seq.s32 s7, s2  }
0x1e: {  	s7 =	smul.u32 @!p0 $0xF7A, s2;
	p2 =	seq.s32 @!p0 s5, $0x0  }
0x1f: {  	s9 =	smul.u32 $0xF7A, s1;
	s8 =	simm.s32 @!p0 $0x1BF5;
	p2 =	por !p2, p0  }
0x20: {  	[sflag:s8] =	ssyncset.s32 @!p0 $0xFFFFF086;
	s6 =	sadd.s32 @!p0 s3, s7;
	s7 =	simm.s32 @!p0 $0x108  }
0x21: {  	s3 =	sadd.s32 s3, s9;
	s6 =	sadd.s32 @!p0 $0x88, s6;
	s7 =	simm.s32 @p2 $0x1082  }
0x22: {  	[simem:s7], [sflag:s8] =	dma.local @!p0 [hbm:s6], $0xF7A  }
0x23: {  	s9 =	sor.u32 $0xD0000000, s2;
	s6 =	simm.s32 $0x108;
	_ =	swait.ge @!p0 [sflag:s8], $0x0  }
0x24: {  	s3 =	sadd.s32 $0x88, s3;
	s6 =	simm.s32 @!p1 $0x1082;
	[sflag:s4] =	ssyncset.s32 $0xFFFFF086  }
0x25: {  	[simem:s6], [sflag:s4] =	dma.local [hbm:s3], $0xF7A  }
0x26: {  	[smem:$0x3F97] =	sst s1;
	(tag) =	ssettag s2;
	_ =	strace s9  }
0x27: {  	s1 =	sld [smem:$0x3FA7]  }
0x28: {  	s2 =	sld [smem:$0x3FA8]  }
0x29: {  	s4 =	sld [smem:$0x3FAA]  }
0x2a: {  	p0 =	seq.s32 s5, $0x0;
	s5 =	sld [smem:$0x3FAB]  }
0x2b: {  	s6 =	sld [smem:$0x3FAC]  }
0x2c: {  	s7 =	sld [smem:$0x3FAD]  }
0x2d: {  	s3 =	simm.s32 $0x108;
	s8 =	sld [smem:$0x3FAE]  }
0x2e: {  	s3 =	simm.s32 @!p0 $0x1082;
	s9 =	sld [smem:$0x3FAF]  }
0x2f: {  	lr =	sadd.s32 s0, s3;
	s0 =	sld [smem:$0x3FA6]  }
0x30: {  	s3 =	sld [smem:$0x3FA9]  }
0x31: {  	[smem:$0x3FB2] =	sst s10  }
0x32: {  	s10 =	sld [smem:$0x3FB0];
	_ =	sdelay $0x3  }
0x33: {  	p0 =	seq.s32 s10, $0x1;
	s10 =	sld [smem:$0x3FB2];
	_ =	sdelay $0x3  }
0x34: {  	[smem:$0x3FB2] =	sst s10  }
0x35: {  	s10 =	sld [smem:$0x3FB1];
	_ =	sdelay $0x3  }
0x36: {  	p1 =	seq.s32 s10, $0x1;
	s10 =	sld [smem:$0x3FB2];
	_ =	sdelay $0x3  }
0x37: {  	[smem:$0x3FB2] =	sst s10  }
0x38: {  	s10 =	sld [smem:$0x3FB3]  }
0x39: {  	_ = 	snop;
	(pc) =	sbr.ind lr, $3  }
0x3a: {  	_ = 	snop  }
0x3b: {  	_ = 	snop  }
0x3c: {  	p2 =	seq.s32 s10, $0x1;
	s10 =	sld [smem:$0x3FB2]  }
0x3d: {  	_ =	shalt  }
0x3e: {  	_ =	shalt  }
0x3f: {  	_ =	shalt  }
0x40: {  	_ =	shalt  }
0x41: {  	_ =	shalt  }
0x42: {  	_ =	shalt  }
0x43: {  	_ =	shalt  }
0x44: {  	_ =	shalt  }
0x45: {  	_ =	shalt  }
0x46: {  	_ =	shalt  }
0x47: {  	_ =	shalt  }
0x48: {  	_ =	shalt  }
0x49: {  	_ =	shalt  }
0x4a: {  	_ =	shalt  }
0x4b: {  	_ =	shalt  }
0x4c: {  	_ =	shalt  }
0x4d: {  	_ =	shalt  }
0x4e: {  	_ =	shalt  }
0x4f: {  	_ =	shalt  }
0x50: {  	_ =	shalt  }
0x51: {  	_ =	shalt  }
0x52: {  	_ =	shalt  }
0x53: {  	_ =	shalt  }
0x54: {  	_ =	shalt  }
0x55: {  	_ =	shalt  }
0x56: {  	_ =	shalt  }
0x57: {  	_ =	shalt  }
0x58: {  	_ =	shalt  }
0x59: {  	_ =	shalt  }
0x5a: {  	_ =	shalt  }
0x5b: {  	_ =	shalt  }
0x5c: {  	_ =	shalt  }
0x5d: {  	_ =	shalt  }
0x5e: {  	_ =	shalt  }
0x5f: {  	_ =	shalt  }
0x60: {  	_ =	shalt  }
0x61: {  	_ =	shalt  }
0x62: {  	_ =	shalt  }
0x63: {  	_ =	shalt  }
0x64: {  	_ =	shalt  }
0x65: {  	_ =	shalt  }
0x66: {  	_ =	shalt  }
0x67: {  	_ =	shalt  }
0x68: {  	_ =	shalt  }
0x69: {  	_ =	shalt  }
0x6a: {  	_ =	shalt  }
0x6b: {  	_ =	shalt  }
0x6c: {  	_ =	shalt  }
0x6d: {  	_ =	shalt  }
0x6e: {  	_ =	shalt  }
0x6f: {  	_ =	shalt  }
0x70: {  	_ =	shalt  }
0x71: {  	_ =	shalt  }
0x72: {  	_ =	shalt  }
0x73: {  	_ =	shalt  }
0x74: {  	_ =	shalt  }
0x75: {  	_ =	shalt  }
0x76: {  	_ =	shalt  }
0x77: {  	_ =	shalt  }
0x78: {  	_ =	shalt  }
0x79: {  	_ =	shalt  }
0x7a: {  	_ =	shalt  }
0x7b: {  	_ =	shalt  }
0x7c: {  	_ =	shalt  }
0x7d: {  	_ =	shalt  }
0x7e: {  	_ =	shalt  }
0x7f: {  	_ =	shalt  }
0x80: {  	_ =	shalt  }
0x81: {  	_ =	shalt  }
0x82: {  	_ =	shalt  }
0x83: {  	_ =	shalt  }
0x84: {  	_ =	shalt  }
0x85: {  	_ =	shalt  }
0x86: {  	_ =	shalt  }
0x87: {  	_ =	shalt  }
.Lfunc_end0:
.L_simem_size_0:
called_computation.2_lowered:
.L_overlay_start_0:
0x88: {  	s2 =	sld [smem:$0x3FD9]  }
0x89: {  	s3 =	sld [smem:$0x3FFE];
	_ =	sdelay $0x1  }
0x8a: {  	s1 =	srdreg.scid  }
0x8b: {  	s0 =	sand.u32 $0x1, s1  }
0x8c: {  	s16 =	sshll.u32 s0, $0xA;
	s2 =	sadd.s32 s3, s2  }
0x8d: {  	s2 =	sadd.s32 s2, s16  }
0x8e: {  	[smem:$0x3FBE] =	sst s2  }
0x8f: {  	_ = 	snop  }
0x90: {  	(tm) =	ssettm $0x1  }
0x91: {  	s17 =	sld [smem:$0x3FFB];
	_ =	sdelay $0x3  }
0x92: {  	_ =	strace s17  }
0x93: {  	s2 =	sld [smem:$0x3FFC];
	_ =	sdelay $0x3  }
0x94: {  	_ =	strace s2  }
0x95: {  	s2 =	sld [smem:$0x3FFD];
	_ =	sdelay $0x3  }
0x96: {  	_ =	strace s2  }
0x97: {  	_ =	strace $0x8FFFFFFF  }
0x98: {  	s18 =	sld [smem:$0x3FDB];
	_ =	sdelay $0x1  }
0x99: {  	s19 =	simm.s32 $_scs_section_size  }
0x9a: {  	s4 =	simm.s32 $_size__tile_overlayer_lowered;
	s5 =	simm.s32 $_tile_overlayer_lowered  }
0x9b: {  	s22 =	simm.s32 $0x1BFF;
	s21 =	sshll.u32 s5, $0x1;
	s2 =	sadd.s32 s19, s18  }
0x9c: {  	s6 =	simm.s32 $0x0;
	s20 =	sshll.u32 s4, $0x1;
	s4 =	sadd.s32 s21, s2  }
0x9d: {  	[timem:s6], [sflag:s22] =	dma.local [hbm:s4], s20  }
0x9e: {  	_ =	swait.ge [sflag:s22], s20  }
0x9f: {  	s3 =	ssub.s32 $0x0, s20;
	[sflag:s22] =	ssyncset.done $0x0  }
0xa0: {  	[sflag:s22] =	ssyncadd.s32 s3;
	_ =	sdelay $0x1  }
0xa1: {  	s23 =	simm.s32 $0x1B8B  }
0xa2: {  	_ =	swait.ge [sflag:s23], $0x1  }
0xa3: {  	[sflag:s23] =	ssyncset.done $0x0  }
0xa4: {  	s25 =	simm.s32 $0x1B8E;
	s24 =	sld [smem:$0x3FFE];
	[sflag:s23] =	ssyncadd.s32 $0xFFFFFFFF  }
0xa5: {  	s26 =	simm.s32 $execute0_lowered;
	[smem:$0x3FD2] =	sst s25  }
0xa6: {  	s4 =	sshll.u32 s26, $0x1;
	_ =	strace $0x8000004C;
	[dreg:$0x1] =	wrdreg $0xFFFFFFFF  }
0xa7: {  	s28 =	simm.s32 $_size_execute0_lowered;
	s2 =	sadd.s32 s2, s4;
	[dreg:$0x0] =	wrdreg $0x0  }
0xa8: {  	s4 =	sshll.u32 s28, $0x1;
	[dreg:$0x2] =	wrdreg s2  }
0xa9: {  	[dreg:$0x3] =	wrdreg s4  }
0xaa: {  	[dreg:$0x4] =	wrdreg $0xC0  }
0xab: {  	_ =	task [dreg:s6], $0x5FFFF  }
0xac: {  	[dreg:$0x1] =	wrdreg $0xFFFFFFFF  }
0xad: {  	[dreg:$0x0] =	wrdreg $0x60  }
0xae: {  	[dreg:$0x2] =	wrdreg s24  }
0xaf: {  	[dreg:$0x3] =	wrdreg $0x94000  }
0xb0: {  	[dreg:$0x4] =	wrdreg $0x9  }
0xb1: {  	_ =	task.clear_ibuf [dreg:s6], $0x5FFFF;
	_ =	strace $0x9000004C  }
0xb2: {  	s29 =	simm.s32 $0x9;
	_ =	strace $0x8000004E  }
0xb3: {  	_ =	swait.ge [sflag:s29], $0x1  }
0xb4: {  	[sflag:s29] =	ssyncadd.s32 $0xFFFFFFFF  }
0xb5: {  	_ =	strace $0x9000004E  }
0xb6: {  	_ =	sfence  }
0xb7: {  	s30 =	sld [smem:$0x0];
	_ =	sdelay $0x2  }
0xb8: {  	s31 =	sshll.u32 s1, $0xD;
	s1 =	sshrl.u32 s1, $0x2  }
0xb9: {  	s3 =	sand.u32 $0x4000, s31;
	s1 =	sadd.s32 s1, s30  }
0xba: {  	s0 =	sor.u32 s3, s0;
	s1 =	sshll.u32 s1, $0x11  }
0xbb: {  	s0 =	sor.u32 s1, s0  }
0xbc: {  	s0 =	sadd.s32 $0x8F2B, s0  }
0xbd: {  	[sflag:s0] =	ssyncadd.remote.s32 $0x1  }
0xbe: {  	_ =	sfence.sel $0xFFFF  }
0xbf: {  	[dreg:$0x0] =	wrdreg $0xFFFFFFFF;
	(pc) =	sbr.abs _section_cstart, $3  }
0xc0: {  	[dreg:$0x1] =	wrdreg $0xFFFFFFFF  }
0xc1: {  	_ =	task.clear_ibuf [dreg:s6], $0x2FFFF;
	_ =	strace $0x9FFFFFFF  }
0xc2: {  	(tm) =	ssettm $0x7FFFFFFF  }
0xc3: {  	_ =	shalt  }
tec
execute0_lowered:
.L_overlay_start_1:
0x0: {  	(tag) =	ssettag $0x1  }
0x1: {  	s0 =	rddreg [dreg:$0x0]  }
0x2: {  	s1 =	rddreg [dreg:$0x1]  }
0x3: {  	s2 =	srdreg.scid;
	s3 =	simm.s32 $0x0;
	s11 =	stileid.u32  }
0x4: {  	s2 =	sand.u32 $0x1, s2;
	[smem:$0x7FF] =	sst s3;
	s5 =	smul.u32 $0x14000, s11  }
0x5: {  	s6 =	sadd.s32 $0xBC00, s0;
	s8 =	sadd.s32 $0x1E00, s0;
	s15 =	smul.u32 $0x50000, s11  }
0x6: {  	s10 =	sadd.s32 $0x3CC00, s0;
	s4 =	smul.u32 $0x140000, s2;
	_ =	strace $0x8000004D  }
0x7: {  	s7 =	sshll.u32 s2, $0x4;
	[dreg:$0xc] =	wrdreg s10;
	s2 =	ssub.s32 $0x2, s2  }
0x8: {  	s7 =	sor.u32 s11, s7;
	s13 =	sshrl.u32 s2, $0x1;
	s10 =	sshrl.u32 s15, $0x2  }
0x9: {  	s5 =	sadd.s32 s5, s4;
	s4 =	sadd.s32 $0x15A00, s0;
	s11 =	sadd.s32 s10, s1  }
0xa: {  	s9 =	smul.u32 $0x2700, s7;
	p0 =	slt.u32 s7, $0x4;
	s22 =	sadd.s32 $0x1000, s11  }
0xb: {  	s2 =	ssub.s32 s2, s13;
	s12 =	sadd.s32 $0x2000, s11;
	[dreg:$0x13] =	wrdreg s22  }
0xc: {  	s5 =	sshrl.u32 s5, $0x3;
	s30 =	sadd.s32 $0x3000, s11;
	[dreg:$0x14] =	wrdreg s12  }
0xd: {  	s13 =	sadd.s32 $0x4000, s11;
	s15 =	sadd.s32 $0x6000, s11;
	[dreg:$0x15] =	wrdreg s30  }
0xe: {  	s0 =	sadd.s32 s5, s0;
	s5 =	smul.u32 $0x2780, s7;
	[dreg:$0x16] =	wrdreg s13  }
0xf: {  	s9 =	sadd.s32 $0x200, s9;
	[dreg:$0x18] =	wrdreg s15;
	s22 =	sadd.s32 $0xA000, s11  }
0x10: {  	s30 =	sadd.s32 $0x10000, s11;
	[dreg:$0x1c] =	wrdreg s22;
	s0 =	sadd.s32 $0x3CE00, s0  }
0x11: {  	[smem:$0x7FC] =	sst s30;
	s9 =	smov.u32 @p0 s5;
	s5 =	simm.s32 $0x4F  }
0x12: {  	[dreg:$0x1e] =	wrdreg s0;
	s5 =	simm.s32 @!p0 $0x4E;
	s9 =	sshrl.u32 s9, $0x3  }
0x13: {  	[dreg:$0x3] =	wrdreg s5;
	s16 =	sadd.s32 s8, s9  }
0x14: {  	s14 =	sadd.s32 $0x10, s9;
	s17 =	sadd.s32 s6, s9;
	[dreg:$0xd] =	wrdreg s16  }
0x15: {  	[dreg:$0xe] =	wrdreg s17;
	s18 =	sadd.s32 s8, s14  }
0x16: {  	s19 =	sadd.s32 $0x20, s9;
	s5 =	sadd.s32 s6, s14;
	[dreg:$0xf] =	wrdreg s18  }
0x17: {  	s21 =	sadd.s32 $0x50, s9;
	s20 =	sadd.s32 s8, s19;
	[dreg:$0x10] =	wrdreg s5  }
0x18: {  	s23 =	sadd.s32 s21, s6;
	[dreg:$0x11] =	wrdreg s20  }
0x19: {  	s25 =	sadd.s32 $0x40, s9;
	s24 =	sadd.s32 s21, s8;
	[dreg:$0x4] =	wrdreg s23  }
0x1a: {  	s26 =	sadd.s32 s25, s6;
	[dreg:$0x5] =	wrdreg s24  }
0x1b: {  	s28 =	sadd.s32 s25, s8;
	[dreg:$0x6] =	wrdreg s26  }
0x1c: {  	s29 =	sadd.s32 $0x30, s9;
	s14 =	sadd.s32 $0x5000, s11;
	[dreg:$0x7] =	wrdreg s28  }
0x1d: {  	s31 =	sadd.s32 s29, s6;
	[dreg:$0x17] =	wrdreg s14  }
0x1e: {  	s10 =	simm.s32 $0x80;
	s16 =	sadd.s32 s29, s8;
	[dreg:$0x8] =	wrdreg s31  }
0x1f: {  	s12 =	simm.s32 $0x400;
	s17 =	sadd.s32 $0x7000, s11;
	[dreg:$0x9] =	wrdreg s16  }
0x20: {  	s13 =	simm.s32 $0x280;
	s21 =	sadd.s32 $0x9000, s11;
	[dreg:$0x19] =	wrdreg s17  }
0x21: {  	s15 =	simm.s32 $0x300;
	s25 =	sadd.s32 $0xC000, s11;
	[dreg:$0x1b] =	wrdreg s21  }
0x22: {  	s22 =	simm.s32 $0x6;
	s29 =	sadd.s32 $0xF000, s11;
	[smem:$0x7F8] =	sst s25  }
0x23: {  	s9 =	sadd.s32 $0x60, s9;
	s5 =	sadd.s32 s6, s19;
	[smem:$0x7FB] =	sst s29  }
0x24: {  	p0 =	sgt.u32 s7, $0x3;
	s18 =	sadd.s32 s9, s6;
	[dreg:$0x12] =	wrdreg s5  }
0x25: {  	s7 =	simm.s32 $0x8400;
	s19 =	sadd.s32 $0x8000, s11;
	[dreg:$0xa] =	wrdreg s18  }
0x26: {  	s20 =	sadd.s32 s9, s8;
	s23 =	sadd.s32 $0xB000, s11;
	[dreg:$0x1a] =	wrdreg s19  }
0x27: {  	s24 =	smax.u32 s2, $0x1;
	s26 =	sadd.s32 $0xD000, s11;
	[dreg:$0xb] =	wrdreg s20  }
0x28: {  	s28 =	sadd.s32 $0xE000, s11;
	s31 =	sadd.s32 $0x11000, s11;
	[dreg:$0x1d] =	wrdreg s23  }
0x29: {  	s2 =	sadd.s32 $0x12000, s11;
	s6 =	simm.s32 $0x200;
	[dreg:$0x1f] =	wrdreg s24  }
0x2a: {  	s8 =	simm.s32 $0x7;
	s9 =	simm.s32 $0x1;
	[smem:$0x7F9] =	sst s26  }
0x2b: {  	s14 =	simm.s32 $0x100;
	s16 =	simm.s32 $0x2;
	[smem:$0x7FA] =	sst s28  }
0x2c: {  	s17 =	simm.s32 $0x4400;
	s21 =	simm.s32 $0x3;
	[smem:$0x7FD] =	sst s31  }
0x2d: {  	s5 =	sadd.s32 $0x13000, s11;
	s18 =	simm.s32 $0x180;
	s19 =	simm.s32 $0x380  }
0x2e: {  	s20 =	simm.s32 $0x5;
	s23 =	simm.s32 $0x4;
	s24 =	simm.s32 $0x0  }
.LBB2_1:
0x2f: {  	s0 =	rddreg [dreg:$0xd]  }
0x30: {  	[tilespmem:s3], [sflag:$0x1] =	stream.linear.gather [hbm4b:s0+s3], $0x80, $0x38;
	[tilespmem:$0x1D400] =	vst v63  }
0x31: {  	s31 =	rddreg [dreg:$0xe]  }
0x32: {  	[tilespmem:s6], [sflag:$0x1] =	stream.linear.gather [hbm4b:s31+s3], $0x80, $0x38;
	[tilespmem:$0x1D400] =	vst v63  }
0x33: {  	s25 =	rddreg [dreg:$0xc]  }
0x34: {  	[tilespmem:s7], [sflag:$0x7] =	stream.linear.gather [hbm4b:s25+s3], $0x1000, $0x38;
	[tilespmem:$0x1D400] =	vst v63  }
0x35: {  	_ =	swait.ge [sflag:s8], $0x1000  }
0x36: {  	[sflag:s8] =	ssyncset.done $0x0  }
0x37: {  	[sflag:s8] =	ssyncadd.s32 $0xFFFFF000  }
0x38: {  	_ =	swait.ge [sflag:s9], $0x80  }
0x39: {  	[sflag:s9] =	ssyncset.done $0x0  }
0x3a: {  	[sflag:s9] =	ssyncadd.s32 $0xFFFFFF80  }
0x3b: {  	_ =	swait.ge [sflag:s9], $0x80  }
0x3c: {  	[sflag:s9] =	ssyncset.done $0x0  }
0x3d: {  	[sflag:s9] =	ssyncadd.s32 $0xFFFFFF80  }
0x3e: {  	[tilespmem:s12], [sflag:$0x5] =	stream.indirect.gather [hbm4b:s4+s10], $0x80, s3, s10, $0xb8;
	[tilespmem:$0x1D400] =	vst v63  }
0x3f: {  	s26 =	rddreg [dreg:$0xf]  }
0x40: {  	[tilespmem:s10], [sflag:$0x2] =	stream.linear.gather [hbm4b:s26+s3], $0x80, $0x38;
	[tilespmem:$0x1D400] =	vst v63  }
0x41: {  	s28 =	rddreg [dreg:$0x10]  }
0x42: {  	[tilespmem:s13], [sflag:$0x2] =	stream.linear.gather [hbm4b:s28+s3], $0x80, $0x38;
	[tilespmem:$0x1D400] =	vst v63  }
0x43: {  	s29 =	rddreg [dreg:$0x11]  }
0x44: {  	[tilespmem:s14], [sflag:$0x3] =	stream.linear.gather [hbm4b:s29+s3], $0x80, $0x38;
	[tilespmem:$0x1D400] =	vst v63  }
0x45: {  	s30 =	rddreg [dreg:$0x12]  }
0x46: {  	[tilespmem:s15], [sflag:$0x3] =	stream.linear.gather [hbm4b:s30+s3], $0x80, $0x38;
	[tilespmem:$0x1D400] =	vst v63  }
0x47: {  	_ = 	snop  }
0x48: {  	[spmem:s11] =	stream.linear.scatter [tilespmem:s7], [sflag:$0x7], $0x1000, $0x38;
	[tilespmem:$0x1D400] =	vst v63  }
0x49: {  	_ =	swait.ge [sflag:s8], $0x1000  }
0x4a: {  	[sflag:s8] =	ssyncset.done $0x0  }
0x4b: {  	s31 =	rddreg [dreg:$0x13];
	[sflag:s8] =	ssyncadd.s32 $0xFFFFF000  }
0x4c: {  	[spmem:s31] =	stream.linear.scatter [tilespmem:s7], [sflag:$0x7], $0x1000, $0x38;
	[tilespmem:$0x1D400] =	vst v63  }
0x4d: {  	_ =	swait.ge [sflag:s8], $0x1000  }
0x4e: {  	[sflag:s8] =	ssyncset.done $0x0  }
0x4f: {  	s25 =	rddreg [dreg:$0x14];
	[sflag:s8] =	ssyncadd.s32 $0xFFFFF000  }
0x50: {  	[spmem:s25] =	stream.linear.scatter [tilespmem:s7], [sflag:$0x7], $0x1000, $0x38;
	[tilespmem:$0x1D400] =	vst v63  }
0x51: {  	_ =	swait.ge [sflag:s8], $0x1000  }
0x52: {  	[sflag:s8] =	ssyncset.done $0x0  }
0x53: {  	s26 =	rddreg [dreg:$0x15];
	[sflag:s8] =	ssyncadd.s32 $0xFFFFF000  }
0x54: {  	[spmem:s26] =	stream.linear.scatter [tilespmem:s7], [sflag:$0x7], $0x1000, $0x38;
	[tilespmem:$0x1D400] =	vst v63  }
0x55: {  	_ =	swait.ge [sflag:s8], $0x1000  }
0x56: {  	[sflag:s8] =	ssyncset.done $0x0  }
0x57: {  	s28 =	rddreg [dreg:$0x16];
	[sflag:s8] =	ssyncadd.s32 $0xFFFFF000  }
0x58: {  	[spmem:s28] =	stream.linear.scatter [tilespmem:s7], [sflag:$0x7], $0x1000, $0x38;
	[tilespmem:$0x1D400] =	vst v63  }
0x59: {  	_ =	swait.ge [sflag:s8], $0x1000  }
0x5a: {  	[sflag:s8] =	ssyncset.done $0x0  }
0x5b: {  	s29 =	rddreg [dreg:$0x17];
	[sflag:s8] =	ssyncadd.s32 $0xFFFFF000  }
0x5c: {  	[spmem:s29] =	stream.linear.scatter [tilespmem:s7], [sflag:$0x7], $0x1000, $0x38;
	[tilespmem:$0x1D400] =	vst v63  }
0x5d: {  	_ =	swait.ge [sflag:s8], $0x1000  }
0x5e: {  	[sflag:s8] =	ssyncset.done $0x0  }
0x5f: {  	s30 =	rddreg [dreg:$0x18];
	[sflag:s8] =	ssyncadd.s32 $0xFFFFF000  }
0x60: {  	[spmem:s30] =	stream.linear.scatter [tilespmem:s7], [sflag:$0x7], $0x1000, $0x38;
	[tilespmem:$0x1D400] =	vst v63  }
0x61: {  	_ =	swait.ge [sflag:s8], $0x1000  }
0x62: {  	[sflag:s8] =	ssyncset.done $0x0  }
0x63: {  	s31 =	rddreg [dreg:$0x19];
	[sflag:s8] =	ssyncadd.s32 $0xFFFFF000  }
0x64: {  	[spmem:s31] =	stream.linear.scatter [tilespmem:s7], [sflag:$0x7], $0x1000, $0x38;
	[tilespmem:$0x1D400] =	vst v63  }
0x65: {  	_ =	swait.ge [sflag:s8], $0x1000  }
0x66: {  	[sflag:s8] =	ssyncset.done $0x0  }
0x67: {  	s25 =	rddreg [dreg:$0x1a];
	[sflag:s8] =	ssyncadd.s32 $0xFFFFF000  }
0x68: {  	[spmem:s25] =	stream.linear.scatter [tilespmem:s7], [sflag:$0x7], $0x1000, $0x38;
	[tilespmem:$0x1D400] =	vst v63  }
0x69: {  	_ =	swait.ge [sflag:s8], $0x1000  }
0x6a: {  	[sflag:s8] =	ssyncset.done $0x0  }
0x6b: {  	s26 =	rddreg [dreg:$0x1b];
	[sflag:s8] =	ssyncadd.s32 $0xFFFFF000  }
0x6c: {  	[spmem:s26] =	stream.linear.scatter [tilespmem:s7], [sflag:$0x7], $0x1000, $0x38;
	[tilespmem:$0x1D400] =	vst v63  }
0x6d: {  	_ =	swait.ge [sflag:s8], $0x1000  }
0x6e: {  	[sflag:s8] =	ssyncset.done $0x0  }
0x6f: {  	s28 =	rddreg [dreg:$0x1c];
	[sflag:s8] =	ssyncadd.s32 $0xFFFFF000  }
0x70: {  	[spmem:s28] =	stream.linear.scatter [tilespmem:s7], [sflag:$0x7], $0x1000, $0x38;
	[tilespmem:$0x1D400] =	vst v63  }
0x71: {  	_ =	swait.ge [sflag:s8], $0x1000  }
0x72: {  	[sflag:s8] =	ssyncset.done $0x0  }
0x73: {  	s29 =	rddreg [dreg:$0x1d];
	[sflag:s8] =	ssyncadd.s32 $0xFFFFF000  }
0x74: {  	[spmem:s29] =	stream.linear.scatter [tilespmem:s7], [sflag:$0x7], $0x1000, $0x38;
	[tilespmem:$0x1D400] =	vst v63  }
0x75: {  	_ =	swait.ge [sflag:s8], $0x1000  }
0x76: {  	s30 =	sld [smem:$0x7F8]  }
0x77: {  	[sflag:s8] =	ssyncset.done $0x0  }
0x78: {  	[sflag:s8] =	ssyncadd.s32 $0xFFFFF000  }
0x79: {  	[spmem:s30] =	stream.linear.scatter [tilespmem:s7], [sflag:$0x7], $0x1000, $0x38;
	[tilespmem:$0x1D400] =	vst v63  }
0x7a: {  	_ =	swait.ge [sflag:s8], $0x1000  }
0x7b: {  	s31 =	sld [smem:$0x7F9]  }
0x7c: {  	[sflag:s8] =	ssyncset.done $0x0  }
0x7d: {  	[sflag:s8] =	ssyncadd.s32 $0xFFFFF000  }
0x7e: {  	[spmem:s31] =	stream.linear.scatter [tilespmem:s7], [sflag:$0x7], $0x1000, $0x38;
	[tilespmem:$0x1D400] =	vst v63  }
0x7f: {  	_ =	swait.ge [sflag:s8], $0x1000  }
0x80: {  	s25 =	sld [smem:$0x7FA]  }
0x81: {  	[sflag:s8] =	ssyncset.done $0x0  }
0x82: {  	[sflag:s8] =	ssyncadd.s32 $0xFFFFF000  }
0x83: {  	[spmem:s25] =	stream.linear.scatter [tilespmem:s7], [sflag:$0x7], $0x1000, $0x38;
	[tilespmem:$0x1D400] =	vst v63  }
0x84: {  	_ =	swait.ge [sflag:s8], $0x1000  }
0x85: {  	s26 =	sld [smem:$0x7FB]  }
0x86: {  	[sflag:s8] =	ssyncset.done $0x0  }
0x87: {  	[sflag:s8] =	ssyncadd.s32 $0xFFFFF000  }
0x88: {  	[spmem:s26] =	stream.linear.scatter [tilespmem:s7], [sflag:$0x7], $0x1000, $0x38;
	[tilespmem:$0x1D400] =	vst v63  }
0x89: {  	_ =	swait.ge [sflag:s8], $0x1000  }
0x8a: {  	s28 =	sld [smem:$0x7FC]  }
0x8b: {  	[sflag:s8] =	ssyncset.done $0x0  }
0x8c: {  	[sflag:s8] =	ssyncadd.s32 $0xFFFFF000  }
0x8d: {  	[spmem:s28] =	stream.linear.scatter [tilespmem:s7], [sflag:$0x7], $0x1000, $0x38;
	[tilespmem:$0x1D400] =	vst v63  }
0x8e: {  	_ =	swait.ge [sflag:s8], $0x1000  }
0x8f: {  	s29 =	sld [smem:$0x7FD]  }
0x90: {  	[sflag:s8] =	ssyncset.done $0x0  }
0x91: {  	[sflag:s8] =	ssyncadd.s32 $0xFFFFF000  }
0x92: {  	[spmem:s29] =	stream.linear.scatter [tilespmem:s7], [sflag:$0x7], $0x1000, $0x38;
	[tilespmem:$0x1D400] =	vst v63  }
0x93: {  	_ =	swait.ge [sflag:s8], $0x1000  }
0x94: {  	[sflag:s8] =	ssyncset.done $0x0  }
0x95: {  	[sflag:s8] =	ssyncadd.s32 $0xFFFFF000  }
0x96: {  	[spmem:s2] =	stream.linear.scatter [tilespmem:s7], [sflag:$0x7], $0x1000, $0x38;
	[tilespmem:$0x1D400] =	vst v63  }
0x97: {  	_ =	swait.ge [sflag:s8], $0x1000  }
0x98: {  	[sflag:s8] =	ssyncset.done $0x0  }
0x99: {  	[sflag:s8] =	ssyncadd.s32 $0xFFFFF000  }
0x9a: {  	[spmem:s5] =	stream.linear.scatter [tilespmem:s7], [sflag:$0x7], $0x1000, $0x38;
	[tilespmem:$0x1D400] =	vst v63  }
0x9b: {  	_ =	swait.ge [sflag:s8], $0x1000  }
0x9c: {  	[sflag:s8] =	ssyncset.done $0x0  }
0x9d: {  	[sflag:s8] =	ssyncadd.s32 $0xFFFFF000  }
0x9e: {  	[bflag:$0x0] =	sbarrier.arrive $0xFFFF  }
0x9f: {  	_ =	swait.ge [sflag:s16], $0x80  }
0xa0: {  	[sflag:s16] =	ssyncset.done $0x0  }
0xa1: {  	[sflag:s16] =	ssyncadd.s32 $0xFFFFFF80  }
0xa2: {  	_ =	swait.ge [sflag:s16], $0x80  }
0xa3: {  	[sflag:s16] =	ssyncset.done $0x0  }
0xa4: {  	s25 =	rddreg [dreg:$0x9];
	[sflag:s16] =	ssyncadd.s32 $0xFFFFFF80  }
0xa5: {  	[tilespmem:s17], [sflag:$0x6] =	stream.indirect.gather [hbm4b:s4+s10], $0x80, s10, s10, $0xb8;
	[tilespmem:$0x1D400] =	vst v63  }
0xa6: {  	s26 =	rddreg [dreg:$0x8];
	s25 =	sadd.s32 $0x0, s25  }
0xa7: {  	[tilespmem:s18], [sflag:$0x4] =	stream.linear.gather [hbm4b:s25+s3], $0x80, $0x38;
	[tilespmem:$0x1D400] =	vst v63  }
0xa8: {  	s30 =	sadd.s32 $0x0, s26  }
0xa9: {  	[tilespmem:s19], [sflag:$0x4] =	stream.linear.gather [hbm4b:s30+s3], $0x80, $0x38;
	[tilespmem:$0x1D400] =	vst v63  }
0xaa: {  	_ =	swait.ge [sflag:s20], $0x4000  }
0xab: {  	[sflag:s20] =	ssyncset.done $0x0  }
0xac: {  	[sflag:s20] =	ssyncadd.s32 $0xFFFFC000  }
0xad: {  	[spmem:s1] =	stream.indirect.scatter.add.f32 [tilespmem:s12], [sflag:$0x7], $0x80, s6, s10, $0xb8;
	[tilespmem:$0x1D400] =	vst v63  }
0xae: {  	_ =	swait.ge [sflag:s8], $0x4000  }
0xaf: {  	[sflag:s8] =	ssyncset.done $0x0  }
0xb0: {  	[sflag:s8] =	ssyncadd.s32 $0xFFFFC000  }
0xb1: {  	_ =	swait.ge [sflag:s21], $0x80  }
0xb2: {  	[sflag:s21] =	ssyncset.done $0x0  }
0xb3: {  	[sflag:s21] =	ssyncadd.s32 $0xFFFFFF80  }
0xb4: {  	_ =	swait.ge [sflag:s21], $0x80  }
0xb5: {  	[sflag:s21] =	ssyncset.done $0x0  }
0xb6: {  	s31 =	rddreg [dreg:$0x7];
	[sflag:s21] =	ssyncadd.s32 $0xFFFFFF80  }
0xb7: {  	[tilespmem:s12], [sflag:$0x5] =	stream.indirect.gather [hbm4b:s4+s10], $0x80, s14, s10, $0xb8;
	[tilespmem:$0x1D400] =	vst v63  }
0xb8: {  	s0 =	rddreg [dreg:$0x6];
	s25 =	sadd.s32 $0x0, s31  }
0xb9: {  	[tilespmem:s3], [sflag:$0x1] =	stream.linear.gather [hbm4b:s25+s3], $0x80, $0x38;
	[tilespmem:$0x1D400] =	vst v63  }
0xba: {  	s26 =	sadd.s32 $0x0, s0  }
0xbb: {  	[tilespmem:s6], [sflag:$0x1] =	stream.linear.gather [hbm4b:s26+s3], $0x80, $0x38;
	[tilespmem:$0x1D400] =	vst v63  }
0xbc: {  	_ =	swait.ge [sflag:s22], $0x4000  }
0xbd: {  	[sflag:s22] =	ssyncset.done $0x0  }
0xbe: {  	[sflag:s22] =	ssyncadd.s32 $0xFFFFC000  }
0xbf: {  	[spmem:s1] =	stream.indirect.scatter.add.f32 [tilespmem:s17], [sflag:$0x7], $0x80, s13, s10, $0xb8;
	[tilespmem:$0x1D400] =	vst v63  }
0xc0: {  	_ =	swait.ge [sflag:s8], $0x4000  }
0xc1: {  	[sflag:s8] =	ssyncset.done $0x0  }
0xc2: {  	[sflag:s8] =	ssyncadd.s32 $0xFFFFC000  }
0xc3: {  	_ =	swait.ge [sflag:s23], $0x80  }
0xc4: {  	[sflag:s23] =	ssyncset.done $0x0  }
0xc5: {  	[sflag:s23] =	ssyncadd.s32 $0xFFFFFF80  }
0xc6: {  	_ =	swait.ge [sflag:s23], $0x80  }
0xc7: {  	[sflag:s23] =	ssyncset.done $0x0  }
0xc8: {  	s28 =	rddreg [dreg:$0x5];
	[sflag:s23] =	ssyncadd.s32 $0xFFFFFF80  }
0xc9: {  	[tilespmem:s17], [sflag:$0x6] =	stream.indirect.gather [hbm4b:s4+s10], $0x80, s18, s10, $0xb8;
	[tilespmem:$0x1D400] =	vst v63  }
0xca: {  	s29 =	rddreg [dreg:$0x4];
	s25 =	sadd.s32 $0x0, s28  }
0xcb: {  	[tilespmem:s10], [sflag:$0x2] =	stream.linear.gather [hbm4b:s25+s3], $0x80, $0x38;
	[tilespmem:$0x1D400] =	vst v63  }
0xcc: {  	s30 =	sadd.s32 $0x0, s29  }
0xcd: {  	[tilespmem:s13], [sflag:$0x2] =	stream.linear.gather [hbm4b:s30+s3], $0x80, $0x38;
	[tilespmem:$0x1D400] =	vst v63  }
0xce: {  	_ =	swait.ge [sflag:s20], $0x4000  }
0xcf: {  	[sflag:s20] =	ssyncset.done $0x0  }
0xd0: {  	[sflag:s20] =	ssyncadd.s32 $0xFFFFC000  }
0xd1: {  	[spmem:s1] =	stream.indirect.scatter.add.f32 [tilespmem:s12], [sflag:$0x7], $0x80, s15, s10, $0xb8;
	[tilespmem:$0x1D400] =	vst v63  }
0xd2: {  	_ =	swait.ge [sflag:s8], $0x4000  }
0xd3: {  	[sflag:s8] =	ssyncset.done $0x0  }
0xd4: {  	[sflag:s8] =	ssyncadd.s32 $0xFFFFC000  }
0xd5: {  	_ =	swait.ge [sflag:s9], $0x80  }
0xd6: {  	[sflag:s9] =	ssyncset.done $0x0  }
0xd7: {  	[sflag:s9] =	ssyncadd.s32 $0xFFFFFF80  }
0xd8: {  	_ =	swait.ge [sflag:s9], $0x80  }
0xd9: {  	s31 =	rddreg [dreg:$0x3]  }
0xda: {  	[sflag:s9] =	ssyncset.done $0x0;
	s26 =	rddreg [dreg:$0xb]  }
0xdb: {  	s25 =	rddreg [dreg:$0xa];
	[sflag:s9] =	ssyncadd.s32 $0xFFFFFF80;
	p1 =	sle.u32 s31, $0x6  }
0xdc: {  	[tilespmem:s12], [sflag:$0x5] =	stream.indirect.gather [hbm4b:s4+s10], $0x80, s3, s10, $0xb8;
	[tilespmem:$0x1D400] =	vst v63  }
0xdd: {  	s26 =	sadd.s32 @!p1 $0x0, s26;
	s28 =	simm.s32 @!p1 $0x0;
	s29 =	simm.s32 @!p1 $0x100  }
0xde: {  	[tilespmem:s29], [sflag:$0x3] =	stream.linear.gather @!p1 [hbm4b:s26+s28], $0x80, $0x38;
	[tilespmem:$0x1D400] =	vst v63  }
0xdf: {  	s25 =	sadd.s32 @!p1 $0x0, s25;
	s26 =	simm.s32 @!p1 $0x300  }
0xe0: {  	[tilespmem:s26], [sflag:$0x3] =	stream.linear.gather @!p1 [hbm4b:s25+s28], $0x80, $0x38;
	[tilespmem:$0x1D400] =	vst v63  }
0xe1: {  	_ =	swait.ge [sflag:s22], $0x4000  }
0xe2: {  	s25 =	simm.s32 $0x40;
	s26 =	simm.s32 $0x6;
	[sflag:s22] =	ssyncset.done $0x0  }
.LBB2_2:
0xe3: {  	[sflag:s22] =	ssyncadd.s32 $0xFFFFC000  }
0xe4: {  	[spmem:s1] =	stream.indirect.scatter.add.f32 [tilespmem:s17], [sflag:$0x7], $0x80, s19, s10, $0xb8;
	[tilespmem:$0x1D400] =	vst v63  }
0xe5: {  	_ =	swait.ge [sflag:s8], $0x4000  }
0xe6: {  	[sflag:s8] =	ssyncset.done $0x0  }
0xe7: {  	[sflag:s8] =	ssyncadd.s32 $0xFFFFC000  }
0xe8: {  	_ =	swait.ge [sflag:s16], $0x80  }
0xe9: {  	[sflag:s16] =	ssyncset.done $0x0  }
0xea: {  	[sflag:s16] =	ssyncadd.s32 $0xFFFFFF80  }
0xeb: {  	_ =	swait.ge [sflag:s16], $0x80  }
0xec: {  	[sflag:s16] =	ssyncset.done $0x0  }
0xed: {  	s28 =	smov.u32 s25;
	s29 =	rddreg [dreg:$0x9];
	[sflag:s16] =	ssyncadd.s32 $0xFFFFFF80  }
0xee: {  	[tilespmem:s17], [sflag:$0x6] =	stream.indirect.gather [hbm4b:s4+s10], $0x80, s10, s10, $0xb8;
	[tilespmem:$0x1D400] =	vst v63  }
0xef: {  	s30 =	rddreg [dreg:$0x8];
	s29 =	sadd.s32 s28, s29  }
0xf0: {  	[tilespmem:s18], [sflag:$0x4] =	stream.linear.gather [hbm4b:s29+s3], $0x80, $0x38;
	[tilespmem:$0x1D400] =	vst v63  }
0xf1: {  	s30 =	sadd.s32 s28, s30  }
0xf2: {  	[tilespmem:s19], [sflag:$0x4] =	stream.linear.gather [hbm4b:s30+s3], $0x80, $0x38;
	[tilespmem:$0x1D400] =	vst v63  }
0xf3: {  	_ =	swait.ge [sflag:s20], $0x4000  }
0xf4: {  	[sflag:s20] =	ssyncset.done $0x0  }
0xf5: {  	[sflag:s20] =	ssyncadd.s32 $0xFFFFC000  }
0xf6: {  	[spmem:s1] =	stream.indirect.scatter.add.f32 [tilespmem:s12], [sflag:$0x7], $0x80, s6, s10, $0xb8;
	[tilespmem:$0x1D400] =	vst v63  }
0xf7: {  	_ =	swait.ge [sflag:s8], $0x4000  }
0xf8: {  	[sflag:s8] =	ssyncset.done $0x0  }
0xf9: {  	[sflag:s8] =	ssyncadd.s32 $0xFFFFC000  }
0xfa: {  	_ =	swait.ge [sflag:s21], $0x80  }
0xfb: {  	[sflag:s21] =	ssyncset.done $0x0  }
0xfc: {  	[sflag:s21] =	ssyncadd.s32 $0xFFFFFF80  }
0xfd: {  	_ =	swait.ge [sflag:s21], $0x80  }
0xfe: {  	[sflag:s21] =	ssyncset.done $0x0  }
0xff: {  	s31 =	rddreg [dreg:$0x7];
	[sflag:s21] =	ssyncadd.s32 $0xFFFFFF80  }
0x100: {  	[tilespmem:s12], [sflag:$0x5] =	stream.indirect.gather [hbm4b:s4+s10], $0x80, s14, s10, $0xb8;
	[tilespmem:$0x1D400] =	vst v63  }
0x101: {  	s0 =	rddreg [dreg:$0x6];
	s29 =	sadd.s32 s28, s31  }
0x102: {  	[tilespmem:s3], [sflag:$0x1] =	stream.linear.gather [hbm4b:s29+s3], $0x80, $0x38;
	[tilespmem:$0x1D400] =	vst v63  }
0x103: {  	s30 =	sadd.s32 s28, s0  }
0x104: {  	[tilespmem:s6], [sflag:$0x1] =	stream.linear.gather [hbm4b:s30+s3], $0x80, $0x38;
	[tilespmem:$0x1D400] =	vst v63  }
0x105: {  	_ =	swait.ge [sflag:s22], $0x4000  }
0x106: {  	[sflag:s22] =	ssyncset.done $0x0  }
0x107: {  	[sflag:s22] =	ssyncadd.s32 $0xFFFFC000  }
0x108: {  	[spmem:s1] =	stream.indirect.scatter.add.f32 [tilespmem:s17], [sflag:$0x7], $0x80, s13, s10, $0xb8;
	[tilespmem:$0x1D400] =	vst v63  }
0x109: {  	_ =	swait.ge [sflag:s8], $0x4000  }
0x10a: {  	[sflag:s8] =	ssyncset.done $0x0  }
0x10b: {  	[sflag:s8] =	ssyncadd.s32 $0xFFFFC000  }
0x10c: {  	_ =	swait.ge [sflag:s23], $0x80  }
0x10d: {  	[sflag:s23] =	ssyncset.done $0x0  }
0x10e: {  	[sflag:s23] =	ssyncadd.s32 $0xFFFFFF80  }
0x10f: {  	_ =	swait.ge [sflag:s23], $0x80  }
0x110: {  	[sflag:s23] =	ssyncset.done $0x0  }
0x111: {  	s31 =	rddreg [dreg:$0x5];
	[sflag:s23] =	ssyncadd.s32 $0xFFFFFF80  }
0x112: {  	[tilespmem:s17], [sflag:$0x6] =	stream.indirect.gather [hbm4b:s4+s10], $0x80, s18, s10, $0xb8;
	[tilespmem:$0x1D400] =	vst v63  }
0x113: {  	s0 =	rddreg [dreg:$0x4];
	s29 =	sadd.s32 s28, s31  }
0x114: {  	[tilespmem:s10], [sflag:$0x2] =	stream.linear.gather [hbm4b:s29+s3], $0x80, $0x38;
	[tilespmem:$0x1D400] =	vst v63  }
0x115: {  	s30 =	sadd.s32 s28, s0  }
0x116: {  	[tilespmem:s13], [sflag:$0x2] =	stream.linear.gather [hbm4b:s30+s3], $0x80, $0x38;
	[tilespmem:$0x1D400] =	vst v63  }
0x117: {  	_ =	swait.ge [sflag:s20], $0x4000  }
0x118: {  	[sflag:s20] =	ssyncset.done $0x0  }
0x119: {  	[sflag:s20] =	ssyncadd.s32 $0xFFFFC000  }
0x11a: {  	[spmem:s1] =	stream.indirect.scatter.add.f32 [tilespmem:s12], [sflag:$0x7], $0x80, s15, s10, $0xb8;
	[tilespmem:$0x1D400] =	vst v63  }
0x11b: {  	_ =	swait.ge [sflag:s8], $0x4000  }
0x11c: {  	[sflag:s8] =	ssyncset.done $0x0  }
0x11d: {  	[sflag:s8] =	ssyncadd.s32 $0xFFFFC000  }
0x11e: {  	_ =	swait.ge [sflag:s9], $0x80  }
0x11f: {  	[sflag:s9] =	ssyncset.done $0x0  }
0x120: {  	[sflag:s9] =	ssyncadd.s32 $0xFFFFFF80  }
0x121: {  	s26 =	sadd.s32 $0x4, s26;
	s25 =	sadd.s32 $0x40, s25;
	_ =	swait.ge [sflag:s9], $0x80  }
0x122: {  	p1 =	sne.s32 s25, $0x4C0;
	s31 =	rddreg [dreg:$0x3];
	[sflag:s9] =	ssyncset.done $0x0  }
0x123: {  	s30 =	rddreg [dreg:$0xb];
	[sflag:s9] =	ssyncadd.s32 $0xFFFFFF80;
	p2 =	sge.u32 s26, s31  }
0x124: {  	[tilespmem:s12], [sflag:$0x5] =	stream.indirect.gather [hbm4b:s4+s10], $0x80, s3, s10, $0xb8;
	[tilespmem:$0x1D400] =	vst v63  }
0x125: {  	s30 =	sadd.s32 @!p2 s28, s30;
	s31 =	simm.s32 @!p2 $0x0;
	s0 =	simm.s32 @!p2 $0x100  }
0x126: {  	[tilespmem:s0], [sflag:$0x3] =	stream.linear.gather @!p2 [hbm4b:s30+s31], $0x80, $0x38;
	[tilespmem:$0x1D400] =	vst v63  }
.Ltmp0:
0x127: {  	s29 =	rddreg [dreg:$0xa];
	(pc) =	sbr.rel @p1 .LBB2_2-.Ltmp0, $4  }
0x128: {  	s0 =	sadd.s32 @!p2 s28, s29;
	s28 =	simm.s32 @!p2 $0x300  }
0x129: {  	[tilespmem:s28], [sflag:$0x3] =	stream.linear.gather @!p2 [hbm4b:s0+s31], $0x80, $0x38;
	[tilespmem:$0x1D400] =	vst v63  }
0x12a: {  	_ =	swait.ge [sflag:s22], $0x4000  }
0x12b: {  	[sflag:s22] =	ssyncset.done $0x0  }
0x12c: {  	[sflag:s22] =	ssyncadd.s32 $0xFFFFC000  }
0x12d: {  	[spmem:s1] =	stream.indirect.scatter.add.f32 [tilespmem:s17], [sflag:$0x7], $0x80, s19, s10, $0xb8;
	[tilespmem:$0x1D400] =	vst v63  }
0x12e: {  	_ =	swait.ge [sflag:s8], $0x4000  }
0x12f: {  	[sflag:s8] =	ssyncset.done $0x0  }
0x130: {  	[sflag:s8] =	ssyncadd.s32 $0xFFFFC000  }
0x131: {  	_ =	swait.ge [sflag:s16], $0x80  }
0x132: {  	[sflag:s16] =	ssyncset.done $0x0  }
0x133: {  	[sflag:s16] =	ssyncadd.s32 $0xFFFFFF80  }
0x134: {  	_ =	swait.ge [sflag:s16], $0x80  }
0x135: {  	[sflag:s16] =	ssyncset.done $0x0  }
0x136: {  	[sflag:s16] =	ssyncadd.s32 $0xFFFFFF80  }
0x137: {  	[tilespmem:s17], [sflag:$0x6] =	stream.indirect.gather [hbm4b:s4+s10], $0x80, s10, s10, $0xb8;
	[tilespmem:$0x1D400] =	vst v63  }
0x138: {  	_ =	swait.ge [sflag:s20], $0x4000  }
0x139: {  	[sflag:s20] =	ssyncset.done $0x0  }
0x13a: {  	[sflag:s20] =	ssyncadd.s32 $0xFFFFC000  }
0x13b: {  	[spmem:s1] =	stream.indirect.scatter.add.f32 [tilespmem:s12], [sflag:$0x7], $0x80, s6, s10, $0xb8;
	[tilespmem:$0x1D400] =	vst v63  }
0x13c: {  	_ =	swait.ge [sflag:s8], $0x4000  }
0x13d: {  	[sflag:s8] =	ssyncset.done $0x0  }
0x13e: {  	s0 =	simm.s32 @p0 $0x6;
	[sflag:s8] =	ssyncadd.s32 $0xFFFFC000  }
0x13f: {  	_ =	swait.ge @p0 [sflag:s0], $0x4000  }
0x140: {  	s25 =	simm.s32 @p0 $0x280;
	[sflag:s0] =	ssyncset.done @p0 $0x0  }
0x141: {  	s26 =	simm.s32 @p0 $0x4400;
	[sflag:s0] =	ssyncadd.s32 @p0 $0xFFFFC000;
	s0 =	simm.s32 @p0 $0x80  }
0x142: {  	[spmem:s1] =	stream.indirect.scatter.add.f32 @p0 [tilespmem:s26], [sflag:$0x7], $0x80, s25, s0, $0xb8;
	[tilespmem:$0x1D400] =	vst v63  }
0x143: {  	s0 =	simm.s32 @!p0 $0x3  }
0x144: {  	_ =	swait.ge @!p0 [sflag:s0], $0x80  }
0x145: {  	[sflag:s0] =	ssyncset.done @!p0 $0x0  }
0x146: {  	[sflag:s0] =	ssyncadd.s32 @!p0 $0xFFFFFF80  }
0x147: {  	_ =	swait.ge @!p0 [sflag:s0], $0x80  }
0x148: {  	s25 =	simm.s32 @!p0 $0x100;
	[sflag:s0] =	ssyncset.done @!p0 $0x0  }
0x149: {  	s26 =	simm.s32 @!p0 $0x400;
	[sflag:s0] =	ssyncadd.s32 @!p0 $0xFFFFFF80;
	s0 =	simm.s32 @!p0 $0x80  }
0x14a: {  	[tilespmem:s26], [sflag:$0x5] =	stream.indirect.gather @!p0 [hbm4b:s4+s0], $0x80, s25, s0, $0xb8;
	[tilespmem:$0x1D400] =	vst v63  }
0x14b: {  	s25 =	simm.s32 @!p0 $0x6  }
0x14c: {  	_ =	swait.ge @!p0 [sflag:s25], $0x4000  }
0x14d: {  	[sflag:s25] =	ssyncset.done @!p0 $0x0  }
0x14e: {  	s28 =	simm.s32 @!p0 $0x4400;
	[sflag:s25] =	ssyncadd.s32 @!p0 $0xFFFFC000;
	s25 =	simm.s32 @!p0 $0x280  }
0x14f: {  	[spmem:s1] =	stream.indirect.scatter.add.f32 @!p0 [tilespmem:s28], [sflag:$0x7], $0x80, s25, s0, $0xb8;
	[tilespmem:$0x1D400] =	vst v63  }
0x150: {  	s25 =	simm.s32 @!p0 $0x7  }
0x151: {  	_ =	swait.ge @!p0 [sflag:s25], $0x4000  }
0x152: {  	[sflag:s25] =	ssyncset.done @!p0 $0x0  }
0x153: {  	[sflag:s25] =	ssyncadd.s32 @!p0 $0xFFFFC000;
	s25 =	simm.s32 @!p0 $0x5  }
0x154: {  	_ =	swait.ge @!p0 [sflag:s25], $0x4000  }
0x155: {  	[sflag:s25] =	ssyncset.done @!p0 $0x0  }
0x156: {  	[sflag:s25] =	ssyncadd.s32 @!p0 $0xFFFFC000;
	s25 =	simm.s32 @!p0 $0x300  }
0x157: {  	[spmem:s1] =	stream.indirect.scatter.add.f32 @!p0 [tilespmem:s26], [sflag:$0x7], $0x80, s25, s0, $0xb8;
	[tilespmem:$0x1D400] =	vst v63  }
0x158: {  	_ =	swait.ge [sflag:s8], $0x4000  }
0x159: {  	[sflag:s8] =	ssyncset.done $0x0  }
0x15a: {  	s28 =	stileid.u32;
	[sflag:s8] =	ssyncadd.s32 $0xFFFFC000  }
0x15b: {  	s0 =	sshll.u32 s28, $0x6;
	[bflag:$0x0] =	sbarrier.arrive $0xFFFF  }
0x15c: {  	s29 =	sshrl.u32 s11, $0x3;
	s0 =	sor.u32 $0x1C07, s0;
	s30 =	rddreg [dreg:$0x1e]  }
0x15d: {  	[hbm:s30], [sflag:s0] =	dma.local [spmem:s29], $0x2800  }
0x15e: {  	_ =	swait.ge [sflag:s8], $0x2800  }
0x15f: {  	s24 =	sadd.s32 $0x1, s24;
	s31 =	rddreg [dreg:$0x1f]  }
0x160: {  	p1 =	sne.s32 s24, s31  }
.Ltmp1:
0x161: {  	_ = 	snop;
	(pc) =	sbr.rel @p1 .LBB2_1-.Ltmp1, $3  }
0x162: {  	_ =	sdelay $0x1  }
0x163: {  	[sflag:s8] =	ssyncset.done $0x0  }
0x164: {  	[sflag:s8] =	ssyncadd.s32 $0xFFFFD800  }
0x165: {  	_ =	sfence.sel $0x180000  }
0x166: {  	[bflag:$0x0] =	sbarrier.arrive $0xFFFF  }
0x167: {  	_ =	strace $0x9000004D  }
0x168: {  	s0 =	stileid.u32;
	[bflag:$0x2] =	sbarrier.arrive $0xFFFF  }
0x169: {  	p0 =	sne.s32 s0, $0x0;
	s0 =	rddreg [dreg:$0x2]  }
0x16a: {  	s0 =	sadd.s32 @!p0 $0x100000, s0  }
0x16b: {  	[sflag:s0] =	ssyncadd.tile.s32 @!p0 $0x1;
	_ =	shalt  }
.Lfunc_end2:
_tile_overlayer_lowered:
.L_overlay_start_2:
0x16c: {  	(tag) =	ssettag $0x2  }
0x16d: {  	s0 =	rddreg [dreg:$0x0];
	s2 =	stileid.u32  }
0x16e: {  	s1 =	rddreg [dreg:$0x1];
	p0 =	sne.s32 s2, $0x0  }
0x16f: {  	s3 =	rddreg [dreg:$0x2];
	[bflag:$0x3] =	sbarrier.arrive $0xFFFF;
	s2 =	simm.s32 @!p0 $0x1C07  }
0x170: {  	[timem:s3], [sflag:s2] =	dma.local @!p0 [hbm:s0], s1  }
0x171: {  	s0 =	simm.s32 @!p0 $0x7  }
0x172: {  	_ =	swait.ge @!p0 [sflag:s0], s1  }
0x173: {  	s1 =	ssub.s32 @!p0 $0x0, s1;
	[sflag:s0] =	ssyncset.done @!p0 $0x0  }
0x174: {  	[sflag:s0] =	ssyncadd.s32 @!p0 s1  }
0x175: {  	[bflag:$0x3] =	sbarrier.arrive $0xFFFF  }
0x176: {  	_ =	shalt  }

</sc_bundles>
